<compile_context>
chip_gen: v7x
topology: tpu7x:2x2x1
jax: 0.10.2.dev20260603
libtpu: 0.0.44.dev20260713+nightly
codegen_flags: <defaults>
</compile_context>

<pallas_src>
import functools

import jax
import jax.numpy as jnp
from jax import lax
from jax.experimental import pallas as pl
from jax.experimental.pallas import tpu as pltpu
from jax.experimental.pallas import tpu_sc as plsc

_NC = 2
_NS = 16
_LANES = 16
_SW = 32


def _transpose_sum(vecs, lane_iota):
    k = 1
    while len(vecs) > 1 or k <= _LANES // 2:
        mask = (lane_iota & k) != 0
        idx = lane_iota ^ k
        nxt = []
        for i in range(0, len(vecs), 2):
            a = vecs[i]
            b = vecs[i + 1] if i + 1 < len(vecs) else a
            first = jnp.where(mask, b, a)
            second = jnp.take_along_axis(jnp.where(mask, a, b), idx, axis=0)
            nxt.append(first + second)
        vecs = nxt
        k *= 2
    return vecs[0]


def _sc_scores(i_gidx, on_gidx, i_emb, o_emb, *, B, T, D, chunk):
    NW = _NC * _NS
    bpw = B // NW
    C = chunk
    nch = bpw // C
    KD = D // _LANES
    G = NW * nch

    mesh = plsc.VectorSubcoreMesh(core_axis_name="c", subcore_axis_name="s")

    @functools.partial(
        pl.kernel,
        out_type=jax.ShapeDtypeStruct((G, C, _SW), jnp.float32),
        mesh=mesh,
        compiler_params=pltpu.CompilerParams(use_tc_tiling_on_sc=False),
        scratch_types=[
            pltpu.VMEM((2, C), jnp.int32),
            pltpu.VMEM((2, T, C), jnp.int32),
            pltpu.VMEM((2, C, D), jnp.float32),
            pltpu.VMEM((2, T, C, D), jnp.float32),
            pltpu.VMEM((nch, C, _SW), jnp.float32),
            pltpu.SemaphoreType.DMA,
            pltpu.SemaphoreType.DMA,
        ],
    )
    def scores_kernel(i_gidx_hbm, on_gidx_hbm, i_tab, o_tab,
                      out_hbm, i_idx_v, on_idx_v,
                      i_rows_v, on_rows_v, scores_v, sem0, sem1):
        wid = lax.axis_index("s") * _NC + lax.axis_index("c")
        lane_iota = lax.iota(jnp.int32, _LANES)
        sems = (sem0, sem1)

        def issue(ci, b):
            pltpu.sync_copy(i_gidx_hbm.at[wid, ci], i_idx_v.at[b])
            pltpu.sync_copy(on_gidx_hbm.at[wid, ci], on_idx_v.at[b])
            pltpu.async_copy(i_tab.at[i_idx_v.at[b]], i_rows_v.at[b],
                             sems[b])
            for t in range(T):
                pltpu.async_copy(o_tab.at[on_idx_v.at[b, t]],
                                 on_rows_v.at[b, t], sems[b])

        def drain(b):
            pltpu.make_async_copy(i_tab.at[i_idx_v.at[b]], i_rows_v.at[b],
                                  sems[b]).wait()
            for t in range(T):
                pltpu.make_async_copy(o_tab.at[on_idx_v.at[b, t]],
                                      on_rows_v.at[b, t], sems[b]).wait()

        def compute(ci, b):
            def elem_body(e, carry2):
                iv = [i_rows_v[b, e, pl.ds(kk * _LANES, _LANES)]
                      for kk in range(KD)]
                niv = [-v for v in iv]
                accs = []
                for t in range(T):
                    src = iv if t == 0 else niv
                    acc = src[0] * on_rows_v[b, t, e, pl.ds(0, _LANES)]
                    for kk in range(1, KD):
                        acc = acc + src[kk] * on_rows_v[
                            b, t, e, pl.ds(kk * _LANES, _LANES)]
                    accs.append(acc)
                sA = _transpose_sum(accs[:_LANES], lane_iota)
                sB = _transpose_sum(accs[_LANES:], lane_iota)
                scores_v[ci, e, pl.ds(0, _LANES)] = sA
                scores_v[ci, e, pl.ds(_LANES, _LANES)] = sB
                return carry2

            lax.fori_loop(0, C, elem_body, 0)

        issue(0, 0)

        def pair_body(g, carry):
            ci0 = 2 * g
            issue(ci0 + 1, 1)
            drain(0)
            compute(ci0, 0)

            @pl.when(ci0 + 2 < nch)
            def _():
                issue(ci0 + 2, 0)

            drain(1)
            compute(ci0 + 1, 1)
            return carry

        lax.fori_loop(0, nch // 2, pair_body, 0)
        pltpu.sync_copy(scores_v, out_hbm.at[pl.ds(wid * nch, nch)])

    return scores_kernel(i_gidx, on_gidx, i_emb, o_emb)


def _make_loss_body(T):
    def _loss_body(s_ref, o_ref):
        x = s_ref[...]
        o_ref[...] = jnp.sum(jax.nn.log_sigmoid(x[:, :, :T]), keepdims=True)
    return _loss_body


def kernel(i_words, o_words, n_words, i_emb, o_emb):
    B, S = i_words.shape
    T = 1 + n_words.shape[1]
    V, D = i_emb.shape
    NW = _NC * _NS
    C = 32
    bpw = B // NW
    nch = bpw // C
    i_gidx = i_words.reshape(NW, nch, C)
    on_idx = jnp.concatenate([o_words, n_words], axis=1)
    on_bc = on_idx.reshape(NW, nch, C, T)
    on_gidx = jnp.transpose(on_bc, (0, 1, 3, 2))
    scores = _sc_scores(i_gidx, on_gidx, i_emb, o_emb,
                        B=B, T=T, D=D, chunk=C)
    total = pl.pallas_call(
        _make_loss_body(T),
        out_shape=jax.ShapeDtypeStruct((1, 1, 1), jnp.float32),
    )(scores)
    return -total[0, 0, 0] / (B * S)

# --- scband reference (transcript-rebuilt; emitter-appended) ---
"""Pipeline reference for scband-skip-gram-60885456388717 (READ-ONLY COPY).

The authoritative reference and input builder live on the scoring server;
editing this copy changes nothing except your own understanding.
"""

import jax, jax.numpy as jnp
import numpy as np

VOCAB = 1000000
EMB_DIM = 64
BATCH = 16384
NEG = 20

def setup_inputs(seed: int = 0) -> dict:
    key = jax.random.key(seed)
    k1, k2, k3, k4, k5 = jax.random.split(key, 5)
    i_words = jax.random.randint(k1, (BATCH, 1), 0, VOCAB, dtype=jnp.int64 if jax.config.jax_enable_x64 else jnp.int32).astype(jnp.int32)
    o_words = jax.random.randint(k2, (BATCH, 1), 0, VOCAB, dtype=jnp.int32)
    n_words = jax.random.randint(k3, (BATCH, NEG), 0, VOCAB, dtype=jnp.int32)
    upper = 0.5 / EMB_DIM
    i_emb = jax.random.uniform(k4, (VOCAB, EMB_DIM), dtype=jnp.float32, minval=-upper, maxval=upper)
    o_emb = jax.random.uniform(k5, (VOCAB, EMB_DIM), dtype=jnp.float32, minval=-upper, maxval=upper)
    return {"i_words": i_words, "o_words": o_words, "n_words": n_words, "i_emb": i_emb, "o_emb": o_emb}

def reference(i_words, o_words, n_words, i_emb, o_emb):
    batch_size = i_words.shape[0]
    sent = i_words.shape[1]
    embed_i = jnp.take(i_emb, i_words, axis=0)            # [B, S, D]
    embed_o = jnp.take(o_emb, o_words, axis=0)            # [B, S, D]
    embed_o_t = jnp.transpose(embed_o, (0, 2, 1))         # [B, D, S]
    score = jnp.matmul(embed_i, embed_o_t)                # [B, S, S]
    score = jnp.squeeze(score, axis=1)                    # [B, S] (S==1)
    log_target = jax.nn.log_sigmoid(score).sum(axis=1)    # [B]
    neg_embed_o = jnp.take(o_emb, n_words, axis=0)        # [B, NEG, D]
    neg_embed_o_t = jnp.transpose(neg_embed_o, (0, 2, 1)) # [B, D, NEG]
    neg_score = jnp.matmul(embed_i, neg_embed_o_t)        # [B, S, NEG]
    neg_score = jnp.squeeze(neg_score, axis=1)            # [B, NEG]
    sum_log_sampled = jax.nn.log_sigmoid(-1.0 * neg_score).sum(axis=1)  # [B]
    loss = log_target + sum_log_sampled
    loss = -1.0 * loss.sum(axis=0) / (batch_size * sent)
    return loss

if __name__ == "__main__":
    import jax
    _d = setup_inputs()
    print(jax.jit(kernel)(*tuple(_d.values())))

</pallas_src>

<mosaic_0001>
#map = affine_map<(d0, d1) -> (0, 0, 0)>
#map1 = affine_map<(d0, d1) -> (0, 0, 0, 0)>
#map2 = affine_map<(d0, d1) -> (0, 0)>
module attributes {stable_mosaic.version = 14 : i64} {
  func.func @scores_kernel(%arg0: i32, %arg1: i32, %arg2: memref<32x16x32xi32, #tpu.memory_space<hbm>>, %arg3: memref<32x16x21x32xi32, #tpu.memory_space<hbm>>, %arg4: memref<1000000x64xf32, #tpu.memory_space<hbm>>, %arg5: memref<1000000x64xf32, #tpu.memory_space<hbm>>, %arg6: memref<512x32x32xf32, #tpu.memory_space<hbm>>, %arg7: memref<2x32xi32, #tpu.memory_space<vmem>>, %arg8: memref<2x21x32xi32, #tpu.memory_space<vmem>>, %arg9: memref<2x32x64xf32, #tpu.memory_space<vmem>>, %arg10: memref<2x21x32x64xf32, #tpu.memory_space<vmem>>, %arg11: memref<16x32x32xf32, #tpu.memory_space<vmem>>, %arg12: memref<!tpu.dma_semaphore, #tpu.memory_space<semaphore_mem>>, %arg13: memref<!tpu.dma_semaphore, #tpu.memory_space<semaphore_mem>>) attributes {dimension_semantics = [#tpu.dimension_semantics<core_parallel>, #tpu.dimension_semantics<subcore_parallel>], iteration_bounds = array<i64: 2, 16>, scalar_prefetch = 0 : i64, scratch_operands = 7 : i64, tpu.core_type = #tpu.core_type<sc_vector_subcore>, window_params = [{transform_indices = #map}, {transform_indices = #map1}, {transform_indices = #map2}, {transform_indices = #map2}, {transform_indices = #map}]} {
    %mul3A = arith.constant 2 : i32
    %mul3A_0 = arith.muli %arg1, %mul3A : i32
    %add3A = arith.addi %mul3A_0, %arg0 : i32
    %iota3A = tpu.iota {dimensions = array<i32: 0>} : vector<16xi32>
    %run_scoped3A = arith.constant 0 : i32
    %run_scoped3A_1 = arith.constant 0 : i32
    "tpu.region"() ({
      %run_scoped3A_316 = tpu.sem_alloc : memref<!tpu.dma_semaphore, #tpu.memory_space<semaphore_mem>>
      %dma_start3A_317 = arith.constant 0 : i32
      %dma_start3A_318 = tpu.memref_slice %arg7[%run_scoped3A_1, %dma_start3A_317] : memref<2x32xi32, #tpu.memory_space<vmem>> -> memref<1x32xi32, #tpu.memory_space<vmem>>
      %dma_start3A_319 = tpu.memref_squeeze %dma_start3A_318 : memref<1x32xi32, #tpu.memory_space<vmem>> -> memref<32xi32, #tpu.memory_space<vmem>>
      %dma_start3A_320 = arith.constant 0 : i32
      %dma_start3A_321 = tpu.memref_slice %arg2[%add3A, %run_scoped3A, %dma_start3A_320] : memref<32x16x32xi32, #tpu.memory_space<hbm>> -> memref<1x1x32xi32, #tpu.memory_space<hbm>>
      %dma_start3A_322 = tpu.memref_squeeze %dma_start3A_321 : memref<1x1x32xi32, #tpu.memory_space<hbm>> -> memref<32xi32, #tpu.memory_space<hbm>>
      %dma_start3A_323 = arith.constant 0 : i32
      %dma_start3A_324 = tpu.memref_slice %arg7[%run_scoped3A_1, %dma_start3A_323] : memref<2x32xi32, #tpu.memory_space<vmem>> -> memref<1x32xi32, #tpu.memory_space<vmem>>
      %dma_start3A_325 = tpu.memref_squeeze %dma_start3A_324 : memref<1x32xi32, #tpu.memory_space<vmem>> -> memref<32xi32, #tpu.memory_space<vmem>>
      %dma_start3A_326 = arith.constant 0 : i32
      %dma_start3A_327 = tpu.memref_slice %arg2[%add3A, %run_scoped3A, %dma_start3A_326] : memref<32x16x32xi32, #tpu.memory_space<hbm>> -> memref<1x1x32xi32, #tpu.memory_space<hbm>>
      %dma_start3A_328 = tpu.memref_squeeze %dma_start3A_327 : memref<1x1x32xi32, #tpu.memory_space<hbm>> -> memref<32xi32, #tpu.memory_space<hbm>>
      tpu.enqueue_dma source(%dma_start3A_328 : memref<32xi32, #tpu.memory_space<hbm>>) target(%dma_start3A_325 : memref<32xi32, #tpu.memory_space<vmem>>) target_semaphore(%run_scoped3A_316 : memref<!tpu.dma_semaphore, #tpu.memory_space<semaphore_mem>>)
      %dma_wait3A = arith.constant 0 : i32
      %dma_wait3A_329 = tpu.memref_slice %arg7[%run_scoped3A_1, %dma_wait3A] : memref<2x32xi32, #tpu.memory_space<vmem>> -> memref<1x32xi32, #tpu.memory_space<vmem>>
      %dma_wait3A_330 = tpu.memref_squeeze %dma_wait3A_329 : memref<1x32xi32, #tpu.memory_space<vmem>> -> memref<32xi32, #tpu.memory_space<vmem>>
      %dma_wait3A_331 = arith.constant 0 : i32
      %dma_wait3A_332 = tpu.memref_slice %arg2[%add3A, %run_scoped3A, %dma_wait3A_331] : memref<32x16x32xi32, #tpu.memory_space<hbm>> -> memref<1x1x32xi32, #tpu.memory_space<hbm>>
      %dma_wait3A_333 = tpu.memref_squeeze %dma_wait3A_332 : memref<1x1x32xi32, #tpu.memory_space<hbm>> -> memref<32xi32, #tpu.memory_space<hbm>>
      %dma_wait3A_334 = arith.constant 0 : i32
      %dma_wait3A_335 = tpu.memref_slice %arg7[%run_scoped3A_1, %dma_wait3A_334] : memref<2x32xi32, #tpu.memory_space<vmem>> -> memref<1x32xi32, #tpu.memory_space<vmem>>
      %dma_wait3A_336 = tpu.memref_squeeze %dma_wait3A_335 : memref<1x32xi32, #tpu.memory_space<vmem>> -> memref<32xi32, #tpu.memory_space<vmem>>
      %dma_wait3A_337 = arith.constant 0 : i32
      %dma_wait3A_338 = tpu.memref_slice %arg2[%add3A, %run_scoped3A, %dma_wait3A_337] : memref<32x16x32xi32, #tpu.memory_space<hbm>> -> memref<1x1x32xi32, #tpu.memory_space<hbm>>
      %dma_wait3A_339 = tpu.memref_squeeze %dma_wait3A_338 : memref<1x1x32xi32, #tpu.memory_space<hbm>> -> memref<32xi32, #tpu.memory_space<hbm>>
      tpu.wait_dma2 semaphore(%run_scoped3A_316 : memref<!tpu.dma_semaphore, #tpu.memory_space<semaphore_mem>>) src(%dma_wait3A_339 : memref<32xi32, #tpu.memory_space<hbm>>) dst(%dma_wait3A_336 : memref<32xi32, #tpu.memory_space<vmem>>)
      tpu.yield
    }) : () -> ()
    %run_scoped3A_2 = arith.constant 0 : i32
    %run_scoped3A_3 = arith.constant 0 : i32
    "tpu.region"() ({
      %run_scoped3A_316 = tpu.sem_alloc : memref<!tpu.dma_semaphore, #tpu.memory_space<semaphore_mem>>
      %dma_start3A_317 = arith.constant 0 : i32
      %dma_start3A_318 = arith.constant 0 : i32
      %dma_start3A_319 = tpu.memref_slice %arg8[%run_scoped3A_3, %dma_start3A_317, %dma_start3A_318] : memref<2x21x32xi32, #tpu.memory_space<vmem>> -> memref<1x21x32xi32, #tpu.memory_space<vmem>>
      %dma_start3A_320 = tpu.memref_squeeze %dma_start3A_319 : memref<1x21x32xi32, #tpu.memory_space<vmem>> -> memref<21x32xi32, #tpu.memory_space<vmem>>
      %dma_start3A_321 = arith.constant 0 : i32
      %dma_start3A_322 = arith.constant 0 : i32
      %dma_start3A_323 = tpu.memref_slice %arg3[%add3A, %run_scoped3A_2, %dma_start3A_321, %dma_start3A_322] : memref<32x16x21x32xi32, #tpu.memory_space<hbm>> -> memref<1x1x21x32xi32, #tpu.memory_space<hbm>>
      %dma_start3A_324 = tpu.memref_squeeze %dma_start3A_323 : memref<1x1x21x32xi32, #tpu.memory_space<hbm>> -> memref<21x32xi32, #tpu.memory_space<hbm>>
      %dma_start3A_325 = arith.constant 0 : i32
      %dma_start3A_326 = arith.constant 0 : i32
      %dma_start3A_327 = tpu.memref_slice %arg8[%run_scoped3A_3, %dma_start3A_325, %dma_start3A_326] : memref<2x21x32xi32, #tpu.memory_space<vmem>> -> memref<1x21x32xi32, #tpu.memory_space<vmem>>
      %dma_start3A_328 = tpu.memref_squeeze %dma_start3A_327 : memref<1x21x32xi32, #tpu.memory_space<vmem>> -> memref<21x32xi32, #tpu.memory_space<vmem>>
      %dma_start3A_329 = arith.constant 0 : i32
      %dma_start3A_330 = arith.constant 0 : i32
      %dma_start3A_331 = tpu.memref_slice %arg3[%add3A, %run_scoped3A_2, %dma_start3A_329, %dma_start3A_330] : memref<32x16x21x32xi32, #tpu.memory_space<hbm>> -> memref<1x1x21x32xi32, #tpu.memory_space<hbm>>
      %dma_start3A_332 = tpu.memref_squeeze %dma_start3A_331 : memref<1x1x21x32xi32, #tpu.memory_space<hbm>> -> memref<21x32xi32, #tpu.memory_space<hbm>>
      tpu.enqueue_dma source(%dma_start3A_332 : memref<21x32xi32, #tpu.memory_space<hbm>>) target(%dma_start3A_328 : memref<21x32xi32, #tpu.memory_space<vmem>>) target_semaphore(%run_scoped3A_316 : memref<!tpu.dma_semaphore, #tpu.memory_space<semaphore_mem>>)
      %dma_wait3A = arith.constant 0 : i32
      %dma_wait3A_333 = arith.constant 0 : i32
      %dma_wait3A_334 = tpu.memref_slice %arg8[%run_scoped3A_3, %dma_wait3A, %dma_wait3A_333] : memref<2x21x32xi32, #tpu.memory_space<vmem>> -> memref<1x21x32xi32, #tpu.memory_space<vmem>>
      %dma_wait3A_335 = tpu.memref_squeeze %dma_wait3A_334 : memref<1x21x32xi32, #tpu.memory_space<vmem>> -> memref<21x32xi32, #tpu.memory_space<vmem>>
      %dma_wait3A_336 = arith.constant 0 : i32
      %dma_wait3A_337 = arith.constant 0 : i32
      %dma_wait3A_338 = tpu.memref_slice %arg3[%add3A, %run_scoped3A_2, %dma_wait3A_336, %dma_wait3A_337] : memref<32x16x21x32xi32, #tpu.memory_space<hbm>> -> memref<1x1x21x32xi32, #tpu.memory_space<hbm>>
      %dma_wait3A_339 = tpu.memref_squeeze %dma_wait3A_338 : memref<1x1x21x32xi32, #tpu.memory_space<hbm>> -> memref<21x32xi32, #tpu.memory_space<hbm>>
      %dma_wait3A_340 = arith.constant 0 : i32
      %dma_wait3A_341 = arith.constant 0 : i32
      %dma_wait3A_342 = tpu.memref_slice %arg8[%run_scoped3A_3, %dma_wait3A_340, %dma_wait3A_341] : memref<2x21x32xi32, #tpu.memory_space<vmem>> -> memref<1x21x32xi32, #tpu.memory_space<vmem>>
      %dma_wait3A_343 = tpu.memref_squeeze %dma_wait3A_342 : memref<1x21x32xi32, #tpu.memory_space<vmem>> -> memref<21x32xi32, #tpu.memory_space<vmem>>
      %dma_wait3A_344 = arith.constant 0 : i32
      %dma_wait3A_345 = arith.constant 0 : i32
      %dma_wait3A_346 = tpu.memref_slice %arg3[%add3A, %run_scoped3A_2, %dma_wait3A_344, %dma_wait3A_345] : memref<32x16x21x32xi32, #tpu.memory_space<hbm>> -> memref<1x1x21x32xi32, #tpu.memory_space<hbm>>
      %dma_wait3A_347 = tpu.memref_squeeze %dma_wait3A_346 : memref<1x1x21x32xi32, #tpu.memory_space<hbm>> -> memref<21x32xi32, #tpu.memory_space<hbm>>
      tpu.wait_dma2 semaphore(%run_scoped3A_316 : memref<!tpu.dma_semaphore, #tpu.memory_space<semaphore_mem>>) src(%dma_wait3A_347 : memref<21x32xi32, #tpu.memory_space<hbm>>) dst(%dma_wait3A_343 : memref<21x32xi32, #tpu.memory_space<vmem>>)
      tpu.yield
    }) : () -> ()
    %dma_start3A = arith.constant 0 : i32
    %dma_start3A_4 = arith.constant 0 : i32
    %dma_start3A_5 = arith.constant 0 : i32
    %dma_start3A_6 = arith.constant 0 : i32
    %dma_start3A_7 = tpu.memref_slice %arg9[%dma_start3A_4, %dma_start3A_5, %dma_start3A_6] : memref<2x32x64xf32, #tpu.memory_space<vmem>> -> memref<1x32x64xf32, #tpu.memory_space<vmem>>
    %dma_start3A_8 = tpu.memref_squeeze %dma_start3A_7 : memref<1x32x64xf32, #tpu.memory_space<vmem>> -> memref<32x64xf32, #tpu.memory_space<vmem>>
    %dma_start3A_9 = arith.constant 0 : i32
    %dma_start3A_10 = tpu.memref_slice %arg7[%dma_start3A, %dma_start3A_9] : memref<2x32xi32, #tpu.memory_space<vmem>> -> memref<1x32xi32, #tpu.memory_space<vmem>>
    %dma_start3A_11 = tpu.memref_squeeze %dma_start3A_10 : memref<1x32xi32, #tpu.memory_space<vmem>> -> memref<32xi32, #tpu.memory_space<vmem>>
    %dma_start3A_12 = arith.constant 0 : i32
    %dma_start3A_13 = arith.constant 0 : i32
    %dma_start3A_14 = tpu.memref_slice %arg4[%dma_start3A_12, %dma_start3A_13] : memref<1000000x64xf32, #tpu.memory_space<hbm>> -> memref<1000000x64xf32, #tpu.memory_space<hbm>>
    tpu.enqueue_indirect_dma source(%dma_start3A_14 : memref<1000000x64xf32, #tpu.memory_space<hbm>>) target(%dma_start3A_8 : memref<32x64xf32, #tpu.memory_space<vmem>>) offsets(%dma_start3A_11 : memref<32xi32, #tpu.memory_space<vmem>>) semaphore(%arg12 : memref<!tpu.dma_semaphore, #tpu.memory_space<semaphore_mem>>)
    %dma_start3A_15 = arith.constant 0 : i32
    %dma_start3A_16 = arith.constant 0 : i32
    %dma_start3A_17 = arith.constant 0 : i32
    %dma_start3A_18 = arith.constant 0 : i32
    %dma_start3A_19 = arith.constant 0 : i32
    %dma_start3A_20 = arith.constant 0 : i32
    %dma_start3A_21 = tpu.memref_slice %arg10[%dma_start3A_17, %dma_start3A_18, %dma_start3A_19, %dma_start3A_20] : memref<2x21x32x64xf32, #tpu.memory_space<vmem>> -> memref<1x1x32x64xf32, #tpu.memory_space<vmem>>
    %dma_start3A_22 = tpu.memref_squeeze %dma_start3A_21 : memref<1x1x32x64xf32, #tpu.memory_space<vmem>> -> memref<32x64xf32, #tpu.memory_space<vmem>>
    %dma_start3A_23 = arith.constant 0 : i32
    %dma_start3A_24 = tpu.memref_slice %arg8[%dma_start3A_15, %dma_start3A_16, %dma_start3A_23] : memref<2x21x32xi32, #tpu.memory_space<vmem>> -> memref<1x1x32xi32, #tpu.memory_space<vmem>>
    %dma_start3A_25 = tpu.memref_squeeze %dma_start3A_24 : memref<1x1x32xi32, #tpu.memory_space<vmem>> -> memref<32xi32, #tpu.memory_space<vmem>>
    %dma_start3A_26 = arith.constant 0 : i32
    %dma_start3A_27 = arith.constant 0 : i32
    %dma_start3A_28 = tpu.memref_slice %arg5[%dma_start3A_26, %dma_start3A_27] : memref<1000000x64xf32, #tpu.memory_space<hbm>> -> memref<1000000x64xf32, #tpu.memory_space<hbm>>
    tpu.enqueue_indirect_dma source(%dma_start3A_28 : memref<1000000x64xf32, #tpu.memory_space<hbm>>) target(%dma_start3A_22 : memref<32x64xf32, #tpu.memory_space<vmem>>) offsets(%dma_start3A_25 : memref<32xi32, #tpu.memory_space<vmem>>) semaphore(%arg12 : memref<!tpu.dma_semaphore, #tpu.memory_space<semaphore_mem>>)
    %dma_start3A_29 = arith.constant 0 : i32
    %dma_start3A_30 = arith.constant 1 : i32
    %dma_start3A_31 = arith.constant 0 : i32
    %dma_start3A_32 = arith.constant 1 : i32
    %dma_start3A_33 = arith.constant 0 : i32
    %dma_start3A_34 = arith.constant 0 : i32
    %dma_start3A_35 = tpu.memref_slice %arg10[%dma_start3A_31, %dma_start3A_32, %dma_start3A_33, %dma_start3A_34] : memref<2x21x32x64xf32, #tpu.memory_space<vmem>> -> memref<1x1x32x64xf32, #tpu.memory_space<vmem>>
    %dma_start3A_36 = tpu.memref_squeeze %dma_start3A_35 : memref<1x1x32x64xf32, #tpu.memory_space<vmem>> -> memref<32x64xf32, #tpu.memory_space<vmem>>
    %dma_start3A_37 = arith.constant 0 : i32
    %dma_start3A_38 = tpu.memref_slice %arg8[%dma_start3A_29, %dma_start3A_30, %dma_start3A_37] : memref<2x21x32xi32, #tpu.memory_space<vmem>> -> memref<1x1x32xi32, #tpu.memory_space<vmem>>
    %dma_start3A_39 = tpu.memref_squeeze %dma_start3A_38 : memref<1x1x32xi32, #tpu.memory_space<vmem>> -> memref<32xi32, #tpu.memory_space<vmem>>
    %dma_start3A_40 = arith.constant 0 : i32
    %dma_start3A_41 = arith.constant 0 : i32
    %dma_start3A_42 = tpu.memref_slice %arg5[%dma_start3A_40, %dma_start3A_41] : memref<1000000x64xf32, #tpu.memory_space<hbm>> -> memref<1000000x64xf32, #tpu.memory_space<hbm>>
    tpu.enqueue_indirect_dma source(%dma_start3A_42 : memref<1000000x64xf32, #tpu.memory_space<hbm>>) target(%dma_start3A_36 : memref<32x64xf32, #tpu.memory_space<vmem>>) offsets(%dma_start3A_39 : memref<32xi32, #tpu.memory_space<vmem>>) semaphore(%arg12 : memref<!tpu.dma_semaphore, #tpu.memory_space<semaphore_mem>>)
    %dma_start3A_43 = arith.constant 0 : i32
    %dma_start3A_44 = arith.constant 2 : i32
    %dma_start3A_45 = arith.constant 0 : i32
    %dma_start3A_46 = arith.constant 2 : i32
    %dma_start3A_47 = arith.constant 0 : i32
    %dma_start3A_48 = arith.constant 0 : i32
    %dma_start3A_49 = tpu.memref_slice %arg10[%dma_start3A_45, %dma_start3A_46, %dma_start3A_47, %dma_start3A_48] : memref<2x21x32x64xf32, #tpu.memory_space<vmem>> -> memref<1x1x32x64xf32, #tpu.memory_space<vmem>>
    %dma_start3A_50 = tpu.memref_squeeze %dma_start3A_49 : memref<1x1x32x64xf32, #tpu.memory_space<vmem>> -> memref<32x64xf32, #tpu.memory_space<vmem>>
    %dma_start3A_51 = arith.constant 0 : i32
    %dma_start3A_52 = tpu.memref_slice %arg8[%dma_start3A_43, %dma_start3A_44, %dma_start3A_51] : memref<2x21x32xi32, #tpu.memory_space<vmem>> -> memref<1x1x32xi32, #tpu.memory_space<vmem>>
    %dma_start3A_53 = tpu.memref_squeeze %dma_start3A_52 : memref<1x1x32xi32, #tpu.memory_space<vmem>> -> memref<32xi32, #tpu.memory_space<vmem>>
    %dma_start3A_54 = arith.constant 0 : i32
    %dma_start3A_55 = arith.constant 0 : i32
    %dma_start3A_56 = tpu.memref_slice %arg5[%dma_start3A_54, %dma_start3A_55] : memref<1000000x64xf32, #tpu.memory_space<hbm>> -> memref<1000000x64xf32, #tpu.memory_space<hbm>>
    tpu.enqueue_indirect_dma source(%dma_start3A_56 : memref<1000000x64xf32, #tpu.memory_space<hbm>>) target(%dma_start3A_50 : memref<32x64xf32, #tpu.memory_space<vmem>>) offsets(%dma_start3A_53 : memref<32xi32, #tpu.memory_space<vmem>>) semaphore(%arg12 : memref<!tpu.dma_semaphore, #tpu.memory_space<semaphore_mem>>)
    %dma_start3A_57 = arith.constant 0 : i32
    %dma_start3A_58 = arith.constant 3 : i32
    %dma_start3A_59 = arith.constant 0 : i32
    %dma_start3A_60 = arith.constant 3 : i32
    %dma_start3A_61 = arith.constant 0 : i32
    %dma_start3A_62 = arith.constant 0 : i32
    %dma_start3A_63 = tpu.memref_slice %arg10[%dma_start3A_59, %dma_start3A_60, %dma_start3A_61, %dma_start3A_62] : memref<2x21x32x64xf32, #tpu.memory_space<vmem>> -> memref<1x1x32x64xf32, #tpu.memory_space<vmem>>
    %dma_start3A_64 = tpu.memref_squeeze %dma_start3A_63 : memref<1x1x32x64xf32, #tpu.memory_space<vmem>> -> memref<32x64xf32, #tpu.memory_space<vmem>>
    %dma_start3A_65 = arith.constant 0 : i32
    %dma_start3A_66 = tpu.memref_slice %arg8[%dma_start3A_57, %dma_start3A_58, %dma_start3A_65] : memref<2x21x32xi32, #tpu.memory_space<vmem>> -> memref<1x1x32xi32, #tpu.memory_space<vmem>>
    %dma_start3A_67 = tpu.memref_squeeze %dma_start3A_66 : memref<1x1x32xi32, #tpu.memory_space<vmem>> -> memref<32xi32, #tpu.memory_space<vmem>>
    %dma_start3A_68 = arith.constant 0 : i32
    %dma_start3A_69 = arith.constant 0 : i32
    %dma_start3A_70 = tpu.memref_slice %arg5[%dma_start3A_68, %dma_start3A_69] : memref<1000000x64xf32, #tpu.memory_space<hbm>> -> memref<1000000x64xf32, #tpu.memory_space<hbm>>
    tpu.enqueue_indirect_dma source(%dma_start3A_70 : memref<1000000x64xf32, #tpu.memory_space<hbm>>) target(%dma_start3A_64 : memref<32x64xf32, #tpu.memory_space<vmem>>) offsets(%dma_start3A_67 : memref<32xi32, #tpu.memory_space<vmem>>) semaphore(%arg12 : memref<!tpu.dma_semaphore, #tpu.memory_space<semaphore_mem>>)
    %dma_start3A_71 = arith.constant 0 : i32
    %dma_start3A_72 = arith.constant 4 : i32
    %dma_start3A_73 = arith.constant 0 : i32
    %dma_start3A_74 = arith.constant 4 : i32
    %dma_start3A_75 = arith.constant 0 : i32
    %dma_start3A_76 = arith.constant 0 : i32
    %dma_start3A_77 = tpu.memref_slice %arg10[%dma_start3A_73, %dma_start3A_74, %dma_start3A_75, %dma_start3A_76] : memref<2x21x32x64xf32, #tpu.memory_space<vmem>> -> memref<1x1x32x64xf32, #tpu.memory_space<vmem>>
    %dma_start3A_78 = tpu.memref_squeeze %dma_start3A_77 : memref<1x1x32x64xf32, #tpu.memory_space<vmem>> -> memref<32x64xf32, #tpu.memory_space<vmem>>
    %dma_start3A_79 = arith.constant 0 : i32
    %dma_start3A_80 = tpu.memref_slice %arg8[%dma_start3A_71, %dma_start3A_72, %dma_start3A_79] : memref<2x21x32xi32, #tpu.memory_space<vmem>> -> memref<1x1x32xi32, #tpu.memory_space<vmem>>
    %dma_start3A_81 = tpu.memref_squeeze %dma_start3A_80 : memref<1x1x32xi32, #tpu.memory_space<vmem>> -> memref<32xi32, #tpu.memory_space<vmem>>
    %dma_start3A_82 = arith.constant 0 : i32
    %dma_start3A_83 = arith.constant 0 : i32
    %dma_start3A_84 = tpu.memref_slice %arg5[%dma_start3A_82, %dma_start3A_83] : memref<1000000x64xf32, #tpu.memory_space<hbm>> -> memref<1000000x64xf32, #tpu.memory_space<hbm>>
    tpu.enqueue_indirect_dma source(%dma_start3A_84 : memref<1000000x64xf32, #tpu.memory_space<hbm>>) target(%dma_start3A_78 : memref<32x64xf32, #tpu.memory_space<vmem>>) offsets(%dma_start3A_81 : memref<32xi32, #tpu.memory_space<vmem>>) semaphore(%arg12 : memref<!tpu.dma_semaphore, #tpu.memory_space<semaphore_mem>>)
    %dma_start3A_85 = arith.constant 0 : i32
    %dma_start3A_86 = arith.constant 5 : i32
    %dma_start3A_87 = arith.constant 0 : i32
    %dma_start3A_88 = arith.constant 5 : i32
    %dma_start3A_89 = arith.constant 0 : i32
    %dma_start3A_90 = arith.constant 0 : i32
    %dma_start3A_91 = tpu.memref_slice %arg10[%dma_start3A_87, %dma_start3A_88, %dma_start3A_89, %dma_start3A_90] : memref<2x21x32x64xf32, #tpu.memory_space<vmem>> -> memref<1x1x32x64xf32, #tpu.memory_space<vmem>>
    %dma_start3A_92 = tpu.memref_squeeze %dma_start3A_91 : memref<1x1x32x64xf32, #tpu.memory_space<vmem>> -> memref<32x64xf32, #tpu.memory_space<vmem>>
    %dma_start3A_93 = arith.constant 0 : i32
    %dma_start3A_94 = tpu.memref_slice %arg8[%dma_start3A_85, %dma_start3A_86, %dma_start3A_93] : memref<2x21x32xi32, #tpu.memory_space<vmem>> -> memref<1x1x32xi32, #tpu.memory_space<vmem>>
    %dma_start3A_95 = tpu.memref_squeeze %dma_start3A_94 : memref<1x1x32xi32, #tpu.memory_space<vmem>> -> memref<32xi32, #tpu.memory_space<vmem>>
    %dma_start3A_96 = arith.constant 0 : i32
    %dma_start3A_97 = arith.constant 0 : i32
    %dma_start3A_98 = tpu.memref_slice %arg5[%dma_start3A_96, %dma_start3A_97] : memref<1000000x64xf32, #tpu.memory_space<hbm>> -> memref<1000000x64xf32, #tpu.memory_space<hbm>>
    tpu.enqueue_indirect_dma source(%dma_start3A_98 : memref<1000000x64xf32, #tpu.memory_space<hbm>>) target(%dma_start3A_92 : memref<32x64xf32, #tpu.memory_space<vmem>>) offsets(%dma_start3A_95 : memref<32xi32, #tpu.memory_space<vmem>>) semaphore(%arg12 : memref<!tpu.dma_semaphore, #tpu.memory_space<semaphore_mem>>)
    %dma_start3A_99 = arith.constant 0 : i32
    %dma_start3A_100 = arith.constant 6 : i32
    %dma_start3A_101 = arith.constant 0 : i32
    %dma_start3A_102 = arith.constant 6 : i32
    %dma_start3A_103 = arith.constant 0 : i32
    %dma_start3A_104 = arith.constant 0 : i32
    %dma_start3A_105 = tpu.memref_slice %arg10[%dma_start3A_101, %dma_start3A_102, %dma_start3A_103, %dma_start3A_104] : memref<2x21x32x64xf32, #tpu.memory_space<vmem>> -> memref<1x1x32x64xf32, #tpu.memory_space<vmem>>
    %dma_start3A_106 = tpu.memref_squeeze %dma_start3A_105 : memref<1x1x32x64xf32, #tpu.memory_space<vmem>> -> memref<32x64xf32, #tpu.memory_space<vmem>>
    %dma_start3A_107 = arith.constant 0 : i32
    %dma_start3A_108 = tpu.memref_slice %arg8[%dma_start3A_99, %dma_start3A_100, %dma_start3A_107] : memref<2x21x32xi32, #tpu.memory_space<vmem>> -> memref<1x1x32xi32, #tpu.memory_space<vmem>>
    %dma_start3A_109 = tpu.memref_squeeze %dma_start3A_108 : memref<1x1x32xi32, #tpu.memory_space<vmem>> -> memref<32xi32, #tpu.memory_space<vmem>>
    %dma_start3A_110 = arith.constant 0 : i32
    %dma_start3A_111 = arith.constant 0 : i32
    %dma_start3A_112 = tpu.memref_slice %arg5[%dma_start3A_110, %dma_start3A_111] : memref<1000000x64xf32, #tpu.memory_space<hbm>> -> memref<1000000x64xf32, #tpu.memory_space<hbm>>
    tpu.enqueue_indirect_dma source(%dma_start3A_112 : memref<1000000x64xf32, #tpu.memory_space<hbm>>) target(%dma_start3A_106 : memref<32x64xf32, #tpu.memory_space<vmem>>) offsets(%dma_start3A_109 : memref<32xi32, #tpu.memory_space<vmem>>) semaphore(%arg12 : memref<!tpu.dma_semaphore, #tpu.memory_space<semaphore_mem>>)
    %dma_start3A_113 = arith.constant 0 : i32
    %dma_start3A_114 = arith.constant 7 : i32
    %dma_start3A_115 = arith.constant 0 : i32
    %dma_start3A_116 = arith.constant 7 : i32
    %dma_start3A_117 = arith.constant 0 : i32
    %dma_start3A_118 = arith.constant 0 : i32
    %dma_start3A_119 = tpu.memref_slice %arg10[%dma_start3A_115, %dma_start3A_116, %dma_start3A_117, %dma_start3A_118] : memref<2x21x32x64xf32, #tpu.memory_space<vmem>> -> memref<1x1x32x64xf32, #tpu.memory_space<vmem>>
    %dma_start3A_120 = tpu.memref_squeeze %dma_start3A_119 : memref<1x1x32x64xf32, #tpu.memory_space<vmem>> -> memref<32x64xf32, #tpu.memory_space<vmem>>
    %dma_start3A_121 = arith.constant 0 : i32
    %dma_start3A_122 = tpu.memref_slice %arg8[%dma_start3A_113, %dma_start3A_114, %dma_start3A_121] : memref<2x21x32xi32, #tpu.memory_space<vmem>> -> memref<1x1x32xi32, #tpu.memory_space<vmem>>
    %dma_start3A_123 = tpu.memref_squeeze %dma_start3A_122 : memref<1x1x32xi32, #tpu.memory_space<vmem>> -> memref<32xi32, #tpu.memory_space<vmem>>
    %dma_start3A_124 = arith.constant 0 : i32
    %dma_start3A_125 = arith.constant 0 : i32
    %dma_start3A_126 = tpu.memref_slice %arg5[%dma_start3A_124, %dma_start3A_125] : memref<1000000x64xf32, #tpu.memory_space<hbm>> -> memref<1000000x64xf32, #tpu.memory_space<hbm>>
    tpu.enqueue_indirect_dma source(%dma_start3A_126 : memref<1000000x64xf32, #tpu.memory_space<hbm>>) target(%dma_start3A_120 : memref<32x64xf32, #tpu.memory_space<vmem>>) offsets(%dma_start3A_123 : memref<32xi32, #tpu.memory_space<vmem>>) semaphore(%arg12 : memref<!tpu.dma_semaphore, #tpu.memory_space<semaphore_mem>>)
    %dma_start3A_127 = arith.constant 0 : i32
    %dma_start3A_128 = arith.constant 8 : i32
    %dma_start3A_129 = arith.constant 0 : i32
    %dma_start3A_130 = arith.constant 8 : i32
    %dma_start3A_131 = arith.constant 0 : i32
    %dma_start3A_132 = arith.constant 0 : i32
    %dma_start3A_133 = tpu.memref_slice %arg10[%dma_start3A_129, %dma_start3A_130, %dma_start3A_131, %dma_start3A_132] : memref<2x21x32x64xf32, #tpu.memory_space<vmem>> -> memref<1x1x32x64xf32, #tpu.memory_space<vmem>>
    %dma_start3A_134 = tpu.memref_squeeze %dma_start3A_133 : memref<1x1x32x64xf32, #tpu.memory_space<vmem>> -> memref<32x64xf32, #tpu.memory_space<vmem>>
    %dma_start3A_135 = arith.constant 0 : i32
    %dma_start3A_136 = tpu.memref_slice %arg8[%dma_start3A_127, %dma_start3A_128, %dma_start3A_135] : memref<2x21x32xi32, #tpu.memory_space<vmem>> -> memref<1x1x32xi32, #tpu.memory_space<vmem>>
    %dma_start3A_137 = tpu.memref_squeeze %dma_start3A_136 : memref<1x1x32xi32, #tpu.memory_space<vmem>> -> memref<32xi32, #tpu.memory_space<vmem>>
    %dma_start3A_138 = arith.constant 0 : i32
    %dma_start3A_139 = arith.constant 0 : i32
    %dma_start3A_140 = tpu.memref_slice %arg5[%dma_start3A_138, %dma_start3A_139] : memref<1000000x64xf32, #tpu.memory_space<hbm>> -> memref<1000000x64xf32, #tpu.memory_space<hbm>>
    tpu.enqueue_indirect_dma source(%dma_start3A_140 : memref<1000000x64xf32, #tpu.memory_space<hbm>>) target(%dma_start3A_134 : memref<32x64xf32, #tpu.memory_space<vmem>>) offsets(%dma_start3A_137 : memref<32xi32, #tpu.memory_space<vmem>>) semaphore(%arg12 : memref<!tpu.dma_semaphore, #tpu.memory_space<semaphore_mem>>)
    %dma_start3A_141 = arith.constant 0 : i32
    %dma_start3A_142 = arith.constant 9 : i32
    %dma_start3A_143 = arith.constant 0 : i32
    %dma_start3A_144 = arith.constant 9 : i32
    %dma_start3A_145 = arith.constant 0 : i32
    %dma_start3A_146 = arith.constant 0 : i32
    %dma_start3A_147 = tpu.memref_slice %arg10[%dma_start3A_143, %dma_start3A_144, %dma_start3A_145, %dma_start3A_146] : memref<2x21x32x64xf32, #tpu.memory_space<vmem>> -> memref<1x1x32x64xf32, #tpu.memory_space<vmem>>
    %dma_start3A_148 = tpu.memref_squeeze %dma_start3A_147 : memref<1x1x32x64xf32, #tpu.memory_space<vmem>> -> memref<32x64xf32, #tpu.memory_space<vmem>>
    %dma_start3A_149 = arith.constant 0 : i32
    %dma_start3A_150 = tpu.memref_slice %arg8[%dma_start3A_141, %dma_start3A_142, %dma_start3A_149] : memref<2x21x32xi32, #tpu.memory_space<vmem>> -> memref<1x1x32xi32, #tpu.memory_space<vmem>>
    %dma_start3A_151 = tpu.memref_squeeze %dma_start3A_150 : memref<1x1x32xi32, #tpu.memory_space<vmem>> -> memref<32xi32, #tpu.memory_space<vmem>>
    %dma_start3A_152 = arith.constant 0 : i32
    %dma_start3A_153 = arith.constant 0 : i32
    %dma_start3A_154 = tpu.memref_slice %arg5[%dma_start3A_152, %dma_start3A_153] : memref<1000000x64xf32, #tpu.memory_space<hbm>> -> memref<1000000x64xf32, #tpu.memory_space<hbm>>
    tpu.enqueue_indirect_dma source(%dma_start3A_154 : memref<1000000x64xf32, #tpu.memory_space<hbm>>) target(%dma_start3A_148 : memref<32x64xf32, #tpu.memory_space<vmem>>) offsets(%dma_start3A_151 : memref<32xi32, #tpu.memory_space<vmem>>) semaphore(%arg12 : memref<!tpu.dma_semaphore, #tpu.memory_space<semaphore_mem>>)
    %dma_start3A_155 = arith.constant 0 : i32
    %dma_start3A_156 = arith.constant 10 : i32
    %dma_start3A_157 = arith.constant 0 : i32
    %dma_start3A_158 = arith.constant 10 : i32
    %dma_start3A_159 = arith.constant 0 : i32
    %dma_start3A_160 = arith.constant 0 : i32
    %dma_start3A_161 = tpu.memref_slice %arg10[%dma_start3A_157, %dma_start3A_158, %dma_start3A_159, %dma_start3A_160] : memref<2x21x32x64xf32, #tpu.memory_space<vmem>> -> memref<1x1x32x64xf32, #tpu.memory_space<vmem>>
    %dma_start3A_162 = tpu.memref_squeeze %dma_start3A_161 : memref<1x1x32x64xf32, #tpu.memory_space<vmem>> -> memref<32x64xf32, #tpu.memory_space<vmem>>
    %dma_start3A_163 = arith.constant 0 : i32
    %dma_start3A_164 = tpu.memref_slice %arg8[%dma_start3A_155, %dma_start3A_156, %dma_start3A_163] : memref<2x21x32xi32, #tpu.memory_space<vmem>> -> memref<1x1x32xi32, #tpu.memory_space<vmem>>
    %dma_start3A_165 = tpu.memref_squeeze %dma_start3A_164 : memref<1x1x32xi32, #tpu.memory_space<vmem>> -> memref<32xi32, #tpu.memory_space<vmem>>
    %dma_start3A_166 = arith.constant 0 : i32
    %dma_start3A_167 = arith.constant 0 : i32
    %dma_start3A_168 = tpu.memref_slice %arg5[%dma_start3A_166, %dma_start3A_167] : memref<1000000x64xf32, #tpu.memory_space<hbm>> -> memref<1000000x64xf32, #tpu.memory_space<hbm>>
    tpu.enqueue_indirect_dma source(%dma_start3A_168 : memref<1000000x64xf32, #tpu.memory_space<hbm>>) target(%dma_start3A_162 : memref<32x64xf32, #tpu.memory_space<vmem>>) offsets(%dma_start3A_165 : memref<32xi32, #tpu.memory_space<vmem>>) semaphore(%arg12 : memref<!tpu.dma_semaphore, #tpu.memory_space<semaphore_mem>>)
    %dma_start3A_169 = arith.constant 0 : i32
    %dma_start3A_170 = arith.constant 11 : i32
    %dma_start3A_171 = arith.constant 0 : i32
    %dma_start3A_172 = arith.constant 11 : i32
    %dma_start3A_173 = arith.constant 0 : i32
    %dma_start3A_174 = arith.constant 0 : i32
    %dma_start3A_175 = tpu.memref_slice %arg10[%dma_start3A_171, %dma_start3A_172, %dma_start3A_173, %dma_start3A_174] : memref<2x21x32x64xf32, #tpu.memory_space<vmem>> -> memref<1x1x32x64xf32, #tpu.memory_space<vmem>>
    %dma_start3A_176 = tpu.memref_squeeze %dma_start3A_175 : memref<1x1x32x64xf32, #tpu.memory_space<vmem>> -> memref<32x64xf32, #tpu.memory_space<vmem>>
    %dma_start3A_177 = arith.constant 0 : i32
    %dma_start3A_178 = tpu.memref_slice %arg8[%dma_start3A_169, %dma_start3A_170, %dma_start3A_177] : memref<2x21x32xi32, #tpu.memory_space<vmem>> -> memref<1x1x32xi32, #tpu.memory_space<vmem>>
    %dma_start3A_179 = tpu.memref_squeeze %dma_start3A_178 : memref<1x1x32xi32, #tpu.memory_space<vmem>> -> memref<32xi32, #tpu.memory_space<vmem>>
    %dma_start3A_180 = arith.constant 0 : i32
    %dma_start3A_181 = arith.constant 0 : i32
    %dma_start3A_182 = tpu.memref_slice %arg5[%dma_start3A_180, %dma_start3A_181] : memref<1000000x64xf32, #tpu.memory_space<hbm>> -> memref<1000000x64xf32, #tpu.memory_space<hbm>>
    tpu.enqueue_indirect_dma source(%dma_start3A_182 : memref<1000000x64xf32, #tpu.memory_space<hbm>>) target(%dma_start3A_176 : memref<32x64xf32, #tpu.memory_space<vmem>>) offsets(%dma_start3A_179 : memref<32xi32, #tpu.memory_space<vmem>>) semaphore(%arg12 : memref<!tpu.dma_semaphore, #tpu.memory_space<semaphore_mem>>)
    %dma_start3A_183 = arith.constant 0 : i32
    %dma_start3A_184 = arith.constant 12 : i32
    %dma_start3A_185 = arith.constant 0 : i32
    %dma_start3A_186 = arith.constant 12 : i32
    %dma_start3A_187 = arith.constant 0 : i32
    %dma_start3A_188 = arith.constant 0 : i32
    %dma_start3A_189 = tpu.memref_slice %arg10[%dma_start3A_185, %dma_start3A_186, %dma_start3A_187, %dma_start3A_188] : memref<2x21x32x64xf32, #tpu.memory_space<vmem>> -> memref<1x1x32x64xf32, #tpu.memory_space<vmem>>
    %dma_start3A_190 = tpu.memref_squeeze %dma_start3A_189 : memref<1x1x32x64xf32, #tpu.memory_space<vmem>> -> memref<32x64xf32, #tpu.memory_space<vmem>>
    %dma_start3A_191 = arith.constant 0 : i32
    %dma_start3A_192 = tpu.memref_slice %arg8[%dma_start3A_183, %dma_start3A_184, %dma_start3A_191] : memref<2x21x32xi32, #tpu.memory_space<vmem>> -> memref<1x1x32xi32, #tpu.memory_space<vmem>>
    %dma_start3A_193 = tpu.memref_squeeze %dma_start3A_192 : memref<1x1x32xi32, #tpu.memory_space<vmem>> -> memref<32xi32, #tpu.memory_space<vmem>>
    %dma_start3A_194 = arith.constant 0 : i32
    %dma_start3A_195 = arith.constant 0 : i32
    %dma_start3A_196 = tpu.memref_slice %arg5[%dma_start3A_194, %dma_start3A_195] : memref<1000000x64xf32, #tpu.memory_space<hbm>> -> memref<1000000x64xf32, #tpu.memory_space<hbm>>
    tpu.enqueue_indirect_dma source(%dma_start3A_196 : memref<1000000x64xf32, #tpu.memory_space<hbm>>) target(%dma_start3A_190 : memref<32x64xf32, #tpu.memory_space<vmem>>) offsets(%dma_start3A_193 : memref<32xi32, #tpu.memory_space<vmem>>) semaphore(%arg12 : memref<!tpu.dma_semaphore, #tpu.memory_space<semaphore_mem>>)
    %dma_start3A_197 = arith.constant 0 : i32
    %dma_start3A_198 = arith.constant 13 : i32
    %dma_start3A_199 = arith.constant 0 : i32
    %dma_start3A_200 = arith.constant 13 : i32
    %dma_start3A_201 = arith.constant 0 : i32
    %dma_start3A_202 = arith.constant 0 : i32
    %dma_start3A_203 = tpu.memref_slice %arg10[%dma_start3A_199, %dma_start3A_200, %dma_start3A_201, %dma_start3A_202] : memref<2x21x32x64xf32, #tpu.memory_space<vmem>> -> memref<1x1x32x64xf32, #tpu.memory_space<vmem>>
    %dma_start3A_204 = tpu.memref_squeeze %dma_start3A_203 : memref<1x1x32x64xf32, #tpu.memory_space<vmem>> -> memref<32x64xf32, #tpu.memory_space<vmem>>
    %dma_start3A_205 = arith.constant 0 : i32
    %dma_start3A_206 = tpu.memref_slice %arg8[%dma_start3A_197, %dma_start3A_198, %dma_start3A_205] : memref<2x21x32xi32, #tpu.memory_space<vmem>> -> memref<1x1x32xi32, #tpu.memory_space<vmem>>
    %dma_start3A_207 = tpu.memref_squeeze %dma_start3A_206 : memref<1x1x32xi32, #tpu.memory_space<vmem>> -> memref<32xi32, #tpu.memory_space<vmem>>
    %dma_start3A_208 = arith.constant 0 : i32
    %dma_start3A_209 = arith.constant 0 : i32
    %dma_start3A_210 = tpu.memref_slice %arg5[%dma_start3A_208, %dma_start3A_209] : memref<1000000x64xf32, #tpu.memory_space<hbm>> -> memref<1000000x64xf32, #tpu.memory_space<hbm>>
    tpu.enqueue_indirect_dma source(%dma_start3A_210 : memref<1000000x64xf32, #tpu.memory_space<hbm>>) target(%dma_start3A_204 : memref<32x64xf32, #tpu.memory_space<vmem>>) offsets(%dma_start3A_207 : memref<32xi32, #tpu.memory_space<vmem>>) semaphore(%arg12 : memref<!tpu.dma_semaphore, #tpu.memory_space<semaphore_mem>>)
    %dma_start3A_211 = arith.constant 0 : i32
    %dma_start3A_212 = arith.constant 14 : i32
    %dma_start3A_213 = arith.constant 0 : i32
    %dma_start3A_214 = arith.constant 14 : i32
    %dma_start3A_215 = arith.constant 0 : i32
    %dma_start3A_216 = arith.constant 0 : i32
    %dma_start3A_217 = tpu.memref_slice %arg10[%dma_start3A_213, %dma_start3A_214, %dma_start3A_215, %dma_start3A_216] : memref<2x21x32x64xf32, #tpu.memory_space<vmem>> -> memref<1x1x32x64xf32, #tpu.memory_space<vmem>>
    %dma_start3A_218 = tpu.memref_squeeze %dma_start3A_217 : memref<1x1x32x64xf32, #tpu.memory_space<vmem>> -> memref<32x64xf32, #tpu.memory_space<vmem>>
    %dma_start3A_219 = arith.constant 0 : i32
    %dma_start3A_220 = tpu.memref_slice %arg8[%dma_start3A_211, %dma_start3A_212, %dma_start3A_219] : memref<2x21x32xi32, #tpu.memory_space<vmem>> -> memref<1x1x32xi32, #tpu.memory_space<vmem>>
    %dma_start3A_221 = tpu.memref_squeeze %dma_start3A_220 : memref<1x1x32xi32, #tpu.memory_space<vmem>> -> memref<32xi32, #tpu.memory_space<vmem>>
    %dma_start3A_222 = arith.constant 0 : i32
    %dma_start3A_223 = arith.constant 0 : i32
    %dma_start3A_224 = tpu.memref_slice %arg5[%dma_start3A_222, %dma_start3A_223] : memref<1000000x64xf32, #tpu.memory_space<hbm>> -> memref<1000000x64xf32, #tpu.memory_space<hbm>>
    tpu.enqueue_indirect_dma source(%dma_start3A_224 : memref<1000000x64xf32, #tpu.memory_space<hbm>>) target(%dma_start3A_218 : memref<32x64xf32, #tpu.memory_space<vmem>>) offsets(%dma_start3A_221 : memref<32xi32, #tpu.memory_space<vmem>>) semaphore(%arg12 : memref<!tpu.dma_semaphore, #tpu.memory_space<semaphore_mem>>)
    %dma_start3A_225 = arith.constant 0 : i32
    %dma_start3A_226 = arith.constant 15 : i32
    %dma_start3A_227 = arith.constant 0 : i32
    %dma_start3A_228 = arith.constant 15 : i32
    %dma_start3A_229 = arith.constant 0 : i32
    %dma_start3A_230 = arith.constant 0 : i32
    %dma_start3A_231 = tpu.memref_slice %arg10[%dma_start3A_227, %dma_start3A_228, %dma_start3A_229, %dma_start3A_230] : memref<2x21x32x64xf32, #tpu.memory_space<vmem>> -> memref<1x1x32x64xf32, #tpu.memory_space<vmem>>
    %dma_start3A_232 = tpu.memref_squeeze %dma_start3A_231 : memref<1x1x32x64xf32, #tpu.memory_space<vmem>> -> memref<32x64xf32, #tpu.memory_space<vmem>>
    %dma_start3A_233 = arith.constant 0 : i32
    %dma_start3A_234 = tpu.memref_slice %arg8[%dma_start3A_225, %dma_start3A_226, %dma_start3A_233] : memref<2x21x32xi32, #tpu.memory_space<vmem>> -> memref<1x1x32xi32, #tpu.memory_space<vmem>>
    %dma_start3A_235 = tpu.memref_squeeze %dma_start3A_234 : memref<1x1x32xi32, #tpu.memory_space<vmem>> -> memref<32xi32, #tpu.memory_space<vmem>>
    %dma_start3A_236 = arith.constant 0 : i32
    %dma_start3A_237 = arith.constant 0 : i32
    %dma_start3A_238 = tpu.memref_slice %arg5[%dma_start3A_236, %dma_start3A_237] : memref<1000000x64xf32, #tpu.memory_space<hbm>> -> memref<1000000x64xf32, #tpu.memory_space<hbm>>
    tpu.enqueue_indirect_dma source(%dma_start3A_238 : memref<1000000x64xf32, #tpu.memory_space<hbm>>) target(%dma_start3A_232 : memref<32x64xf32, #tpu.memory_space<vmem>>) offsets(%dma_start3A_235 : memref<32xi32, #tpu.memory_space<vmem>>) semaphore(%arg12 : memref<!tpu.dma_semaphore, #tpu.memory_space<semaphore_mem>>)
    %dma_start3A_239 = arith.constant 0 : i32
    %dma_start3A_240 = arith.constant 16 : i32
    %dma_start3A_241 = arith.constant 0 : i32
    %dma_start3A_242 = arith.constant 16 : i32
    %dma_start3A_243 = arith.constant 0 : i32
    %dma_start3A_244 = arith.constant 0 : i32
    %dma_start3A_245 = tpu.memref_slice %arg10[%dma_start3A_241, %dma_start3A_242, %dma_start3A_243, %dma_start3A_244] : memref<2x21x32x64xf32, #tpu.memory_space<vmem>> -> memref<1x1x32x64xf32, #tpu.memory_space<vmem>>
    %dma_start3A_246 = tpu.memref_squeeze %dma_start3A_245 : memref<1x1x32x64xf32, #tpu.memory_space<vmem>> -> memref<32x64xf32, #tpu.memory_space<vmem>>
    %dma_start3A_247 = arith.constant 0 : i32
    %dma_start3A_248 = tpu.memref_slice %arg8[%dma_start3A_239, %dma_start3A_240, %dma_start3A_247] : memref<2x21x32xi32, #tpu.memory_space<vmem>> -> memref<1x1x32xi32, #tpu.memory_space<vmem>>
    %dma_start3A_249 = tpu.memref_squeeze %dma_start3A_248 : memref<1x1x32xi32, #tpu.memory_space<vmem>> -> memref<32xi32, #tpu.memory_space<vmem>>
    %dma_start3A_250 = arith.constant 0 : i32
    %dma_start3A_251 = arith.constant 0 : i32
    %dma_start3A_252 = tpu.memref_slice %arg5[%dma_start3A_250, %dma_start3A_251] : memref<1000000x64xf32, #tpu.memory_space<hbm>> -> memref<1000000x64xf32, #tpu.memory_space<hbm>>
    tpu.enqueue_indirect_dma source(%dma_start3A_252 : memref<1000000x64xf32, #tpu.memory_space<hbm>>) target(%dma_start3A_246 : memref<32x64xf32, #tpu.memory_space<vmem>>) offsets(%dma_start3A_249 : memref<32xi32, #tpu.memory_space<vmem>>) semaphore(%arg12 : memref<!tpu.dma_semaphore, #tpu.memory_space<semaphore_mem>>)
    %dma_start3A_253 = arith.constant 0 : i32
    %dma_start3A_254 = arith.constant 17 : i32
    %dma_start3A_255 = arith.constant 0 : i32
    %dma_start3A_256 = arith.constant 17 : i32
    %dma_start3A_257 = arith.constant 0 : i32
    %dma_start3A_258 = arith.constant 0 : i32
    %dma_start3A_259 = tpu.memref_slice %arg10[%dma_start3A_255, %dma_start3A_256, %dma_start3A_257, %dma_start3A_258] : memref<2x21x32x64xf32, #tpu.memory_space<vmem>> -> memref<1x1x32x64xf32, #tpu.memory_space<vmem>>
    %dma_start3A_260 = tpu.memref_squeeze %dma_start3A_259 : memref<1x1x32x64xf32, #tpu.memory_space<vmem>> -> memref<32x64xf32, #tpu.memory_space<vmem>>
    %dma_start3A_261 = arith.constant 0 : i32
    %dma_start3A_262 = tpu.memref_slice %arg8[%dma_start3A_253, %dma_start3A_254, %dma_start3A_261] : memref<2x21x32xi32, #tpu.memory_space<vmem>> -> memref<1x1x32xi32, #tpu.memory_space<vmem>>
    %dma_start3A_263 = tpu.memref_squeeze %dma_start3A_262 : memref<1x1x32xi32, #tpu.memory_space<vmem>> -> memref<32xi32, #tpu.memory_space<vmem>>
    %dma_start3A_264 = arith.constant 0 : i32
    %dma_start3A_265 = arith.constant 0 : i32
    %dma_start3A_266 = tpu.memref_slice %arg5[%dma_start3A_264, %dma_start3A_265] : memref<1000000x64xf32, #tpu.memory_space<hbm>> -> memref<1000000x64xf32, #tpu.memory_space<hbm>>
    tpu.enqueue_indirect_dma source(%dma_start3A_266 : memref<1000000x64xf32, #tpu.memory_space<hbm>>) target(%dma_start3A_260 : memref<32x64xf32, #tpu.memory_space<vmem>>) offsets(%dma_start3A_263 : memref<32xi32, #tpu.memory_space<vmem>>) semaphore(%arg12 : memref<!tpu.dma_semaphore, #tpu.memory_space<semaphore_mem>>)
    %dma_start3A_267 = arith.constant 0 : i32
    %dma_start3A_268 = arith.constant 18 : i32
    %dma_start3A_269 = arith.constant 0 : i32
    %dma_start3A_270 = arith.constant 18 : i32
    %dma_start3A_271 = arith.constant 0 : i32
    %dma_start3A_272 = arith.constant 0 : i32
    %dma_start3A_273 = tpu.memref_slice %arg10[%dma_start3A_269, %dma_start3A_270, %dma_start3A_271, %dma_start3A_272] : memref<2x21x32x64xf32, #tpu.memory_space<vmem>> -> memref<1x1x32x64xf32, #tpu.memory_space<vmem>>
    %dma_start3A_274 = tpu.memref_squeeze %dma_start3A_273 : memref<1x1x32x64xf32, #tpu.memory_space<vmem>> -> memref<32x64xf32, #tpu.memory_space<vmem>>
    %dma_start3A_275 = arith.constant 0 : i32
    %dma_start3A_276 = tpu.memref_slice %arg8[%dma_start3A_267, %dma_start3A_268, %dma_start3A_275] : memref<2x21x32xi32, #tpu.memory_space<vmem>> -> memref<1x1x32xi32, #tpu.memory_space<vmem>>
    %dma_start3A_277 = tpu.memref_squeeze %dma_start3A_276 : memref<1x1x32xi32, #tpu.memory_space<vmem>> -> memref<32xi32, #tpu.memory_space<vmem>>
    %dma_start3A_278 = arith.constant 0 : i32
    %dma_start3A_279 = arith.constant 0 : i32
    %dma_start3A_280 = tpu.memref_slice %arg5[%dma_start3A_278, %dma_start3A_279] : memref<1000000x64xf32, #tpu.memory_space<hbm>> -> memref<1000000x64xf32, #tpu.memory_space<hbm>>
    tpu.enqueue_indirect_dma source(%dma_start3A_280 : memref<1000000x64xf32, #tpu.memory_space<hbm>>) target(%dma_start3A_274 : memref<32x64xf32, #tpu.memory_space<vmem>>) offsets(%dma_start3A_277 : memref<32xi32, #tpu.memory_space<vmem>>) semaphore(%arg12 : memref<!tpu.dma_semaphore, #tpu.memory_space<semaphore_mem>>)
    %dma_start3A_281 = arith.constant 0 : i32
    %dma_start3A_282 = arith.constant 19 : i32
    %dma_start3A_283 = arith.constant 0 : i32
    %dma_start3A_284 = arith.constant 19 : i32
    %dma_start3A_285 = arith.constant 0 : i32
    %dma_start3A_286 = arith.constant 0 : i32
    %dma_start3A_287 = tpu.memref_slice %arg10[%dma_start3A_283, %dma_start3A_284, %dma_start3A_285, %dma_start3A_286] : memref<2x21x32x64xf32, #tpu.memory_space<vmem>> -> memref<1x1x32x64xf32, #tpu.memory_space<vmem>>
    %dma_start3A_288 = tpu.memref_squeeze %dma_start3A_287 : memref<1x1x32x64xf32, #tpu.memory_space<vmem>> -> memref<32x64xf32, #tpu.memory_space<vmem>>
    %dma_start3A_289 = arith.constant 0 : i32
    %dma_start3A_290 = tpu.memref_slice %arg8[%dma_start3A_281, %dma_start3A_282, %dma_start3A_289] : memref<2x21x32xi32, #tpu.memory_space<vmem>> -> memref<1x1x32xi32, #tpu.memory_space<vmem>>
    %dma_start3A_291 = tpu.memref_squeeze %dma_start3A_290 : memref<1x1x32xi32, #tpu.memory_space<vmem>> -> memref<32xi32, #tpu.memory_space<vmem>>
    %dma_start3A_292 = arith.constant 0 : i32
    %dma_start3A_293 = arith.constant 0 : i32
    %dma_start3A_294 = tpu.memref_slice %arg5[%dma_start3A_292, %dma_start3A_293] : memref<1000000x64xf32, #tpu.memory_space<hbm>> -> memref<1000000x64xf32, #tpu.memory_space<hbm>>
    tpu.enqueue_indirect_dma source(%dma_start3A_294 : memref<1000000x64xf32, #tpu.memory_space<hbm>>) target(%dma_start3A_288 : memref<32x64xf32, #tpu.memory_space<vmem>>) offsets(%dma_start3A_291 : memref<32xi32, #tpu.memory_space<vmem>>) semaphore(%arg12 : memref<!tpu.dma_semaphore, #tpu.memory_space<semaphore_mem>>)
    %dma_start3A_295 = arith.constant 0 : i32
    %dma_start3A_296 = arith.constant 20 : i32
    %dma_start3A_297 = arith.constant 0 : i32
    %dma_start3A_298 = arith.constant 20 : i32
    %dma_start3A_299 = arith.constant 0 : i32
    %dma_start3A_300 = arith.constant 0 : i32
    %dma_start3A_301 = tpu.memref_slice %arg10[%dma_start3A_297, %dma_start3A_298, %dma_start3A_299, %dma_start3A_300] : memref<2x21x32x64xf32, #tpu.memory_space<vmem>> -> memref<1x1x32x64xf32, #tpu.memory_space<vmem>>
    %dma_start3A_302 = tpu.memref_squeeze %dma_start3A_301 : memref<1x1x32x64xf32, #tpu.memory_space<vmem>> -> memref<32x64xf32, #tpu.memory_space<vmem>>
    %dma_start3A_303 = arith.constant 0 : i32
    %dma_start3A_304 = tpu.memref_slice %arg8[%dma_start3A_295, %dma_start3A_296, %dma_start3A_303] : memref<2x21x32xi32, #tpu.memory_space<vmem>> -> memref<1x1x32xi32, #tpu.memory_space<vmem>>
    %dma_start3A_305 = tpu.memref_squeeze %dma_start3A_304 : memref<1x1x32xi32, #tpu.memory_space<vmem>> -> memref<32xi32, #tpu.memory_space<vmem>>
    %dma_start3A_306 = arith.constant 0 : i32
    %dma_start3A_307 = arith.constant 0 : i32
    %dma_start3A_308 = tpu.memref_slice %arg5[%dma_start3A_306, %dma_start3A_307] : memref<1000000x64xf32, #tpu.memory_space<hbm>> -> memref<1000000x64xf32, #tpu.memory_space<hbm>>
    tpu.enqueue_indirect_dma source(%dma_start3A_308 : memref<1000000x64xf32, #tpu.memory_space<hbm>>) target(%dma_start3A_302 : memref<32x64xf32, #tpu.memory_space<vmem>>) offsets(%dma_start3A_305 : memref<32xi32, #tpu.memory_space<vmem>>) semaphore(%arg12 : memref<!tpu.dma_semaphore, #tpu.memory_space<semaphore_mem>>)
    %scan3A = arith.constant 0 : i32
    %scan3A_309 = arith.constant 0 : i32
    %scan3A_310 = arith.constant 8 : i32
    %scan3A_311 = arith.addi %scan3A_309, %scan3A_310 : i32
    %scan3A_312 = arith.constant 1 : i32
    scf.for %scan3A_316 = %scan3A_309 to %scan3A_311 step %scan3A_312  : i32 {
      %mul3A_317 = arith.constant 2 : i32
      %mul3A_318 = arith.muli %mul3A_317, %scan3A_316 : i32
      %add3A_319 = arith.constant 1 : i32
      %add3A_320 = arith.addi %mul3A_318, %add3A_319 : i32
      %run_scoped3A_321 = arith.constant 1 : i32
      "tpu.region"() ({
        %run_scoped3A_1258 = tpu.sem_alloc : memref<!tpu.dma_semaphore, #tpu.memory_space<semaphore_mem>>
        %dma_start3A_1259 = arith.constant 0 : i32
        %dma_start3A_1260 = tpu.memref_slice %arg7[%run_scoped3A_321, %dma_start3A_1259] : memref<2x32xi32, #tpu.memory_space<vmem>> -> memref<1x32xi32, #tpu.memory_space<vmem>>
        %dma_start3A_1261 = tpu.memref_squeeze %dma_start3A_1260 : memref<1x32xi32, #tpu.memory_space<vmem>> -> memref<32xi32, #tpu.memory_space<vmem>>
        %dma_start3A_1262 = arith.constant 0 : i32
        %dma_start3A_1263 = tpu.memref_slice %arg2[%add3A, %add3A_320, %dma_start3A_1262] : memref<32x16x32xi32, #tpu.memory_space<hbm>> -> memref<1x1x32xi32, #tpu.memory_space<hbm>>
        %dma_start3A_1264 = tpu.memref_squeeze %dma_start3A_1263 : memref<1x1x32xi32, #tpu.memory_space<hbm>> -> memref<32xi32, #tpu.memory_space<hbm>>
        %dma_start3A_1265 = arith.constant 0 : i32
        %dma_start3A_1266 = tpu.memref_slice %arg7[%run_scoped3A_321, %dma_start3A_1265] : memref<2x32xi32, #tpu.memory_space<vmem>> -> memref<1x32xi32, #tpu.memory_space<vmem>>
        %dma_start3A_1267 = tpu.memref_squeeze %dma_start3A_1266 : memref<1x32xi32, #tpu.memory_space<vmem>> -> memref<32xi32, #tpu.memory_space<vmem>>
        %dma_start3A_1268 = arith.constant 0 : i32
        %dma_start3A_1269 = tpu.memref_slice %arg2[%add3A, %add3A_320, %dma_start3A_1268] : memref<32x16x32xi32, #tpu.memory_space<hbm>> -> memref<1x1x32xi32, #tpu.memory_space<hbm>>
        %dma_start3A_1270 = tpu.memref_squeeze %dma_start3A_1269 : memref<1x1x32xi32, #tpu.memory_space<hbm>> -> memref<32xi32, #tpu.memory_space<hbm>>
        tpu.enqueue_dma source(%dma_start3A_1270 : memref<32xi32, #tpu.memory_space<hbm>>) target(%dma_start3A_1267 : memref<32xi32, #tpu.memory_space<vmem>>) target_semaphore(%run_scoped3A_1258 : memref<!tpu.dma_semaphore, #tpu.memory_space<semaphore_mem>>)
        %dma_wait3A_1271 = arith.constant 0 : i32
        %dma_wait3A_1272 = tpu.memref_slice %arg7[%run_scoped3A_321, %dma_wait3A_1271] : memref<2x32xi32, #tpu.memory_space<vmem>> -> memref<1x32xi32, #tpu.memory_space<vmem>>
        %dma_wait3A_1273 = tpu.memref_squeeze %dma_wait3A_1272 : memref<1x32xi32, #tpu.memory_space<vmem>> -> memref<32xi32, #tpu.memory_space<vmem>>
        %dma_wait3A_1274 = arith.constant 0 : i32
        %dma_wait3A_1275 = tpu.memref_slice %arg2[%add3A, %add3A_320, %dma_wait3A_1274] : memref<32x16x32xi32, #tpu.memory_space<hbm>> -> memref<1x1x32xi32, #tpu.memory_space<hbm>>
        %dma_wait3A_1276 = tpu.memref_squeeze %dma_wait3A_1275 : memref<1x1x32xi32, #tpu.memory_space<hbm>> -> memref<32xi32, #tpu.memory_space<hbm>>
        %dma_wait3A_1277 = arith.constant 0 : i32
        %dma_wait3A_1278 = tpu.memref_slice %arg7[%run_scoped3A_321, %dma_wait3A_1277] : memref<2x32xi32, #tpu.memory_space<vmem>> -> memref<1x32xi32, #tpu.memory_space<vmem>>
        %dma_wait3A_1279 = tpu.memref_squeeze %dma_wait3A_1278 : memref<1x32xi32, #tpu.memory_space<vmem>> -> memref<32xi32, #tpu.memory_space<vmem>>
        %dma_wait3A_1280 = arith.constant 0 : i32
        %dma_wait3A_1281 = tpu.memref_slice %arg2[%add3A, %add3A_320, %dma_wait3A_1280] : memref<32x16x32xi32, #tpu.memory_space<hbm>> -> memref<1x1x32xi32, #tpu.memory_space<hbm>>
        %dma_wait3A_1282 = tpu.memref_squeeze %dma_wait3A_1281 : memref<1x1x32xi32, #tpu.memory_space<hbm>> -> memref<32xi32, #tpu.memory_space<hbm>>
        tpu.wait_dma2 semaphore(%run_scoped3A_1258 : memref<!tpu.dma_semaphore, #tpu.memory_space<semaphore_mem>>) src(%dma_wait3A_1282 : memref<32xi32, #tpu.memory_space<hbm>>) dst(%dma_wait3A_1279 : memref<32xi32, #tpu.memory_space<vmem>>)
        tpu.yield
      }) : () -> ()
      %run_scoped3A_322 = arith.constant 1 : i32
      "tpu.region"() ({
        %run_scoped3A_1258 = tpu.sem_alloc : memref<!tpu.dma_semaphore, #tpu.memory_space<semaphore_mem>>
        %dma_start3A_1259 = arith.constant 0 : i32
        %dma_start3A_1260 = arith.constant 0 : i32
        %dma_start3A_1261 = tpu.memref_slice %arg8[%run_scoped3A_322, %dma_start3A_1259, %dma_start3A_1260] : memref<2x21x32xi32, #tpu.memory_space<vmem>> -> memref<1x21x32xi32, #tpu.memory_space<vmem>>
        %dma_start3A_1262 = tpu.memref_squeeze %dma_start3A_1261 : memref<1x21x32xi32, #tpu.memory_space<vmem>> -> memref<21x32xi32, #tpu.memory_space<vmem>>
        %dma_start3A_1263 = arith.constant 0 : i32
        %dma_start3A_1264 = arith.constant 0 : i32
        %dma_start3A_1265 = tpu.memref_slice %arg3[%add3A, %add3A_320, %dma_start3A_1263, %dma_start3A_1264] : memref<32x16x21x32xi32, #tpu.memory_space<hbm>> -> memref<1x1x21x32xi32, #tpu.memory_space<hbm>>
        %dma_start3A_1266 = tpu.memref_squeeze %dma_start3A_1265 : memref<1x1x21x32xi32, #tpu.memory_space<hbm>> -> memref<21x32xi32, #tpu.memory_space<hbm>>
        %dma_start3A_1267 = arith.constant 0 : i32
        %dma_start3A_1268 = arith.constant 0 : i32
        %dma_start3A_1269 = tpu.memref_slice %arg8[%run_scoped3A_322, %dma_start3A_1267, %dma_start3A_1268] : memref<2x21x32xi32, #tpu.memory_space<vmem>> -> memref<1x21x32xi32, #tpu.memory_space<vmem>>
        %dma_start3A_1270 = tpu.memref_squeeze %dma_start3A_1269 : memref<1x21x32xi32, #tpu.memory_space<vmem>> -> memref<21x32xi32, #tpu.memory_space<vmem>>
        %dma_start3A_1271 = arith.constant 0 : i32
        %dma_start3A_1272 = arith.constant 0 : i32
        %dma_start3A_1273 = tpu.memref_slice %arg3[%add3A, %add3A_320, %dma_start3A_1271, %dma_start3A_1272] : memref<32x16x21x32xi32, #tpu.memory_space<hbm>> -> memref<1x1x21x32xi32, #tpu.memory_space<hbm>>
        %dma_start3A_1274 = tpu.memref_squeeze %dma_start3A_1273 : memref<1x1x21x32xi32, #tpu.memory_space<hbm>> -> memref<21x32xi32, #tpu.memory_space<hbm>>
        tpu.enqueue_dma source(%dma_start3A_1274 : memref<21x32xi32, #tpu.memory_space<hbm>>) target(%dma_start3A_1270 : memref<21x32xi32, #tpu.memory_space<vmem>>) target_semaphore(%run_scoped3A_1258 : memref<!tpu.dma_semaphore, #tpu.memory_space<semaphore_mem>>)
        %dma_wait3A_1275 = arith.constant 0 : i32
        %dma_wait3A_1276 = arith.constant 0 : i32
        %dma_wait3A_1277 = tpu.memref_slice %arg8[%run_scoped3A_322, %dma_wait3A_1275, %dma_wait3A_1276] : memref<2x21x32xi32, #tpu.memory_space<vmem>> -> memref<1x21x32xi32, #tpu.memory_space<vmem>>
        %dma_wait3A_1278 = tpu.memref_squeeze %dma_wait3A_1277 : memref<1x21x32xi32, #tpu.memory_space<vmem>> -> memref<21x32xi32, #tpu.memory_space<vmem>>
        %dma_wait3A_1279 = arith.constant 0 : i32
        %dma_wait3A_1280 = arith.constant 0 : i32
        %dma_wait3A_1281 = tpu.memref_slice %arg3[%add3A, %add3A_320, %dma_wait3A_1279, %dma_wait3A_1280] : memref<32x16x21x32xi32, #tpu.memory_space<hbm>> -> memref<1x1x21x32xi32, #tpu.memory_space<hbm>>
        %dma_wait3A_1282 = tpu.memref_squeeze %dma_wait3A_1281 : memref<1x1x21x32xi32, #tpu.memory_space<hbm>> -> memref<21x32xi32, #tpu.memory_space<hbm>>
        %dma_wait3A_1283 = arith.constant 0 : i32
        %dma_wait3A_1284 = arith.constant 0 : i32
        %dma_wait3A_1285 = tpu.memref_slice %arg8[%run_scoped3A_322, %dma_wait3A_1283, %dma_wait3A_1284] : memref<2x21x32xi32, #tpu.memory_space<vmem>> -> memref<1x21x32xi32, #tpu.memory_space<vmem>>
        %dma_wait3A_1286 = tpu.memref_squeeze %dma_wait3A_1285 : memref<1x21x32xi32, #tpu.memory_space<vmem>> -> memref<21x32xi32, #tpu.memory_space<vmem>>
        %dma_wait3A_1287 = arith.constant 0 : i32
        %dma_wait3A_1288 = arith.constant 0 : i32
        %dma_wait3A_1289 = tpu.memref_slice %arg3[%add3A, %add3A_320, %dma_wait3A_1287, %dma_wait3A_1288] : memref<32x16x21x32xi32, #tpu.memory_space<hbm>> -> memref<1x1x21x32xi32, #tpu.memory_space<hbm>>
        %dma_wait3A_1290 = tpu.memref_squeeze %dma_wait3A_1289 : memref<1x1x21x32xi32, #tpu.memory_space<hbm>> -> memref<21x32xi32, #tpu.memory_space<hbm>>
        tpu.wait_dma2 semaphore(%run_scoped3A_1258 : memref<!tpu.dma_semaphore, #tpu.memory_space<semaphore_mem>>) src(%dma_wait3A_1290 : memref<21x32xi32, #tpu.memory_space<hbm>>) dst(%dma_wait3A_1286 : memref<21x32xi32, #tpu.memory_space<vmem>>)
        tpu.yield
      }) : () -> ()
      %dma_start3A_323 = arith.constant 1 : i32
      %dma_start3A_324 = arith.constant 1 : i32
      %dma_start3A_325 = arith.constant 0 : i32
      %dma_start3A_326 = arith.constant 0 : i32
      %dma_start3A_327 = tpu.memref_slice %arg9[%dma_start3A_324, %dma_start3A_325, %dma_start3A_326] : memref<2x32x64xf32, #tpu.memory_space<vmem>> -> memref<1x32x64xf32, #tpu.memory_space<vmem>>
      %dma_start3A_328 = tpu.memref_squeeze %dma_start3A_327 : memref<1x32x64xf32, #tpu.memory_space<vmem>> -> memref<32x64xf32, #tpu.memory_space<vmem>>
      %dma_start3A_329 = arith.constant 0 : i32
      %dma_start3A_330 = tpu.memref_slice %arg7[%dma_start3A_323, %dma_start3A_329] : memref<2x32xi32, #tpu.memory_space<vmem>> -> memref<1x32xi32, #tpu.memory_space<vmem>>
      %dma_start3A_331 = tpu.memref_squeeze %dma_start3A_330 : memref<1x32xi32, #tpu.memory_space<vmem>> -> memref<32xi32, #tpu.memory_space<vmem>>
      %dma_start3A_332 = arith.constant 0 : i32
      %dma_start3A_333 = arith.constant 0 : i32
      %dma_start3A_334 = tpu.memref_slice %arg4[%dma_start3A_332, %dma_start3A_333] : memref<1000000x64xf32, #tpu.memory_space<hbm>> -> memref<1000000x64xf32, #tpu.memory_space<hbm>>
      tpu.enqueue_indirect_dma source(%dma_start3A_334 : memref<1000000x64xf32, #tpu.memory_space<hbm>>) target(%dma_start3A_328 : memref<32x64xf32, #tpu.memory_space<vmem>>) offsets(%dma_start3A_331 : memref<32xi32, #tpu.memory_space<vmem>>) semaphore(%arg13 : memref<!tpu.dma_semaphore, #tpu.memory_space<semaphore_mem>>)
      %dma_start3A_335 = arith.constant 1 : i32
      %dma_start3A_336 = arith.constant 0 : i32
      %dma_start3A_337 = arith.constant 1 : i32
      %dma_start3A_338 = arith.constant 0 : i32
      %dma_start3A_339 = arith.constant 0 : i32
      %dma_start3A_340 = arith.constant 0 : i32
      %dma_start3A_341 = tpu.memref_slice %arg10[%dma_start3A_337, %dma_start3A_338, %dma_start3A_339, %dma_start3A_340] : memref<2x21x32x64xf32, #tpu.memory_space<vmem>> -> memref<1x1x32x64xf32, #tpu.memory_space<vmem>>
      %dma_start3A_342 = tpu.memref_squeeze %dma_start3A_341 : memref<1x1x32x64xf32, #tpu.memory_space<vmem>> -> memref<32x64xf32, #tpu.memory_space<vmem>>
      %dma_start3A_343 = arith.constant 0 : i32
      %dma_start3A_344 = tpu.memref_slice %arg8[%dma_start3A_335, %dma_start3A_336, %dma_start3A_343] : memref<2x21x32xi32, #tpu.memory_space<vmem>> -> memref<1x1x32xi32, #tpu.memory_space<vmem>>
      %dma_start3A_345 = tpu.memref_squeeze %dma_start3A_344 : memref<1x1x32xi32, #tpu.memory_space<vmem>> -> memref<32xi32, #tpu.memory_space<vmem>>
      %dma_start3A_346 = arith.constant 0 : i32
      %dma_start3A_347 = arith.constant 0 : i32
      %dma_start3A_348 = tpu.memref_slice %arg5[%dma_start3A_346, %dma_start3A_347] : memref<1000000x64xf32, #tpu.memory_space<hbm>> -> memref<1000000x64xf32, #tpu.memory_space<hbm>>
      tpu.enqueue_indirect_dma source(%dma_start3A_348 : memref<1000000x64xf32, #tpu.memory_space<hbm>>) target(%dma_start3A_342 : memref<32x64xf32, #tpu.memory_space<vmem>>) offsets(%dma_start3A_345 : memref<32xi32, #tpu.memory_space<vmem>>) semaphore(%arg13 : memref<!tpu.dma_semaphore, #tpu.memory_space<semaphore_mem>>)
      %dma_start3A_349 = arith.constant 1 : i32
      %dma_start3A_350 = arith.constant 1 : i32
      %dma_start3A_351 = arith.constant 1 : i32
      %dma_start3A_352 = arith.constant 1 : i32
      %dma_start3A_353 = arith.constant 0 : i32
      %dma_start3A_354 = arith.constant 0 : i32
      %dma_start3A_355 = tpu.memref_slice %arg10[%dma_start3A_351, %dma_start3A_352, %dma_start3A_353, %dma_start3A_354] : memref<2x21x32x64xf32, #tpu.memory_space<vmem>> -> memref<1x1x32x64xf32, #tpu.memory_space<vmem>>
      %dma_start3A_356 = tpu.memref_squeeze %dma_start3A_355 : memref<1x1x32x64xf32, #tpu.memory_space<vmem>> -> memref<32x64xf32, #tpu.memory_space<vmem>>
      %dma_start3A_357 = arith.constant 0 : i32
      %dma_start3A_358 = tpu.memref_slice %arg8[%dma_start3A_349, %dma_start3A_350, %dma_start3A_357] : memref<2x21x32xi32, #tpu.memory_space<vmem>> -> memref<1x1x32xi32, #tpu.memory_space<vmem>>
      %dma_start3A_359 = tpu.memref_squeeze %dma_start3A_358 : memref<1x1x32xi32, #tpu.memory_space<vmem>> -> memref<32xi32, #tpu.memory_space<vmem>>
      %dma_start3A_360 = arith.constant 0 : i32
      %dma_start3A_361 = arith.constant 0 : i32
      %dma_start3A_362 = tpu.memref_slice %arg5[%dma_start3A_360, %dma_start3A_361] : memref<1000000x64xf32, #tpu.memory_space<hbm>> -> memref<1000000x64xf32, #tpu.memory_space<hbm>>
      tpu.enqueue_indirect_dma source(%dma_start3A_362 : memref<1000000x64xf32, #tpu.memory_space<hbm>>) target(%dma_start3A_356 : memref<32x64xf32, #tpu.memory_space<vmem>>) offsets(%dma_start3A_359 : memref<32xi32, #tpu.memory_space<vmem>>) semaphore(%arg13 : memref<!tpu.dma_semaphore, #tpu.memory_space<semaphore_mem>>)
      %dma_start3A_363 = arith.constant 1 : i32
      %dma_start3A_364 = arith.constant 2 : i32
      %dma_start3A_365 = arith.constant 1 : i32
      %dma_start3A_366 = arith.constant 2 : i32
      %dma_start3A_367 = arith.constant 0 : i32
      %dma_start3A_368 = arith.constant 0 : i32
      %dma_start3A_369 = tpu.memref_slice %arg10[%dma_start3A_365, %dma_start3A_366, %dma_start3A_367, %dma_start3A_368] : memref<2x21x32x64xf32, #tpu.memory_space<vmem>> -> memref<1x1x32x64xf32, #tpu.memory_space<vmem>>
      %dma_start3A_370 = tpu.memref_squeeze %dma_start3A_369 : memref<1x1x32x64xf32, #tpu.memory_space<vmem>> -> memref<32x64xf32, #tpu.memory_space<vmem>>
      %dma_start3A_371 = arith.constant 0 : i32
      %dma_start3A_372 = tpu.memref_slice %arg8[%dma_start3A_363, %dma_start3A_364, %dma_start3A_371] : memref<2x21x32xi32, #tpu.memory_space<vmem>> -> memref<1x1x32xi32, #tpu.memory_space<vmem>>
      %dma_start3A_373 = tpu.memref_squeeze %dma_start3A_372 : memref<1x1x32xi32, #tpu.memory_space<vmem>> -> memref<32xi32, #tpu.memory_space<vmem>>
      %dma_start3A_374 = arith.constant 0 : i32
      %dma_start3A_375 = arith.constant 0 : i32
      %dma_start3A_376 = tpu.memref_slice %arg5[%dma_start3A_374, %dma_start3A_375] : memref<1000000x64xf32, #tpu.memory_space<hbm>> -> memref<1000000x64xf32, #tpu.memory_space<hbm>>
      tpu.enqueue_indirect_dma source(%dma_start3A_376 : memref<1000000x64xf32, #tpu.memory_space<hbm>>) target(%dma_start3A_370 : memref<32x64xf32, #tpu.memory_space<vmem>>) offsets(%dma_start3A_373 : memref<32xi32, #tpu.memory_space<vmem>>) semaphore(%arg13 : memref<!tpu.dma_semaphore, #tpu.memory_space<semaphore_mem>>)
      %dma_start3A_377 = arith.constant 1 : i32
      %dma_start3A_378 = arith.constant 3 : i32
      %dma_start3A_379 = arith.constant 1 : i32
      %dma_start3A_380 = arith.constant 3 : i32
      %dma_start3A_381 = arith.constant 0 : i32
      %dma_start3A_382 = arith.constant 0 : i32
      %dma_start3A_383 = tpu.memref_slice %arg10[%dma_start3A_379, %dma_start3A_380, %dma_start3A_381, %dma_start3A_382] : memref<2x21x32x64xf32, #tpu.memory_space<vmem>> -> memref<1x1x32x64xf32, #tpu.memory_space<vmem>>
      %dma_start3A_384 = tpu.memref_squeeze %dma_start3A_383 : memref<1x1x32x64xf32, #tpu.memory_space<vmem>> -> memref<32x64xf32, #tpu.memory_space<vmem>>
      %dma_start3A_385 = arith.constant 0 : i32
      %dma_start3A_386 = tpu.memref_slice %arg8[%dma_start3A_377, %dma_start3A_378, %dma_start3A_385] : memref<2x21x32xi32, #tpu.memory_space<vmem>> -> memref<1x1x32xi32, #tpu.memory_space<vmem>>
      %dma_start3A_387 = tpu.memref_squeeze %dma_start3A_386 : memref<1x1x32xi32, #tpu.memory_space<vmem>> -> memref<32xi32, #tpu.memory_space<vmem>>
      %dma_start3A_388 = arith.constant 0 : i32
      %dma_start3A_389 = arith.constant 0 : i32
      %dma_start3A_390 = tpu.memref_slice %arg5[%dma_start3A_388, %dma_start3A_389] : memref<1000000x64xf32, #tpu.memory_space<hbm>> -> memref<1000000x64xf32, #tpu.memory_space<hbm>>
      tpu.enqueue_indirect_dma source(%dma_start3A_390 : memref<1000000x64xf32, #tpu.memory_space<hbm>>) target(%dma_start3A_384 : memref<32x64xf32, #tpu.memory_space<vmem>>) offsets(%dma_start3A_387 : memref<32xi32, #tpu.memory_space<vmem>>) semaphore(%arg13 : memref<!tpu.dma_semaphore, #tpu.memory_space<semaphore_mem>>)
      %dma_start3A_391 = arith.constant 1 : i32
      %dma_start3A_392 = arith.constant 4 : i32
      %dma_start3A_393 = arith.constant 1 : i32
      %dma_start3A_394 = arith.constant 4 : i32
      %dma_start3A_395 = arith.constant 0 : i32
      %dma_start3A_396 = arith.constant 0 : i32
      %dma_start3A_397 = tpu.memref_slice %arg10[%dma_start3A_393, %dma_start3A_394, %dma_start3A_395, %dma_start3A_396] : memref<2x21x32x64xf32, #tpu.memory_space<vmem>> -> memref<1x1x32x64xf32, #tpu.memory_space<vmem>>
      %dma_start3A_398 = tpu.memref_squeeze %dma_start3A_397 : memref<1x1x32x64xf32, #tpu.memory_space<vmem>> -> memref<32x64xf32, #tpu.memory_space<vmem>>
      %dma_start3A_399 = arith.constant 0 : i32
      %dma_start3A_400 = tpu.memref_slice %arg8[%dma_start3A_391, %dma_start3A_392, %dma_start3A_399] : memref<2x21x32xi32, #tpu.memory_space<vmem>> -> memref<1x1x32xi32, #tpu.memory_space<vmem>>
      %dma_start3A_401 = tpu.memref_squeeze %dma_start3A_400 : memref<1x1x32xi32, #tpu.memory_space<vmem>> -> memref<32xi32, #tpu.memory_space<vmem>>
      %dma_start3A_402 = arith.constant 0 : i32
      %dma_start3A_403 = arith.constant 0 : i32
      %dma_start3A_404 = tpu.memref_slice %arg5[%dma_start3A_402, %dma_start3A_403] : memref<1000000x64xf32, #tpu.memory_space<hbm>> -> memref<1000000x64xf32, #tpu.memory_space<hbm>>
      tpu.enqueue_indirect_dma source(%dma_start3A_404 : memref<1000000x64xf32, #tpu.memory_space<hbm>>) target(%dma_start3A_398 : memref<32x64xf32, #tpu.memory_space<vmem>>) offsets(%dma_start3A_401 : memref<32xi32, #tpu.memory_space<vmem>>) semaphore(%arg13 : memref<!tpu.dma_semaphore, #tpu.memory_space<semaphore_mem>>)
      %dma_start3A_405 = arith.constant 1 : i32
      %dma_start3A_406 = arith.constant 5 : i32
      %dma_start3A_407 = arith.constant 1 : i32
      %dma_start3A_408 = arith.constant 5 : i32
      %dma_start3A_409 = arith.constant 0 : i32
      %dma_start3A_410 = arith.constant 0 : i32
      %dma_start3A_411 = tpu.memref_slice %arg10[%dma_start3A_407, %dma_start3A_408, %dma_start3A_409, %dma_start3A_410] : memref<2x21x32x64xf32, #tpu.memory_space<vmem>> -> memref<1x1x32x64xf32, #tpu.memory_space<vmem>>
      %dma_start3A_412 = tpu.memref_squeeze %dma_start3A_411 : memref<1x1x32x64xf32, #tpu.memory_space<vmem>> -> memref<32x64xf32, #tpu.memory_space<vmem>>
      %dma_start3A_413 = arith.constant 0 : i32
      %dma_start3A_414 = tpu.memref_slice %arg8[%dma_start3A_405, %dma_start3A_406, %dma_start3A_413] : memref<2x21x32xi32, #tpu.memory_space<vmem>> -> memref<1x1x32xi32, #tpu.memory_space<vmem>>
      %dma_start3A_415 = tpu.memref_squeeze %dma_start3A_414 : memref<1x1x32xi32, #tpu.memory_space<vmem>> -> memref<32xi32, #tpu.memory_space<vmem>>
      %dma_start3A_416 = arith.constant 0 : i32
      %dma_start3A_417 = arith.constant 0 : i32
      %dma_start3A_418 = tpu.memref_slice %arg5[%dma_start3A_416, %dma_start3A_417] : memref<1000000x64xf32, #tpu.memory_space<hbm>> -> memref<1000000x64xf32, #tpu.memory_space<hbm>>
      tpu.enqueue_indirect_dma source(%dma_start3A_418 : memref<1000000x64xf32, #tpu.memory_space<hbm>>) target(%dma_start3A_412 : memref<32x64xf32, #tpu.memory_space<vmem>>) offsets(%dma_start3A_415 : memref<32xi32, #tpu.memory_space<vmem>>) semaphore(%arg13 : memref<!tpu.dma_semaphore, #tpu.memory_space<semaphore_mem>>)
      %dma_start3A_419 = arith.constant 1 : i32
      %dma_start3A_420 = arith.constant 6 : i32
      %dma_start3A_421 = arith.constant 1 : i32
      %dma_start3A_422 = arith.constant 6 : i32
      %dma_start3A_423 = arith.constant 0 : i32
      %dma_start3A_424 = arith.constant 0 : i32
      %dma_start3A_425 = tpu.memref_slice %arg10[%dma_start3A_421, %dma_start3A_422, %dma_start3A_423, %dma_start3A_424] : memref<2x21x32x64xf32, #tpu.memory_space<vmem>> -> memref<1x1x32x64xf32, #tpu.memory_space<vmem>>
      %dma_start3A_426 = tpu.memref_squeeze %dma_start3A_425 : memref<1x1x32x64xf32, #tpu.memory_space<vmem>> -> memref<32x64xf32, #tpu.memory_space<vmem>>
      %dma_start3A_427 = arith.constant 0 : i32
      %dma_start3A_428 = tpu.memref_slice %arg8[%dma_start3A_419, %dma_start3A_420, %dma_start3A_427] : memref<2x21x32xi32, #tpu.memory_space<vmem>> -> memref<1x1x32xi32, #tpu.memory_space<vmem>>
      %dma_start3A_429 = tpu.memref_squeeze %dma_start3A_428 : memref<1x1x32xi32, #tpu.memory_space<vmem>> -> memref<32xi32, #tpu.memory_space<vmem>>
      %dma_start3A_430 = arith.constant 0 : i32
      %dma_start3A_431 = arith.constant 0 : i32
      %dma_start3A_432 = tpu.memref_slice %arg5[%dma_start3A_430, %dma_start3A_431] : memref<1000000x64xf32, #tpu.memory_space<hbm>> -> memref<1000000x64xf32, #tpu.memory_space<hbm>>
      tpu.enqueue_indirect_dma source(%dma_start3A_432 : memref<1000000x64xf32, #tpu.memory_space<hbm>>) target(%dma_start3A_426 : memref<32x64xf32, #tpu.memory_space<vmem>>) offsets(%dma_start3A_429 : memref<32xi32, #tpu.memory_space<vmem>>) semaphore(%arg13 : memref<!tpu.dma_semaphore, #tpu.memory_space<semaphore_mem>>)
      %dma_start3A_433 = arith.constant 1 : i32
      %dma_start3A_434 = arith.constant 7 : i32
      %dma_start3A_435 = arith.constant 1 : i32
      %dma_start3A_436 = arith.constant 7 : i32
      %dma_start3A_437 = arith.constant 0 : i32
      %dma_start3A_438 = arith.constant 0 : i32
      %dma_start3A_439 = tpu.memref_slice %arg10[%dma_start3A_435, %dma_start3A_436, %dma_start3A_437, %dma_start3A_438] : memref<2x21x32x64xf32, #tpu.memory_space<vmem>> -> memref<1x1x32x64xf32, #tpu.memory_space<vmem>>
      %dma_start3A_440 = tpu.memref_squeeze %dma_start3A_439 : memref<1x1x32x64xf32, #tpu.memory_space<vmem>> -> memref<32x64xf32, #tpu.memory_space<vmem>>
      %dma_start3A_441 = arith.constant 0 : i32
      %dma_start3A_442 = tpu.memref_slice %arg8[%dma_start3A_433, %dma_start3A_434, %dma_start3A_441] : memref<2x21x32xi32, #tpu.memory_space<vmem>> -> memref<1x1x32xi32, #tpu.memory_space<vmem>>
      %dma_start3A_443 = tpu.memref_squeeze %dma_start3A_442 : memref<1x1x32xi32, #tpu.memory_space<vmem>> -> memref<32xi32, #tpu.memory_space<vmem>>
      %dma_start3A_444 = arith.constant 0 : i32
      %dma_start3A_445 = arith.constant 0 : i32
      %dma_start3A_446 = tpu.memref_slice %arg5[%dma_start3A_444, %dma_start3A_445] : memref<1000000x64xf32, #tpu.memory_space<hbm>> -> memref<1000000x64xf32, #tpu.memory_space<hbm>>
      tpu.enqueue_indirect_dma source(%dma_start3A_446 : memref<1000000x64xf32, #tpu.memory_space<hbm>>) target(%dma_start3A_440 : memref<32x64xf32, #tpu.memory_space<vmem>>) offsets(%dma_start3A_443 : memref<32xi32, #tpu.memory_space<vmem>>) semaphore(%arg13 : memref<!tpu.dma_semaphore, #tpu.memory_space<semaphore_mem>>)
      %dma_start3A_447 = arith.constant 1 : i32
      %dma_start3A_448 = arith.constant 8 : i32
      %dma_start3A_449 = arith.constant 1 : i32
      %dma_start3A_450 = arith.constant 8 : i32
      %dma_start3A_451 = arith.constant 0 : i32
      %dma_start3A_452 = arith.constant 0 : i32
      %dma_start3A_453 = tpu.memref_slice %arg10[%dma_start3A_449, %dma_start3A_450, %dma_start3A_451, %dma_start3A_452] : memref<2x21x32x64xf32, #tpu.memory_space<vmem>> -> memref<1x1x32x64xf32, #tpu.memory_space<vmem>>
      %dma_start3A_454 = tpu.memref_squeeze %dma_start3A_453 : memref<1x1x32x64xf32, #tpu.memory_space<vmem>> -> memref<32x64xf32, #tpu.memory_space<vmem>>
      %dma_start3A_455 = arith.constant 0 : i32
      %dma_start3A_456 = tpu.memref_slice %arg8[%dma_start3A_447, %dma_start3A_448, %dma_start3A_455] : memref<2x21x32xi32, #tpu.memory_space<vmem>> -> memref<1x1x32xi32, #tpu.memory_space<vmem>>
      %dma_start3A_457 = tpu.memref_squeeze %dma_start3A_456 : memref<1x1x32xi32, #tpu.memory_space<vmem>> -> memref<32xi32, #tpu.memory_space<vmem>>
      %dma_start3A_458 = arith.constant 0 : i32
      %dma_start3A_459 = arith.constant 0 : i32
      %dma_start3A_460 = tpu.memref_slice %arg5[%dma_start3A_458, %dma_start3A_459] : memref<1000000x64xf32, #tpu.memory_space<hbm>> -> memref<1000000x64xf32, #tpu.memory_space<hbm>>
      tpu.enqueue_indirect_dma source(%dma_start3A_460 : memref<1000000x64xf32, #tpu.memory_space<hbm>>) target(%dma_start3A_454 : memref<32x64xf32, #tpu.memory_space<vmem>>) offsets(%dma_start3A_457 : memref<32xi32, #tpu.memory_space<vmem>>) semaphore(%arg13 : memref<!tpu.dma_semaphore, #tpu.memory_space<semaphore_mem>>)
      %dma_start3A_461 = arith.constant 1 : i32
      %dma_start3A_462 = arith.constant 9 : i32
      %dma_start3A_463 = arith.constant 1 : i32
      %dma_start3A_464 = arith.constant 9 : i32
      %dma_start3A_465 = arith.constant 0 : i32
      %dma_start3A_466 = arith.constant 0 : i32
      %dma_start3A_467 = tpu.memref_slice %arg10[%dma_start3A_463, %dma_start3A_464, %dma_start3A_465, %dma_start3A_466] : memref<2x21x32x64xf32, #tpu.memory_space<vmem>> -> memref<1x1x32x64xf32, #tpu.memory_space<vmem>>
      %dma_start3A_468 = tpu.memref_squeeze %dma_start3A_467 : memref<1x1x32x64xf32, #tpu.memory_space<vmem>> -> memref<32x64xf32, #tpu.memory_space<vmem>>
      %dma_start3A_469 = arith.constant 0 : i32
      %dma_start3A_470 = tpu.memref_slice %arg8[%dma_start3A_461, %dma_start3A_462, %dma_start3A_469] : memref<2x21x32xi32, #tpu.memory_space<vmem>> -> memref<1x1x32xi32, #tpu.memory_space<vmem>>
      %dma_start3A_471 = tpu.memref_squeeze %dma_start3A_470 : memref<1x1x32xi32, #tpu.memory_space<vmem>> -> memref<32xi32, #tpu.memory_space<vmem>>
      %dma_start3A_472 = arith.constant 0 : i32
      %dma_start3A_473 = arith.constant 0 : i32
      %dma_start3A_474 = tpu.memref_slice %arg5[%dma_start3A_472, %dma_start3A_473] : memref<1000000x64xf32, #tpu.memory_space<hbm>> -> memref<1000000x64xf32, #tpu.memory_space<hbm>>
      tpu.enqueue_indirect_dma source(%dma_start3A_474 : memref<1000000x64xf32, #tpu.memory_space<hbm>>) target(%dma_start3A_468 : memref<32x64xf32, #tpu.memory_space<vmem>>) offsets(%dma_start3A_471 : memref<32xi32, #tpu.memory_space<vmem>>) semaphore(%arg13 : memref<!tpu.dma_semaphore, #tpu.memory_space<semaphore_mem>>)
      %dma_start3A_475 = arith.constant 1 : i32
      %dma_start3A_476 = arith.constant 10 : i32
      %dma_start3A_477 = arith.constant 1 : i32
      %dma_start3A_478 = arith.constant 10 : i32
      %dma_start3A_479 = arith.constant 0 : i32
      %dma_start3A_480 = arith.constant 0 : i32
      %dma_start3A_481 = tpu.memref_slice %arg10[%dma_start3A_477, %dma_start3A_478, %dma_start3A_479, %dma_start3A_480] : memref<2x21x32x64xf32, #tpu.memory_space<vmem>> -> memref<1x1x32x64xf32, #tpu.memory_space<vmem>>
      %dma_start3A_482 = tpu.memref_squeeze %dma_start3A_481 : memref<1x1x32x64xf32, #tpu.memory_space<vmem>> -> memref<32x64xf32, #tpu.memory_space<vmem>>
      %dma_start3A_483 = arith.constant 0 : i32
      %dma_start3A_484 = tpu.memref_slice %arg8[%dma_start3A_475, %dma_start3A_476, %dma_start3A_483] : memref<2x21x32xi32, #tpu.memory_space<vmem>> -> memref<1x1x32xi32, #tpu.memory_space<vmem>>
      %dma_start3A_485 = tpu.memref_squeeze %dma_start3A_484 : memref<1x1x32xi32, #tpu.memory_space<vmem>> -> memref<32xi32, #tpu.memory_space<vmem>>
      %dma_start3A_486 = arith.constant 0 : i32
      %dma_start3A_487 = arith.constant 0 : i32
      %dma_start3A_488 = tpu.memref_slice %arg5[%dma_start3A_486, %dma_start3A_487] : memref<1000000x64xf32, #tpu.memory_space<hbm>> -> memref<1000000x64xf32, #tpu.memory_space<hbm>>
      tpu.enqueue_indirect_dma source(%dma_start3A_488 : memref<1000000x64xf32, #tpu.memory_space<hbm>>) target(%dma_start3A_482 : memref<32x64xf32, #tpu.memory_space<vmem>>) offsets(%dma_start3A_485 : memref<32xi32, #tpu.memory_space<vmem>>) semaphore(%arg13 : memref<!tpu.dma_semaphore, #tpu.memory_space<semaphore_mem>>)
      %dma_start3A_489 = arith.constant 1 : i32
      %dma_start3A_490 = arith.constant 11 : i32
      %dma_start3A_491 = arith.constant 1 : i32
      %dma_start3A_492 = arith.constant 11 : i32
      %dma_start3A_493 = arith.constant 0 : i32
      %dma_start3A_494 = arith.constant 0 : i32
      %dma_start3A_495 = tpu.memref_slice %arg10[%dma_start3A_491, %dma_start3A_492, %dma_start3A_493, %dma_start3A_494] : memref<2x21x32x64xf32, #tpu.memory_space<vmem>> -> memref<1x1x32x64xf32, #tpu.memory_space<vmem>>
      %dma_start3A_496 = tpu.memref_squeeze %dma_start3A_495 : memref<1x1x32x64xf32, #tpu.memory_space<vmem>> -> memref<32x64xf32, #tpu.memory_space<vmem>>
      %dma_start3A_497 = arith.constant 0 : i32
      %dma_start3A_498 = tpu.memref_slice %arg8[%dma_start3A_489, %dma_start3A_490, %dma_start3A_497] : memref<2x21x32xi32, #tpu.memory_space<vmem>> -> memref<1x1x32xi32, #tpu.memory_space<vmem>>
      %dma_start3A_499 = tpu.memref_squeeze %dma_start3A_498 : memref<1x1x32xi32, #tpu.memory_space<vmem>> -> memref<32xi32, #tpu.memory_space<vmem>>
      %dma_start3A_500 = arith.constant 0 : i32
      %dma_start3A_501 = arith.constant 0 : i32
      %dma_start3A_502 = tpu.memref_slice %arg5[%dma_start3A_500, %dma_start3A_501] : memref<1000000x64xf32, #tpu.memory_space<hbm>> -> memref<1000000x64xf32, #tpu.memory_space<hbm>>
      tpu.enqueue_indirect_dma source(%dma_start3A_502 : memref<1000000x64xf32, #tpu.memory_space<hbm>>) target(%dma_start3A_496 : memref<32x64xf32, #tpu.memory_space<vmem>>) offsets(%dma_start3A_499 : memref<32xi32, #tpu.memory_space<vmem>>) semaphore(%arg13 : memref<!tpu.dma_semaphore, #tpu.memory_space<semaphore_mem>>)
      %dma_start3A_503 = arith.constant 1 : i32
      %dma_start3A_504 = arith.constant 12 : i32
      %dma_start3A_505 = arith.constant 1 : i32
      %dma_start3A_506 = arith.constant 12 : i32
      %dma_start3A_507 = arith.constant 0 : i32
      %dma_start3A_508 = arith.constant 0 : i32
      %dma_start3A_509 = tpu.memref_slice %arg10[%dma_start3A_505, %dma_start3A_506, %dma_start3A_507, %dma_start3A_508] : memref<2x21x32x64xf32, #tpu.memory_space<vmem>> -> memref<1x1x32x64xf32, #tpu.memory_space<vmem>>
      %dma_start3A_510 = tpu.memref_squeeze %dma_start3A_509 : memref<1x1x32x64xf32, #tpu.memory_space<vmem>> -> memref<32x64xf32, #tpu.memory_space<vmem>>
      %dma_start3A_511 = arith.constant 0 : i32
      %dma_start3A_512 = tpu.memref_slice %arg8[%dma_start3A_503, %dma_start3A_504, %dma_start3A_511] : memref<2x21x32xi32, #tpu.memory_space<vmem>> -> memref<1x1x32xi32, #tpu.memory_space<vmem>>
      %dma_start3A_513 = tpu.memref_squeeze %dma_start3A_512 : memref<1x1x32xi32, #tpu.memory_space<vmem>> -> memref<32xi32, #tpu.memory_space<vmem>>
      %dma_start3A_514 = arith.constant 0 : i32
      %dma_start3A_515 = arith.constant 0 : i32
      %dma_start3A_516 = tpu.memref_slice %arg5[%dma_start3A_514, %dma_start3A_515] : memref<1000000x64xf32, #tpu.memory_space<hbm>> -> memref<1000000x64xf32, #tpu.memory_space<hbm>>
      tpu.enqueue_indirect_dma source(%dma_start3A_516 : memref<1000000x64xf32, #tpu.memory_space<hbm>>) target(%dma_start3A_510 : memref<32x64xf32, #tpu.memory_space<vmem>>) offsets(%dma_start3A_513 : memref<32xi32, #tpu.memory_space<vmem>>) semaphore(%arg13 : memref<!tpu.dma_semaphore, #tpu.memory_space<semaphore_mem>>)
      %dma_start3A_517 = arith.constant 1 : i32
      %dma_start3A_518 = arith.constant 13 : i32
      %dma_start3A_519 = arith.constant 1 : i32
      %dma_start3A_520 = arith.constant 13 : i32
      %dma_start3A_521 = arith.constant 0 : i32
      %dma_start3A_522 = arith.constant 0 : i32
      %dma_start3A_523 = tpu.memref_slice %arg10[%dma_start3A_519, %dma_start3A_520, %dma_start3A_521, %dma_start3A_522] : memref<2x21x32x64xf32, #tpu.memory_space<vmem>> -> memref<1x1x32x64xf32, #tpu.memory_space<vmem>>
      %dma_start3A_524 = tpu.memref_squeeze %dma_start3A_523 : memref<1x1x32x64xf32, #tpu.memory_space<vmem>> -> memref<32x64xf32, #tpu.memory_space<vmem>>
      %dma_start3A_525 = arith.constant 0 : i32
      %dma_start3A_526 = tpu.memref_slice %arg8[%dma_start3A_517, %dma_start3A_518, %dma_start3A_525] : memref<2x21x32xi32, #tpu.memory_space<vmem>> -> memref<1x1x32xi32, #tpu.memory_space<vmem>>
      %dma_start3A_527 = tpu.memref_squeeze %dma_start3A_526 : memref<1x1x32xi32, #tpu.memory_space<vmem>> -> memref<32xi32, #tpu.memory_space<vmem>>
      %dma_start3A_528 = arith.constant 0 : i32
      %dma_start3A_529 = arith.constant 0 : i32
      %dma_start3A_530 = tpu.memref_slice %arg5[%dma_start3A_528, %dma_start3A_529] : memref<1000000x64xf32, #tpu.memory_space<hbm>> -> memref<1000000x64xf32, #tpu.memory_space<hbm>>
      tpu.enqueue_indirect_dma source(%dma_start3A_530 : memref<1000000x64xf32, #tpu.memory_space<hbm>>) target(%dma_start3A_524 : memref<32x64xf32, #tpu.memory_space<vmem>>) offsets(%dma_start3A_527 : memref<32xi32, #tpu.memory_space<vmem>>) semaphore(%arg13 : memref<!tpu.dma_semaphore, #tpu.memory_space<semaphore_mem>>)
      %dma_start3A_531 = arith.constant 1 : i32
      %dma_start3A_532 = arith.constant 14 : i32
      %dma_start3A_533 = arith.constant 1 : i32
      %dma_start3A_534 = arith.constant 14 : i32
      %dma_start3A_535 = arith.constant 0 : i32
      %dma_start3A_536 = arith.constant 0 : i32
      %dma_start3A_537 = tpu.memref_slice %arg10[%dma_start3A_533, %dma_start3A_534, %dma_start3A_535, %dma_start3A_536] : memref<2x21x32x64xf32, #tpu.memory_space<vmem>> -> memref<1x1x32x64xf32, #tpu.memory_space<vmem>>
      %dma_start3A_538 = tpu.memref_squeeze %dma_start3A_537 : memref<1x1x32x64xf32, #tpu.memory_space<vmem>> -> memref<32x64xf32, #tpu.memory_space<vmem>>
      %dma_start3A_539 = arith.constant 0 : i32
      %dma_start3A_540 = tpu.memref_slice %arg8[%dma_start3A_531, %dma_start3A_532, %dma_start3A_539] : memref<2x21x32xi32, #tpu.memory_space<vmem>> -> memref<1x1x32xi32, #tpu.memory_space<vmem>>
      %dma_start3A_541 = tpu.memref_squeeze %dma_start3A_540 : memref<1x1x32xi32, #tpu.memory_space<vmem>> -> memref<32xi32, #tpu.memory_space<vmem>>
      %dma_start3A_542 = arith.constant 0 : i32
      %dma_start3A_543 = arith.constant 0 : i32
      %dma_start3A_544 = tpu.memref_slice %arg5[%dma_start3A_542, %dma_start3A_543] : memref<1000000x64xf32, #tpu.memory_space<hbm>> -> memref<1000000x64xf32, #tpu.memory_space<hbm>>
      tpu.enqueue_indirect_dma source(%dma_start3A_544 : memref<1000000x64xf32, #tpu.memory_space<hbm>>) target(%dma_start3A_538 : memref<32x64xf32, #tpu.memory_space<vmem>>) offsets(%dma_start3A_541 : memref<32xi32, #tpu.memory_space<vmem>>) semaphore(%arg13 : memref<!tpu.dma_semaphore, #tpu.memory_space<semaphore_mem>>)
      %dma_start3A_545 = arith.constant 1 : i32
      %dma_start3A_546 = arith.constant 15 : i32
      %dma_start3A_547 = arith.constant 1 : i32
      %dma_start3A_548 = arith.constant 15 : i32
      %dma_start3A_549 = arith.constant 0 : i32
      %dma_start3A_550 = arith.constant 0 : i32
      %dma_start3A_551 = tpu.memref_slice %arg10[%dma_start3A_547, %dma_start3A_548, %dma_start3A_549, %dma_start3A_550] : memref<2x21x32x64xf32, #tpu.memory_space<vmem>> -> memref<1x1x32x64xf32, #tpu.memory_space<vmem>>
      %dma_start3A_552 = tpu.memref_squeeze %dma_start3A_551 : memref<1x1x32x64xf32, #tpu.memory_space<vmem>> -> memref<32x64xf32, #tpu.memory_space<vmem>>
      %dma_start3A_553 = arith.constant 0 : i32
      %dma_start3A_554 = tpu.memref_slice %arg8[%dma_start3A_545, %dma_start3A_546, %dma_start3A_553] : memref<2x21x32xi32, #tpu.memory_space<vmem>> -> memref<1x1x32xi32, #tpu.memory_space<vmem>>
      %dma_start3A_555 = tpu.memref_squeeze %dma_start3A_554 : memref<1x1x32xi32, #tpu.memory_space<vmem>> -> memref<32xi32, #tpu.memory_space<vmem>>
      %dma_start3A_556 = arith.constant 0 : i32
      %dma_start3A_557 = arith.constant 0 : i32
      %dma_start3A_558 = tpu.memref_slice %arg5[%dma_start3A_556, %dma_start3A_557] : memref<1000000x64xf32, #tpu.memory_space<hbm>> -> memref<1000000x64xf32, #tpu.memory_space<hbm>>
      tpu.enqueue_indirect_dma source(%dma_start3A_558 : memref<1000000x64xf32, #tpu.memory_space<hbm>>) target(%dma_start3A_552 : memref<32x64xf32, #tpu.memory_space<vmem>>) offsets(%dma_start3A_555 : memref<32xi32, #tpu.memory_space<vmem>>) semaphore(%arg13 : memref<!tpu.dma_semaphore, #tpu.memory_space<semaphore_mem>>)
      %dma_start3A_559 = arith.constant 1 : i32
      %dma_start3A_560 = arith.constant 16 : i32
      %dma_start3A_561 = arith.constant 1 : i32
      %dma_start3A_562 = arith.constant 16 : i32
      %dma_start3A_563 = arith.constant 0 : i32
      %dma_start3A_564 = arith.constant 0 : i32
      %dma_start3A_565 = tpu.memref_slice %arg10[%dma_start3A_561, %dma_start3A_562, %dma_start3A_563, %dma_start3A_564] : memref<2x21x32x64xf32, #tpu.memory_space<vmem>> -> memref<1x1x32x64xf32, #tpu.memory_space<vmem>>
      %dma_start3A_566 = tpu.memref_squeeze %dma_start3A_565 : memref<1x1x32x64xf32, #tpu.memory_space<vmem>> -> memref<32x64xf32, #tpu.memory_space<vmem>>
      %dma_start3A_567 = arith.constant 0 : i32
      %dma_start3A_568 = tpu.memref_slice %arg8[%dma_start3A_559, %dma_start3A_560, %dma_start3A_567] : memref<2x21x32xi32, #tpu.memory_space<vmem>> -> memref<1x1x32xi32, #tpu.memory_space<vmem>>
      %dma_start3A_569 = tpu.memref_squeeze %dma_start3A_568 : memref<1x1x32xi32, #tpu.memory_space<vmem>> -> memref<32xi32, #tpu.memory_space<vmem>>
      %dma_start3A_570 = arith.constant 0 : i32
      %dma_start3A_571 = arith.constant 0 : i32
      %dma_start3A_572 = tpu.memref_slice %arg5[%dma_start3A_570, %dma_start3A_571] : memref<1000000x64xf32, #tpu.memory_space<hbm>> -> memref<1000000x64xf32, #tpu.memory_space<hbm>>
      tpu.enqueue_indirect_dma source(%dma_start3A_572 : memref<1000000x64xf32, #tpu.memory_space<hbm>>) target(%dma_start3A_566 : memref<32x64xf32, #tpu.memory_space<vmem>>) offsets(%dma_start3A_569 : memref<32xi32, #tpu.memory_space<vmem>>) semaphore(%arg13 : memref<!tpu.dma_semaphore, #tpu.memory_space<semaphore_mem>>)
      %dma_start3A_573 = arith.constant 1 : i32
      %dma_start3A_574 = arith.constant 17 : i32
      %dma_start3A_575 = arith.constant 1 : i32
      %dma_start3A_576 = arith.constant 17 : i32
      %dma_start3A_577 = arith.constant 0 : i32
      %dma_start3A_578 = arith.constant 0 : i32
      %dma_start3A_579 = tpu.memref_slice %arg10[%dma_start3A_575, %dma_start3A_576, %dma_start3A_577, %dma_start3A_578] : memref<2x21x32x64xf32, #tpu.memory_space<vmem>> -> memref<1x1x32x64xf32, #tpu.memory_space<vmem>>
      %dma_start3A_580 = tpu.memref_squeeze %dma_start3A_579 : memref<1x1x32x64xf32, #tpu.memory_space<vmem>> -> memref<32x64xf32, #tpu.memory_space<vmem>>
      %dma_start3A_581 = arith.constant 0 : i32
      %dma_start3A_582 = tpu.memref_slice %arg8[%dma_start3A_573, %dma_start3A_574, %dma_start3A_581] : memref<2x21x32xi32, #tpu.memory_space<vmem>> -> memref<1x1x32xi32, #tpu.memory_space<vmem>>
      %dma_start3A_583 = tpu.memref_squeeze %dma_start3A_582 : memref<1x1x32xi32, #tpu.memory_space<vmem>> -> memref<32xi32, #tpu.memory_space<vmem>>
      %dma_start3A_584 = arith.constant 0 : i32
      %dma_start3A_585 = arith.constant 0 : i32
      %dma_start3A_586 = tpu.memref_slice %arg5[%dma_start3A_584, %dma_start3A_585] : memref<1000000x64xf32, #tpu.memory_space<hbm>> -> memref<1000000x64xf32, #tpu.memory_space<hbm>>
      tpu.enqueue_indirect_dma source(%dma_start3A_586 : memref<1000000x64xf32, #tpu.memory_space<hbm>>) target(%dma_start3A_580 : memref<32x64xf32, #tpu.memory_space<vmem>>) offsets(%dma_start3A_583 : memref<32xi32, #tpu.memory_space<vmem>>) semaphore(%arg13 : memref<!tpu.dma_semaphore, #tpu.memory_space<semaphore_mem>>)
      %dma_start3A_587 = arith.constant 1 : i32
      %dma_start3A_588 = arith.constant 18 : i32
      %dma_start3A_589 = arith.constant 1 : i32
      %dma_start3A_590 = arith.constant 18 : i32
      %dma_start3A_591 = arith.constant 0 : i32
      %dma_start3A_592 = arith.constant 0 : i32
      %dma_start3A_593 = tpu.memref_slice %arg10[%dma_start3A_589, %dma_start3A_590, %dma_start3A_591, %dma_start3A_592] : memref<2x21x32x64xf32, #tpu.memory_space<vmem>> -> memref<1x1x32x64xf32, #tpu.memory_space<vmem>>
      %dma_start3A_594 = tpu.memref_squeeze %dma_start3A_593 : memref<1x1x32x64xf32, #tpu.memory_space<vmem>> -> memref<32x64xf32, #tpu.memory_space<vmem>>
      %dma_start3A_595 = arith.constant 0 : i32
      %dma_start3A_596 = tpu.memref_slice %arg8[%dma_start3A_587, %dma_start3A_588, %dma_start3A_595] : memref<2x21x32xi32, #tpu.memory_space<vmem>> -> memref<1x1x32xi32, #tpu.memory_space<vmem>>
      %dma_start3A_597 = tpu.memref_squeeze %dma_start3A_596 : memref<1x1x32xi32, #tpu.memory_space<vmem>> -> memref<32xi32, #tpu.memory_space<vmem>>
      %dma_start3A_598 = arith.constant 0 : i32
      %dma_start3A_599 = arith.constant 0 : i32
      %dma_start3A_600 = tpu.memref_slice %arg5[%dma_start3A_598, %dma_start3A_599] : memref<1000000x64xf32, #tpu.memory_space<hbm>> -> memref<1000000x64xf32, #tpu.memory_space<hbm>>
      tpu.enqueue_indirect_dma source(%dma_start3A_600 : memref<1000000x64xf32, #tpu.memory_space<hbm>>) target(%dma_start3A_594 : memref<32x64xf32, #tpu.memory_space<vmem>>) offsets(%dma_start3A_597 : memref<32xi32, #tpu.memory_space<vmem>>) semaphore(%arg13 : memref<!tpu.dma_semaphore, #tpu.memory_space<semaphore_mem>>)
      %dma_start3A_601 = arith.constant 1 : i32
      %dma_start3A_602 = arith.constant 19 : i32
      %dma_start3A_603 = arith.constant 1 : i32
      %dma_start3A_604 = arith.constant 19 : i32
      %dma_start3A_605 = arith.constant 0 : i32
      %dma_start3A_606 = arith.constant 0 : i32
      %dma_start3A_607 = tpu.memref_slice %arg10[%dma_start3A_603, %dma_start3A_604, %dma_start3A_605, %dma_start3A_606] : memref<2x21x32x64xf32, #tpu.memory_space<vmem>> -> memref<1x1x32x64xf32, #tpu.memory_space<vmem>>
      %dma_start3A_608 = tpu.memref_squeeze %dma_start3A_607 : memref<1x1x32x64xf32, #tpu.memory_space<vmem>> -> memref<32x64xf32, #tpu.memory_space<vmem>>
      %dma_start3A_609 = arith.constant 0 : i32
      %dma_start3A_610 = tpu.memref_slice %arg8[%dma_start3A_601, %dma_start3A_602, %dma_start3A_609] : memref<2x21x32xi32, #tpu.memory_space<vmem>> -> memref<1x1x32xi32, #tpu.memory_space<vmem>>
      %dma_start3A_611 = tpu.memref_squeeze %dma_start3A_610 : memref<1x1x32xi32, #tpu.memory_space<vmem>> -> memref<32xi32, #tpu.memory_space<vmem>>
      %dma_start3A_612 = arith.constant 0 : i32
      %dma_start3A_613 = arith.constant 0 : i32
      %dma_start3A_614 = tpu.memref_slice %arg5[%dma_start3A_612, %dma_start3A_613] : memref<1000000x64xf32, #tpu.memory_space<hbm>> -> memref<1000000x64xf32, #tpu.memory_space<hbm>>
      tpu.enqueue_indirect_dma source(%dma_start3A_614 : memref<1000000x64xf32, #tpu.memory_space<hbm>>) target(%dma_start3A_608 : memref<32x64xf32, #tpu.memory_space<vmem>>) offsets(%dma_start3A_611 : memref<32xi32, #tpu.memory_space<vmem>>) semaphore(%arg13 : memref<!tpu.dma_semaphore, #tpu.memory_space<semaphore_mem>>)
      %dma_start3A_615 = arith.constant 1 : i32
      %dma_start3A_616 = arith.constant 20 : i32
      %dma_start3A_617 = arith.constant 1 : i32
      %dma_start3A_618 = arith.constant 20 : i32
      %dma_start3A_619 = arith.constant 0 : i32
      %dma_start3A_620 = arith.constant 0 : i32
      %dma_start3A_621 = tpu.memref_slice %arg10[%dma_start3A_617, %dma_start3A_618, %dma_start3A_619, %dma_start3A_620] : memref<2x21x32x64xf32, #tpu.memory_space<vmem>> -> memref<1x1x32x64xf32, #tpu.memory_space<vmem>>
      %dma_start3A_622 = tpu.memref_squeeze %dma_start3A_621 : memref<1x1x32x64xf32, #tpu.memory_space<vmem>> -> memref<32x64xf32, #tpu.memory_space<vmem>>
      %dma_start3A_623 = arith.constant 0 : i32
      %dma_start3A_624 = tpu.memref_slice %arg8[%dma_start3A_615, %dma_start3A_616, %dma_start3A_623] : memref<2x21x32xi32, #tpu.memory_space<vmem>> -> memref<1x1x32xi32, #tpu.memory_space<vmem>>
      %dma_start3A_625 = tpu.memref_squeeze %dma_start3A_624 : memref<1x1x32xi32, #tpu.memory_space<vmem>> -> memref<32xi32, #tpu.memory_space<vmem>>
      %dma_start3A_626 = arith.constant 0 : i32
      %dma_start3A_627 = arith.constant 0 : i32
      %dma_start3A_628 = tpu.memref_slice %arg5[%dma_start3A_626, %dma_start3A_627] : memref<1000000x64xf32, #tpu.memory_space<hbm>> -> memref<1000000x64xf32, #tpu.memory_space<hbm>>
      tpu.enqueue_indirect_dma source(%dma_start3A_628 : memref<1000000x64xf32, #tpu.memory_space<hbm>>) target(%dma_start3A_622 : memref<32x64xf32, #tpu.memory_space<vmem>>) offsets(%dma_start3A_625 : memref<32xi32, #tpu.memory_space<vmem>>) semaphore(%arg13 : memref<!tpu.dma_semaphore, #tpu.memory_space<semaphore_mem>>)
      %dma_wait3A = arith.constant 0 : i32
      %dma_wait3A_629 = arith.constant 0 : i32
      %dma_wait3A_630 = arith.constant 0 : i32
      %dma_wait3A_631 = arith.constant 0 : i32
      %dma_wait3A_632 = tpu.memref_slice %arg9[%dma_wait3A_629, %dma_wait3A_630, %dma_wait3A_631] : memref<2x32x64xf32, #tpu.memory_space<vmem>> -> memref<1x32x64xf32, #tpu.memory_space<vmem>>
      %dma_wait3A_633 = tpu.memref_squeeze %dma_wait3A_632 : memref<1x32x64xf32, #tpu.memory_space<vmem>> -> memref<32x64xf32, #tpu.memory_space<vmem>>
      %dma_wait3A_634 = arith.constant 0 : i32
      %dma_wait3A_635 = tpu.memref_slice %arg7[%dma_wait3A, %dma_wait3A_634] : memref<2x32xi32, #tpu.memory_space<vmem>> -> memref<1x32xi32, #tpu.memory_space<vmem>>
      %dma_wait3A_636 = tpu.memref_squeeze %dma_wait3A_635 : memref<1x32xi32, #tpu.memory_space<vmem>> -> memref<32xi32, #tpu.memory_space<vmem>>
      %dma_wait3A_637 = arith.constant 0 : i32
      %dma_wait3A_638 = arith.constant 0 : i32
      %dma_wait3A_639 = tpu.memref_slice %arg4[%dma_wait3A_637, %dma_wait3A_638] : memref<1000000x64xf32, #tpu.memory_space<hbm>> -> memref<1000000x64xf32, #tpu.memory_space<hbm>>
      tpu.wait_indirect_dma semaphore(%arg12 : memref<!tpu.dma_semaphore, #tpu.memory_space<semaphore_mem>>) src(%dma_wait3A_639 : memref<1000000x64xf32, #tpu.memory_space<hbm>>) dst(%dma_wait3A_633 : memref<32x64xf32, #tpu.memory_space<vmem>>)
      %dma_wait3A_640 = arith.constant 0 : i32
      %dma_wait3A_641 = arith.constant 0 : i32
      %dma_wait3A_642 = arith.constant 0 : i32
      %dma_wait3A_643 = arith.constant 0 : i32
      %dma_wait3A_644 = arith.constant 0 : i32
      %dma_wait3A_645 = arith.constant 0 : i32
      %dma_wait3A_646 = tpu.memref_slice %arg10[%dma_wait3A_642, %dma_wait3A_643, %dma_wait3A_644, %dma_wait3A_645] : memref<2x21x32x64xf32, #tpu.memory_space<vmem>> -> memref<1x1x32x64xf32, #tpu.memory_space<vmem>>
      %dma_wait3A_647 = tpu.memref_squeeze %dma_wait3A_646 : memref<1x1x32x64xf32, #tpu.memory_space<vmem>> -> memref<32x64xf32, #tpu.memory_space<vmem>>
      %dma_wait3A_648 = arith.constant 0 : i32
      %dma_wait3A_649 = tpu.memref_slice %arg8[%dma_wait3A_640, %dma_wait3A_641, %dma_wait3A_648] : memref<2x21x32xi32, #tpu.memory_space<vmem>> -> memref<1x1x32xi32, #tpu.memory_space<vmem>>
      %dma_wait3A_650 = tpu.memref_squeeze %dma_wait3A_649 : memref<1x1x32xi32, #tpu.memory_space<vmem>> -> memref<32xi32, #tpu.memory_space<vmem>>
      %dma_wait3A_651 = arith.constant 0 : i32
      %dma_wait3A_652 = arith.constant 0 : i32
      %dma_wait3A_653 = tpu.memref_slice %arg5[%dma_wait3A_651, %dma_wait3A_652] : memref<1000000x64xf32, #tpu.memory_space<hbm>> -> memref<1000000x64xf32, #tpu.memory_space<hbm>>
      tpu.wait_indirect_dma semaphore(%arg12 : memref<!tpu.dma_semaphore, #tpu.memory_space<semaphore_mem>>) src(%dma_wait3A_653 : memref<1000000x64xf32, #tpu.memory_space<hbm>>) dst(%dma_wait3A_647 : memref<32x64xf32, #tpu.memory_space<vmem>>)
      %dma_wait3A_654 = arith.constant 0 : i32
      %dma_wait3A_655 = arith.constant 1 : i32
      %dma_wait3A_656 = arith.constant 0 : i32
      %dma_wait3A_657 = arith.constant 1 : i32
      %dma_wait3A_658 = arith.constant 0 : i32
      %dma_wait3A_659 = arith.constant 0 : i32
      %dma_wait3A_660 = tpu.memref_slice %arg10[%dma_wait3A_656, %dma_wait3A_657, %dma_wait3A_658, %dma_wait3A_659] : memref<2x21x32x64xf32, #tpu.memory_space<vmem>> -> memref<1x1x32x64xf32, #tpu.memory_space<vmem>>
      %dma_wait3A_661 = tpu.memref_squeeze %dma_wait3A_660 : memref<1x1x32x64xf32, #tpu.memory_space<vmem>> -> memref<32x64xf32, #tpu.memory_space<vmem>>
      %dma_wait3A_662 = arith.constant 0 : i32
      %dma_wait3A_663 = tpu.memref_slice %arg8[%dma_wait3A_654, %dma_wait3A_655, %dma_wait3A_662] : memref<2x21x32xi32, #tpu.memory_space<vmem>> -> memref<1x1x32xi32, #tpu.memory_space<vmem>>
      %dma_wait3A_664 = tpu.memref_squeeze %dma_wait3A_663 : memref<1x1x32xi32, #tpu.memory_space<vmem>> -> memref<32xi32, #tpu.memory_space<vmem>>
      %dma_wait3A_665 = arith.constant 0 : i32
      %dma_wait3A_666 = arith.constant 0 : i32
      %dma_wait3A_667 = tpu.memref_slice %arg5[%dma_wait3A_665, %dma_wait3A_666] : memref<1000000x64xf32, #tpu.memory_space<hbm>> -> memref<1000000x64xf32, #tpu.memory_space<hbm>>
      tpu.wait_indirect_dma semaphore(%arg12 : memref<!tpu.dma_semaphore, #tpu.memory_space<semaphore_mem>>) src(%dma_wait3A_667 : memref<1000000x64xf32, #tpu.memory_space<hbm>>) dst(%dma_wait3A_661 : memref<32x64xf32, #tpu.memory_space<vmem>>)
      %dma_wait3A_668 = arith.constant 0 : i32
      %dma_wait3A_669 = arith.constant 2 : i32
      %dma_wait3A_670 = arith.constant 0 : i32
      %dma_wait3A_671 = arith.constant 2 : i32
      %dma_wait3A_672 = arith.constant 0 : i32
      %dma_wait3A_673 = arith.constant 0 : i32
      %dma_wait3A_674 = tpu.memref_slice %arg10[%dma_wait3A_670, %dma_wait3A_671, %dma_wait3A_672, %dma_wait3A_673] : memref<2x21x32x64xf32, #tpu.memory_space<vmem>> -> memref<1x1x32x64xf32, #tpu.memory_space<vmem>>
      %dma_wait3A_675 = tpu.memref_squeeze %dma_wait3A_674 : memref<1x1x32x64xf32, #tpu.memory_space<vmem>> -> memref<32x64xf32, #tpu.memory_space<vmem>>
      %dma_wait3A_676 = arith.constant 0 : i32
      %dma_wait3A_677 = tpu.memref_slice %arg8[%dma_wait3A_668, %dma_wait3A_669, %dma_wait3A_676] : memref<2x21x32xi32, #tpu.memory_space<vmem>> -> memref<1x1x32xi32, #tpu.memory_space<vmem>>
      %dma_wait3A_678 = tpu.memref_squeeze %dma_wait3A_677 : memref<1x1x32xi32, #tpu.memory_space<vmem>> -> memref<32xi32, #tpu.memory_space<vmem>>
      %dma_wait3A_679 = arith.constant 0 : i32
      %dma_wait3A_680 = arith.constant 0 : i32
      %dma_wait3A_681 = tpu.memref_slice %arg5[%dma_wait3A_679, %dma_wait3A_680] : memref<1000000x64xf32, #tpu.memory_space<hbm>> -> memref<1000000x64xf32, #tpu.memory_space<hbm>>
      tpu.wait_indirect_dma semaphore(%arg12 : memref<!tpu.dma_semaphore, #tpu.memory_space<semaphore_mem>>) src(%dma_wait3A_681 : memref<1000000x64xf32, #tpu.memory_space<hbm>>) dst(%dma_wait3A_675 : memref<32x64xf32, #tpu.memory_space<vmem>>)
      %dma_wait3A_682 = arith.constant 0 : i32
      %dma_wait3A_683 = arith.constant 3 : i32
      %dma_wait3A_684 = arith.constant 0 : i32
      %dma_wait3A_685 = arith.constant 3 : i32
      %dma_wait3A_686 = arith.constant 0 : i32
      %dma_wait3A_687 = arith.constant 0 : i32
      %dma_wait3A_688 = tpu.memref_slice %arg10[%dma_wait3A_684, %dma_wait3A_685, %dma_wait3A_686, %dma_wait3A_687] : memref<2x21x32x64xf32, #tpu.memory_space<vmem>> -> memref<1x1x32x64xf32, #tpu.memory_space<vmem>>
      %dma_wait3A_689 = tpu.memref_squeeze %dma_wait3A_688 : memref<1x1x32x64xf32, #tpu.memory_space<vmem>> -> memref<32x64xf32, #tpu.memory_space<vmem>>
      %dma_wait3A_690 = arith.constant 0 : i32
      %dma_wait3A_691 = tpu.memref_slice %arg8[%dma_wait3A_682, %dma_wait3A_683, %dma_wait3A_690] : memref<2x21x32xi32, #tpu.memory_space<vmem>> -> memref<1x1x32xi32, #tpu.memory_space<vmem>>
      %dma_wait3A_692 = tpu.memref_squeeze %dma_wait3A_691 : memref<1x1x32xi32, #tpu.memory_space<vmem>> -> memref<32xi32, #tpu.memory_space<vmem>>
      %dma_wait3A_693 = arith.constant 0 : i32
      %dma_wait3A_694 = arith.constant 0 : i32
      %dma_wait3A_695 = tpu.memref_slice %arg5[%dma_wait3A_693, %dma_wait3A_694] : memref<1000000x64xf32, #tpu.memory_space<hbm>> -> memref<1000000x64xf32, #tpu.memory_space<hbm>>
      tpu.wait_indirect_dma semaphore(%arg12 : memref<!tpu.dma_semaphore, #tpu.memory_space<semaphore_mem>>) src(%dma_wait3A_695 : memref<1000000x64xf32, #tpu.memory_space<hbm>>) dst(%dma_wait3A_689 : memref<32x64xf32, #tpu.memory_space<vmem>>)
      %dma_wait3A_696 = arith.constant 0 : i32
      %dma_wait3A_697 = arith.constant 4 : i32
      %dma_wait3A_698 = arith.constant 0 : i32
      %dma_wait3A_699 = arith.constant 4 : i32
      %dma_wait3A_700 = arith.constant 0 : i32
      %dma_wait3A_701 = arith.constant 0 : i32
      %dma_wait3A_702 = tpu.memref_slice %arg10[%dma_wait3A_698, %dma_wait3A_699, %dma_wait3A_700, %dma_wait3A_701] : memref<2x21x32x64xf32, #tpu.memory_space<vmem>> -> memref<1x1x32x64xf32, #tpu.memory_space<vmem>>
      %dma_wait3A_703 = tpu.memref_squeeze %dma_wait3A_702 : memref<1x1x32x64xf32, #tpu.memory_space<vmem>> -> memref<32x64xf32, #tpu.memory_space<vmem>>
      %dma_wait3A_704 = arith.constant 0 : i32
      %dma_wait3A_705 = tpu.memref_slice %arg8[%dma_wait3A_696, %dma_wait3A_697, %dma_wait3A_704] : memref<2x21x32xi32, #tpu.memory_space<vmem>> -> memref<1x1x32xi32, #tpu.memory_space<vmem>>
      %dma_wait3A_706 = tpu.memref_squeeze %dma_wait3A_705 : memref<1x1x32xi32, #tpu.memory_space<vmem>> -> memref<32xi32, #tpu.memory_space<vmem>>
      %dma_wait3A_707 = arith.constant 0 : i32
      %dma_wait3A_708 = arith.constant 0 : i32
      %dma_wait3A_709 = tpu.memref_slice %arg5[%dma_wait3A_707, %dma_wait3A_708] : memref<1000000x64xf32, #tpu.memory_space<hbm>> -> memref<1000000x64xf32, #tpu.memory_space<hbm>>
      tpu.wait_indirect_dma semaphore(%arg12 : memref<!tpu.dma_semaphore, #tpu.memory_space<semaphore_mem>>) src(%dma_wait3A_709 : memref<1000000x64xf32, #tpu.memory_space<hbm>>) dst(%dma_wait3A_703 : memref<32x64xf32, #tpu.memory_space<vmem>>)
      %dma_wait3A_710 = arith.constant 0 : i32
      %dma_wait3A_711 = arith.constant 5 : i32
      %dma_wait3A_712 = arith.constant 0 : i32
      %dma_wait3A_713 = arith.constant 5 : i32
      %dma_wait3A_714 = arith.constant 0 : i32
      %dma_wait3A_715 = arith.constant 0 : i32
      %dma_wait3A_716 = tpu.memref_slice %arg10[%dma_wait3A_712, %dma_wait3A_713, %dma_wait3A_714, %dma_wait3A_715] : memref<2x21x32x64xf32, #tpu.memory_space<vmem>> -> memref<1x1x32x64xf32, #tpu.memory_space<vmem>>
      %dma_wait3A_717 = tpu.memref_squeeze %dma_wait3A_716 : memref<1x1x32x64xf32, #tpu.memory_space<vmem>> -> memref<32x64xf32, #tpu.memory_space<vmem>>
      %dma_wait3A_718 = arith.constant 0 : i32
      %dma_wait3A_719 = tpu.memref_slice %arg8[%dma_wait3A_710, %dma_wait3A_711, %dma_wait3A_718] : memref<2x21x32xi32, #tpu.memory_space<vmem>> -> memref<1x1x32xi32, #tpu.memory_space<vmem>>
      %dma_wait3A_720 = tpu.memref_squeeze %dma_wait3A_719 : memref<1x1x32xi32, #tpu.memory_space<vmem>> -> memref<32xi32, #tpu.memory_space<vmem>>
      %dma_wait3A_721 = arith.constant 0 : i32
      %dma_wait3A_722 = arith.constant 0 : i32
      %dma_wait3A_723 = tpu.memref_slice %arg5[%dma_wait3A_721, %dma_wait3A_722] : memref<1000000x64xf32, #tpu.memory_space<hbm>> -> memref<1000000x64xf32, #tpu.memory_space<hbm>>
      tpu.wait_indirect_dma semaphore(%arg12 : memref<!tpu.dma_semaphore, #tpu.memory_space<semaphore_mem>>) src(%dma_wait3A_723 : memref<1000000x64xf32, #tpu.memory_space<hbm>>) dst(%dma_wait3A_717 : memref<32x64xf32, #tpu.memory_space<vmem>>)
      %dma_wait3A_724 = arith.constant 0 : i32
      %dma_wait3A_725 = arith.constant 6 : i32
      %dma_wait3A_726 = arith.constant 0 : i32
      %dma_wait3A_727 = arith.constant 6 : i32
      %dma_wait3A_728 = arith.constant 0 : i32
      %dma_wait3A_729 = arith.constant 0 : i32
      %dma_wait3A_730 = tpu.memref_slice %arg10[%dma_wait3A_726, %dma_wait3A_727, %dma_wait3A_728, %dma_wait3A_729] : memref<2x21x32x64xf32, #tpu.memory_space<vmem>> -> memref<1x1x32x64xf32, #tpu.memory_space<vmem>>
      %dma_wait3A_731 = tpu.memref_squeeze %dma_wait3A_730 : memref<1x1x32x64xf32, #tpu.memory_space<vmem>> -> memref<32x64xf32, #tpu.memory_space<vmem>>
      %dma_wait3A_732 = arith.constant 0 : i32
      %dma_wait3A_733 = tpu.memref_slice %arg8[%dma_wait3A_724, %dma_wait3A_725, %dma_wait3A_732] : memref<2x21x32xi32, #tpu.memory_space<vmem>> -> memref<1x1x32xi32, #tpu.memory_space<vmem>>
      %dma_wait3A_734 = tpu.memref_squeeze %dma_wait3A_733 : memref<1x1x32xi32, #tpu.memory_space<vmem>> -> memref<32xi32, #tpu.memory_space<vmem>>
      %dma_wait3A_735 = arith.constant 0 : i32
      %dma_wait3A_736 = arith.constant 0 : i32
      %dma_wait3A_737 = tpu.memref_slice %arg5[%dma_wait3A_735, %dma_wait3A_736] : memref<1000000x64xf32, #tpu.memory_space<hbm>> -> memref<1000000x64xf32, #tpu.memory_space<hbm>>
      tpu.wait_indirect_dma semaphore(%arg12 : memref<!tpu.dma_semaphore, #tpu.memory_space<semaphore_mem>>) src(%dma_wait3A_737 : memref<1000000x64xf32, #tpu.memory_space<hbm>>) dst(%dma_wait3A_731 : memref<32x64xf32, #tpu.memory_space<vmem>>)
      %dma_wait3A_738 = arith.constant 0 : i32
      %dma_wait3A_739 = arith.constant 7 : i32
      %dma_wait3A_740 = arith.constant 0 : i32
      %dma_wait3A_741 = arith.constant 7 : i32
      %dma_wait3A_742 = arith.constant 0 : i32
      %dma_wait3A_743 = arith.constant 0 : i32
      %dma_wait3A_744 = tpu.memref_slice %arg10[%dma_wait3A_740, %dma_wait3A_741, %dma_wait3A_742, %dma_wait3A_743] : memref<2x21x32x64xf32, #tpu.memory_space<vmem>> -> memref<1x1x32x64xf32, #tpu.memory_space<vmem>>
      %dma_wait3A_745 = tpu.memref_squeeze %dma_wait3A_744 : memref<1x1x32x64xf32, #tpu.memory_space<vmem>> -> memref<32x64xf32, #tpu.memory_space<vmem>>
      %dma_wait3A_746 = arith.constant 0 : i32
      %dma_wait3A_747 = tpu.memref_slice %arg8[%dma_wait3A_738, %dma_wait3A_739, %dma_wait3A_746] : memref<2x21x32xi32, #tpu.memory_space<vmem>> -> memref<1x1x32xi32, #tpu.memory_space<vmem>>
      %dma_wait3A_748 = tpu.memref_squeeze %dma_wait3A_747 : memref<1x1x32xi32, #tpu.memory_space<vmem>> -> memref<32xi32, #tpu.memory_space<vmem>>
      %dma_wait3A_749 = arith.constant 0 : i32
      %dma_wait3A_750 = arith.constant 0 : i32
      %dma_wait3A_751 = tpu.memref_slice %arg5[%dma_wait3A_749, %dma_wait3A_750] : memref<1000000x64xf32, #tpu.memory_space<hbm>> -> memref<1000000x64xf32, #tpu.memory_space<hbm>>
      tpu.wait_indirect_dma semaphore(%arg12 : memref<!tpu.dma_semaphore, #tpu.memory_space<semaphore_mem>>) src(%dma_wait3A_751 : memref<1000000x64xf32, #tpu.memory_space<hbm>>) dst(%dma_wait3A_745 : memref<32x64xf32, #tpu.memory_space<vmem>>)
      %dma_wait3A_752 = arith.constant 0 : i32
      %dma_wait3A_753 = arith.constant 8 : i32
      %dma_wait3A_754 = arith.constant 0 : i32
      %dma_wait3A_755 = arith.constant 8 : i32
      %dma_wait3A_756 = arith.constant 0 : i32
      %dma_wait3A_757 = arith.constant 0 : i32
      %dma_wait3A_758 = tpu.memref_slice %arg10[%dma_wait3A_754, %dma_wait3A_755, %dma_wait3A_756, %dma_wait3A_757] : memref<2x21x32x64xf32, #tpu.memory_space<vmem>> -> memref<1x1x32x64xf32, #tpu.memory_space<vmem>>
      %dma_wait3A_759 = tpu.memref_squeeze %dma_wait3A_758 : memref<1x1x32x64xf32, #tpu.memory_space<vmem>> -> memref<32x64xf32, #tpu.memory_space<vmem>>
      %dma_wait3A_760 = arith.constant 0 : i32
      %dma_wait3A_761 = tpu.memref_slice %arg8[%dma_wait3A_752, %dma_wait3A_753, %dma_wait3A_760] : memref<2x21x32xi32, #tpu.memory_space<vmem>> -> memref<1x1x32xi32, #tpu.memory_space<vmem>>
      %dma_wait3A_762 = tpu.memref_squeeze %dma_wait3A_761 : memref<1x1x32xi32, #tpu.memory_space<vmem>> -> memref<32xi32, #tpu.memory_space<vmem>>
      %dma_wait3A_763 = arith.constant 0 : i32
      %dma_wait3A_764 = arith.constant 0 : i32
      %dma_wait3A_765 = tpu.memref_slice %arg5[%dma_wait3A_763, %dma_wait3A_764] : memref<1000000x64xf32, #tpu.memory_space<hbm>> -> memref<1000000x64xf32, #tpu.memory_space<hbm>>
      tpu.wait_indirect_dma semaphore(%arg12 : memref<!tpu.dma_semaphore, #tpu.memory_space<semaphore_mem>>) src(%dma_wait3A_765 : memref<1000000x64xf32, #tpu.memory_space<hbm>>) dst(%dma_wait3A_759 : memref<32x64xf32, #tpu.memory_space<vmem>>)
      %dma_wait3A_766 = arith.constant 0 : i32
      %dma_wait3A_767 = arith.constant 9 : i32
      %dma_wait3A_768 = arith.constant 0 : i32
      %dma_wait3A_769 = arith.constant 9 : i32
      %dma_wait3A_770 = arith.constant 0 : i32
      %dma_wait3A_771 = arith.constant 0 : i32
      %dma_wait3A_772 = tpu.memref_slice %arg10[%dma_wait3A_768, %dma_wait3A_769, %dma_wait3A_770, %dma_wait3A_771] : memref<2x21x32x64xf32, #tpu.memory_space<vmem>> -> memref<1x1x32x64xf32, #tpu.memory_space<vmem>>
      %dma_wait3A_773 = tpu.memref_squeeze %dma_wait3A_772 : memref<1x1x32x64xf32, #tpu.memory_space<vmem>> -> memref<32x64xf32, #tpu.memory_space<vmem>>
      %dma_wait3A_774 = arith.constant 0 : i32
      %dma_wait3A_775 = tpu.memref_slice %arg8[%dma_wait3A_766, %dma_wait3A_767, %dma_wait3A_774] : memref<2x21x32xi32, #tpu.memory_space<vmem>> -> memref<1x1x32xi32, #tpu.memory_space<vmem>>
      %dma_wait3A_776 = tpu.memref_squeeze %dma_wait3A_775 : memref<1x1x32xi32, #tpu.memory_space<vmem>> -> memref<32xi32, #tpu.memory_space<vmem>>
      %dma_wait3A_777 = arith.constant 0 : i32
      %dma_wait3A_778 = arith.constant 0 : i32
      %dma_wait3A_779 = tpu.memref_slice %arg5[%dma_wait3A_777, %dma_wait3A_778] : memref<1000000x64xf32, #tpu.memory_space<hbm>> -> memref<1000000x64xf32, #tpu.memory_space<hbm>>
      tpu.wait_indirect_dma semaphore(%arg12 : memref<!tpu.dma_semaphore, #tpu.memory_space<semaphore_mem>>) src(%dma_wait3A_779 : memref<1000000x64xf32, #tpu.memory_space<hbm>>) dst(%dma_wait3A_773 : memref<32x64xf32, #tpu.memory_space<vmem>>)
      %dma_wait3A_780 = arith.constant 0 : i32
      %dma_wait3A_781 = arith.constant 10 : i32
      %dma_wait3A_782 = arith.constant 0 : i32
      %dma_wait3A_783 = arith.constant 10 : i32
      %dma_wait3A_784 = arith.constant 0 : i32
      %dma_wait3A_785 = arith.constant 0 : i32
      %dma_wait3A_786 = tpu.memref_slice %arg10[%dma_wait3A_782, %dma_wait3A_783, %dma_wait3A_784, %dma_wait3A_785] : memref<2x21x32x64xf32, #tpu.memory_space<vmem>> -> memref<1x1x32x64xf32, #tpu.memory_space<vmem>>
      %dma_wait3A_787 = tpu.memref_squeeze %dma_wait3A_786 : memref<1x1x32x64xf32, #tpu.memory_space<vmem>> -> memref<32x64xf32, #tpu.memory_space<vmem>>
      %dma_wait3A_788 = arith.constant 0 : i32
      %dma_wait3A_789 = tpu.memref_slice %arg8[%dma_wait3A_780, %dma_wait3A_781, %dma_wait3A_788] : memref<2x21x32xi32, #tpu.memory_space<vmem>> -> memref<1x1x32xi32, #tpu.memory_space<vmem>>
      %dma_wait3A_790 = tpu.memref_squeeze %dma_wait3A_789 : memref<1x1x32xi32, #tpu.memory_space<vmem>> -> memref<32xi32, #tpu.memory_space<vmem>>
      %dma_wait3A_791 = arith.constant 0 : i32
      %dma_wait3A_792 = arith.constant 0 : i32
      %dma_wait3A_793 = tpu.memref_slice %arg5[%dma_wait3A_791, %dma_wait3A_792] : memref<1000000x64xf32, #tpu.memory_space<hbm>> -> memref<1000000x64xf32, #tpu.memory_space<hbm>>
      tpu.wait_indirect_dma semaphore(%arg12 : memref<!tpu.dma_semaphore, #tpu.memory_space<semaphore_mem>>) src(%dma_wait3A_793 : memref<1000000x64xf32, #tpu.memory_space<hbm>>) dst(%dma_wait3A_787 : memref<32x64xf32, #tpu.memory_space<vmem>>)
      %dma_wait3A_794 = arith.constant 0 : i32
      %dma_wait3A_795 = arith.constant 11 : i32
      %dma_wait3A_796 = arith.constant 0 : i32
      %dma_wait3A_797 = arith.constant 11 : i32
      %dma_wait3A_798 = arith.constant 0 : i32
      %dma_wait3A_799 = arith.constant 0 : i32
      %dma_wait3A_800 = tpu.memref_slice %arg10[%dma_wait3A_796, %dma_wait3A_797, %dma_wait3A_798, %dma_wait3A_799] : memref<2x21x32x64xf32, #tpu.memory_space<vmem>> -> memref<1x1x32x64xf32, #tpu.memory_space<vmem>>
      %dma_wait3A_801 = tpu.memref_squeeze %dma_wait3A_800 : memref<1x1x32x64xf32, #tpu.memory_space<vmem>> -> memref<32x64xf32, #tpu.memory_space<vmem>>
      %dma_wait3A_802 = arith.constant 0 : i32
      %dma_wait3A_803 = tpu.memref_slice %arg8[%dma_wait3A_794, %dma_wait3A_795, %dma_wait3A_802] : memref<2x21x32xi32, #tpu.memory_space<vmem>> -> memref<1x1x32xi32, #tpu.memory_space<vmem>>
      %dma_wait3A_804 = tpu.memref_squeeze %dma_wait3A_803 : memref<1x1x32xi32, #tpu.memory_space<vmem>> -> memref<32xi32, #tpu.memory_space<vmem>>
      %dma_wait3A_805 = arith.constant 0 : i32
      %dma_wait3A_806 = arith.constant 0 : i32
      %dma_wait3A_807 = tpu.memref_slice %arg5[%dma_wait3A_805, %dma_wait3A_806] : memref<1000000x64xf32, #tpu.memory_space<hbm>> -> memref<1000000x64xf32, #tpu.memory_space<hbm>>
      tpu.wait_indirect_dma semaphore(%arg12 : memref<!tpu.dma_semaphore, #tpu.memory_space<semaphore_mem>>) src(%dma_wait3A_807 : memref<1000000x64xf32, #tpu.memory_space<hbm>>) dst(%dma_wait3A_801 : memref<32x64xf32, #tpu.memory_space<vmem>>)
      %dma_wait3A_808 = arith.constant 0 : i32
      %dma_wait3A_809 = arith.constant 12 : i32
      %dma_wait3A_810 = arith.constant 0 : i32
      %dma_wait3A_811 = arith.constant 12 : i32
      %dma_wait3A_812 = arith.constant 0 : i32
      %dma_wait3A_813 = arith.constant 0 : i32
      %dma_wait3A_814 = tpu.memref_slice %arg10[%dma_wait3A_810, %dma_wait3A_811, %dma_wait3A_812, %dma_wait3A_813] : memref<2x21x32x64xf32, #tpu.memory_space<vmem>> -> memref<1x1x32x64xf32, #tpu.memory_space<vmem>>
      %dma_wait3A_815 = tpu.memref_squeeze %dma_wait3A_814 : memref<1x1x32x64xf32, #tpu.memory_space<vmem>> -> memref<32x64xf32, #tpu.memory_space<vmem>>
      %dma_wait3A_816 = arith.constant 0 : i32
      %dma_wait3A_817 = tpu.memref_slice %arg8[%dma_wait3A_808, %dma_wait3A_809, %dma_wait3A_816] : memref<2x21x32xi32, #tpu.memory_space<vmem>> -> memref<1x1x32xi32, #tpu.memory_space<vmem>>
      %dma_wait3A_818 = tpu.memref_squeeze %dma_wait3A_817 : memref<1x1x32xi32, #tpu.memory_space<vmem>> -> memref<32xi32, #tpu.memory_space<vmem>>
      %dma_wait3A_819 = arith.constant 0 : i32
      %dma_wait3A_820 = arith.constant 0 : i32
      %dma_wait3A_821 = tpu.memref_slice %arg5[%dma_wait3A_819, %dma_wait3A_820] : memref<1000000x64xf32, #tpu.memory_space<hbm>> -> memref<1000000x64xf32, #tpu.memory_space<hbm>>
      tpu.wait_indirect_dma semaphore(%arg12 : memref<!tpu.dma_semaphore, #tpu.memory_space<semaphore_mem>>) src(%dma_wait3A_821 : memref<1000000x64xf32, #tpu.memory_space<hbm>>) dst(%dma_wait3A_815 : memref<32x64xf32, #tpu.memory_space<vmem>>)
      %dma_wait3A_822 = arith.constant 0 : i32
      %dma_wait3A_823 = arith.constant 13 : i32
      %dma_wait3A_824 = arith.constant 0 : i32
      %dma_wait3A_825 = arith.constant 13 : i32
      %dma_wait3A_826 = arith.constant 0 : i32
      %dma_wait3A_827 = arith.constant 0 : i32
      %dma_wait3A_828 = tpu.memref_slice %arg10[%dma_wait3A_824, %dma_wait3A_825, %dma_wait3A_826, %dma_wait3A_827] : memref<2x21x32x64xf32, #tpu.memory_space<vmem>> -> memref<1x1x32x64xf32, #tpu.memory_space<vmem>>
      %dma_wait3A_829 = tpu.memref_squeeze %dma_wait3A_828 : memref<1x1x32x64xf32, #tpu.memory_space<vmem>> -> memref<32x64xf32, #tpu.memory_space<vmem>>
      %dma_wait3A_830 = arith.constant 0 : i32
      %dma_wait3A_831 = tpu.memref_slice %arg8[%dma_wait3A_822, %dma_wait3A_823, %dma_wait3A_830] : memref<2x21x32xi32, #tpu.memory_space<vmem>> -> memref<1x1x32xi32, #tpu.memory_space<vmem>>
      %dma_wait3A_832 = tpu.memref_squeeze %dma_wait3A_831 : memref<1x1x32xi32, #tpu.memory_space<vmem>> -> memref<32xi32, #tpu.memory_space<vmem>>
      %dma_wait3A_833 = arith.constant 0 : i32
      %dma_wait3A_834 = arith.constant 0 : i32
      %dma_wait3A_835 = tpu.memref_slice %arg5[%dma_wait3A_833, %dma_wait3A_834] : memref<1000000x64xf32, #tpu.memory_space<hbm>> -> memref<1000000x64xf32, #tpu.memory_space<hbm>>
      tpu.wait_indirect_dma semaphore(%arg12 : memref<!tpu.dma_semaphore, #tpu.memory_space<semaphore_mem>>) src(%dma_wait3A_835 : memref<1000000x64xf32, #tpu.memory_space<hbm>>) dst(%dma_wait3A_829 : memref<32x64xf32, #tpu.memory_space<vmem>>)
      %dma_wait3A_836 = arith.constant 0 : i32
      %dma_wait3A_837 = arith.constant 14 : i32
      %dma_wait3A_838 = arith.constant 0 : i32
      %dma_wait3A_839 = arith.constant 14 : i32
      %dma_wait3A_840 = arith.constant 0 : i32
      %dma_wait3A_841 = arith.constant 0 : i32
      %dma_wait3A_842 = tpu.memref_slice %arg10[%dma_wait3A_838, %dma_wait3A_839, %dma_wait3A_840, %dma_wait3A_841] : memref<2x21x32x64xf32, #tpu.memory_space<vmem>> -> memref<1x1x32x64xf32, #tpu.memory_space<vmem>>
      %dma_wait3A_843 = tpu.memref_squeeze %dma_wait3A_842 : memref<1x1x32x64xf32, #tpu.memory_space<vmem>> -> memref<32x64xf32, #tpu.memory_space<vmem>>
      %dma_wait3A_844 = arith.constant 0 : i32
      %dma_wait3A_845 = tpu.memref_slice %arg8[%dma_wait3A_836, %dma_wait3A_837, %dma_wait3A_844] : memref<2x21x32xi32, #tpu.memory_space<vmem>> -> memref<1x1x32xi32, #tpu.memory_space<vmem>>
      %dma_wait3A_846 = tpu.memref_squeeze %dma_wait3A_845 : memref<1x1x32xi32, #tpu.memory_space<vmem>> -> memref<32xi32, #tpu.memory_space<vmem>>
      %dma_wait3A_847 = arith.constant 0 : i32
      %dma_wait3A_848 = arith.constant 0 : i32
      %dma_wait3A_849 = tpu.memref_slice %arg5[%dma_wait3A_847, %dma_wait3A_848] : memref<1000000x64xf32, #tpu.memory_space<hbm>> -> memref<1000000x64xf32, #tpu.memory_space<hbm>>
      tpu.wait_indirect_dma semaphore(%arg12 : memref<!tpu.dma_semaphore, #tpu.memory_space<semaphore_mem>>) src(%dma_wait3A_849 : memref<1000000x64xf32, #tpu.memory_space<hbm>>) dst(%dma_wait3A_843 : memref<32x64xf32, #tpu.memory_space<vmem>>)
      %dma_wait3A_850 = arith.constant 0 : i32
      %dma_wait3A_851 = arith.constant 15 : i32
      %dma_wait3A_852 = arith.constant 0 : i32
      %dma_wait3A_853 = arith.constant 15 : i32
      %dma_wait3A_854 = arith.constant 0 : i32
      %dma_wait3A_855 = arith.constant 0 : i32
      %dma_wait3A_856 = tpu.memref_slice %arg10[%dma_wait3A_852, %dma_wait3A_853, %dma_wait3A_854, %dma_wait3A_855] : memref<2x21x32x64xf32, #tpu.memory_space<vmem>> -> memref<1x1x32x64xf32, #tpu.memory_space<vmem>>
      %dma_wait3A_857 = tpu.memref_squeeze %dma_wait3A_856 : memref<1x1x32x64xf32, #tpu.memory_space<vmem>> -> memref<32x64xf32, #tpu.memory_space<vmem>>
      %dma_wait3A_858 = arith.constant 0 : i32
      %dma_wait3A_859 = tpu.memref_slice %arg8[%dma_wait3A_850, %dma_wait3A_851, %dma_wait3A_858] : memref<2x21x32xi32, #tpu.memory_space<vmem>> -> memref<1x1x32xi32, #tpu.memory_space<vmem>>
      %dma_wait3A_860 = tpu.memref_squeeze %dma_wait3A_859 : memref<1x1x32xi32, #tpu.memory_space<vmem>> -> memref<32xi32, #tpu.memory_space<vmem>>
      %dma_wait3A_861 = arith.constant 0 : i32
      %dma_wait3A_862 = arith.constant 0 : i32
      %dma_wait3A_863 = tpu.memref_slice %arg5[%dma_wait3A_861, %dma_wait3A_862] : memref<1000000x64xf32, #tpu.memory_space<hbm>> -> memref<1000000x64xf32, #tpu.memory_space<hbm>>
      tpu.wait_indirect_dma semaphore(%arg12 : memref<!tpu.dma_semaphore, #tpu.memory_space<semaphore_mem>>) src(%dma_wait3A_863 : memref<1000000x64xf32, #tpu.memory_space<hbm>>) dst(%dma_wait3A_857 : memref<32x64xf32, #tpu.memory_space<vmem>>)
      %dma_wait3A_864 = arith.constant 0 : i32
      %dma_wait3A_865 = arith.constant 16 : i32
      %dma_wait3A_866 = arith.constant 0 : i32
      %dma_wait3A_867 = arith.constant 16 : i32
      %dma_wait3A_868 = arith.constant 0 : i32
      %dma_wait3A_869 = arith.constant 0 : i32
      %dma_wait3A_870 = tpu.memref_slice %arg10[%dma_wait3A_866, %dma_wait3A_867, %dma_wait3A_868, %dma_wait3A_869] : memref<2x21x32x64xf32, #tpu.memory_space<vmem>> -> memref<1x1x32x64xf32, #tpu.memory_space<vmem>>
      %dma_wait3A_871 = tpu.memref_squeeze %dma_wait3A_870 : memref<1x1x32x64xf32, #tpu.memory_space<vmem>> -> memref<32x64xf32, #tpu.memory_space<vmem>>
      %dma_wait3A_872 = arith.constant 0 : i32
      %dma_wait3A_873 = tpu.memref_slice %arg8[%dma_wait3A_864, %dma_wait3A_865, %dma_wait3A_872] : memref<2x21x32xi32, #tpu.memory_space<vmem>> -> memref<1x1x32xi32, #tpu.memory_space<vmem>>
      %dma_wait3A_874 = tpu.memref_squeeze %dma_wait3A_873 : memref<1x1x32xi32, #tpu.memory_space<vmem>> -> memref<32xi32, #tpu.memory_space<vmem>>
      %dma_wait3A_875 = arith.constant 0 : i32
      %dma_wait3A_876 = arith.constant 0 : i32
      %dma_wait3A_877 = tpu.memref_slice %arg5[%dma_wait3A_875, %dma_wait3A_876] : memref<1000000x64xf32, #tpu.memory_space<hbm>> -> memref<1000000x64xf32, #tpu.memory_space<hbm>>
      tpu.wait_indirect_dma semaphore(%arg12 : memref<!tpu.dma_semaphore, #tpu.memory_space<semaphore_mem>>) src(%dma_wait3A_877 : memref<1000000x64xf32, #tpu.memory_space<hbm>>) dst(%dma_wait3A_871 : memref<32x64xf32, #tpu.memory_space<vmem>>)
      %dma_wait3A_878 = arith.constant 0 : i32
      %dma_wait3A_879 = arith.constant 17 : i32
      %dma_wait3A_880 = arith.constant 0 : i32
      %dma_wait3A_881 = arith.constant 17 : i32
      %dma_wait3A_882 = arith.constant 0 : i32
      %dma_wait3A_883 = arith.constant 0 : i32
      %dma_wait3A_884 = tpu.memref_slice %arg10[%dma_wait3A_880, %dma_wait3A_881, %dma_wait3A_882, %dma_wait3A_883] : memref<2x21x32x64xf32, #tpu.memory_space<vmem>> -> memref<1x1x32x64xf32, #tpu.memory_space<vmem>>
      %dma_wait3A_885 = tpu.memref_squeeze %dma_wait3A_884 : memref<1x1x32x64xf32, #tpu.memory_space<vmem>> -> memref<32x64xf32, #tpu.memory_space<vmem>>
      %dma_wait3A_886 = arith.constant 0 : i32
      %dma_wait3A_887 = tpu.memref_slice %arg8[%dma_wait3A_878, %dma_wait3A_879, %dma_wait3A_886] : memref<2x21x32xi32, #tpu.memory_space<vmem>> -> memref<1x1x32xi32, #tpu.memory_space<vmem>>
      %dma_wait3A_888 = tpu.memref_squeeze %dma_wait3A_887 : memref<1x1x32xi32, #tpu.memory_space<vmem>> -> memref<32xi32, #tpu.memory_space<vmem>>
      %dma_wait3A_889 = arith.constant 0 : i32
      %dma_wait3A_890 = arith.constant 0 : i32
      %dma_wait3A_891 = tpu.memref_slice %arg5[%dma_wait3A_889, %dma_wait3A_890] : memref<1000000x64xf32, #tpu.memory_space<hbm>> -> memref<1000000x64xf32, #tpu.memory_space<hbm>>
      tpu.wait_indirect_dma semaphore(%arg12 : memref<!tpu.dma_semaphore, #tpu.memory_space<semaphore_mem>>) src(%dma_wait3A_891 : memref<1000000x64xf32, #tpu.memory_space<hbm>>) dst(%dma_wait3A_885 : memref<32x64xf32, #tpu.memory_space<vmem>>)
      %dma_wait3A_892 = arith.constant 0 : i32
      %dma_wait3A_893 = arith.constant 18 : i32
      %dma_wait3A_894 = arith.constant 0 : i32
      %dma_wait3A_895 = arith.constant 18 : i32
      %dma_wait3A_896 = arith.constant 0 : i32
      %dma_wait3A_897 = arith.constant 0 : i32
      %dma_wait3A_898 = tpu.memref_slice %arg10[%dma_wait3A_894, %dma_wait3A_895, %dma_wait3A_896, %dma_wait3A_897] : memref<2x21x32x64xf32, #tpu.memory_space<vmem>> -> memref<1x1x32x64xf32, #tpu.memory_space<vmem>>
      %dma_wait3A_899 = tpu.memref_squeeze %dma_wait3A_898 : memref<1x1x32x64xf32, #tpu.memory_space<vmem>> -> memref<32x64xf32, #tpu.memory_space<vmem>>
      %dma_wait3A_900 = arith.constant 0 : i32
      %dma_wait3A_901 = tpu.memref_slice %arg8[%dma_wait3A_892, %dma_wait3A_893, %dma_wait3A_900] : memref<2x21x32xi32, #tpu.memory_space<vmem>> -> memref<1x1x32xi32, #tpu.memory_space<vmem>>
      %dma_wait3A_902 = tpu.memref_squeeze %dma_wait3A_901 : memref<1x1x32xi32, #tpu.memory_space<vmem>> -> memref<32xi32, #tpu.memory_space<vmem>>
      %dma_wait3A_903 = arith.constant 0 : i32
      %dma_wait3A_904 = arith.constant 0 : i32
      %dma_wait3A_905 = tpu.memref_slice %arg5[%dma_wait3A_903, %dma_wait3A_904] : memref<1000000x64xf32, #tpu.memory_space<hbm>> -> memref<1000000x64xf32, #tpu.memory_space<hbm>>
      tpu.wait_indirect_dma semaphore(%arg12 : memref<!tpu.dma_semaphore, #tpu.memory_space<semaphore_mem>>) src(%dma_wait3A_905 : memref<1000000x64xf32, #tpu.memory_space<hbm>>) dst(%dma_wait3A_899 : memref<32x64xf32, #tpu.memory_space<vmem>>)
      %dma_wait3A_906 = arith.constant 0 : i32
      %dma_wait3A_907 = arith.constant 19 : i32
      %dma_wait3A_908 = arith.constant 0 : i32
      %dma_wait3A_909 = arith.constant 19 : i32
      %dma_wait3A_910 = arith.constant 0 : i32
      %dma_wait3A_911 = arith.constant 0 : i32
      %dma_wait3A_912 = tpu.memref_slice %arg10[%dma_wait3A_908, %dma_wait3A_909, %dma_wait3A_910, %dma_wait3A_911] : memref<2x21x32x64xf32, #tpu.memory_space<vmem>> -> memref<1x1x32x64xf32, #tpu.memory_space<vmem>>
      %dma_wait3A_913 = tpu.memref_squeeze %dma_wait3A_912 : memref<1x1x32x64xf32, #tpu.memory_space<vmem>> -> memref<32x64xf32, #tpu.memory_space<vmem>>
      %dma_wait3A_914 = arith.constant 0 : i32
      %dma_wait3A_915 = tpu.memref_slice %arg8[%dma_wait3A_906, %dma_wait3A_907, %dma_wait3A_914] : memref<2x21x32xi32, #tpu.memory_space<vmem>> -> memref<1x1x32xi32, #tpu.memory_space<vmem>>
      %dma_wait3A_916 = tpu.memref_squeeze %dma_wait3A_915 : memref<1x1x32xi32, #tpu.memory_space<vmem>> -> memref<32xi32, #tpu.memory_space<vmem>>
      %dma_wait3A_917 = arith.constant 0 : i32
      %dma_wait3A_918 = arith.constant 0 : i32
      %dma_wait3A_919 = tpu.memref_slice %arg5[%dma_wait3A_917, %dma_wait3A_918] : memref<1000000x64xf32, #tpu.memory_space<hbm>> -> memref<1000000x64xf32, #tpu.memory_space<hbm>>
      tpu.wait_indirect_dma semaphore(%arg12 : memref<!tpu.dma_semaphore, #tpu.memory_space<semaphore_mem>>) src(%dma_wait3A_919 : memref<1000000x64xf32, #tpu.memory_space<hbm>>) dst(%dma_wait3A_913 : memref<32x64xf32, #tpu.memory_space<vmem>>)
      %dma_wait3A_920 = arith.constant 0 : i32
      %dma_wait3A_921 = arith.constant 20 : i32
      %dma_wait3A_922 = arith.constant 0 : i32
      %dma_wait3A_923 = arith.constant 20 : i32
      %dma_wait3A_924 = arith.constant 0 : i32
      %dma_wait3A_925 = arith.constant 0 : i32
      %dma_wait3A_926 = tpu.memref_slice %arg10[%dma_wait3A_922, %dma_wait3A_923, %dma_wait3A_924, %dma_wait3A_925] : memref<2x21x32x64xf32, #tpu.memory_space<vmem>> -> memref<1x1x32x64xf32, #tpu.memory_space<vmem>>
      %dma_wait3A_927 = tpu.memref_squeeze %dma_wait3A_926 : memref<1x1x32x64xf32, #tpu.memory_space<vmem>> -> memref<32x64xf32, #tpu.memory_space<vmem>>
      %dma_wait3A_928 = arith.constant 0 : i32
      %dma_wait3A_929 = tpu.memref_slice %arg8[%dma_wait3A_920, %dma_wait3A_921, %dma_wait3A_928] : memref<2x21x32xi32, #tpu.memory_space<vmem>> -> memref<1x1x32xi32, #tpu.memory_space<vmem>>
      %dma_wait3A_930 = tpu.memref_squeeze %dma_wait3A_929 : memref<1x1x32xi32, #tpu.memory_space<vmem>> -> memref<32xi32, #tpu.memory_space<vmem>>
      %dma_wait3A_931 = arith.constant 0 : i32
      %dma_wait3A_932 = arith.constant 0 : i32
      %dma_wait3A_933 = tpu.memref_slice %arg5[%dma_wait3A_931, %dma_wait3A_932] : memref<1000000x64xf32, #tpu.memory_space<hbm>> -> memref<1000000x64xf32, #tpu.memory_space<hbm>>
      tpu.wait_indirect_dma semaphore(%arg12 : memref<!tpu.dma_semaphore, #tpu.memory_space<semaphore_mem>>) src(%dma_wait3A_933 : memref<1000000x64xf32, #tpu.memory_space<hbm>>) dst(%dma_wait3A_927 : memref<32x64xf32, #tpu.memory_space<vmem>>)
      %scan3A_934 = arith.constant 0 : i32
      %scan3A_935 = arith.constant 0 : i32
      %scan3A_936 = arith.constant 32 : i32
      %scan3A_937 = arith.addi %scan3A_935, %scan3A_936 : i32
      %scan3A_938 = arith.constant 1 : i32
      scf.for %scan3A_1258 = %scan3A_935 to %scan3A_937 step %scan3A_938  : i32 {
        %get3A = arith.constant 0 : i32
        %get3A_1259 = arith.index_cast %get3A : i32 to index
        %get3A_1260 = arith.index_cast %scan3A_1258 : i32 to index
        %get3A_1261 = arith.constant 0 : index
        %get3A_1262 = tpu.vector_load %arg9[%get3A_1259, %get3A_1260, %get3A_1261] {strides = array<i32>} : memref<2x32x64xf32, #tpu.memory_space<vmem>>, vector<1x1x16xf32>,
        %get3A_1263 = vector.shape_cast %get3A_1262 : vector<1x1x16xf32> to vector<16xf32>
        %get3A_1264 = arith.constant 0 : i32
        %get3A_1265 = arith.index_cast %get3A_1264 : i32 to index
        %get3A_1266 = arith.index_cast %scan3A_1258 : i32 to index
        %get3A_1267 = arith.constant 16 : index
        %get3A_1268 = tpu.vector_load %arg9[%get3A_1265, %get3A_1266, %get3A_1267] {strides = array<i32>} : memref<2x32x64xf32, #tpu.memory_space<vmem>>, vector<1x1x16xf32>,
        %get3A_1269 = vector.shape_cast %get3A_1268 : vector<1x1x16xf32> to vector<16xf32>
        %get3A_1270 = arith.constant 0 : i32
        %get3A_1271 = arith.index_cast %get3A_1270 : i32 to index
        %get3A_1272 = arith.index_cast %scan3A_1258 : i32 to index
        %get3A_1273 = arith.constant 32 : index
        %get3A_1274 = tpu.vector_load %arg9[%get3A_1271, %get3A_1272, %get3A_1273] {strides = array<i32>} : memref<2x32x64xf32, #tpu.memory_space<vmem>>, vector<1x1x16xf32>,
        %get3A_1275 = vector.shape_cast %get3A_1274 : vector<1x1x16xf32> to vector<16xf32>
        %get3A_1276 = arith.constant 0 : i32
        %get3A_1277 = arith.index_cast %get3A_1276 : i32 to index
        %get3A_1278 = arith.index_cast %scan3A_1258 : i32 to index
        %get3A_1279 = arith.constant 48 : index
        %get3A_1280 = tpu.vector_load %arg9[%get3A_1277, %get3A_1278, %get3A_1279] {strides = array<i32>} : memref<2x32x64xf32, #tpu.memory_space<vmem>>, vector<1x1x16xf32>,
        %get3A_1281 = vector.shape_cast %get3A_1280 : vector<1x1x16xf32> to vector<16xf32>
        %neg3A = arith.constant 0.000000e+00 : f32
        %neg3A_1282 = vector.broadcast %neg3A : f32 to vector<16xf32>
        %neg3A_1283 = arith.subf %neg3A_1282, %get3A_1263 : vector<16xf32>
        %neg3A_1284 = arith.constant 0.000000e+00 : f32
        %neg3A_1285 = vector.broadcast %neg3A_1284 : f32 to vector<16xf32>
        %neg3A_1286 = arith.subf %neg3A_1285, %get3A_1269 : vector<16xf32>
        %neg3A_1287 = arith.constant 0.000000e+00 : f32
        %neg3A_1288 = vector.broadcast %neg3A_1287 : f32 to vector<16xf32>
        %neg3A_1289 = arith.subf %neg3A_1288, %get3A_1275 : vector<16xf32>
        %neg3A_1290 = arith.constant 0.000000e+00 : f32
        %neg3A_1291 = vector.broadcast %neg3A_1290 : f32 to vector<16xf32>
        %neg3A_1292 = arith.subf %neg3A_1291, %get3A_1281 : vector<16xf32>
        %get3A_1293 = arith.constant 0 : i32
        %get3A_1294 = arith.constant 0 : i32
        %get3A_1295 = arith.index_cast %get3A_1293 : i32 to index
        %get3A_1296 = arith.index_cast %get3A_1294 : i32 to index
        %get3A_1297 = arith.index_cast %scan3A_1258 : i32 to index
        %get3A_1298 = arith.constant 0 : index
        %get3A_1299 = tpu.vector_load %arg10[%get3A_1295, %get3A_1296, %get3A_1297, %get3A_1298] {strides = array<i32>} : memref<2x21x32x64xf32, #tpu.memory_space<vmem>>, vector<1x1x1x16xf32>,
        %get3A_1300 = vector.shape_cast %get3A_1299 : vector<1x1x1x16xf32> to vector<16xf32>
        %mul3A_1301 = arith.mulf %get3A_1263, %get3A_1300 : vector<16xf32>
        %get3A_1302 = arith.constant 0 : i32
        %get3A_1303 = arith.constant 0 : i32
        %get3A_1304 = arith.index_cast %get3A_1302 : i32 to index
        %get3A_1305 = arith.index_cast %get3A_1303 : i32 to index
        %get3A_1306 = arith.index_cast %scan3A_1258 : i32 to index
        %get3A_1307 = arith.constant 16 : index
        %get3A_1308 = tpu.vector_load %arg10[%get3A_1304, %get3A_1305, %get3A_1306, %get3A_1307] {strides = array<i32>} : memref<2x21x32x64xf32, #tpu.memory_space<vmem>>, vector<1x1x1x16xf32>,
        %get3A_1309 = vector.shape_cast %get3A_1308 : vector<1x1x1x16xf32> to vector<16xf32>
        %mul3A_1310 = arith.mulf %get3A_1269, %get3A_1309 : vector<16xf32>
        %add3A_1311 = arith.addf %mul3A_1301, %mul3A_1310 : vector<16xf32>
        %get3A_1312 = arith.constant 0 : i32
        %get3A_1313 = arith.constant 0 : i32
        %get3A_1314 = arith.index_cast %get3A_1312 : i32 to index
        %get3A_1315 = arith.index_cast %get3A_1313 : i32 to index
        %get3A_1316 = arith.index_cast %scan3A_1258 : i32 to index
        %get3A_1317 = arith.constant 32 : index
        %get3A_1318 = tpu.vector_load %arg10[%get3A_1314, %get3A_1315, %get3A_1316, %get3A_1317] {strides = array<i32>} : memref<2x21x32x64xf32, #tpu.memory_space<vmem>>, vector<1x1x1x16xf32>,
        %get3A_1319 = vector.shape_cast %get3A_1318 : vector<1x1x1x16xf32> to vector<16xf32>
        %mul3A_1320 = arith.mulf %get3A_1275, %get3A_1319 : vector<16xf32>
        %add3A_1321 = arith.addf %add3A_1311, %mul3A_1320 : vector<16xf32>
        %get3A_1322 = arith.constant 0 : i32
        %get3A_1323 = arith.constant 0 : i32
        %get3A_1324 = arith.index_cast %get3A_1322 : i32 to index
        %get3A_1325 = arith.index_cast %get3A_1323 : i32 to index
        %get3A_1326 = arith.index_cast %scan3A_1258 : i32 to index
        %get3A_1327 = arith.constant 48 : index
        %get3A_1328 = tpu.vector_load %arg10[%get3A_1324, %get3A_1325, %get3A_1326, %get3A_1327] {strides = array<i32>} : memref<2x21x32x64xf32, #tpu.memory_space<vmem>>, vector<1x1x1x16xf32>,
        %get3A_1329 = vector.shape_cast %get3A_1328 : vector<1x1x1x16xf32> to vector<16xf32>
        %mul3A_1330 = arith.mulf %get3A_1281, %get3A_1329 : vector<16xf32>
        %add3A_1331 = arith.addf %add3A_1321, %mul3A_1330 : vector<16xf32>
        %get3A_1332 = arith.constant 0 : i32
        %get3A_1333 = arith.constant 1 : i32
        %get3A_1334 = arith.index_cast %get3A_1332 : i32 to index
        %get3A_1335 = arith.index_cast %get3A_1333 : i32 to index
        %get3A_1336 = arith.index_cast %scan3A_1258 : i32 to index
        %get3A_1337 = arith.constant 0 : index
        %get3A_1338 = tpu.vector_load %arg10[%get3A_1334, %get3A_1335, %get3A_1336, %get3A_1337] {strides = array<i32>} : memref<2x21x32x64xf32, #tpu.memory_space<vmem>>, vector<1x1x1x16xf32>,
        %get3A_1339 = vector.shape_cast %get3A_1338 : vector<1x1x1x16xf32> to vector<16xf32>
        %mul3A_1340 = arith.mulf %neg3A_1283, %get3A_1339 : vector<16xf32>
        %get3A_1341 = arith.constant 0 : i32
        %get3A_1342 = arith.constant 1 : i32
        %get3A_1343 = arith.index_cast %get3A_1341 : i32 to index
        %get3A_1344 = arith.index_cast %get3A_1342 : i32 to index
        %get3A_1345 = arith.index_cast %scan3A_1258 : i32 to index
        %get3A_1346 = arith.constant 16 : index
        %get3A_1347 = tpu.vector_load %arg10[%get3A_1343, %get3A_1344, %get3A_1345, %get3A_1346] {strides = array<i32>} : memref<2x21x32x64xf32, #tpu.memory_space<vmem>>, vector<1x1x1x16xf32>,
        %get3A_1348 = vector.shape_cast %get3A_1347 : vector<1x1x1x16xf32> to vector<16xf32>
        %mul3A_1349 = arith.mulf %neg3A_1286, %get3A_1348 : vector<16xf32>
        %add3A_1350 = arith.addf %mul3A_1340, %mul3A_1349 : vector<16xf32>
        %get3A_1351 = arith.constant 0 : i32
        %get3A_1352 = arith.constant 1 : i32
        %get3A_1353 = arith.index_cast %get3A_1351 : i32 to index
        %get3A_1354 = arith.index_cast %get3A_1352 : i32 to index
        %get3A_1355 = arith.index_cast %scan3A_1258 : i32 to index
        %get3A_1356 = arith.constant 32 : index
        %get3A_1357 = tpu.vector_load %arg10[%get3A_1353, %get3A_1354, %get3A_1355, %get3A_1356] {strides = array<i32>} : memref<2x21x32x64xf32, #tpu.memory_space<vmem>>, vector<1x1x1x16xf32>,
        %get3A_1358 = vector.shape_cast %get3A_1357 : vector<1x1x1x16xf32> to vector<16xf32>
        %mul3A_1359 = arith.mulf %neg3A_1289, %get3A_1358 : vector<16xf32>
        %add3A_1360 = arith.addf %add3A_1350, %mul3A_1359 : vector<16xf32>
        %get3A_1361 = arith.constant 0 : i32
        %get3A_1362 = arith.constant 1 : i32
        %get3A_1363 = arith.index_cast %get3A_1361 : i32 to index
        %get3A_1364 = arith.index_cast %get3A_1362 : i32 to index
        %get3A_1365 = arith.index_cast %scan3A_1258 : i32 to index
        %get3A_1366 = arith.constant 48 : index
        %get3A_1367 = tpu.vector_load %arg10[%get3A_1363, %get3A_1364, %get3A_1365, %get3A_1366] {strides = array<i32>} : memref<2x21x32x64xf32, #tpu.memory_space<vmem>>, vector<1x1x1x16xf32>,
        %get3A_1368 = vector.shape_cast %get3A_1367 : vector<1x1x1x16xf32> to vector<16xf32>
        %mul3A_1369 = arith.mulf %neg3A_1292, %get3A_1368 : vector<16xf32>
        %add3A_1370 = arith.addf %add3A_1360, %mul3A_1369 : vector<16xf32>
        %get3A_1371 = arith.constant 0 : i32
        %get3A_1372 = arith.constant 2 : i32
        %get3A_1373 = arith.index_cast %get3A_1371 : i32 to index
        %get3A_1374 = arith.index_cast %get3A_1372 : i32 to index
        %get3A_1375 = arith.index_cast %scan3A_1258 : i32 to index
        %get3A_1376 = arith.constant 0 : index
        %get3A_1377 = tpu.vector_load %arg10[%get3A_1373, %get3A_1374, %get3A_1375, %get3A_1376] {strides = array<i32>} : memref<2x21x32x64xf32, #tpu.memory_space<vmem>>, vector<1x1x1x16xf32>,
        %get3A_1378 = vector.shape_cast %get3A_1377 : vector<1x1x1x16xf32> to vector<16xf32>
        %mul3A_1379 = arith.mulf %neg3A_1283, %get3A_1378 : vector<16xf32>
        %get3A_1380 = arith.constant 0 : i32
        %get3A_1381 = arith.constant 2 : i32
        %get3A_1382 = arith.index_cast %get3A_1380 : i32 to index
        %get3A_1383 = arith.index_cast %get3A_1381 : i32 to index
        %get3A_1384 = arith.index_cast %scan3A_1258 : i32 to index
        %get3A_1385 = arith.constant 16 : index
        %get3A_1386 = tpu.vector_load %arg10[%get3A_1382, %get3A_1383, %get3A_1384, %get3A_1385] {strides = array<i32>} : memref<2x21x32x64xf32, #tpu.memory_space<vmem>>, vector<1x1x1x16xf32>,
        %get3A_1387 = vector.shape_cast %get3A_1386 : vector<1x1x1x16xf32> to vector<16xf32>
        %mul3A_1388 = arith.mulf %neg3A_1286, %get3A_1387 : vector<16xf32>
        %add3A_1389 = arith.addf %mul3A_1379, %mul3A_1388 : vector<16xf32>
        %get3A_1390 = arith.constant 0 : i32
        %get3A_1391 = arith.constant 2 : i32
        %get3A_1392 = arith.index_cast %get3A_1390 : i32 to index
        %get3A_1393 = arith.index_cast %get3A_1391 : i32 to index
        %get3A_1394 = arith.index_cast %scan3A_1258 : i32 to index
        %get3A_1395 = arith.constant 32 : index
        %get3A_1396 = tpu.vector_load %arg10[%get3A_1392, %get3A_1393, %get3A_1394, %get3A_1395] {strides = array<i32>} : memref<2x21x32x64xf32, #tpu.memory_space<vmem>>, vector<1x1x1x16xf32>,
        %get3A_1397 = vector.shape_cast %get3A_1396 : vector<1x1x1x16xf32> to vector<16xf32>
        %mul3A_1398 = arith.mulf %neg3A_1289, %get3A_1397 : vector<16xf32>
        %add3A_1399 = arith.addf %add3A_1389, %mul3A_1398 : vector<16xf32>
        %get3A_1400 = arith.constant 0 : i32
        %get3A_1401 = arith.constant 2 : i32
        %get3A_1402 = arith.index_cast %get3A_1400 : i32 to index
        %get3A_1403 = arith.index_cast %get3A_1401 : i32 to index
        %get3A_1404 = arith.index_cast %scan3A_1258 : i32 to index
        %get3A_1405 = arith.constant 48 : index
        %get3A_1406 = tpu.vector_load %arg10[%get3A_1402, %get3A_1403, %get3A_1404, %get3A_1405] {strides = array<i32>} : memref<2x21x32x64xf32, #tpu.memory_space<vmem>>, vector<1x1x1x16xf32>,
        %get3A_1407 = vector.shape_cast %get3A_1406 : vector<1x1x1x16xf32> to vector<16xf32>
        %mul3A_1408 = arith.mulf %neg3A_1292, %get3A_1407 : vector<16xf32>
        %add3A_1409 = arith.addf %add3A_1399, %mul3A_1408 : vector<16xf32>
        %get3A_1410 = arith.constant 0 : i32
        %get3A_1411 = arith.constant 3 : i32
        %get3A_1412 = arith.index_cast %get3A_1410 : i32 to index
        %get3A_1413 = arith.index_cast %get3A_1411 : i32 to index
        %get3A_1414 = arith.index_cast %scan3A_1258 : i32 to index
        %get3A_1415 = arith.constant 0 : index
        %get3A_1416 = tpu.vector_load %arg10[%get3A_1412, %get3A_1413, %get3A_1414, %get3A_1415] {strides = array<i32>} : memref<2x21x32x64xf32, #tpu.memory_space<vmem>>, vector<1x1x1x16xf32>,
        %get3A_1417 = vector.shape_cast %get3A_1416 : vector<1x1x1x16xf32> to vector<16xf32>
        %mul3A_1418 = arith.mulf %neg3A_1283, %get3A_1417 : vector<16xf32>
        %get3A_1419 = arith.constant 0 : i32
        %get3A_1420 = arith.constant 3 : i32
        %get3A_1421 = arith.index_cast %get3A_1419 : i32 to index
        %get3A_1422 = arith.index_cast %get3A_1420 : i32 to index
        %get3A_1423 = arith.index_cast %scan3A_1258 : i32 to index
        %get3A_1424 = arith.constant 16 : index
        %get3A_1425 = tpu.vector_load %arg10[%get3A_1421, %get3A_1422, %get3A_1423, %get3A_1424] {strides = array<i32>} : memref<2x21x32x64xf32, #tpu.memory_space<vmem>>, vector<1x1x1x16xf32>,
        %get3A_1426 = vector.shape_cast %get3A_1425 : vector<1x1x1x16xf32> to vector<16xf32>
        %mul3A_1427 = arith.mulf %neg3A_1286, %get3A_1426 : vector<16xf32>
        %add3A_1428 = arith.addf %mul3A_1418, %mul3A_1427 : vector<16xf32>
        %get3A_1429 = arith.constant 0 : i32
        %get3A_1430 = arith.constant 3 : i32
        %get3A_1431 = arith.index_cast %get3A_1429 : i32 to index
        %get3A_1432 = arith.index_cast %get3A_1430 : i32 to index
        %get3A_1433 = arith.index_cast %scan3A_1258 : i32 to index
        %get3A_1434 = arith.constant 32 : index
        %get3A_1435 = tpu.vector_load %arg10[%get3A_1431, %get3A_1432, %get3A_1433, %get3A_1434] {strides = array<i32>} : memref<2x21x32x64xf32, #tpu.memory_space<vmem>>, vector<1x1x1x16xf32>,
        %get3A_1436 = vector.shape_cast %get3A_1435 : vector<1x1x1x16xf32> to vector<16xf32>
        %mul3A_1437 = arith.mulf %neg3A_1289, %get3A_1436 : vector<16xf32>
        %add3A_1438 = arith.addf %add3A_1428, %mul3A_1437 : vector<16xf32>
        %get3A_1439 = arith.constant 0 : i32
        %get3A_1440 = arith.constant 3 : i32
        %get3A_1441 = arith.index_cast %get3A_1439 : i32 to index
        %get3A_1442 = arith.index_cast %get3A_1440 : i32 to index
        %get3A_1443 = arith.index_cast %scan3A_1258 : i32 to index
        %get3A_1444 = arith.constant 48 : index
        %get3A_1445 = tpu.vector_load %arg10[%get3A_1441, %get3A_1442, %get3A_1443, %get3A_1444] {strides = array<i32>} : memref<2x21x32x64xf32, #tpu.memory_space<vmem>>, vector<1x1x1x16xf32>,
        %get3A_1446 = vector.shape_cast %get3A_1445 : vector<1x1x1x16xf32> to vector<16xf32>
        %mul3A_1447 = arith.mulf %neg3A_1292, %get3A_1446 : vector<16xf32>
        %add3A_1448 = arith.addf %add3A_1438, %mul3A_1447 : vector<16xf32>
        %get3A_1449 = arith.constant 0 : i32
        %get3A_1450 = arith.constant 4 : i32
        %get3A_1451 = arith.index_cast %get3A_1449 : i32 to index
        %get3A_1452 = arith.index_cast %get3A_1450 : i32 to index
        %get3A_1453 = arith.index_cast %scan3A_1258 : i32 to index
        %get3A_1454 = arith.constant 0 : index
        %get3A_1455 = tpu.vector_load %arg10[%get3A_1451, %get3A_1452, %get3A_1453, %get3A_1454] {strides = array<i32>} : memref<2x21x32x64xf32, #tpu.memory_space<vmem>>, vector<1x1x1x16xf32>,
        %get3A_1456 = vector.shape_cast %get3A_1455 : vector<1x1x1x16xf32> to vector<16xf32>
        %mul3A_1457 = arith.mulf %neg3A_1283, %get3A_1456 : vector<16xf32>
        %get3A_1458 = arith.constant 0 : i32
        %get3A_1459 = arith.constant 4 : i32
        %get3A_1460 = arith.index_cast %get3A_1458 : i32 to index
        %get3A_1461 = arith.index_cast %get3A_1459 : i32 to index
        %get3A_1462 = arith.index_cast %scan3A_1258 : i32 to index
        %get3A_1463 = arith.constant 16 : index
        %get3A_1464 = tpu.vector_load %arg10[%get3A_1460, %get3A_1461, %get3A_1462, %get3A_1463] {strides = array<i32>} : memref<2x21x32x64xf32, #tpu.memory_space<vmem>>, vector<1x1x1x16xf32>,
        %get3A_1465 = vector.shape_cast %get3A_1464 : vector<1x1x1x16xf32> to vector<16xf32>
        %mul3A_1466 = arith.mulf %neg3A_1286, %get3A_1465 : vector<16xf32>
        %add3A_1467 = arith.addf %mul3A_1457, %mul3A_1466 : vector<16xf32>
        %get3A_1468 = arith.constant 0 : i32
        %get3A_1469 = arith.constant 4 : i32
        %get3A_1470 = arith.index_cast %get3A_1468 : i32 to index
        %get3A_1471 = arith.index_cast %get3A_1469 : i32 to index
        %get3A_1472 = arith.index_cast %scan3A_1258 : i32 to index
        %get3A_1473 = arith.constant 32 : index
        %get3A_1474 = tpu.vector_load %arg10[%get3A_1470, %get3A_1471, %get3A_1472, %get3A_1473] {strides = array<i32>} : memref<2x21x32x64xf32, #tpu.memory_space<vmem>>, vector<1x1x1x16xf32>,
        %get3A_1475 = vector.shape_cast %get3A_1474 : vector<1x1x1x16xf32> to vector<16xf32>
        %mul3A_1476 = arith.mulf %neg3A_1289, %get3A_1475 : vector<16xf32>
        %add3A_1477 = arith.addf %add3A_1467, %mul3A_1476 : vector<16xf32>
        %get3A_1478 = arith.constant 0 : i32
        %get3A_1479 = arith.constant 4 : i32
        %get3A_1480 = arith.index_cast %get3A_1478 : i32 to index
        %get3A_1481 = arith.index_cast %get3A_1479 : i32 to index
        %get3A_1482 = arith.index_cast %scan3A_1258 : i32 to index
        %get3A_1483 = arith.constant 48 : index
        %get3A_1484 = tpu.vector_load %arg10[%get3A_1480, %get3A_1481, %get3A_1482, %get3A_1483] {strides = array<i32>} : memref<2x21x32x64xf32, #tpu.memory_space<vmem>>, vector<1x1x1x16xf32>,
        %get3A_1485 = vector.shape_cast %get3A_1484 : vector<1x1x1x16xf32> to vector<16xf32>
        %mul3A_1486 = arith.mulf %neg3A_1292, %get3A_1485 : vector<16xf32>
        %add3A_1487 = arith.addf %add3A_1477, %mul3A_1486 : vector<16xf32>
        %get3A_1488 = arith.constant 0 : i32
        %get3A_1489 = arith.constant 5 : i32
        %get3A_1490 = arith.index_cast %get3A_1488 : i32 to index
        %get3A_1491 = arith.index_cast %get3A_1489 : i32 to index
        %get3A_1492 = arith.index_cast %scan3A_1258 : i32 to index
        %get3A_1493 = arith.constant 0 : index
        %get3A_1494 = tpu.vector_load %arg10[%get3A_1490, %get3A_1491, %get3A_1492, %get3A_1493] {strides = array<i32>} : memref<2x21x32x64xf32, #tpu.memory_space<vmem>>, vector<1x1x1x16xf32>,
        %get3A_1495 = vector.shape_cast %get3A_1494 : vector<1x1x1x16xf32> to vector<16xf32>
        %mul3A_1496 = arith.mulf %neg3A_1283, %get3A_1495 : vector<16xf32>
        %get3A_1497 = arith.constant 0 : i32
        %get3A_1498 = arith.constant 5 : i32
        %get3A_1499 = arith.index_cast %get3A_1497 : i32 to index
        %get3A_1500 = arith.index_cast %get3A_1498 : i32 to index
        %get3A_1501 = arith.index_cast %scan3A_1258 : i32 to index
        %get3A_1502 = arith.constant 16 : index
        %get3A_1503 = tpu.vector_load %arg10[%get3A_1499, %get3A_1500, %get3A_1501, %get3A_1502] {strides = array<i32>} : memref<2x21x32x64xf32, #tpu.memory_space<vmem>>, vector<1x1x1x16xf32>,
        %get3A_1504 = vector.shape_cast %get3A_1503 : vector<1x1x1x16xf32> to vector<16xf32>
        %mul3A_1505 = arith.mulf %neg3A_1286, %get3A_1504 : vector<16xf32>
        %add3A_1506 = arith.addf %mul3A_1496, %mul3A_1505 : vector<16xf32>
        %get3A_1507 = arith.constant 0 : i32
        %get3A_1508 = arith.constant 5 : i32
        %get3A_1509 = arith.index_cast %get3A_1507 : i32 to index
        %get3A_1510 = arith.index_cast %get3A_1508 : i32 to index
        %get3A_1511 = arith.index_cast %scan3A_1258 : i32 to index
        %get3A_1512 = arith.constant 32 : index
        %get3A_1513 = tpu.vector_load %arg10[%get3A_1509, %get3A_1510, %get3A_1511, %get3A_1512] {strides = array<i32>} : memref<2x21x32x64xf32, #tpu.memory_space<vmem>>, vector<1x1x1x16xf32>,
        %get3A_1514 = vector.shape_cast %get3A_1513 : vector<1x1x1x16xf32> to vector<16xf32>
        %mul3A_1515 = arith.mulf %neg3A_1289, %get3A_1514 : vector<16xf32>
        %add3A_1516 = arith.addf %add3A_1506, %mul3A_1515 : vector<16xf32>
        %get3A_1517 = arith.constant 0 : i32
        %get3A_1518 = arith.constant 5 : i32
        %get3A_1519 = arith.index_cast %get3A_1517 : i32 to index
        %get3A_1520 = arith.index_cast %get3A_1518 : i32 to index
        %get3A_1521 = arith.index_cast %scan3A_1258 : i32 to index
        %get3A_1522 = arith.constant 48 : index
        %get3A_1523 = tpu.vector_load %arg10[%get3A_1519, %get3A_1520, %get3A_1521, %get3A_1522] {strides = array<i32>} : memref<2x21x32x64xf32, #tpu.memory_space<vmem>>, vector<1x1x1x16xf32>,
        %get3A_1524 = vector.shape_cast %get3A_1523 : vector<1x1x1x16xf32> to vector<16xf32>
        %mul3A_1525 = arith.mulf %neg3A_1292, %get3A_1524 : vector<16xf32>
        %add3A_1526 = arith.addf %add3A_1516, %mul3A_1525 : vector<16xf32>
        %get3A_1527 = arith.constant 0 : i32
        %get3A_1528 = arith.constant 6 : i32
        %get3A_1529 = arith.index_cast %get3A_1527 : i32 to index
        %get3A_1530 = arith.index_cast %get3A_1528 : i32 to index
        %get3A_1531 = arith.index_cast %scan3A_1258 : i32 to index
        %get3A_1532 = arith.constant 0 : index
        %get3A_1533 = tpu.vector_load %arg10[%get3A_1529, %get3A_1530, %get3A_1531, %get3A_1532] {strides = array<i32>} : memref<2x21x32x64xf32, #tpu.memory_space<vmem>>, vector<1x1x1x16xf32>,
        %get3A_1534 = vector.shape_cast %get3A_1533 : vector<1x1x1x16xf32> to vector<16xf32>
        %mul3A_1535 = arith.mulf %neg3A_1283, %get3A_1534 : vector<16xf32>
        %get3A_1536 = arith.constant 0 : i32
        %get3A_1537 = arith.constant 6 : i32
        %get3A_1538 = arith.index_cast %get3A_1536 : i32 to index
        %get3A_1539 = arith.index_cast %get3A_1537 : i32 to index
        %get3A_1540 = arith.index_cast %scan3A_1258 : i32 to index
        %get3A_1541 = arith.constant 16 : index
        %get3A_1542 = tpu.vector_load %arg10[%get3A_1538, %get3A_1539, %get3A_1540, %get3A_1541] {strides = array<i32>} : memref<2x21x32x64xf32, #tpu.memory_space<vmem>>, vector<1x1x1x16xf32>,
        %get3A_1543 = vector.shape_cast %get3A_1542 : vector<1x1x1x16xf32> to vector<16xf32>
        %mul3A_1544 = arith.mulf %neg3A_1286, %get3A_1543 : vector<16xf32>
        %add3A_1545 = arith.addf %mul3A_1535, %mul3A_1544 : vector<16xf32>
        %get3A_1546 = arith.constant 0 : i32
        %get3A_1547 = arith.constant 6 : i32
        %get3A_1548 = arith.index_cast %get3A_1546 : i32 to index
        %get3A_1549 = arith.index_cast %get3A_1547 : i32 to index
        %get3A_1550 = arith.index_cast %scan3A_1258 : i32 to index
        %get3A_1551 = arith.constant 32 : index
        %get3A_1552 = tpu.vector_load %arg10[%get3A_1548, %get3A_1549, %get3A_1550, %get3A_1551] {strides = array<i32>} : memref<2x21x32x64xf32, #tpu.memory_space<vmem>>, vector<1x1x1x16xf32>,
        %get3A_1553 = vector.shape_cast %get3A_1552 : vector<1x1x1x16xf32> to vector<16xf32>
        %mul3A_1554 = arith.mulf %neg3A_1289, %get3A_1553 : vector<16xf32>
        %add3A_1555 = arith.addf %add3A_1545, %mul3A_1554 : vector<16xf32>
        %get3A_1556 = arith.constant 0 : i32
        %get3A_1557 = arith.constant 6 : i32
        %get3A_1558 = arith.index_cast %get3A_1556 : i32 to index
        %get3A_1559 = arith.index_cast %get3A_1557 : i32 to index
        %get3A_1560 = arith.index_cast %scan3A_1258 : i32 to index
        %get3A_1561 = arith.constant 48 : index
        %get3A_1562 = tpu.vector_load %arg10[%get3A_1558, %get3A_1559, %get3A_1560, %get3A_1561] {strides = array<i32>} : memref<2x21x32x64xf32, #tpu.memory_space<vmem>>, vector<1x1x1x16xf32>,
        %get3A_1563 = vector.shape_cast %get3A_1562 : vector<1x1x1x16xf32> to vector<16xf32>
        %mul3A_1564 = arith.mulf %neg3A_1292, %get3A_1563 : vector<16xf32>
        %add3A_1565 = arith.addf %add3A_1555, %mul3A_1564 : vector<16xf32>
        %get3A_1566 = arith.constant 0 : i32
        %get3A_1567 = arith.constant 7 : i32
        %get3A_1568 = arith.index_cast %get3A_1566 : i32 to index
        %get3A_1569 = arith.index_cast %get3A_1567 : i32 to index
        %get3A_1570 = arith.index_cast %scan3A_1258 : i32 to index
        %get3A_1571 = arith.constant 0 : index
        %get3A_1572 = tpu.vector_load %arg10[%get3A_1568, %get3A_1569, %get3A_1570, %get3A_1571] {strides = array<i32>} : memref<2x21x32x64xf32, #tpu.memory_space<vmem>>, vector<1x1x1x16xf32>,
        %get3A_1573 = vector.shape_cast %get3A_1572 : vector<1x1x1x16xf32> to vector<16xf32>
        %mul3A_1574 = arith.mulf %neg3A_1283, %get3A_1573 : vector<16xf32>
        %get3A_1575 = arith.constant 0 : i32
        %get3A_1576 = arith.constant 7 : i32
        %get3A_1577 = arith.index_cast %get3A_1575 : i32 to index
        %get3A_1578 = arith.index_cast %get3A_1576 : i32 to index
        %get3A_1579 = arith.index_cast %scan3A_1258 : i32 to index
        %get3A_1580 = arith.constant 16 : index
        %get3A_1581 = tpu.vector_load %arg10[%get3A_1577, %get3A_1578, %get3A_1579, %get3A_1580] {strides = array<i32>} : memref<2x21x32x64xf32, #tpu.memory_space<vmem>>, vector<1x1x1x16xf32>,
        %get3A_1582 = vector.shape_cast %get3A_1581 : vector<1x1x1x16xf32> to vector<16xf32>
        %mul3A_1583 = arith.mulf %neg3A_1286, %get3A_1582 : vector<16xf32>
        %add3A_1584 = arith.addf %mul3A_1574, %mul3A_1583 : vector<16xf32>
        %get3A_1585 = arith.constant 0 : i32
        %get3A_1586 = arith.constant 7 : i32
        %get3A_1587 = arith.index_cast %get3A_1585 : i32 to index
        %get3A_1588 = arith.index_cast %get3A_1586 : i32 to index
        %get3A_1589 = arith.index_cast %scan3A_1258 : i32 to index
        %get3A_1590 = arith.constant 32 : index
        %get3A_1591 = tpu.vector_load %arg10[%get3A_1587, %get3A_1588, %get3A_1589, %get3A_1590] {strides = array<i32>} : memref<2x21x32x64xf32, #tpu.memory_space<vmem>>, vector<1x1x1x16xf32>,
        %get3A_1592 = vector.shape_cast %get3A_1591 : vector<1x1x1x16xf32> to vector<16xf32>
        %mul3A_1593 = arith.mulf %neg3A_1289, %get3A_1592 : vector<16xf32>
        %add3A_1594 = arith.addf %add3A_1584, %mul3A_1593 : vector<16xf32>
        %get3A_1595 = arith.constant 0 : i32
        %get3A_1596 = arith.constant 7 : i32
        %get3A_1597 = arith.index_cast %get3A_1595 : i32 to index
        %get3A_1598 = arith.index_cast %get3A_1596 : i32 to index
        %get3A_1599 = arith.index_cast %scan3A_1258 : i32 to index
        %get3A_1600 = arith.constant 48 : index
        %get3A_1601 = tpu.vector_load %arg10[%get3A_1597, %get3A_1598, %get3A_1599, %get3A_1600] {strides = array<i32>} : memref<2x21x32x64xf32, #tpu.memory_space<vmem>>, vector<1x1x1x16xf32>,
        %get3A_1602 = vector.shape_cast %get3A_1601 : vector<1x1x1x16xf32> to vector<16xf32>
        %mul3A_1603 = arith.mulf %neg3A_1292, %get3A_1602 : vector<16xf32>
        %add3A_1604 = arith.addf %add3A_1594, %mul3A_1603 : vector<16xf32>
        %get3A_1605 = arith.constant 0 : i32
        %get3A_1606 = arith.constant 8 : i32
        %get3A_1607 = arith.index_cast %get3A_1605 : i32 to index
        %get3A_1608 = arith.index_cast %get3A_1606 : i32 to index
        %get3A_1609 = arith.index_cast %scan3A_1258 : i32 to index
        %get3A_1610 = arith.constant 0 : index
        %get3A_1611 = tpu.vector_load %arg10[%get3A_1607, %get3A_1608, %get3A_1609, %get3A_1610] {strides = array<i32>} : memref<2x21x32x64xf32, #tpu.memory_space<vmem>>, vector<1x1x1x16xf32>,
        %get3A_1612 = vector.shape_cast %get3A_1611 : vector<1x1x1x16xf32> to vector<16xf32>
        %mul3A_1613 = arith.mulf %neg3A_1283, %get3A_1612 : vector<16xf32>
        %get3A_1614 = arith.constant 0 : i32
        %get3A_1615 = arith.constant 8 : i32
        %get3A_1616 = arith.index_cast %get3A_1614 : i32 to index
        %get3A_1617 = arith.index_cast %get3A_1615 : i32 to index
        %get3A_1618 = arith.index_cast %scan3A_1258 : i32 to index
        %get3A_1619 = arith.constant 16 : index
        %get3A_1620 = tpu.vector_load %arg10[%get3A_1616, %get3A_1617, %get3A_1618, %get3A_1619] {strides = array<i32>} : memref<2x21x32x64xf32, #tpu.memory_space<vmem>>, vector<1x1x1x16xf32>,
        %get3A_1621 = vector.shape_cast %get3A_1620 : vector<1x1x1x16xf32> to vector<16xf32>
        %mul3A_1622 = arith.mulf %neg3A_1286, %get3A_1621 : vector<16xf32>
        %add3A_1623 = arith.addf %mul3A_1613, %mul3A_1622 : vector<16xf32>
        %get3A_1624 = arith.constant 0 : i32
        %get3A_1625 = arith.constant 8 : i32
        %get3A_1626 = arith.index_cast %get3A_1624 : i32 to index
        %get3A_1627 = arith.index_cast %get3A_1625 : i32 to index
        %get3A_1628 = arith.index_cast %scan3A_1258 : i32 to index
        %get3A_1629 = arith.constant 32 : index
        %get3A_1630 = tpu.vector_load %arg10[%get3A_1626, %get3A_1627, %get3A_1628, %get3A_1629] {strides = array<i32>} : memref<2x21x32x64xf32, #tpu.memory_space<vmem>>, vector<1x1x1x16xf32>,
        %get3A_1631 = vector.shape_cast %get3A_1630 : vector<1x1x1x16xf32> to vector<16xf32>
        %mul3A_1632 = arith.mulf %neg3A_1289, %get3A_1631 : vector<16xf32>
        %add3A_1633 = arith.addf %add3A_1623, %mul3A_1632 : vector<16xf32>
        %get3A_1634 = arith.constant 0 : i32
        %get3A_1635 = arith.constant 8 : i32
        %get3A_1636 = arith.index_cast %get3A_1634 : i32 to index
        %get3A_1637 = arith.index_cast %get3A_1635 : i32 to index
        %get3A_1638 = arith.index_cast %scan3A_1258 : i32 to index
        %get3A_1639 = arith.constant 48 : index
        %get3A_1640 = tpu.vector_load %arg10[%get3A_1636, %get3A_1637, %get3A_1638, %get3A_1639] {strides = array<i32>} : memref<2x21x32x64xf32, #tpu.memory_space<vmem>>, vector<1x1x1x16xf32>,
        %get3A_1641 = vector.shape_cast %get3A_1640 : vector<1x1x1x16xf32> to vector<16xf32>
        %mul3A_1642 = arith.mulf %neg3A_1292, %get3A_1641 : vector<16xf32>
        %add3A_1643 = arith.addf %add3A_1633, %mul3A_1642 : vector<16xf32>
        %get3A_1644 = arith.constant 0 : i32
        %get3A_1645 = arith.constant 9 : i32
        %get3A_1646 = arith.index_cast %get3A_1644 : i32 to index
        %get3A_1647 = arith.index_cast %get3A_1645 : i32 to index
        %get3A_1648 = arith.index_cast %scan3A_1258 : i32 to index
        %get3A_1649 = arith.constant 0 : index
        %get3A_1650 = tpu.vector_load %arg10[%get3A_1646, %get3A_1647, %get3A_1648, %get3A_1649] {strides = array<i32>} : memref<2x21x32x64xf32, #tpu.memory_space<vmem>>, vector<1x1x1x16xf32>,
        %get3A_1651 = vector.shape_cast %get3A_1650 : vector<1x1x1x16xf32> to vector<16xf32>
        %mul3A_1652 = arith.mulf %neg3A_1283, %get3A_1651 : vector<16xf32>
        %get3A_1653 = arith.constant 0 : i32
        %get3A_1654 = arith.constant 9 : i32
        %get3A_1655 = arith.index_cast %get3A_1653 : i32 to index
        %get3A_1656 = arith.index_cast %get3A_1654 : i32 to index
        %get3A_1657 = arith.index_cast %scan3A_1258 : i32 to index
        %get3A_1658 = arith.constant 16 : index
        %get3A_1659 = tpu.vector_load %arg10[%get3A_1655, %get3A_1656, %get3A_1657, %get3A_1658] {strides = array<i32>} : memref<2x21x32x64xf32, #tpu.memory_space<vmem>>, vector<1x1x1x16xf32>,
        %get3A_1660 = vector.shape_cast %get3A_1659 : vector<1x1x1x16xf32> to vector<16xf32>
        %mul3A_1661 = arith.mulf %neg3A_1286, %get3A_1660 : vector<16xf32>
        %add3A_1662 = arith.addf %mul3A_1652, %mul3A_1661 : vector<16xf32>
        %get3A_1663 = arith.constant 0 : i32
        %get3A_1664 = arith.constant 9 : i32
        %get3A_1665 = arith.index_cast %get3A_1663 : i32 to index
        %get3A_1666 = arith.index_cast %get3A_1664 : i32 to index
        %get3A_1667 = arith.index_cast %scan3A_1258 : i32 to index
        %get3A_1668 = arith.constant 32 : index
        %get3A_1669 = tpu.vector_load %arg10[%get3A_1665, %get3A_1666, %get3A_1667, %get3A_1668] {strides = array<i32>} : memref<2x21x32x64xf32, #tpu.memory_space<vmem>>, vector<1x1x1x16xf32>,
        %get3A_1670 = vector.shape_cast %get3A_1669 : vector<1x1x1x16xf32> to vector<16xf32>
        %mul3A_1671 = arith.mulf %neg3A_1289, %get3A_1670 : vector<16xf32>
        %add3A_1672 = arith.addf %add3A_1662, %mul3A_1671 : vector<16xf32>
        %get3A_1673 = arith.constant 0 : i32
        %get3A_1674 = arith.constant 9 : i32
        %get3A_1675 = arith.index_cast %get3A_1673 : i32 to index
        %get3A_1676 = arith.index_cast %get3A_1674 : i32 to index
        %get3A_1677 = arith.index_cast %scan3A_1258 : i32 to index
        %get3A_1678 = arith.constant 48 : index
        %get3A_1679 = tpu.vector_load %arg10[%get3A_1675, %get3A_1676, %get3A_1677, %get3A_1678] {strides = array<i32>} : memref<2x21x32x64xf32, #tpu.memory_space<vmem>>, vector<1x1x1x16xf32>,
        %get3A_1680 = vector.shape_cast %get3A_1679 : vector<1x1x1x16xf32> to vector<16xf32>
        %mul3A_1681 = arith.mulf %neg3A_1292, %get3A_1680 : vector<16xf32>
        %add3A_1682 = arith.addf %add3A_1672, %mul3A_1681 : vector<16xf32>
        %get3A_1683 = arith.constant 0 : i32
        %get3A_1684 = arith.constant 10 : i32
        %get3A_1685 = arith.index_cast %get3A_1683 : i32 to index
        %get3A_1686 = arith.index_cast %get3A_1684 : i32 to index
        %get3A_1687 = arith.index_cast %scan3A_1258 : i32 to index
        %get3A_1688 = arith.constant 0 : index
        %get3A_1689 = tpu.vector_load %arg10[%get3A_1685, %get3A_1686, %get3A_1687, %get3A_1688] {strides = array<i32>} : memref<2x21x32x64xf32, #tpu.memory_space<vmem>>, vector<1x1x1x16xf32>,
        %get3A_1690 = vector.shape_cast %get3A_1689 : vector<1x1x1x16xf32> to vector<16xf32>
        %mul3A_1691 = arith.mulf %neg3A_1283, %get3A_1690 : vector<16xf32>
        %get3A_1692 = arith.constant 0 : i32
        %get3A_1693 = arith.constant 10 : i32
        %get3A_1694 = arith.index_cast %get3A_1692 : i32 to index
        %get3A_1695 = arith.index_cast %get3A_1693 : i32 to index
        %get3A_1696 = arith.index_cast %scan3A_1258 : i32 to index
        %get3A_1697 = arith.constant 16 : index
        %get3A_1698 = tpu.vector_load %arg10[%get3A_1694, %get3A_1695, %get3A_1696, %get3A_1697] {strides = array<i32>} : memref<2x21x32x64xf32, #tpu.memory_space<vmem>>, vector<1x1x1x16xf32>,
        %get3A_1699 = vector.shape_cast %get3A_1698 : vector<1x1x1x16xf32> to vector<16xf32>
        %mul3A_1700 = arith.mulf %neg3A_1286, %get3A_1699 : vector<16xf32>
        %add3A_1701 = arith.addf %mul3A_1691, %mul3A_1700 : vector<16xf32>
        %get3A_1702 = arith.constant 0 : i32
        %get3A_1703 = arith.constant 10 : i32
        %get3A_1704 = arith.index_cast %get3A_1702 : i32 to index
        %get3A_1705 = arith.index_cast %get3A_1703 : i32 to index
        %get3A_1706 = arith.index_cast %scan3A_1258 : i32 to index
        %get3A_1707 = arith.constant 32 : index
        %get3A_1708 = tpu.vector_load %arg10[%get3A_1704, %get3A_1705, %get3A_1706, %get3A_1707] {strides = array<i32>} : memref<2x21x32x64xf32, #tpu.memory_space<vmem>>, vector<1x1x1x16xf32>,
        %get3A_1709 = vector.shape_cast %get3A_1708 : vector<1x1x1x16xf32> to vector<16xf32>
        %mul3A_1710 = arith.mulf %neg3A_1289, %get3A_1709 : vector<16xf32>
        %add3A_1711 = arith.addf %add3A_1701, %mul3A_1710 : vector<16xf32>
        %get3A_1712 = arith.constant 0 : i32
        %get3A_1713 = arith.constant 10 : i32
        %get3A_1714 = arith.index_cast %get3A_1712 : i32 to index
        %get3A_1715 = arith.index_cast %get3A_1713 : i32 to index
        %get3A_1716 = arith.index_cast %scan3A_1258 : i32 to index
        %get3A_1717 = arith.constant 48 : index
        %get3A_1718 = tpu.vector_load %arg10[%get3A_1714, %get3A_1715, %get3A_1716, %get3A_1717] {strides = array<i32>} : memref<2x21x32x64xf32, #tpu.memory_space<vmem>>, vector<1x1x1x16xf32>,
        %get3A_1719 = vector.shape_cast %get3A_1718 : vector<1x1x1x16xf32> to vector<16xf32>
        %mul3A_1720 = arith.mulf %neg3A_1292, %get3A_1719 : vector<16xf32>
        %add3A_1721 = arith.addf %add3A_1711, %mul3A_1720 : vector<16xf32>
        %get3A_1722 = arith.constant 0 : i32
        %get3A_1723 = arith.constant 11 : i32
        %get3A_1724 = arith.index_cast %get3A_1722 : i32 to index
        %get3A_1725 = arith.index_cast %get3A_1723 : i32 to index
        %get3A_1726 = arith.index_cast %scan3A_1258 : i32 to index
        %get3A_1727 = arith.constant 0 : index
        %get3A_1728 = tpu.vector_load %arg10[%get3A_1724, %get3A_1725, %get3A_1726, %get3A_1727] {strides = array<i32>} : memref<2x21x32x64xf32, #tpu.memory_space<vmem>>, vector<1x1x1x16xf32>,
        %get3A_1729 = vector.shape_cast %get3A_1728 : vector<1x1x1x16xf32> to vector<16xf32>
        %mul3A_1730 = arith.mulf %neg3A_1283, %get3A_1729 : vector<16xf32>
        %get3A_1731 = arith.constant 0 : i32
        %get3A_1732 = arith.constant 11 : i32
        %get3A_1733 = arith.index_cast %get3A_1731 : i32 to index
        %get3A_1734 = arith.index_cast %get3A_1732 : i32 to index
        %get3A_1735 = arith.index_cast %scan3A_1258 : i32 to index
        %get3A_1736 = arith.constant 16 : index
        %get3A_1737 = tpu.vector_load %arg10[%get3A_1733, %get3A_1734, %get3A_1735, %get3A_1736] {strides = array<i32>} : memref<2x21x32x64xf32, #tpu.memory_space<vmem>>, vector<1x1x1x16xf32>,
        %get3A_1738 = vector.shape_cast %get3A_1737 : vector<1x1x1x16xf32> to vector<16xf32>
        %mul3A_1739 = arith.mulf %neg3A_1286, %get3A_1738 : vector<16xf32>
        %add3A_1740 = arith.addf %mul3A_1730, %mul3A_1739 : vector<16xf32>
        %get3A_1741 = arith.constant 0 : i32
        %get3A_1742 = arith.constant 11 : i32
        %get3A_1743 = arith.index_cast %get3A_1741 : i32 to index
        %get3A_1744 = arith.index_cast %get3A_1742 : i32 to index
        %get3A_1745 = arith.index_cast %scan3A_1258 : i32 to index
        %get3A_1746 = arith.constant 32 : index
        %get3A_1747 = tpu.vector_load %arg10[%get3A_1743, %get3A_1744, %get3A_1745, %get3A_1746] {strides = array<i32>} : memref<2x21x32x64xf32, #tpu.memory_space<vmem>>, vector<1x1x1x16xf32>,
        %get3A_1748 = vector.shape_cast %get3A_1747 : vector<1x1x1x16xf32> to vector<16xf32>
        %mul3A_1749 = arith.mulf %neg3A_1289, %get3A_1748 : vector<16xf32>
        %add3A_1750 = arith.addf %add3A_1740, %mul3A_1749 : vector<16xf32>
        %get3A_1751 = arith.constant 0 : i32
        %get3A_1752 = arith.constant 11 : i32
        %get3A_1753 = arith.index_cast %get3A_1751 : i32 to index
        %get3A_1754 = arith.index_cast %get3A_1752 : i32 to index
        %get3A_1755 = arith.index_cast %scan3A_1258 : i32 to index
        %get3A_1756 = arith.constant 48 : index
        %get3A_1757 = tpu.vector_load %arg10[%get3A_1753, %get3A_1754, %get3A_1755, %get3A_1756] {strides = array<i32>} : memref<2x21x32x64xf32, #tpu.memory_space<vmem>>, vector<1x1x1x16xf32>,
        %get3A_1758 = vector.shape_cast %get3A_1757 : vector<1x1x1x16xf32> to vector<16xf32>
        %mul3A_1759 = arith.mulf %neg3A_1292, %get3A_1758 : vector<16xf32>
        %add3A_1760 = arith.addf %add3A_1750, %mul3A_1759 : vector<16xf32>
        %get3A_1761 = arith.constant 0 : i32
        %get3A_1762 = arith.constant 12 : i32
        %get3A_1763 = arith.index_cast %get3A_1761 : i32 to index
        %get3A_1764 = arith.index_cast %get3A_1762 : i32 to index
        %get3A_1765 = arith.index_cast %scan3A_1258 : i32 to index
        %get3A_1766 = arith.constant 0 : index
        %get3A_1767 = tpu.vector_load %arg10[%get3A_1763, %get3A_1764, %get3A_1765, %get3A_1766] {strides = array<i32>} : memref<2x21x32x64xf32, #tpu.memory_space<vmem>>, vector<1x1x1x16xf32>,
        %get3A_1768 = vector.shape_cast %get3A_1767 : vector<1x1x1x16xf32> to vector<16xf32>
        %mul3A_1769 = arith.mulf %neg3A_1283, %get3A_1768 : vector<16xf32>
        %get3A_1770 = arith.constant 0 : i32
        %get3A_1771 = arith.constant 12 : i32
        %get3A_1772 = arith.index_cast %get3A_1770 : i32 to index
        %get3A_1773 = arith.index_cast %get3A_1771 : i32 to index
        %get3A_1774 = arith.index_cast %scan3A_1258 : i32 to index
        %get3A_1775 = arith.constant 16 : index
        %get3A_1776 = tpu.vector_load %arg10[%get3A_1772, %get3A_1773, %get3A_1774, %get3A_1775] {strides = array<i32>} : memref<2x21x32x64xf32, #tpu.memory_space<vmem>>, vector<1x1x1x16xf32>,
        %get3A_1777 = vector.shape_cast %get3A_1776 : vector<1x1x1x16xf32> to vector<16xf32>
        %mul3A_1778 = arith.mulf %neg3A_1286, %get3A_1777 : vector<16xf32>
        %add3A_1779 = arith.addf %mul3A_1769, %mul3A_1778 : vector<16xf32>
        %get3A_1780 = arith.constant 0 : i32
        %get3A_1781 = arith.constant 12 : i32
        %get3A_1782 = arith.index_cast %get3A_1780 : i32 to index
        %get3A_1783 = arith.index_cast %get3A_1781 : i32 to index
        %get3A_1784 = arith.index_cast %scan3A_1258 : i32 to index
        %get3A_1785 = arith.constant 32 : index
        %get3A_1786 = tpu.vector_load %arg10[%get3A_1782, %get3A_1783, %get3A_1784, %get3A_1785] {strides = array<i32>} : memref<2x21x32x64xf32, #tpu.memory_space<vmem>>, vector<1x1x1x16xf32>,
        %get3A_1787 = vector.shape_cast %get3A_1786 : vector<1x1x1x16xf32> to vector<16xf32>
        %mul3A_1788 = arith.mulf %neg3A_1289, %get3A_1787 : vector<16xf32>
        %add3A_1789 = arith.addf %add3A_1779, %mul3A_1788 : vector<16xf32>
        %get3A_1790 = arith.constant 0 : i32
        %get3A_1791 = arith.constant 12 : i32
        %get3A_1792 = arith.index_cast %get3A_1790 : i32 to index
        %get3A_1793 = arith.index_cast %get3A_1791 : i32 to index
        %get3A_1794 = arith.index_cast %scan3A_1258 : i32 to index
        %get3A_1795 = arith.constant 48 : index
        %get3A_1796 = tpu.vector_load %arg10[%get3A_1792, %get3A_1793, %get3A_1794, %get3A_1795] {strides = array<i32>} : memref<2x21x32x64xf32, #tpu.memory_space<vmem>>, vector<1x1x1x16xf32>,
        %get3A_1797 = vector.shape_cast %get3A_1796 : vector<1x1x1x16xf32> to vector<16xf32>
        %mul3A_1798 = arith.mulf %neg3A_1292, %get3A_1797 : vector<16xf32>
        %add3A_1799 = arith.addf %add3A_1789, %mul3A_1798 : vector<16xf32>
        %get3A_1800 = arith.constant 0 : i32
        %get3A_1801 = arith.constant 13 : i32
        %get3A_1802 = arith.index_cast %get3A_1800 : i32 to index
        %get3A_1803 = arith.index_cast %get3A_1801 : i32 to index
        %get3A_1804 = arith.index_cast %scan3A_1258 : i32 to index
        %get3A_1805 = arith.constant 0 : index
        %get3A_1806 = tpu.vector_load %arg10[%get3A_1802, %get3A_1803, %get3A_1804, %get3A_1805] {strides = array<i32>} : memref<2x21x32x64xf32, #tpu.memory_space<vmem>>, vector<1x1x1x16xf32>,
        %get3A_1807 = vector.shape_cast %get3A_1806 : vector<1x1x1x16xf32> to vector<16xf32>
        %mul3A_1808 = arith.mulf %neg3A_1283, %get3A_1807 : vector<16xf32>
        %get3A_1809 = arith.constant 0 : i32
        %get3A_1810 = arith.constant 13 : i32
        %get3A_1811 = arith.index_cast %get3A_1809 : i32 to index
        %get3A_1812 = arith.index_cast %get3A_1810 : i32 to index
        %get3A_1813 = arith.index_cast %scan3A_1258 : i32 to index
        %get3A_1814 = arith.constant 16 : index
        %get3A_1815 = tpu.vector_load %arg10[%get3A_1811, %get3A_1812, %get3A_1813, %get3A_1814] {strides = array<i32>} : memref<2x21x32x64xf32, #tpu.memory_space<vmem>>, vector<1x1x1x16xf32>,
        %get3A_1816 = vector.shape_cast %get3A_1815 : vector<1x1x1x16xf32> to vector<16xf32>
        %mul3A_1817 = arith.mulf %neg3A_1286, %get3A_1816 : vector<16xf32>
        %add3A_1818 = arith.addf %mul3A_1808, %mul3A_1817 : vector<16xf32>
        %get3A_1819 = arith.constant 0 : i32
        %get3A_1820 = arith.constant 13 : i32
        %get3A_1821 = arith.index_cast %get3A_1819 : i32 to index
        %get3A_1822 = arith.index_cast %get3A_1820 : i32 to index
        %get3A_1823 = arith.index_cast %scan3A_1258 : i32 to index
        %get3A_1824 = arith.constant 32 : index
        %get3A_1825 = tpu.vector_load %arg10[%get3A_1821, %get3A_1822, %get3A_1823, %get3A_1824] {strides = array<i32>} : memref<2x21x32x64xf32, #tpu.memory_space<vmem>>, vector<1x1x1x16xf32>,
        %get3A_1826 = vector.shape_cast %get3A_1825 : vector<1x1x1x16xf32> to vector<16xf32>
        %mul3A_1827 = arith.mulf %neg3A_1289, %get3A_1826 : vector<16xf32>
        %add3A_1828 = arith.addf %add3A_1818, %mul3A_1827 : vector<16xf32>
        %get3A_1829 = arith.constant 0 : i32
        %get3A_1830 = arith.constant 13 : i32
        %get3A_1831 = arith.index_cast %get3A_1829 : i32 to index
        %get3A_1832 = arith.index_cast %get3A_1830 : i32 to index
        %get3A_1833 = arith.index_cast %scan3A_1258 : i32 to index
        %get3A_1834 = arith.constant 48 : index
        %get3A_1835 = tpu.vector_load %arg10[%get3A_1831, %get3A_1832, %get3A_1833, %get3A_1834] {strides = array<i32>} : memref<2x21x32x64xf32, #tpu.memory_space<vmem>>, vector<1x1x1x16xf32>,
        %get3A_1836 = vector.shape_cast %get3A_1835 : vector<1x1x1x16xf32> to vector<16xf32>
        %mul3A_1837 = arith.mulf %neg3A_1292, %get3A_1836 : vector<16xf32>
        %add3A_1838 = arith.addf %add3A_1828, %mul3A_1837 : vector<16xf32>
        %get3A_1839 = arith.constant 0 : i32
        %get3A_1840 = arith.constant 14 : i32
        %get3A_1841 = arith.index_cast %get3A_1839 : i32 to index
        %get3A_1842 = arith.index_cast %get3A_1840 : i32 to index
        %get3A_1843 = arith.index_cast %scan3A_1258 : i32 to index
        %get3A_1844 = arith.constant 0 : index
        %get3A_1845 = tpu.vector_load %arg10[%get3A_1841, %get3A_1842, %get3A_1843, %get3A_1844] {strides = array<i32>} : memref<2x21x32x64xf32, #tpu.memory_space<vmem>>, vector<1x1x1x16xf32>,
        %get3A_1846 = vector.shape_cast %get3A_1845 : vector<1x1x1x16xf32> to vector<16xf32>
        %mul3A_1847 = arith.mulf %neg3A_1283, %get3A_1846 : vector<16xf32>
        %get3A_1848 = arith.constant 0 : i32
        %get3A_1849 = arith.constant 14 : i32
        %get3A_1850 = arith.index_cast %get3A_1848 : i32 to index
        %get3A_1851 = arith.index_cast %get3A_1849 : i32 to index
        %get3A_1852 = arith.index_cast %scan3A_1258 : i32 to index
        %get3A_1853 = arith.constant 16 : index
        %get3A_1854 = tpu.vector_load %arg10[%get3A_1850, %get3A_1851, %get3A_1852, %get3A_1853] {strides = array<i32>} : memref<2x21x32x64xf32, #tpu.memory_space<vmem>>, vector<1x1x1x16xf32>,
        %get3A_1855 = vector.shape_cast %get3A_1854 : vector<1x1x1x16xf32> to vector<16xf32>
        %mul3A_1856 = arith.mulf %neg3A_1286, %get3A_1855 : vector<16xf32>
        %add3A_1857 = arith.addf %mul3A_1847, %mul3A_1856 : vector<16xf32>
        %get3A_1858 = arith.constant 0 : i32
        %get3A_1859 = arith.constant 14 : i32
        %get3A_1860 = arith.index_cast %get3A_1858 : i32 to index
        %get3A_1861 = arith.index_cast %get3A_1859 : i32 to index
        %get3A_1862 = arith.index_cast %scan3A_1258 : i32 to index
        %get3A_1863 = arith.constant 32 : index
        %get3A_1864 = tpu.vector_load %arg10[%get3A_1860, %get3A_1861, %get3A_1862, %get3A_1863] {strides = array<i32>} : memref<2x21x32x64xf32, #tpu.memory_space<vmem>>, vector<1x1x1x16xf32>,
        %get3A_1865 = vector.shape_cast %get3A_1864 : vector<1x1x1x16xf32> to vector<16xf32>
        %mul3A_1866 = arith.mulf %neg3A_1289, %get3A_1865 : vector<16xf32>
        %add3A_1867 = arith.addf %add3A_1857, %mul3A_1866 : vector<16xf32>
        %get3A_1868 = arith.constant 0 : i32
        %get3A_1869 = arith.constant 14 : i32
        %get3A_1870 = arith.index_cast %get3A_1868 : i32 to index
        %get3A_1871 = arith.index_cast %get3A_1869 : i32 to index
        %get3A_1872 = arith.index_cast %scan3A_1258 : i32 to index
        %get3A_1873 = arith.constant 48 : index
        %get3A_1874 = tpu.vector_load %arg10[%get3A_1870, %get3A_1871, %get3A_1872, %get3A_1873] {strides = array<i32>} : memref<2x21x32x64xf32, #tpu.memory_space<vmem>>, vector<1x1x1x16xf32>,
        %get3A_1875 = vector.shape_cast %get3A_1874 : vector<1x1x1x16xf32> to vector<16xf32>
        %mul3A_1876 = arith.mulf %neg3A_1292, %get3A_1875 : vector<16xf32>
        %add3A_1877 = arith.addf %add3A_1867, %mul3A_1876 : vector<16xf32>
        %get3A_1878 = arith.constant 0 : i32
        %get3A_1879 = arith.constant 15 : i32
        %get3A_1880 = arith.index_cast %get3A_1878 : i32 to index
        %get3A_1881 = arith.index_cast %get3A_1879 : i32 to index
        %get3A_1882 = arith.index_cast %scan3A_1258 : i32 to index
        %get3A_1883 = arith.constant 0 : index
        %get3A_1884 = tpu.vector_load %arg10[%get3A_1880, %get3A_1881, %get3A_1882, %get3A_1883] {strides = array<i32>} : memref<2x21x32x64xf32, #tpu.memory_space<vmem>>, vector<1x1x1x16xf32>,
        %get3A_1885 = vector.shape_cast %get3A_1884 : vector<1x1x1x16xf32> to vector<16xf32>
        %mul3A_1886 = arith.mulf %neg3A_1283, %get3A_1885 : vector<16xf32>
        %get3A_1887 = arith.constant 0 : i32
        %get3A_1888 = arith.constant 15 : i32
        %get3A_1889 = arith.index_cast %get3A_1887 : i32 to index
        %get3A_1890 = arith.index_cast %get3A_1888 : i32 to index
        %get3A_1891 = arith.index_cast %scan3A_1258 : i32 to index
        %get3A_1892 = arith.constant 16 : index
        %get3A_1893 = tpu.vector_load %arg10[%get3A_1889, %get3A_1890, %get3A_1891, %get3A_1892] {strides = array<i32>} : memref<2x21x32x64xf32, #tpu.memory_space<vmem>>, vector<1x1x1x16xf32>,
        %get3A_1894 = vector.shape_cast %get3A_1893 : vector<1x1x1x16xf32> to vector<16xf32>
        %mul3A_1895 = arith.mulf %neg3A_1286, %get3A_1894 : vector<16xf32>
        %add3A_1896 = arith.addf %mul3A_1886, %mul3A_1895 : vector<16xf32>
        %get3A_1897 = arith.constant 0 : i32
        %get3A_1898 = arith.constant 15 : i32
        %get3A_1899 = arith.index_cast %get3A_1897 : i32 to index
        %get3A_1900 = arith.index_cast %get3A_1898 : i32 to index
        %get3A_1901 = arith.index_cast %scan3A_1258 : i32 to index
        %get3A_1902 = arith.constant 32 : index
        %get3A_1903 = tpu.vector_load %arg10[%get3A_1899, %get3A_1900, %get3A_1901, %get3A_1902] {strides = array<i32>} : memref<2x21x32x64xf32, #tpu.memory_space<vmem>>, vector<1x1x1x16xf32>,
        %get3A_1904 = vector.shape_cast %get3A_1903 : vector<1x1x1x16xf32> to vector<16xf32>
        %mul3A_1905 = arith.mulf %neg3A_1289, %get3A_1904 : vector<16xf32>
        %add3A_1906 = arith.addf %add3A_1896, %mul3A_1905 : vector<16xf32>
        %get3A_1907 = arith.constant 0 : i32
        %get3A_1908 = arith.constant 15 : i32
        %get3A_1909 = arith.index_cast %get3A_1907 : i32 to index
        %get3A_1910 = arith.index_cast %get3A_1908 : i32 to index
        %get3A_1911 = arith.index_cast %scan3A_1258 : i32 to index
        %get3A_1912 = arith.constant 48 : index
        %get3A_1913 = tpu.vector_load %arg10[%get3A_1909, %get3A_1910, %get3A_1911, %get3A_1912] {strides = array<i32>} : memref<2x21x32x64xf32, #tpu.memory_space<vmem>>, vector<1x1x1x16xf32>,
        %get3A_1914 = vector.shape_cast %get3A_1913 : vector<1x1x1x16xf32> to vector<16xf32>
        %mul3A_1915 = arith.mulf %neg3A_1292, %get3A_1914 : vector<16xf32>
        %add3A_1916 = arith.addf %add3A_1906, %mul3A_1915 : vector<16xf32>
        %get3A_1917 = arith.constant 0 : i32
        %get3A_1918 = arith.constant 16 : i32
        %get3A_1919 = arith.index_cast %get3A_1917 : i32 to index
        %get3A_1920 = arith.index_cast %get3A_1918 : i32 to index
        %get3A_1921 = arith.index_cast %scan3A_1258 : i32 to index
        %get3A_1922 = arith.constant 0 : index
        %get3A_1923 = tpu.vector_load %arg10[%get3A_1919, %get3A_1920, %get3A_1921, %get3A_1922] {strides = array<i32>} : memref<2x21x32x64xf32, #tpu.memory_space<vmem>>, vector<1x1x1x16xf32>,
        %get3A_1924 = vector.shape_cast %get3A_1923 : vector<1x1x1x16xf32> to vector<16xf32>
        %mul3A_1925 = arith.mulf %neg3A_1283, %get3A_1924 : vector<16xf32>
        %get3A_1926 = arith.constant 0 : i32
        %get3A_1927 = arith.constant 16 : i32
        %get3A_1928 = arith.index_cast %get3A_1926 : i32 to index
        %get3A_1929 = arith.index_cast %get3A_1927 : i32 to index
        %get3A_1930 = arith.index_cast %scan3A_1258 : i32 to index
        %get3A_1931 = arith.constant 16 : index
        %get3A_1932 = tpu.vector_load %arg10[%get3A_1928, %get3A_1929, %get3A_1930, %get3A_1931] {strides = array<i32>} : memref<2x21x32x64xf32, #tpu.memory_space<vmem>>, vector<1x1x1x16xf32>,
        %get3A_1933 = vector.shape_cast %get3A_1932 : vector<1x1x1x16xf32> to vector<16xf32>
        %mul3A_1934 = arith.mulf %neg3A_1286, %get3A_1933 : vector<16xf32>
        %add3A_1935 = arith.addf %mul3A_1925, %mul3A_1934 : vector<16xf32>
        %get3A_1936 = arith.constant 0 : i32
        %get3A_1937 = arith.constant 16 : i32
        %get3A_1938 = arith.index_cast %get3A_1936 : i32 to index
        %get3A_1939 = arith.index_cast %get3A_1937 : i32 to index
        %get3A_1940 = arith.index_cast %scan3A_1258 : i32 to index
        %get3A_1941 = arith.constant 32 : index
        %get3A_1942 = tpu.vector_load %arg10[%get3A_1938, %get3A_1939, %get3A_1940, %get3A_1941] {strides = array<i32>} : memref<2x21x32x64xf32, #tpu.memory_space<vmem>>, vector<1x1x1x16xf32>,
        %get3A_1943 = vector.shape_cast %get3A_1942 : vector<1x1x1x16xf32> to vector<16xf32>
        %mul3A_1944 = arith.mulf %neg3A_1289, %get3A_1943 : vector<16xf32>
        %add3A_1945 = arith.addf %add3A_1935, %mul3A_1944 : vector<16xf32>
        %get3A_1946 = arith.constant 0 : i32
        %get3A_1947 = arith.constant 16 : i32
        %get3A_1948 = arith.index_cast %get3A_1946 : i32 to index
        %get3A_1949 = arith.index_cast %get3A_1947 : i32 to index
        %get3A_1950 = arith.index_cast %scan3A_1258 : i32 to index
        %get3A_1951 = arith.constant 48 : index
        %get3A_1952 = tpu.vector_load %arg10[%get3A_1948, %get3A_1949, %get3A_1950, %get3A_1951] {strides = array<i32>} : memref<2x21x32x64xf32, #tpu.memory_space<vmem>>, vector<1x1x1x16xf32>,
        %get3A_1953 = vector.shape_cast %get3A_1952 : vector<1x1x1x16xf32> to vector<16xf32>
        %mul3A_1954 = arith.mulf %neg3A_1292, %get3A_1953 : vector<16xf32>
        %add3A_1955 = arith.addf %add3A_1945, %mul3A_1954 : vector<16xf32>
        %get3A_1956 = arith.constant 0 : i32
        %get3A_1957 = arith.constant 17 : i32
        %get3A_1958 = arith.index_cast %get3A_1956 : i32 to index
        %get3A_1959 = arith.index_cast %get3A_1957 : i32 to index
        %get3A_1960 = arith.index_cast %scan3A_1258 : i32 to index
        %get3A_1961 = arith.constant 0 : index
        %get3A_1962 = tpu.vector_load %arg10[%get3A_1958, %get3A_1959, %get3A_1960, %get3A_1961] {strides = array<i32>} : memref<2x21x32x64xf32, #tpu.memory_space<vmem>>, vector<1x1x1x16xf32>,
        %get3A_1963 = vector.shape_cast %get3A_1962 : vector<1x1x1x16xf32> to vector<16xf32>
        %mul3A_1964 = arith.mulf %neg3A_1283, %get3A_1963 : vector<16xf32>
        %get3A_1965 = arith.constant 0 : i32
        %get3A_1966 = arith.constant 17 : i32
        %get3A_1967 = arith.index_cast %get3A_1965 : i32 to index
        %get3A_1968 = arith.index_cast %get3A_1966 : i32 to index
        %get3A_1969 = arith.index_cast %scan3A_1258 : i32 to index
        %get3A_1970 = arith.constant 16 : index
        %get3A_1971 = tpu.vector_load %arg10[%get3A_1967, %get3A_1968, %get3A_1969, %get3A_1970] {strides = array<i32>} : memref<2x21x32x64xf32, #tpu.memory_space<vmem>>, vector<1x1x1x16xf32>,
        %get3A_1972 = vector.shape_cast %get3A_1971 : vector<1x1x1x16xf32> to vector<16xf32>
        %mul3A_1973 = arith.mulf %neg3A_1286, %get3A_1972 : vector<16xf32>
        %add3A_1974 = arith.addf %mul3A_1964, %mul3A_1973 : vector<16xf32>
        %get3A_1975 = arith.constant 0 : i32
        %get3A_1976 = arith.constant 17 : i32
        %get3A_1977 = arith.index_cast %get3A_1975 : i32 to index
        %get3A_1978 = arith.index_cast %get3A_1976 : i32 to index
        %get3A_1979 = arith.index_cast %scan3A_1258 : i32 to index
        %get3A_1980 = arith.constant 32 : index
        %get3A_1981 = tpu.vector_load %arg10[%get3A_1977, %get3A_1978, %get3A_1979, %get3A_1980] {strides = array<i32>} : memref<2x21x32x64xf32, #tpu.memory_space<vmem>>, vector<1x1x1x16xf32>,
        %get3A_1982 = vector.shape_cast %get3A_1981 : vector<1x1x1x16xf32> to vector<16xf32>
        %mul3A_1983 = arith.mulf %neg3A_1289, %get3A_1982 : vector<16xf32>
        %add3A_1984 = arith.addf %add3A_1974, %mul3A_1983 : vector<16xf32>
        %get3A_1985 = arith.constant 0 : i32
        %get3A_1986 = arith.constant 17 : i32
        %get3A_1987 = arith.index_cast %get3A_1985 : i32 to index
        %get3A_1988 = arith.index_cast %get3A_1986 : i32 to index
        %get3A_1989 = arith.index_cast %scan3A_1258 : i32 to index
        %get3A_1990 = arith.constant 48 : index
        %get3A_1991 = tpu.vector_load %arg10[%get3A_1987, %get3A_1988, %get3A_1989, %get3A_1990] {strides = array<i32>} : memref<2x21x32x64xf32, #tpu.memory_space<vmem>>, vector<1x1x1x16xf32>,
        %get3A_1992 = vector.shape_cast %get3A_1991 : vector<1x1x1x16xf32> to vector<16xf32>
        %mul3A_1993 = arith.mulf %neg3A_1292, %get3A_1992 : vector<16xf32>
        %add3A_1994 = arith.addf %add3A_1984, %mul3A_1993 : vector<16xf32>
        %get3A_1995 = arith.constant 0 : i32
        %get3A_1996 = arith.constant 18 : i32
        %get3A_1997 = arith.index_cast %get3A_1995 : i32 to index
        %get3A_1998 = arith.index_cast %get3A_1996 : i32 to index
        %get3A_1999 = arith.index_cast %scan3A_1258 : i32 to index
        %get3A_2000 = arith.constant 0 : index
        %get3A_2001 = tpu.vector_load %arg10[%get3A_1997, %get3A_1998, %get3A_1999, %get3A_2000] {strides = array<i32>} : memref<2x21x32x64xf32, #tpu.memory_space<vmem>>, vector<1x1x1x16xf32>,
        %get3A_2002 = vector.shape_cast %get3A_2001 : vector<1x1x1x16xf32> to vector<16xf32>
        %mul3A_2003 = arith.mulf %neg3A_1283, %get3A_2002 : vector<16xf32>
        %get3A_2004 = arith.constant 0 : i32
        %get3A_2005 = arith.constant 18 : i32
        %get3A_2006 = arith.index_cast %get3A_2004 : i32 to index
        %get3A_2007 = arith.index_cast %get3A_2005 : i32 to index
        %get3A_2008 = arith.index_cast %scan3A_1258 : i32 to index
        %get3A_2009 = arith.constant 16 : index
        %get3A_2010 = tpu.vector_load %arg10[%get3A_2006, %get3A_2007, %get3A_2008, %get3A_2009] {strides = array<i32>} : memref<2x21x32x64xf32, #tpu.memory_space<vmem>>, vector<1x1x1x16xf32>,
        %get3A_2011 = vector.shape_cast %get3A_2010 : vector<1x1x1x16xf32> to vector<16xf32>
        %mul3A_2012 = arith.mulf %neg3A_1286, %get3A_2011 : vector<16xf32>
        %add3A_2013 = arith.addf %mul3A_2003, %mul3A_2012 : vector<16xf32>
        %get3A_2014 = arith.constant 0 : i32
        %get3A_2015 = arith.constant 18 : i32
        %get3A_2016 = arith.index_cast %get3A_2014 : i32 to index
        %get3A_2017 = arith.index_cast %get3A_2015 : i32 to index
        %get3A_2018 = arith.index_cast %scan3A_1258 : i32 to index
        %get3A_2019 = arith.constant 32 : index
        %get3A_2020 = tpu.vector_load %arg10[%get3A_2016, %get3A_2017, %get3A_2018, %get3A_2019] {strides = array<i32>} : memref<2x21x32x64xf32, #tpu.memory_space<vmem>>, vector<1x1x1x16xf32>,
        %get3A_2021 = vector.shape_cast %get3A_2020 : vector<1x1x1x16xf32> to vector<16xf32>
        %mul3A_2022 = arith.mulf %neg3A_1289, %get3A_2021 : vector<16xf32>
        %add3A_2023 = arith.addf %add3A_2013, %mul3A_2022 : vector<16xf32>
        %get3A_2024 = arith.constant 0 : i32
        %get3A_2025 = arith.constant 18 : i32
        %get3A_2026 = arith.index_cast %get3A_2024 : i32 to index
        %get3A_2027 = arith.index_cast %get3A_2025 : i32 to index
        %get3A_2028 = arith.index_cast %scan3A_1258 : i32 to index
        %get3A_2029 = arith.constant 48 : index
        %get3A_2030 = tpu.vector_load %arg10[%get3A_2026, %get3A_2027, %get3A_2028, %get3A_2029] {strides = array<i32>} : memref<2x21x32x64xf32, #tpu.memory_space<vmem>>, vector<1x1x1x16xf32>,
        %get3A_2031 = vector.shape_cast %get3A_2030 : vector<1x1x1x16xf32> to vector<16xf32>
        %mul3A_2032 = arith.mulf %neg3A_1292, %get3A_2031 : vector<16xf32>
        %add3A_2033 = arith.addf %add3A_2023, %mul3A_2032 : vector<16xf32>
        %get3A_2034 = arith.constant 0 : i32
        %get3A_2035 = arith.constant 19 : i32
        %get3A_2036 = arith.index_cast %get3A_2034 : i32 to index
        %get3A_2037 = arith.index_cast %get3A_2035 : i32 to index
        %get3A_2038 = arith.index_cast %scan3A_1258 : i32 to index
        %get3A_2039 = arith.constant 0 : index
        %get3A_2040 = tpu.vector_load %arg10[%get3A_2036, %get3A_2037, %get3A_2038, %get3A_2039] {strides = array<i32>} : memref<2x21x32x64xf32, #tpu.memory_space<vmem>>, vector<1x1x1x16xf32>,
        %get3A_2041 = vector.shape_cast %get3A_2040 : vector<1x1x1x16xf32> to vector<16xf32>
        %mul3A_2042 = arith.mulf %neg3A_1283, %get3A_2041 : vector<16xf32>
        %get3A_2043 = arith.constant 0 : i32
        %get3A_2044 = arith.constant 19 : i32
        %get3A_2045 = arith.index_cast %get3A_2043 : i32 to index
        %get3A_2046 = arith.index_cast %get3A_2044 : i32 to index
        %get3A_2047 = arith.index_cast %scan3A_1258 : i32 to index
        %get3A_2048 = arith.constant 16 : index
        %get3A_2049 = tpu.vector_load %arg10[%get3A_2045, %get3A_2046, %get3A_2047, %get3A_2048] {strides = array<i32>} : memref<2x21x32x64xf32, #tpu.memory_space<vmem>>, vector<1x1x1x16xf32>,
        %get3A_2050 = vector.shape_cast %get3A_2049 : vector<1x1x1x16xf32> to vector<16xf32>
        %mul3A_2051 = arith.mulf %neg3A_1286, %get3A_2050 : vector<16xf32>
        %add3A_2052 = arith.addf %mul3A_2042, %mul3A_2051 : vector<16xf32>
        %get3A_2053 = arith.constant 0 : i32
        %get3A_2054 = arith.constant 19 : i32
        %get3A_2055 = arith.index_cast %get3A_2053 : i32 to index
        %get3A_2056 = arith.index_cast %get3A_2054 : i32 to index
        %get3A_2057 = arith.index_cast %scan3A_1258 : i32 to index
        %get3A_2058 = arith.constant 32 : index
        %get3A_2059 = tpu.vector_load %arg10[%get3A_2055, %get3A_2056, %get3A_2057, %get3A_2058] {strides = array<i32>} : memref<2x21x32x64xf32, #tpu.memory_space<vmem>>, vector<1x1x1x16xf32>,
        %get3A_2060 = vector.shape_cast %get3A_2059 : vector<1x1x1x16xf32> to vector<16xf32>
        %mul3A_2061 = arith.mulf %neg3A_1289, %get3A_2060 : vector<16xf32>
        %add3A_2062 = arith.addf %add3A_2052, %mul3A_2061 : vector<16xf32>
        %get3A_2063 = arith.constant 0 : i32
        %get3A_2064 = arith.constant 19 : i32
        %get3A_2065 = arith.index_cast %get3A_2063 : i32 to index
        %get3A_2066 = arith.index_cast %get3A_2064 : i32 to index
        %get3A_2067 = arith.index_cast %scan3A_1258 : i32 to index
        %get3A_2068 = arith.constant 48 : index
        %get3A_2069 = tpu.vector_load %arg10[%get3A_2065, %get3A_2066, %get3A_2067, %get3A_2068] {strides = array<i32>} : memref<2x21x32x64xf32, #tpu.memory_space<vmem>>, vector<1x1x1x16xf32>,
        %get3A_2070 = vector.shape_cast %get3A_2069 : vector<1x1x1x16xf32> to vector<16xf32>
        %mul3A_2071 = arith.mulf %neg3A_1292, %get3A_2070 : vector<16xf32>
        %add3A_2072 = arith.addf %add3A_2062, %mul3A_2071 : vector<16xf32>
        %get3A_2073 = arith.constant 0 : i32
        %get3A_2074 = arith.constant 20 : i32
        %get3A_2075 = arith.index_cast %get3A_2073 : i32 to index
        %get3A_2076 = arith.index_cast %get3A_2074 : i32 to index
        %get3A_2077 = arith.index_cast %scan3A_1258 : i32 to index
        %get3A_2078 = arith.constant 0 : index
        %get3A_2079 = tpu.vector_load %arg10[%get3A_2075, %get3A_2076, %get3A_2077, %get3A_2078] {strides = array<i32>} : memref<2x21x32x64xf32, #tpu.memory_space<vmem>>, vector<1x1x1x16xf32>,
        %get3A_2080 = vector.shape_cast %get3A_2079 : vector<1x1x1x16xf32> to vector<16xf32>
        %mul3A_2081 = arith.mulf %neg3A_1283, %get3A_2080 : vector<16xf32>
        %get3A_2082 = arith.constant 0 : i32
        %get3A_2083 = arith.constant 20 : i32
        %get3A_2084 = arith.index_cast %get3A_2082 : i32 to index
        %get3A_2085 = arith.index_cast %get3A_2083 : i32 to index
        %get3A_2086 = arith.index_cast %scan3A_1258 : i32 to index
        %get3A_2087 = arith.constant 16 : index
        %get3A_2088 = tpu.vector_load %arg10[%get3A_2084, %get3A_2085, %get3A_2086, %get3A_2087] {strides = array<i32>} : memref<2x21x32x64xf32, #tpu.memory_space<vmem>>, vector<1x1x1x16xf32>,
        %get3A_2089 = vector.shape_cast %get3A_2088 : vector<1x1x1x16xf32> to vector<16xf32>
        %mul3A_2090 = arith.mulf %neg3A_1286, %get3A_2089 : vector<16xf32>
        %add3A_2091 = arith.addf %mul3A_2081, %mul3A_2090 : vector<16xf32>
        %get3A_2092 = arith.constant 0 : i32
        %get3A_2093 = arith.constant 20 : i32
        %get3A_2094 = arith.index_cast %get3A_2092 : i32 to index
        %get3A_2095 = arith.index_cast %get3A_2093 : i32 to index
        %get3A_2096 = arith.index_cast %scan3A_1258 : i32 to index
        %get3A_2097 = arith.constant 32 : index
        %get3A_2098 = tpu.vector_load %arg10[%get3A_2094, %get3A_2095, %get3A_2096, %get3A_2097] {strides = array<i32>} : memref<2x21x32x64xf32, #tpu.memory_space<vmem>>, vector<1x1x1x16xf32>,
        %get3A_2099 = vector.shape_cast %get3A_2098 : vector<1x1x1x16xf32> to vector<16xf32>
        %mul3A_2100 = arith.mulf %neg3A_1289, %get3A_2099 : vector<16xf32>
        %add3A_2101 = arith.addf %add3A_2091, %mul3A_2100 : vector<16xf32>
        %get3A_2102 = arith.constant 0 : i32
        %get3A_2103 = arith.constant 20 : i32
        %get3A_2104 = arith.index_cast %get3A_2102 : i32 to index
        %get3A_2105 = arith.index_cast %get3A_2103 : i32 to index
        %get3A_2106 = arith.index_cast %scan3A_1258 : i32 to index
        %get3A_2107 = arith.constant 48 : index
        %get3A_2108 = tpu.vector_load %arg10[%get3A_2104, %get3A_2105, %get3A_2106, %get3A_2107] {strides = array<i32>} : memref<2x21x32x64xf32, #tpu.memory_space<vmem>>, vector<1x1x1x16xf32>,
        %get3A_2109 = vector.shape_cast %get3A_2108 : vector<1x1x1x16xf32> to vector<16xf32>
        %mul3A_2110 = arith.mulf %neg3A_1292, %get3A_2109 : vector<16xf32>
        %add3A_2111 = arith.addf %add3A_2101, %mul3A_2110 : vector<16xf32>
        %and3A = arith.constant 1 : i32
        %and3A_2112 = vector.broadcast %and3A : i32 to vector<16xi32>
        %and3A_2113 = arith.andi %iota3A, %and3A_2112 : vector<16xi32>
        %ne3A = arith.constant 0 : i32
        %ne3A_2114 = vector.broadcast %ne3A : i32 to vector<16xi32>
        %ne3A_2115 = arith.cmpi ne, %and3A_2113, %ne3A_2114 : vector<16xi32>
        %xor3A = arith.constant 1 : i32
        %xor3A_2116 = vector.broadcast %xor3A : i32 to vector<16xi32>
        %xor3A_2117 = arith.xori %iota3A, %xor3A_2116 : vector<16xi32>
        %select_n3A = arith.select %ne3A_2115, %add3A_1370, %add3A_1331 : vector<16xi1>, vector<16xf32>
        %select_n3A_2118 = arith.select %ne3A_2115, %add3A_1331, %add3A_1370 : vector<16xi1>, vector<16xf32>
        %lt3A_2119 = arith.constant 0 : i32
        %lt3A_2120 = vector.broadcast %lt3A_2119 : i32 to vector<16xi32>
        %lt3A_2121 = arith.cmpi slt, %xor3A_2117, %lt3A_2120 : vector<16xi32>
        %add3A_2122 = arith.constant 16 : i32
        %add3A_2123 = vector.broadcast %add3A_2122 : i32 to vector<16xi32>
        %add3A_2124 = arith.addi %xor3A_2117, %add3A_2123 : vector<16xi32>
        %select_n3A_2125 = arith.select %lt3A_2121, %add3A_2124, %xor3A_2117 : vector<16xi1>, vector<16xi32>
        %reshape3A = vector.shape_cast %select_n3A_2125 : vector<16xi32> to vector<16x1xi32>
        %gather3A = vector.shape_cast %reshape3A : vector<16x1xi32> to vector<16xi32>
        %gather3A_2126 = tpu.dynamic_gather %select_n3A_2118[%gather3A] in [0] : vector<16xf32>, vector<16xi32> -> vector<16xf32>
        %add3A_2127 = arith.addf %select_n3A, %gather3A_2126 : vector<16xf32>
        %select_n3A_2128 = arith.select %ne3A_2115, %add3A_1448, %add3A_1409 : vector<16xi1>, vector<16xf32>
        %select_n3A_2129 = arith.select %ne3A_2115, %add3A_1409, %add3A_1448 : vector<16xi1>, vector<16xf32>
        %lt3A_2130 = arith.constant 0 : i32
        %lt3A_2131 = vector.broadcast %lt3A_2130 : i32 to vector<16xi32>
        %lt3A_2132 = arith.cmpi slt, %xor3A_2117, %lt3A_2131 : vector<16xi32>
        %add3A_2133 = arith.constant 16 : i32
        %add3A_2134 = vector.broadcast %add3A_2133 : i32 to vector<16xi32>
        %add3A_2135 = arith.addi %xor3A_2117, %add3A_2134 : vector<16xi32>
        %select_n3A_2136 = arith.select %lt3A_2132, %add3A_2135, %xor3A_2117 : vector<16xi1>, vector<16xi32>
        %reshape3A_2137 = vector.shape_cast %select_n3A_2136 : vector<16xi32> to vector<16x1xi32>
        %gather3A_2138 = vector.shape_cast %reshape3A_2137 : vector<16x1xi32> to vector<16xi32>
        %gather3A_2139 = tpu.dynamic_gather %select_n3A_2129[%gather3A_2138] in [0] : vector<16xf32>, vector<16xi32> -> vector<16xf32>
        %add3A_2140 = arith.addf %select_n3A_2128, %gather3A_2139 : vector<16xf32>
        %select_n3A_2141 = arith.select %ne3A_2115, %add3A_1526, %add3A_1487 : vector<16xi1>, vector<16xf32>
        %select_n3A_2142 = arith.select %ne3A_2115, %add3A_1487, %add3A_1526 : vector<16xi1>, vector<16xf32>
        %lt3A_2143 = arith.constant 0 : i32
        %lt3A_2144 = vector.broadcast %lt3A_2143 : i32 to vector<16xi32>
        %lt3A_2145 = arith.cmpi slt, %xor3A_2117, %lt3A_2144 : vector<16xi32>
        %add3A_2146 = arith.constant 16 : i32
        %add3A_2147 = vector.broadcast %add3A_2146 : i32 to vector<16xi32>
        %add3A_2148 = arith.addi %xor3A_2117, %add3A_2147 : vector<16xi32>
        %select_n3A_2149 = arith.select %lt3A_2145, %add3A_2148, %xor3A_2117 : vector<16xi1>, vector<16xi32>
        %reshape3A_2150 = vector.shape_cast %select_n3A_2149 : vector<16xi32> to vector<16x1xi32>
        %gather3A_2151 = vector.shape_cast %reshape3A_2150 : vector<16x1xi32> to vector<16xi32>
        %gather3A_2152 = tpu.dynamic_gather %select_n3A_2142[%gather3A_2151] in [0] : vector<16xf32>, vector<16xi32> -> vector<16xf32>
        %add3A_2153 = arith.addf %select_n3A_2141, %gather3A_2152 : vector<16xf32>
        %select_n3A_2154 = arith.select %ne3A_2115, %add3A_1604, %add3A_1565 : vector<16xi1>, vector<16xf32>
        %select_n3A_2155 = arith.select %ne3A_2115, %add3A_1565, %add3A_1604 : vector<16xi1>, vector<16xf32>
        %lt3A_2156 = arith.constant 0 : i32
        %lt3A_2157 = vector.broadcast %lt3A_2156 : i32 to vector<16xi32>
        %lt3A_2158 = arith.cmpi slt, %xor3A_2117, %lt3A_2157 : vector<16xi32>
        %add3A_2159 = arith.constant 16 : i32
        %add3A_2160 = vector.broadcast %add3A_2159 : i32 to vector<16xi32>
        %add3A_2161 = arith.addi %xor3A_2117, %add3A_2160 : vector<16xi32>
        %select_n3A_2162 = arith.select %lt3A_2158, %add3A_2161, %xor3A_2117 : vector<16xi1>, vector<16xi32>
        %reshape3A_2163 = vector.shape_cast %select_n3A_2162 : vector<16xi32> to vector<16x1xi32>
        %gather3A_2164 = vector.shape_cast %reshape3A_2163 : vector<16x1xi32> to vector<16xi32>
        %gather3A_2165 = tpu.dynamic_gather %select_n3A_2155[%gather3A_2164] in [0] : vector<16xf32>, vector<16xi32> -> vector<16xf32>
        %add3A_2166 = arith.addf %select_n3A_2154, %gather3A_2165 : vector<16xf32>
        %select_n3A_2167 = arith.select %ne3A_2115, %add3A_1682, %add3A_1643 : vector<16xi1>, vector<16xf32>
        %select_n3A_2168 = arith.select %ne3A_2115, %add3A_1643, %add3A_1682 : vector<16xi1>, vector<16xf32>
        %lt3A_2169 = arith.constant 0 : i32
        %lt3A_2170 = vector.broadcast %lt3A_2169 : i32 to vector<16xi32>
        %lt3A_2171 = arith.cmpi slt, %xor3A_2117, %lt3A_2170 : vector<16xi32>
        %add3A_2172 = arith.constant 16 : i32
        %add3A_2173 = vector.broadcast %add3A_2172 : i32 to vector<16xi32>
        %add3A_2174 = arith.addi %xor3A_2117, %add3A_2173 : vector<16xi32>
        %select_n3A_2175 = arith.select %lt3A_2171, %add3A_2174, %xor3A_2117 : vector<16xi1>, vector<16xi32>
        %reshape3A_2176 = vector.shape_cast %select_n3A_2175 : vector<16xi32> to vector<16x1xi32>
        %gather3A_2177 = vector.shape_cast %reshape3A_2176 : vector<16x1xi32> to vector<16xi32>
        %gather3A_2178 = tpu.dynamic_gather %select_n3A_2168[%gather3A_2177] in [0] : vector<16xf32>, vector<16xi32> -> vector<16xf32>
        %add3A_2179 = arith.addf %select_n3A_2167, %gather3A_2178 : vector<16xf32>
        %select_n3A_2180 = arith.select %ne3A_2115, %add3A_1760, %add3A_1721 : vector<16xi1>, vector<16xf32>
        %select_n3A_2181 = arith.select %ne3A_2115, %add3A_1721, %add3A_1760 : vector<16xi1>, vector<16xf32>
        %lt3A_2182 = arith.constant 0 : i32
        %lt3A_2183 = vector.broadcast %lt3A_2182 : i32 to vector<16xi32>
        %lt3A_2184 = arith.cmpi slt, %xor3A_2117, %lt3A_2183 : vector<16xi32>
        %add3A_2185 = arith.constant 16 : i32
        %add3A_2186 = vector.broadcast %add3A_2185 : i32 to vector<16xi32>
        %add3A_2187 = arith.addi %xor3A_2117, %add3A_2186 : vector<16xi32>
        %select_n3A_2188 = arith.select %lt3A_2184, %add3A_2187, %xor3A_2117 : vector<16xi1>, vector<16xi32>
        %reshape3A_2189 = vector.shape_cast %select_n3A_2188 : vector<16xi32> to vector<16x1xi32>
        %gather3A_2190 = vector.shape_cast %reshape3A_2189 : vector<16x1xi32> to vector<16xi32>
        %gather3A_2191 = tpu.dynamic_gather %select_n3A_2181[%gather3A_2190] in [0] : vector<16xf32>, vector<16xi32> -> vector<16xf32>
        %add3A_2192 = arith.addf %select_n3A_2180, %gather3A_2191 : vector<16xf32>
        %select_n3A_2193 = arith.select %ne3A_2115, %add3A_1838, %add3A_1799 : vector<16xi1>, vector<16xf32>
        %select_n3A_2194 = arith.select %ne3A_2115, %add3A_1799, %add3A_1838 : vector<16xi1>, vector<16xf32>
        %lt3A_2195 = arith.constant 0 : i32
        %lt3A_2196 = vector.broadcast %lt3A_2195 : i32 to vector<16xi32>
        %lt3A_2197 = arith.cmpi slt, %xor3A_2117, %lt3A_2196 : vector<16xi32>
        %add3A_2198 = arith.constant 16 : i32
        %add3A_2199 = vector.broadcast %add3A_2198 : i32 to vector<16xi32>
        %add3A_2200 = arith.addi %xor3A_2117, %add3A_2199 : vector<16xi32>
        %select_n3A_2201 = arith.select %lt3A_2197, %add3A_2200, %xor3A_2117 : vector<16xi1>, vector<16xi32>
        %reshape3A_2202 = vector.shape_cast %select_n3A_2201 : vector<16xi32> to vector<16x1xi32>
        %gather3A_2203 = vector.shape_cast %reshape3A_2202 : vector<16x1xi32> to vector<16xi32>
        %gather3A_2204 = tpu.dynamic_gather %select_n3A_2194[%gather3A_2203] in [0] : vector<16xf32>, vector<16xi32> -> vector<16xf32>
        %add3A_2205 = arith.addf %select_n3A_2193, %gather3A_2204 : vector<16xf32>
        %select_n3A_2206 = arith.select %ne3A_2115, %add3A_1916, %add3A_1877 : vector<16xi1>, vector<16xf32>
        %select_n3A_2207 = arith.select %ne3A_2115, %add3A_1877, %add3A_1916 : vector<16xi1>, vector<16xf32>
        %lt3A_2208 = arith.constant 0 : i32
        %lt3A_2209 = vector.broadcast %lt3A_2208 : i32 to vector<16xi32>
        %lt3A_2210 = arith.cmpi slt, %xor3A_2117, %lt3A_2209 : vector<16xi32>
        %add3A_2211 = arith.constant 16 : i32
        %add3A_2212 = vector.broadcast %add3A_2211 : i32 to vector<16xi32>
        %add3A_2213 = arith.addi %xor3A_2117, %add3A_2212 : vector<16xi32>
        %select_n3A_2214 = arith.select %lt3A_2210, %add3A_2213, %xor3A_2117 : vector<16xi1>, vector<16xi32>
        %reshape3A_2215 = vector.shape_cast %select_n3A_2214 : vector<16xi32> to vector<16x1xi32>
        %gather3A_2216 = vector.shape_cast %reshape3A_2215 : vector<16x1xi32> to vector<16xi32>
        %gather3A_2217 = tpu.dynamic_gather %select_n3A_2207[%gather3A_2216] in [0] : vector<16xf32>, vector<16xi32> -> vector<16xf32>
        %add3A_2218 = arith.addf %select_n3A_2206, %gather3A_2217 : vector<16xf32>
        %and3A_2219 = arith.constant 2 : i32
        %and3A_2220 = vector.broadcast %and3A_2219 : i32 to vector<16xi32>
        %and3A_2221 = arith.andi %iota3A, %and3A_2220 : vector<16xi32>
        %ne3A_2222 = arith.constant 0 : i32
        %ne3A_2223 = vector.broadcast %ne3A_2222 : i32 to vector<16xi32>
        %ne3A_2224 = arith.cmpi ne, %and3A_2221, %ne3A_2223 : vector<16xi32>
        %xor3A_2225 = arith.constant 2 : i32
        %xor3A_2226 = vector.broadcast %xor3A_2225 : i32 to vector<16xi32>
        %xor3A_2227 = arith.xori %iota3A, %xor3A_2226 : vector<16xi32>
        %select_n3A_2228 = arith.select %ne3A_2224, %add3A_2140, %add3A_2127 : vector<16xi1>, vector<16xf32>
        %select_n3A_2229 = arith.select %ne3A_2224, %add3A_2127, %add3A_2140 : vector<16xi1>, vector<16xf32>
        %lt3A_2230 = arith.constant 0 : i32
        %lt3A_2231 = vector.broadcast %lt3A_2230 : i32 to vector<16xi32>
        %lt3A_2232 = arith.cmpi slt, %xor3A_2227, %lt3A_2231 : vector<16xi32>
        %add3A_2233 = arith.constant 16 : i32
        %add3A_2234 = vector.broadcast %add3A_2233 : i32 to vector<16xi32>
        %add3A_2235 = arith.addi %xor3A_2227, %add3A_2234 : vector<16xi32>
        %select_n3A_2236 = arith.select %lt3A_2232, %add3A_2235, %xor3A_2227 : vector<16xi1>, vector<16xi32>
        %reshape3A_2237 = vector.shape_cast %select_n3A_2236 : vector<16xi32> to vector<16x1xi32>
        %gather3A_2238 = vector.shape_cast %reshape3A_2237 : vector<16x1xi32> to vector<16xi32>
        %gather3A_2239 = tpu.dynamic_gather %select_n3A_2229[%gather3A_2238] in [0] : vector<16xf32>, vector<16xi32> -> vector<16xf32>
        %add3A_2240 = arith.addf %select_n3A_2228, %gather3A_2239 : vector<16xf32>
        %select_n3A_2241 = arith.select %ne3A_2224, %add3A_2166, %add3A_2153 : vector<16xi1>, vector<16xf32>
        %select_n3A_2242 = arith.select %ne3A_2224, %add3A_2153, %add3A_2166 : vector<16xi1>, vector<16xf32>
        %lt3A_2243 = arith.constant 0 : i32
        %lt3A_2244 = vector.broadcast %lt3A_2243 : i32 to vector<16xi32>
        %lt3A_2245 = arith.cmpi slt, %xor3A_2227, %lt3A_2244 : vector<16xi32>
        %add3A_2246 = arith.constant 16 : i32
        %add3A_2247 = vector.broadcast %add3A_2246 : i32 to vector<16xi32>
        %add3A_2248 = arith.addi %xor3A_2227, %add3A_2247 : vector<16xi32>
        %select_n3A_2249 = arith.select %lt3A_2245, %add3A_2248, %xor3A_2227 : vector<16xi1>, vector<16xi32>
        %reshape3A_2250 = vector.shape_cast %select_n3A_2249 : vector<16xi32> to vector<16x1xi32>
        %gather3A_2251 = vector.shape_cast %reshape3A_2250 : vector<16x1xi32> to vector<16xi32>
        %gather3A_2252 = tpu.dynamic_gather %select_n3A_2242[%gather3A_2251] in [0] : vector<16xf32>, vector<16xi32> -> vector<16xf32>
        %add3A_2253 = arith.addf %select_n3A_2241, %gather3A_2252 : vector<16xf32>
        %select_n3A_2254 = arith.select %ne3A_2224, %add3A_2192, %add3A_2179 : vector<16xi1>, vector<16xf32>
        %select_n3A_2255 = arith.select %ne3A_2224, %add3A_2179, %add3A_2192 : vector<16xi1>, vector<16xf32>
        %lt3A_2256 = arith.constant 0 : i32
        %lt3A_2257 = vector.broadcast %lt3A_2256 : i32 to vector<16xi32>
        %lt3A_2258 = arith.cmpi slt, %xor3A_2227, %lt3A_2257 : vector<16xi32>
        %add3A_2259 = arith.constant 16 : i32
        %add3A_2260 = vector.broadcast %add3A_2259 : i32 to vector<16xi32>
        %add3A_2261 = arith.addi %xor3A_2227, %add3A_2260 : vector<16xi32>
        %select_n3A_2262 = arith.select %lt3A_2258, %add3A_2261, %xor3A_2227 : vector<16xi1>, vector<16xi32>
        %reshape3A_2263 = vector.shape_cast %select_n3A_2262 : vector<16xi32> to vector<16x1xi32>
        %gather3A_2264 = vector.shape_cast %reshape3A_2263 : vector<16x1xi32> to vector<16xi32>
        %gather3A_2265 = tpu.dynamic_gather %select_n3A_2255[%gather3A_2264] in [0] : vector<16xf32>, vector<16xi32> -> vector<16xf32>
        %add3A_2266 = arith.addf %select_n3A_2254, %gather3A_2265 : vector<16xf32>
        %select_n3A_2267 = arith.select %ne3A_2224, %add3A_2218, %add3A_2205 : vector<16xi1>, vector<16xf32>
        %select_n3A_2268 = arith.select %ne3A_2224, %add3A_2205, %add3A_2218 : vector<16xi1>, vector<16xf32>
        %lt3A_2269 = arith.constant 0 : i32
        %lt3A_2270 = vector.broadcast %lt3A_2269 : i32 to vector<16xi32>
        %lt3A_2271 = arith.cmpi slt, %xor3A_2227, %lt3A_2270 : vector<16xi32>
        %add3A_2272 = arith.constant 16 : i32
        %add3A_2273 = vector.broadcast %add3A_2272 : i32 to vector<16xi32>
        %add3A_2274 = arith.addi %xor3A_2227, %add3A_2273 : vector<16xi32>
        %select_n3A_2275 = arith.select %lt3A_2271, %add3A_2274, %xor3A_2227 : vector<16xi1>, vector<16xi32>
        %reshape3A_2276 = vector.shape_cast %select_n3A_2275 : vector<16xi32> to vector<16x1xi32>
        %gather3A_2277 = vector.shape_cast %reshape3A_2276 : vector<16x1xi32> to vector<16xi32>
        %gather3A_2278 = tpu.dynamic_gather %select_n3A_2268[%gather3A_2277] in [0] : vector<16xf32>, vector<16xi32> -> vector<16xf32>
        %add3A_2279 = arith.addf %select_n3A_2267, %gather3A_2278 : vector<16xf32>
        %and3A_2280 = arith.constant 4 : i32
        %and3A_2281 = vector.broadcast %and3A_2280 : i32 to vector<16xi32>
        %and3A_2282 = arith.andi %iota3A, %and3A_2281 : vector<16xi32>
        %ne3A_2283 = arith.constant 0 : i32
        %ne3A_2284 = vector.broadcast %ne3A_2283 : i32 to vector<16xi32>
        %ne3A_2285 = arith.cmpi ne, %and3A_2282, %ne3A_2284 : vector<16xi32>
        %xor3A_2286 = arith.constant 4 : i32
        %xor3A_2287 = vector.broadcast %xor3A_2286 : i32 to vector<16xi32>
        %xor3A_2288 = arith.xori %iota3A, %xor3A_2287 : vector<16xi32>
        %select_n3A_2289 = arith.select %ne3A_2285, %add3A_2253, %add3A_2240 : vector<16xi1>, vector<16xf32>
        %select_n3A_2290 = arith.select %ne3A_2285, %add3A_2240, %add3A_2253 : vector<16xi1>, vector<16xf32>
        %lt3A_2291 = arith.constant 0 : i32
        %lt3A_2292 = vector.broadcast %lt3A_2291 : i32 to vector<16xi32>
        %lt3A_2293 = arith.cmpi slt, %xor3A_2288, %lt3A_2292 : vector<16xi32>
        %add3A_2294 = arith.constant 16 : i32
        %add3A_2295 = vector.broadcast %add3A_2294 : i32 to vector<16xi32>
        %add3A_2296 = arith.addi %xor3A_2288, %add3A_2295 : vector<16xi32>
        %select_n3A_2297 = arith.select %lt3A_2293, %add3A_2296, %xor3A_2288 : vector<16xi1>, vector<16xi32>
        %reshape3A_2298 = vector.shape_cast %select_n3A_2297 : vector<16xi32> to vector<16x1xi32>
        %gather3A_2299 = vector.shape_cast %reshape3A_2298 : vector<16x1xi32> to vector<16xi32>
        %gather3A_2300 = tpu.dynamic_gather %select_n3A_2290[%gather3A_2299] in [0] : vector<16xf32>, vector<16xi32> -> vector<16xf32>
        %add3A_2301 = arith.addf %select_n3A_2289, %gather3A_2300 : vector<16xf32>
        %select_n3A_2302 = arith.select %ne3A_2285, %add3A_2279, %add3A_2266 : vector<16xi1>, vector<16xf32>
        %select_n3A_2303 = arith.select %ne3A_2285, %add3A_2266, %add3A_2279 : vector<16xi1>, vector<16xf32>
        %lt3A_2304 = arith.constant 0 : i32
        %lt3A_2305 = vector.broadcast %lt3A_2304 : i32 to vector<16xi32>
        %lt3A_2306 = arith.cmpi slt, %xor3A_2288, %lt3A_2305 : vector<16xi32>
        %add3A_2307 = arith.constant 16 : i32
        %add3A_2308 = vector.broadcast %add3A_2307 : i32 to vector<16xi32>
        %add3A_2309 = arith.addi %xor3A_2288, %add3A_2308 : vector<16xi32>
        %select_n3A_2310 = arith.select %lt3A_2306, %add3A_2309, %xor3A_2288 : vector<16xi1>, vector<16xi32>
        %reshape3A_2311 = vector.shape_cast %select_n3A_2310 : vector<16xi32> to vector<16x1xi32>
        %gather3A_2312 = vector.shape_cast %reshape3A_2311 : vector<16x1xi32> to vector<16xi32>
        %gather3A_2313 = tpu.dynamic_gather %select_n3A_2303[%gather3A_2312] in [0] : vector<16xf32>, vector<16xi32> -> vector<16xf32>
        %add3A_2314 = arith.addf %select_n3A_2302, %gather3A_2313 : vector<16xf32>
        %and3A_2315 = arith.constant 8 : i32
        %and3A_2316 = vector.broadcast %and3A_2315 : i32 to vector<16xi32>
        %and3A_2317 = arith.andi %iota3A, %and3A_2316 : vector<16xi32>
        %ne3A_2318 = arith.constant 0 : i32
        %ne3A_2319 = vector.broadcast %ne3A_2318 : i32 to vector<16xi32>
        %ne3A_2320 = arith.cmpi ne, %and3A_2317, %ne3A_2319 : vector<16xi32>
        %xor3A_2321 = arith.constant 8 : i32
        %xor3A_2322 = vector.broadcast %xor3A_2321 : i32 to vector<16xi32>
        %xor3A_2323 = arith.xori %iota3A, %xor3A_2322 : vector<16xi32>
        %select_n3A_2324 = arith.select %ne3A_2320, %add3A_2314, %add3A_2301 : vector<16xi1>, vector<16xf32>
        %select_n3A_2325 = arith.select %ne3A_2320, %add3A_2301, %add3A_2314 : vector<16xi1>, vector<16xf32>
        %lt3A_2326 = arith.constant 0 : i32
        %lt3A_2327 = vector.broadcast %lt3A_2326 : i32 to vector<16xi32>
        %lt3A_2328 = arith.cmpi slt, %xor3A_2323, %lt3A_2327 : vector<16xi32>
        %add3A_2329 = arith.constant 16 : i32
        %add3A_2330 = vector.broadcast %add3A_2329 : i32 to vector<16xi32>
        %add3A_2331 = arith.addi %xor3A_2323, %add3A_2330 : vector<16xi32>
        %select_n3A_2332 = arith.select %lt3A_2328, %add3A_2331, %xor3A_2323 : vector<16xi1>, vector<16xi32>
        %reshape3A_2333 = vector.shape_cast %select_n3A_2332 : vector<16xi32> to vector<16x1xi32>
        %gather3A_2334 = vector.shape_cast %reshape3A_2333 : vector<16x1xi32> to vector<16xi32>
        %gather3A_2335 = tpu.dynamic_gather %select_n3A_2325[%gather3A_2334] in [0] : vector<16xf32>, vector<16xi32> -> vector<16xf32>
        %add3A_2336 = arith.addf %select_n3A_2324, %gather3A_2335 : vector<16xf32>
        %and3A_2337 = arith.constant 1 : i32
        %and3A_2338 = vector.broadcast %and3A_2337 : i32 to vector<16xi32>
        %and3A_2339 = arith.andi %iota3A, %and3A_2338 : vector<16xi32>
        %ne3A_2340 = arith.constant 0 : i32
        %ne3A_2341 = vector.broadcast %ne3A_2340 : i32 to vector<16xi32>
        %ne3A_2342 = arith.cmpi ne, %and3A_2339, %ne3A_2341 : vector<16xi32>
        %xor3A_2343 = arith.constant 1 : i32
        %xor3A_2344 = vector.broadcast %xor3A_2343 : i32 to vector<16xi32>
        %xor3A_2345 = arith.xori %iota3A, %xor3A_2344 : vector<16xi32>
        %select_n3A_2346 = arith.select %ne3A_2342, %add3A_1994, %add3A_1955 : vector<16xi1>, vector<16xf32>
        %select_n3A_2347 = arith.select %ne3A_2342, %add3A_1955, %add3A_1994 : vector<16xi1>, vector<16xf32>
        %lt3A_2348 = arith.constant 0 : i32
        %lt3A_2349 = vector.broadcast %lt3A_2348 : i32 to vector<16xi32>
        %lt3A_2350 = arith.cmpi slt, %xor3A_2345, %lt3A_2349 : vector<16xi32>
        %add3A_2351 = arith.constant 16 : i32
        %add3A_2352 = vector.broadcast %add3A_2351 : i32 to vector<16xi32>
        %add3A_2353 = arith.addi %xor3A_2345, %add3A_2352 : vector<16xi32>
        %select_n3A_2354 = arith.select %lt3A_2350, %add3A_2353, %xor3A_2345 : vector<16xi1>, vector<16xi32>
        %reshape3A_2355 = vector.shape_cast %select_n3A_2354 : vector<16xi32> to vector<16x1xi32>
        %gather3A_2356 = vector.shape_cast %reshape3A_2355 : vector<16x1xi32> to vector<16xi32>
        %gather3A_2357 = tpu.dynamic_gather %select_n3A_2347[%gather3A_2356] in [0] : vector<16xf32>, vector<16xi32> -> vector<16xf32>
        %add3A_2358 = arith.addf %select_n3A_2346, %gather3A_2357 : vector<16xf32>
        %select_n3A_2359 = arith.select %ne3A_2342, %add3A_2072, %add3A_2033 : vector<16xi1>, vector<16xf32>
        %select_n3A_2360 = arith.select %ne3A_2342, %add3A_2033, %add3A_2072 : vector<16xi1>, vector<16xf32>
        %lt3A_2361 = arith.constant 0 : i32
        %lt3A_2362 = vector.broadcast %lt3A_2361 : i32 to vector<16xi32>
        %lt3A_2363 = arith.cmpi slt, %xor3A_2345, %lt3A_2362 : vector<16xi32>
        %add3A_2364 = arith.constant 16 : i32
        %add3A_2365 = vector.broadcast %add3A_2364 : i32 to vector<16xi32>
        %add3A_2366 = arith.addi %xor3A_2345, %add3A_2365 : vector<16xi32>
        %select_n3A_2367 = arith.select %lt3A_2363, %add3A_2366, %xor3A_2345 : vector<16xi1>, vector<16xi32>
        %reshape3A_2368 = vector.shape_cast %select_n3A_2367 : vector<16xi32> to vector<16x1xi32>
        %gather3A_2369 = vector.shape_cast %reshape3A_2368 : vector<16x1xi32> to vector<16xi32>
        %gather3A_2370 = tpu.dynamic_gather %select_n3A_2360[%gather3A_2369] in [0] : vector<16xf32>, vector<16xi32> -> vector<16xf32>
        %add3A_2371 = arith.addf %select_n3A_2359, %gather3A_2370 : vector<16xf32>
        %select_n3A_2372 = arith.select %ne3A_2342, %add3A_2111, %add3A_2111 : vector<16xi1>, vector<16xf32>
        %select_n3A_2373 = arith.select %ne3A_2342, %add3A_2111, %add3A_2111 : vector<16xi1>, vector<16xf32>
        %lt3A_2374 = arith.constant 0 : i32
        %lt3A_2375 = vector.broadcast %lt3A_2374 : i32 to vector<16xi32>
        %lt3A_2376 = arith.cmpi slt, %xor3A_2345, %lt3A_2375 : vector<16xi32>
        %add3A_2377 = arith.constant 16 : i32
        %add3A_2378 = vector.broadcast %add3A_2377 : i32 to vector<16xi32>
        %add3A_2379 = arith.addi %xor3A_2345, %add3A_2378 : vector<16xi32>
        %select_n3A_2380 = arith.select %lt3A_2376, %add3A_2379, %xor3A_2345 : vector<16xi1>, vector<16xi32>
        %reshape3A_2381 = vector.shape_cast %select_n3A_2380 : vector<16xi32> to vector<16x1xi32>
        %gather3A_2382 = vector.shape_cast %reshape3A_2381 : vector<16x1xi32> to vector<16xi32>
        %gather3A_2383 = tpu.dynamic_gather %select_n3A_2373[%gather3A_2382] in [0] : vector<16xf32>, vector<16xi32> -> vector<16xf32>
        %add3A_2384 = arith.addf %select_n3A_2372, %gather3A_2383 : vector<16xf32>
        %and3A_2385 = arith.constant 2 : i32
        %and3A_2386 = vector.broadcast %and3A_2385 : i32 to vector<16xi32>
        %and3A_2387 = arith.andi %iota3A, %and3A_2386 : vector<16xi32>
        %ne3A_2388 = arith.constant 0 : i32
        %ne3A_2389 = vector.broadcast %ne3A_2388 : i32 to vector<16xi32>
        %ne3A_2390 = arith.cmpi ne, %and3A_2387, %ne3A_2389 : vector<16xi32>
        %xor3A_2391 = arith.constant 2 : i32
        %xor3A_2392 = vector.broadcast %xor3A_2391 : i32 to vector<16xi32>
        %xor3A_2393 = arith.xori %iota3A, %xor3A_2392 : vector<16xi32>
        %select_n3A_2394 = arith.select %ne3A_2390, %add3A_2371, %add3A_2358 : vector<16xi1>, vector<16xf32>
        %select_n3A_2395 = arith.select %ne3A_2390, %add3A_2358, %add3A_2371 : vector<16xi1>, vector<16xf32>
        %lt3A_2396 = arith.constant 0 : i32
        %lt3A_2397 = vector.broadcast %lt3A_2396 : i32 to vector<16xi32>
        %lt3A_2398 = arith.cmpi slt, %xor3A_2393, %lt3A_2397 : vector<16xi32>
        %add3A_2399 = arith.constant 16 : i32
        %add3A_2400 = vector.broadcast %add3A_2399 : i32 to vector<16xi32>
        %add3A_2401 = arith.addi %xor3A_2393, %add3A_2400 : vector<16xi32>
        %select_n3A_2402 = arith.select %lt3A_2398, %add3A_2401, %xor3A_2393 : vector<16xi1>, vector<16xi32>
        %reshape3A_2403 = vector.shape_cast %select_n3A_2402 : vector<16xi32> to vector<16x1xi32>
        %gather3A_2404 = vector.shape_cast %reshape3A_2403 : vector<16x1xi32> to vector<16xi32>
        %gather3A_2405 = tpu.dynamic_gather %select_n3A_2395[%gather3A_2404] in [0] : vector<16xf32>, vector<16xi32> -> vector<16xf32>
        %add3A_2406 = arith.addf %select_n3A_2394, %gather3A_2405 : vector<16xf32>
        %select_n3A_2407 = arith.select %ne3A_2390, %add3A_2384, %add3A_2384 : vector<16xi1>, vector<16xf32>
        %select_n3A_2408 = arith.select %ne3A_2390, %add3A_2384, %add3A_2384 : vector<16xi1>, vector<16xf32>
        %lt3A_2409 = arith.constant 0 : i32
        %lt3A_2410 = vector.broadcast %lt3A_2409 : i32 to vector<16xi32>
        %lt3A_2411 = arith.cmpi slt, %xor3A_2393, %lt3A_2410 : vector<16xi32>
        %add3A_2412 = arith.constant 16 : i32
        %add3A_2413 = vector.broadcast %add3A_2412 : i32 to vector<16xi32>
        %add3A_2414 = arith.addi %xor3A_2393, %add3A_2413 : vector<16xi32>
        %select_n3A_2415 = arith.select %lt3A_2411, %add3A_2414, %xor3A_2393 : vector<16xi1>, vector<16xi32>
        %reshape3A_2416 = vector.shape_cast %select_n3A_2415 : vector<16xi32> to vector<16x1xi32>
        %gather3A_2417 = vector.shape_cast %reshape3A_2416 : vector<16x1xi32> to vector<16xi32>
        %gather3A_2418 = tpu.dynamic_gather %select_n3A_2408[%gather3A_2417] in [0] : vector<16xf32>, vector<16xi32> -> vector<16xf32>
        %add3A_2419 = arith.addf %select_n3A_2407, %gather3A_2418 : vector<16xf32>
        %and3A_2420 = arith.constant 4 : i32
        %and3A_2421 = vector.broadcast %and3A_2420 : i32 to vector<16xi32>
        %and3A_2422 = arith.andi %iota3A, %and3A_2421 : vector<16xi32>
        %ne3A_2423 = arith.constant 0 : i32
        %ne3A_2424 = vector.broadcast %ne3A_2423 : i32 to vector<16xi32>
        %ne3A_2425 = arith.cmpi ne, %and3A_2422, %ne3A_2424 : vector<16xi32>
        %xor3A_2426 = arith.constant 4 : i32
        %xor3A_2427 = vector.broadcast %xor3A_2426 : i32 to vector<16xi32>
        %xor3A_2428 = arith.xori %iota3A, %xor3A_2427 : vector<16xi32>
        %select_n3A_2429 = arith.select %ne3A_2425, %add3A_2419, %add3A_2406 : vector<16xi1>, vector<16xf32>
        %select_n3A_2430 = arith.select %ne3A_2425, %add3A_2406, %add3A_2419 : vector<16xi1>, vector<16xf32>
        %lt3A_2431 = arith.constant 0 : i32
        %lt3A_2432 = vector.broadcast %lt3A_2431 : i32 to vector<16xi32>
        %lt3A_2433 = arith.cmpi slt, %xor3A_2428, %lt3A_2432 : vector<16xi32>
        %add3A_2434 = arith.constant 16 : i32
        %add3A_2435 = vector.broadcast %add3A_2434 : i32 to vector<16xi32>
        %add3A_2436 = arith.addi %xor3A_2428, %add3A_2435 : vector<16xi32>
        %select_n3A_2437 = arith.select %lt3A_2433, %add3A_2436, %xor3A_2428 : vector<16xi1>, vector<16xi32>
        %reshape3A_2438 = vector.shape_cast %select_n3A_2437 : vector<16xi32> to vector<16x1xi32>
        %gather3A_2439 = vector.shape_cast %reshape3A_2438 : vector<16x1xi32> to vector<16xi32>
        %gather3A_2440 = tpu.dynamic_gather %select_n3A_2430[%gather3A_2439] in [0] : vector<16xf32>, vector<16xi32> -> vector<16xf32>
        %add3A_2441 = arith.addf %select_n3A_2429, %gather3A_2440 : vector<16xf32>
        %and3A_2442 = arith.constant 8 : i32
        %and3A_2443 = vector.broadcast %and3A_2442 : i32 to vector<16xi32>
        %and3A_2444 = arith.andi %iota3A, %and3A_2443 : vector<16xi32>
        %ne3A_2445 = arith.constant 0 : i32
        %ne3A_2446 = vector.broadcast %ne3A_2445 : i32 to vector<16xi32>
        %ne3A_2447 = arith.cmpi ne, %and3A_2444, %ne3A_2446 : vector<16xi32>
        %xor3A_2448 = arith.constant 8 : i32
        %xor3A_2449 = vector.broadcast %xor3A_2448 : i32 to vector<16xi32>
        %xor3A_2450 = arith.xori %iota3A, %xor3A_2449 : vector<16xi32>
        %select_n3A_2451 = arith.select %ne3A_2447, %add3A_2441, %add3A_2441 : vector<16xi1>, vector<16xf32>
        %select_n3A_2452 = arith.select %ne3A_2447, %add3A_2441, %add3A_2441 : vector<16xi1>, vector<16xf32>
        %lt3A_2453 = arith.constant 0 : i32
        %lt3A_2454 = vector.broadcast %lt3A_2453 : i32 to vector<16xi32>
        %lt3A_2455 = arith.cmpi slt, %xor3A_2450, %lt3A_2454 : vector<16xi32>
        %add3A_2456 = arith.constant 16 : i32
        %add3A_2457 = vector.broadcast %add3A_2456 : i32 to vector<16xi32>
        %add3A_2458 = arith.addi %xor3A_2450, %add3A_2457 : vector<16xi32>
        %select_n3A_2459 = arith.select %lt3A_2455, %add3A_2458, %xor3A_2450 : vector<16xi1>, vector<16xi32>
        %reshape3A_2460 = vector.shape_cast %select_n3A_2459 : vector<16xi32> to vector<16x1xi32>
        %gather3A_2461 = vector.shape_cast %reshape3A_2460 : vector<16x1xi32> to vector<16xi32>
        %gather3A_2462 = tpu.dynamic_gather %select_n3A_2452[%gather3A_2461] in [0] : vector<16xf32>, vector<16xi32> -> vector<16xf32>
        %add3A_2463 = arith.addf %select_n3A_2451, %gather3A_2462 : vector<16xf32>
        %swap3A = arith.index_cast %mul3A_318 : i32 to index
        %swap3A_2464 = arith.index_cast %scan3A_1258 : i32 to index
        %swap3A_2465 = arith.constant 0 : index
        %swap3A_2466 = tpu.vector_load %arg11[%swap3A, %swap3A_2464, %swap3A_2465] {strides = array<i32>} : memref<16x32x32xf32, #tpu.memory_space<vmem>>, vector<1x1x16xf32>,
        %swap3A_2467 = vector.shape_cast %swap3A_2466 : vector<1x1x16xf32> to vector<16xf32>
        %swap3A_2468 = vector.shape_cast %add3A_2336 : vector<16xf32> to vector<1x1x16xf32>
        tpu.vector_store %arg11[%swap3A, %swap3A_2464, %swap3A_2465], %swap3A_2468 {strides = array<i32>} : memref<16x32x32xf32, #tpu.memory_space<vmem>>, vector<1x1x16xf32>,
        %swap3A_2469 = arith.index_cast %mul3A_318 : i32 to index
        %swap3A_2470 = arith.index_cast %scan3A_1258 : i32 to index
        %swap3A_2471 = arith.constant 16 : index
        %swap3A_2472 = tpu.vector_load %arg11[%swap3A_2469, %swap3A_2470, %swap3A_2471] {strides = array<i32>} : memref<16x32x32xf32, #tpu.memory_space<vmem>>, vector<1x1x16xf32>,
        %swap3A_2473 = vector.shape_cast %swap3A_2472 : vector<1x1x16xf32> to vector<16xf32>
        %swap3A_2474 = vector.shape_cast %add3A_2463 : vector<16xf32> to vector<1x1x16xf32>
        tpu.vector_store %arg11[%swap3A_2469, %swap3A_2470, %swap3A_2471], %swap3A_2474 {strides = array<i32>} : memref<16x32x32xf32, #tpu.memory_space<vmem>>, vector<1x1x16xf32>,
      }
      %scan3A_939 = arith.constant 32 : i32
      %add3A_940 = arith.constant 2 : i32
      %add3A_941 = arith.addi %mul3A_318, %add3A_940 : i32
      %lt3A = arith.constant 16 : i32
      %lt3A_942 = arith.cmpi slt, %add3A_941, %lt3A : i32
      %convert_element_type3A = arith.extui %lt3A_942 : i1 to i32
      %cond3A = arith.constant 0 : i32
      %cond3A_943 = arith.cmpi ne, %convert_element_type3A, %cond3A : i32
      scf.if %cond3A_943 {
        %add3A_1258 = arith.constant 2 : i32
        %add3A_1259 = arith.addi %mul3A_318, %add3A_1258 : i32
        %run_scoped3A_1260 = arith.constant 0 : i32
        "tpu.region"() ({
          %run_scoped3A_1568 = tpu.sem_alloc : memref<!tpu.dma_semaphore, #tpu.memory_space<semaphore_mem>>
          %dma_start3A_1569 = arith.constant 0 : i32
          %dma_start3A_1570 = tpu.memref_slice %arg7[%run_scoped3A_1260, %dma_start3A_1569] : memref<2x32xi32, #tpu.memory_space<vmem>> -> memref<1x32xi32, #tpu.memory_space<vmem>>
          %dma_start3A_1571 = tpu.memref_squeeze %dma_start3A_1570 : memref<1x32xi32, #tpu.memory_space<vmem>> -> memref<32xi32, #tpu.memory_space<vmem>>
          %dma_start3A_1572 = arith.constant 0 : i32
          %dma_start3A_1573 = tpu.memref_slice %arg2[%add3A, %add3A_1259, %dma_start3A_1572] : memref<32x16x32xi32, #tpu.memory_space<hbm>> -> memref<1x1x32xi32, #tpu.memory_space<hbm>>
          %dma_start3A_1574 = tpu.memref_squeeze %dma_start3A_1573 : memref<1x1x32xi32, #tpu.memory_space<hbm>> -> memref<32xi32, #tpu.memory_space<hbm>>
          %dma_start3A_1575 = arith.constant 0 : i32
          %dma_start3A_1576 = tpu.memref_slice %arg7[%run_scoped3A_1260, %dma_start3A_1575] : memref<2x32xi32, #tpu.memory_space<vmem>> -> memref<1x32xi32, #tpu.memory_space<vmem>>
          %dma_start3A_1577 = tpu.memref_squeeze %dma_start3A_1576 : memref<1x32xi32, #tpu.memory_space<vmem>> -> memref<32xi32, #tpu.memory_space<vmem>>
          %dma_start3A_1578 = arith.constant 0 : i32
          %dma_start3A_1579 = tpu.memref_slice %arg2[%add3A, %add3A_1259, %dma_start3A_1578] : memref<32x16x32xi32, #tpu.memory_space<hbm>> -> memref<1x1x32xi32, #tpu.memory_space<hbm>>
          %dma_start3A_1580 = tpu.memref_squeeze %dma_start3A_1579 : memref<1x1x32xi32, #tpu.memory_space<hbm>> -> memref<32xi32, #tpu.memory_space<hbm>>
          tpu.enqueue_dma source(%dma_start3A_1580 : memref<32xi32, #tpu.memory_space<hbm>>) target(%dma_start3A_1577 : memref<32xi32, #tpu.memory_space<vmem>>) target_semaphore(%run_scoped3A_1568 : memref<!tpu.dma_semaphore, #tpu.memory_space<semaphore_mem>>)
          %dma_wait3A_1581 = arith.constant 0 : i32
          %dma_wait3A_1582 = tpu.memref_slice %arg7[%run_scoped3A_1260, %dma_wait3A_1581] : memref<2x32xi32, #tpu.memory_space<vmem>> -> memref<1x32xi32, #tpu.memory_space<vmem>>
          %dma_wait3A_1583 = tpu.memref_squeeze %dma_wait3A_1582 : memref<1x32xi32, #tpu.memory_space<vmem>> -> memref<32xi32, #tpu.memory_space<vmem>>
          %dma_wait3A_1584 = arith.constant 0 : i32
          %dma_wait3A_1585 = tpu.memref_slice %arg2[%add3A, %add3A_1259, %dma_wait3A_1584] : memref<32x16x32xi32, #tpu.memory_space<hbm>> -> memref<1x1x32xi32, #tpu.memory_space<hbm>>
          %dma_wait3A_1586 = tpu.memref_squeeze %dma_wait3A_1585 : memref<1x1x32xi32, #tpu.memory_space<hbm>> -> memref<32xi32, #tpu.memory_space<hbm>>
          %dma_wait3A_1587 = arith.constant 0 : i32
          %dma_wait3A_1588 = tpu.memref_slice %arg7[%run_scoped3A_1260, %dma_wait3A_1587] : memref<2x32xi32, #tpu.memory_space<vmem>> -> memref<1x32xi32, #tpu.memory_space<vmem>>
          %dma_wait3A_1589 = tpu.memref_squeeze %dma_wait3A_1588 : memref<1x32xi32, #tpu.memory_space<vmem>> -> memref<32xi32, #tpu.memory_space<vmem>>
          %dma_wait3A_1590 = arith.constant 0 : i32
          %dma_wait3A_1591 = tpu.memref_slice %arg2[%add3A, %add3A_1259, %dma_wait3A_1590] : memref<32x16x32xi32, #tpu.memory_space<hbm>> -> memref<1x1x32xi32, #tpu.memory_space<hbm>>
          %dma_wait3A_1592 = tpu.memref_squeeze %dma_wait3A_1591 : memref<1x1x32xi32, #tpu.memory_space<hbm>> -> memref<32xi32, #tpu.memory_space<hbm>>
          tpu.wait_dma2 semaphore(%run_scoped3A_1568 : memref<!tpu.dma_semaphore, #tpu.memory_space<semaphore_mem>>) src(%dma_wait3A_1592 : memref<32xi32, #tpu.memory_space<hbm>>) dst(%dma_wait3A_1589 : memref<32xi32, #tpu.memory_space<vmem>>)
          tpu.yield
        }) : () -> ()
        %run_scoped3A_1261 = arith.constant 0 : i32
        "tpu.region"() ({
          %run_scoped3A_1568 = tpu.sem_alloc : memref<!tpu.dma_semaphore, #tpu.memory_space<semaphore_mem>>
          %dma_start3A_1569 = arith.constant 0 : i32
          %dma_start3A_1570 = arith.constant 0 : i32
          %dma_start3A_1571 = tpu.memref_slice %arg8[%run_scoped3A_1261, %dma_start3A_1569, %dma_start3A_1570] : memref<2x21x32xi32, #tpu.memory_space<vmem>> -> memref<1x21x32xi32, #tpu.memory_space<vmem>>
          %dma_start3A_1572 = tpu.memref_squeeze %dma_start3A_1571 : memref<1x21x32xi32, #tpu.memory_space<vmem>> -> memref<21x32xi32, #tpu.memory_space<vmem>>
          %dma_start3A_1573 = arith.constant 0 : i32
          %dma_start3A_1574 = arith.constant 0 : i32
          %dma_start3A_1575 = tpu.memref_slice %arg3[%add3A, %add3A_1259, %dma_start3A_1573, %dma_start3A_1574] : memref<32x16x21x32xi32, #tpu.memory_space<hbm>> -> memref<1x1x21x32xi32, #tpu.memory_space<hbm>>
          %dma_start3A_1576 = tpu.memref_squeeze %dma_start3A_1575 : memref<1x1x21x32xi32, #tpu.memory_space<hbm>> -> memref<21x32xi32, #tpu.memory_space<hbm>>
          %dma_start3A_1577 = arith.constant 0 : i32
          %dma_start3A_1578 = arith.constant 0 : i32
          %dma_start3A_1579 = tpu.memref_slice %arg8[%run_scoped3A_1261, %dma_start3A_1577, %dma_start3A_1578] : memref<2x21x32xi32, #tpu.memory_space<vmem>> -> memref<1x21x32xi32, #tpu.memory_space<vmem>>
          %dma_start3A_1580 = tpu.memref_squeeze %dma_start3A_1579 : memref<1x21x32xi32, #tpu.memory_space<vmem>> -> memref<21x32xi32, #tpu.memory_space<vmem>>
          %dma_start3A_1581 = arith.constant 0 : i32
          %dma_start3A_1582 = arith.constant 0 : i32
          %dma_start3A_1583 = tpu.memref_slice %arg3[%add3A, %add3A_1259, %dma_start3A_1581, %dma_start3A_1582] : memref<32x16x21x32xi32, #tpu.memory_space<hbm>> -> memref<1x1x21x32xi32, #tpu.memory_space<hbm>>
          %dma_start3A_1584 = tpu.memref_squeeze %dma_start3A_1583 : memref<1x1x21x32xi32, #tpu.memory_space<hbm>> -> memref<21x32xi32, #tpu.memory_space<hbm>>
          tpu.enqueue_dma source(%dma_start3A_1584 : memref<21x32xi32, #tpu.memory_space<hbm>>) target(%dma_start3A_1580 : memref<21x32xi32, #tpu.memory_space<vmem>>) target_semaphore(%run_scoped3A_1568 : memref<!tpu.dma_semaphore, #tpu.memory_space<semaphore_mem>>)
          %dma_wait3A_1585 = arith.constant 0 : i32
          %dma_wait3A_1586 = arith.constant 0 : i32
          %dma_wait3A_1587 = tpu.memref_slice %arg8[%run_scoped3A_1261, %dma_wait3A_1585, %dma_wait3A_1586] : memref<2x21x32xi32, #tpu.memory_space<vmem>> -> memref<1x21x32xi32, #tpu.memory_space<vmem>>
          %dma_wait3A_1588 = tpu.memref_squeeze %dma_wait3A_1587 : memref<1x21x32xi32, #tpu.memory_space<vmem>> -> memref<21x32xi32, #tpu.memory_space<vmem>>
          %dma_wait3A_1589 = arith.constant 0 : i32
          %dma_wait3A_1590 = arith.constant 0 : i32
          %dma_wait3A_1591 = tpu.memref_slice %arg3[%add3A, %add3A_1259, %dma_wait3A_1589, %dma_wait3A_1590] : memref<32x16x21x32xi32, #tpu.memory_space<hbm>> -> memref<1x1x21x32xi32, #tpu.memory_space<hbm>>
          %dma_wait3A_1592 = tpu.memref_squeeze %dma_wait3A_1591 : memref<1x1x21x32xi32, #tpu.memory_space<hbm>> -> memref<21x32xi32, #tpu.memory_space<hbm>>
          %dma_wait3A_1593 = arith.constant 0 : i32
          %dma_wait3A_1594 = arith.constant 0 : i32
          %dma_wait3A_1595 = tpu.memref_slice %arg8[%run_scoped3A_1261, %dma_wait3A_1593, %dma_wait3A_1594] : memref<2x21x32xi32, #tpu.memory_space<vmem>> -> memref<1x21x32xi32, #tpu.memory_space<vmem>>
          %dma_wait3A_1596 = tpu.memref_squeeze %dma_wait3A_1595 : memref<1x21x32xi32, #tpu.memory_space<vmem>> -> memref<21x32xi32, #tpu.memory_space<vmem>>
          %dma_wait3A_1597 = arith.constant 0 : i32
          %dma_wait3A_1598 = arith.constant 0 : i32
          %dma_wait3A_1599 = tpu.memref_slice %arg3[%add3A, %add3A_1259, %dma_wait3A_1597, %dma_wait3A_1598] : memref<32x16x21x32xi32, #tpu.memory_space<hbm>> -> memref<1x1x21x32xi32, #tpu.memory_space<hbm>>
          %dma_wait3A_1600 = tpu.memref_squeeze %dma_wait3A_1599 : memref<1x1x21x32xi32, #tpu.memory_space<hbm>> -> memref<21x32xi32, #tpu.memory_space<hbm>>
          tpu.wait_dma2 semaphore(%run_scoped3A_1568 : memref<!tpu.dma_semaphore, #tpu.memory_space<semaphore_mem>>) src(%dma_wait3A_1600 : memref<21x32xi32, #tpu.memory_space<hbm>>) dst(%dma_wait3A_1596 : memref<21x32xi32, #tpu.memory_space<vmem>>)
          tpu.yield
        }) : () -> ()
        %dma_start3A_1262 = arith.constant 0 : i32
        %dma_start3A_1263 = arith.constant 0 : i32
        %dma_start3A_1264 = arith.constant 0 : i32
        %dma_start3A_1265 = arith.constant 0 : i32
        %dma_start3A_1266 = tpu.memref_slice %arg9[%dma_start3A_1263, %dma_start3A_1264, %dma_start3A_1265] : memref<2x32x64xf32, #tpu.memory_space<vmem>> -> memref<1x32x64xf32, #tpu.memory_space<vmem>>
        %dma_start3A_1267 = tpu.memref_squeeze %dma_start3A_1266 : memref<1x32x64xf32, #tpu.memory_space<vmem>> -> memref<32x64xf32, #tpu.memory_space<vmem>>
        %dma_start3A_1268 = arith.constant 0 : i32
        %dma_start3A_1269 = tpu.memref_slice %arg7[%dma_start3A_1262, %dma_start3A_1268] : memref<2x32xi32, #tpu.memory_space<vmem>> -> memref<1x32xi32, #tpu.memory_space<vmem>>
        %dma_start3A_1270 = tpu.memref_squeeze %dma_start3A_1269 : memref<1x32xi32, #tpu.memory_space<vmem>> -> memref<32xi32, #tpu.memory_space<vmem>>
        %dma_start3A_1271 = arith.constant 0 : i32
        %dma_start3A_1272 = arith.constant 0 : i32
        %dma_start3A_1273 = tpu.memref_slice %arg4[%dma_start3A_1271, %dma_start3A_1272] : memref<1000000x64xf32, #tpu.memory_space<hbm>> -> memref<1000000x64xf32, #tpu.memory_space<hbm>>
        tpu.enqueue_indirect_dma source(%dma_start3A_1273 : memref<1000000x64xf32, #tpu.memory_space<hbm>>) target(%dma_start3A_1267 : memref<32x64xf32, #tpu.memory_space<vmem>>) offsets(%dma_start3A_1270 : memref<32xi32, #tpu.memory_space<vmem>>) semaphore(%arg12 : memref<!tpu.dma_semaphore, #tpu.memory_space<semaphore_mem>>)
        %dma_start3A_1274 = arith.constant 0 : i32
        %dma_start3A_1275 = arith.constant 0 : i32
        %dma_start3A_1276 = arith.constant 0 : i32
        %dma_start3A_1277 = arith.constant 0 : i32
        %dma_start3A_1278 = arith.constant 0 : i32
        %dma_start3A_1279 = arith.constant 0 : i32
        %dma_start3A_1280 = tpu.memref_slice %arg10[%dma_start3A_1276, %dma_start3A_1277, %dma_start3A_1278, %dma_start3A_1279] : memref<2x21x32x64xf32, #tpu.memory_space<vmem>> -> memref<1x1x32x64xf32, #tpu.memory_space<vmem>>
        %dma_start3A_1281 = tpu.memref_squeeze %dma_start3A_1280 : memref<1x1x32x64xf32, #tpu.memory_space<vmem>> -> memref<32x64xf32, #tpu.memory_space<vmem>>
        %dma_start3A_1282 = arith.constant 0 : i32
        %dma_start3A_1283 = tpu.memref_slice %arg8[%dma_start3A_1274, %dma_start3A_1275, %dma_start3A_1282] : memref<2x21x32xi32, #tpu.memory_space<vmem>> -> memref<1x1x32xi32, #tpu.memory_space<vmem>>
        %dma_start3A_1284 = tpu.memref_squeeze %dma_start3A_1283 : memref<1x1x32xi32, #tpu.memory_space<vmem>> -> memref<32xi32, #tpu.memory_space<vmem>>
        %dma_start3A_1285 = arith.constant 0 : i32
        %dma_start3A_1286 = arith.constant 0 : i32
        %dma_start3A_1287 = tpu.memref_slice %arg5[%dma_start3A_1285, %dma_start3A_1286] : memref<1000000x64xf32, #tpu.memory_space<hbm>> -> memref<1000000x64xf32, #tpu.memory_space<hbm>>
        tpu.enqueue_indirect_dma source(%dma_start3A_1287 : memref<1000000x64xf32, #tpu.memory_space<hbm>>) target(%dma_start3A_1281 : memref<32x64xf32, #tpu.memory_space<vmem>>) offsets(%dma_start3A_1284 : memref<32xi32, #tpu.memory_space<vmem>>) semaphore(%arg12 : memref<!tpu.dma_semaphore, #tpu.memory_space<semaphore_mem>>)
        %dma_start3A_1288 = arith.constant 0 : i32
        %dma_start3A_1289 = arith.constant 1 : i32
        %dma_start3A_1290 = arith.constant 0 : i32
        %dma_start3A_1291 = arith.constant 1 : i32
        %dma_start3A_1292 = arith.constant 0 : i32
        %dma_start3A_1293 = arith.constant 0 : i32
        %dma_start3A_1294 = tpu.memref_slice %arg10[%dma_start3A_1290, %dma_start3A_1291, %dma_start3A_1292, %dma_start3A_1293] : memref<2x21x32x64xf32, #tpu.memory_space<vmem>> -> memref<1x1x32x64xf32, #tpu.memory_space<vmem>>
        %dma_start3A_1295 = tpu.memref_squeeze %dma_start3A_1294 : memref<1x1x32x64xf32, #tpu.memory_space<vmem>> -> memref<32x64xf32, #tpu.memory_space<vmem>>
        %dma_start3A_1296 = arith.constant 0 : i32
        %dma_start3A_1297 = tpu.memref_slice %arg8[%dma_start3A_1288, %dma_start3A_1289, %dma_start3A_1296] : memref<2x21x32xi32, #tpu.memory_space<vmem>> -> memref<1x1x32xi32, #tpu.memory_space<vmem>>
        %dma_start3A_1298 = tpu.memref_squeeze %dma_start3A_1297 : memref<1x1x32xi32, #tpu.memory_space<vmem>> -> memref<32xi32, #tpu.memory_space<vmem>>
        %dma_start3A_1299 = arith.constant 0 : i32
        %dma_start3A_1300 = arith.constant 0 : i32
        %dma_start3A_1301 = tpu.memref_slice %arg5[%dma_start3A_1299, %dma_start3A_1300] : memref<1000000x64xf32, #tpu.memory_space<hbm>> -> memref<1000000x64xf32, #tpu.memory_space<hbm>>
        tpu.enqueue_indirect_dma source(%dma_start3A_1301 : memref<1000000x64xf32, #tpu.memory_space<hbm>>) target(%dma_start3A_1295 : memref<32x64xf32, #tpu.memory_space<vmem>>) offsets(%dma_start3A_1298 : memref<32xi32, #tpu.memory_space<vmem>>) semaphore(%arg12 : memref<!tpu.dma_semaphore, #tpu.memory_space<semaphore_mem>>)
        %dma_start3A_1302 = arith.constant 0 : i32
        %dma_start3A_1303 = arith.constant 2 : i32
        %dma_start3A_1304 = arith.constant 0 : i32
        %dma_start3A_1305 = arith.constant 2 : i32
        %dma_start3A_1306 = arith.constant 0 : i32
        %dma_start3A_1307 = arith.constant 0 : i32
        %dma_start3A_1308 = tpu.memref_slice %arg10[%dma_start3A_1304, %dma_start3A_1305, %dma_start3A_1306, %dma_start3A_1307] : memref<2x21x32x64xf32, #tpu.memory_space<vmem>> -> memref<1x1x32x64xf32, #tpu.memory_space<vmem>>
        %dma_start3A_1309 = tpu.memref_squeeze %dma_start3A_1308 : memref<1x1x32x64xf32, #tpu.memory_space<vmem>> -> memref<32x64xf32, #tpu.memory_space<vmem>>
        %dma_start3A_1310 = arith.constant 0 : i32
        %dma_start3A_1311 = tpu.memref_slice %arg8[%dma_start3A_1302, %dma_start3A_1303, %dma_start3A_1310] : memref<2x21x32xi32, #tpu.memory_space<vmem>> -> memref<1x1x32xi32, #tpu.memory_space<vmem>>
        %dma_start3A_1312 = tpu.memref_squeeze %dma_start3A_1311 : memref<1x1x32xi32, #tpu.memory_space<vmem>> -> memref<32xi32, #tpu.memory_space<vmem>>
        %dma_start3A_1313 = arith.constant 0 : i32
        %dma_start3A_1314 = arith.constant 0 : i32
        %dma_start3A_1315 = tpu.memref_slice %arg5[%dma_start3A_1313, %dma_start3A_1314] : memref<1000000x64xf32, #tpu.memory_space<hbm>> -> memref<1000000x64xf32, #tpu.memory_space<hbm>>
        tpu.enqueue_indirect_dma source(%dma_start3A_1315 : memref<1000000x64xf32, #tpu.memory_space<hbm>>) target(%dma_start3A_1309 : memref<32x64xf32, #tpu.memory_space<vmem>>) offsets(%dma_start3A_1312 : memref<32xi32, #tpu.memory_space<vmem>>) semaphore(%arg12 : memref<!tpu.dma_semaphore, #tpu.memory_space<semaphore_mem>>)
        %dma_start3A_1316 = arith.constant 0 : i32
        %dma_start3A_1317 = arith.constant 3 : i32
        %dma_start3A_1318 = arith.constant 0 : i32
        %dma_start3A_1319 = arith.constant 3 : i32
        %dma_start3A_1320 = arith.constant 0 : i32
        %dma_start3A_1321 = arith.constant 0 : i32
        %dma_start3A_1322 = tpu.memref_slice %arg10[%dma_start3A_1318, %dma_start3A_1319, %dma_start3A_1320, %dma_start3A_1321] : memref<2x21x32x64xf32, #tpu.memory_space<vmem>> -> memref<1x1x32x64xf32, #tpu.memory_space<vmem>>
        %dma_start3A_1323 = tpu.memref_squeeze %dma_start3A_1322 : memref<1x1x32x64xf32, #tpu.memory_space<vmem>> -> memref<32x64xf32, #tpu.memory_space<vmem>>
        %dma_start3A_1324 = arith.constant 0 : i32
        %dma_start3A_1325 = tpu.memref_slice %arg8[%dma_start3A_1316, %dma_start3A_1317, %dma_start3A_1324] : memref<2x21x32xi32, #tpu.memory_space<vmem>> -> memref<1x1x32xi32, #tpu.memory_space<vmem>>
        %dma_start3A_1326 = tpu.memref_squeeze %dma_start3A_1325 : memref<1x1x32xi32, #tpu.memory_space<vmem>> -> memref<32xi32, #tpu.memory_space<vmem>>
        %dma_start3A_1327 = arith.constant 0 : i32
        %dma_start3A_1328 = arith.constant 0 : i32
        %dma_start3A_1329 = tpu.memref_slice %arg5[%dma_start3A_1327, %dma_start3A_1328] : memref<1000000x64xf32, #tpu.memory_space<hbm>> -> memref<1000000x64xf32, #tpu.memory_space<hbm>>
        tpu.enqueue_indirect_dma source(%dma_start3A_1329 : memref<1000000x64xf32, #tpu.memory_space<hbm>>) target(%dma_start3A_1323 : memref<32x64xf32, #tpu.memory_space<vmem>>) offsets(%dma_start3A_1326 : memref<32xi32, #tpu.memory_space<vmem>>) semaphore(%arg12 : memref<!tpu.dma_semaphore, #tpu.memory_space<semaphore_mem>>)
        %dma_start3A_1330 = arith.constant 0 : i32
        %dma_start3A_1331 = arith.constant 4 : i32
        %dma_start3A_1332 = arith.constant 0 : i32
        %dma_start3A_1333 = arith.constant 4 : i32
        %dma_start3A_1334 = arith.constant 0 : i32
        %dma_start3A_1335 = arith.constant 0 : i32
        %dma_start3A_1336 = tpu.memref_slice %arg10[%dma_start3A_1332, %dma_start3A_1333, %dma_start3A_1334, %dma_start3A_1335] : memref<2x21x32x64xf32, #tpu.memory_space<vmem>> -> memref<1x1x32x64xf32, #tpu.memory_space<vmem>>
        %dma_start3A_1337 = tpu.memref_squeeze %dma_start3A_1336 : memref<1x1x32x64xf32, #tpu.memory_space<vmem>> -> memref<32x64xf32, #tpu.memory_space<vmem>>
        %dma_start3A_1338 = arith.constant 0 : i32
        %dma_start3A_1339 = tpu.memref_slice %arg8[%dma_start3A_1330, %dma_start3A_1331, %dma_start3A_1338] : memref<2x21x32xi32, #tpu.memory_space<vmem>> -> memref<1x1x32xi32, #tpu.memory_space<vmem>>
        %dma_start3A_1340 = tpu.memref_squeeze %dma_start3A_1339 : memref<1x1x32xi32, #tpu.memory_space<vmem>> -> memref<32xi32, #tpu.memory_space<vmem>>
        %dma_start3A_1341 = arith.constant 0 : i32
        %dma_start3A_1342 = arith.constant 0 : i32
        %dma_start3A_1343 = tpu.memref_slice %arg5[%dma_start3A_1341, %dma_start3A_1342] : memref<1000000x64xf32, #tpu.memory_space<hbm>> -> memref<1000000x64xf32, #tpu.memory_space<hbm>>
        tpu.enqueue_indirect_dma source(%dma_start3A_1343 : memref<1000000x64xf32, #tpu.memory_space<hbm>>) target(%dma_start3A_1337 : memref<32x64xf32, #tpu.memory_space<vmem>>) offsets(%dma_start3A_1340 : memref<32xi32, #tpu.memory_space<vmem>>) semaphore(%arg12 : memref<!tpu.dma_semaphore, #tpu.memory_space<semaphore_mem>>)
        %dma_start3A_1344 = arith.constant 0 : i32
        %dma_start3A_1345 = arith.constant 5 : i32
        %dma_start3A_1346 = arith.constant 0 : i32
        %dma_start3A_1347 = arith.constant 5 : i32
        %dma_start3A_1348 = arith.constant 0 : i32
        %dma_start3A_1349 = arith.constant 0 : i32
        %dma_start3A_1350 = tpu.memref_slice %arg10[%dma_start3A_1346, %dma_start3A_1347, %dma_start3A_1348, %dma_start3A_1349] : memref<2x21x32x64xf32, #tpu.memory_space<vmem>> -> memref<1x1x32x64xf32, #tpu.memory_space<vmem>>
        %dma_start3A_1351 = tpu.memref_squeeze %dma_start3A_1350 : memref<1x1x32x64xf32, #tpu.memory_space<vmem>> -> memref<32x64xf32, #tpu.memory_space<vmem>>
        %dma_start3A_1352 = arith.constant 0 : i32
        %dma_start3A_1353 = tpu.memref_slice %arg8[%dma_start3A_1344, %dma_start3A_1345, %dma_start3A_1352] : memref<2x21x32xi32, #tpu.memory_space<vmem>> -> memref<1x1x32xi32, #tpu.memory_space<vmem>>
        %dma_start3A_1354 = tpu.memref_squeeze %dma_start3A_1353 : memref<1x1x32xi32, #tpu.memory_space<vmem>> -> memref<32xi32, #tpu.memory_space<vmem>>
        %dma_start3A_1355 = arith.constant 0 : i32
        %dma_start3A_1356 = arith.constant 0 : i32
        %dma_start3A_1357 = tpu.memref_slice %arg5[%dma_start3A_1355, %dma_start3A_1356] : memref<1000000x64xf32, #tpu.memory_space<hbm>> -> memref<1000000x64xf32, #tpu.memory_space<hbm>>
        tpu.enqueue_indirect_dma source(%dma_start3A_1357 : memref<1000000x64xf32, #tpu.memory_space<hbm>>) target(%dma_start3A_1351 : memref<32x64xf32, #tpu.memory_space<vmem>>) offsets(%dma_start3A_1354 : memref<32xi32, #tpu.memory_space<vmem>>) semaphore(%arg12 : memref<!tpu.dma_semaphore, #tpu.memory_space<semaphore_mem>>)
        %dma_start3A_1358 = arith.constant 0 : i32
        %dma_start3A_1359 = arith.constant 6 : i32
        %dma_start3A_1360 = arith.constant 0 : i32
        %dma_start3A_1361 = arith.constant 6 : i32
        %dma_start3A_1362 = arith.constant 0 : i32
        %dma_start3A_1363 = arith.constant 0 : i32
        %dma_start3A_1364 = tpu.memref_slice %arg10[%dma_start3A_1360, %dma_start3A_1361, %dma_start3A_1362, %dma_start3A_1363] : memref<2x21x32x64xf32, #tpu.memory_space<vmem>> -> memref<1x1x32x64xf32, #tpu.memory_space<vmem>>
        %dma_start3A_1365 = tpu.memref_squeeze %dma_start3A_1364 : memref<1x1x32x64xf32, #tpu.memory_space<vmem>> -> memref<32x64xf32, #tpu.memory_space<vmem>>
        %dma_start3A_1366 = arith.constant 0 : i32
        %dma_start3A_1367 = tpu.memref_slice %arg8[%dma_start3A_1358, %dma_start3A_1359, %dma_start3A_1366] : memref<2x21x32xi32, #tpu.memory_space<vmem>> -> memref<1x1x32xi32, #tpu.memory_space<vmem>>
        %dma_start3A_1368 = tpu.memref_squeeze %dma_start3A_1367 : memref<1x1x32xi32, #tpu.memory_space<vmem>> -> memref<32xi32, #tpu.memory_space<vmem>>
        %dma_start3A_1369 = arith.constant 0 : i32
        %dma_start3A_1370 = arith.constant 0 : i32
        %dma_start3A_1371 = tpu.memref_slice %arg5[%dma_start3A_1369, %dma_start3A_1370] : memref<1000000x64xf32, #tpu.memory_space<hbm>> -> memref<1000000x64xf32, #tpu.memory_space<hbm>>
        tpu.enqueue_indirect_dma source(%dma_start3A_1371 : memref<1000000x64xf32, #tpu.memory_space<hbm>>) target(%dma_start3A_1365 : memref<32x64xf32, #tpu.memory_space<vmem>>) offsets(%dma_start3A_1368 : memref<32xi32, #tpu.memory_space<vmem>>) semaphore(%arg12 : memref<!tpu.dma_semaphore, #tpu.memory_space<semaphore_mem>>)
        %dma_start3A_1372 = arith.constant 0 : i32
        %dma_start3A_1373 = arith.constant 7 : i32
        %dma_start3A_1374 = arith.constant 0 : i32
        %dma_start3A_1375 = arith.constant 7 : i32
        %dma_start3A_1376 = arith.constant 0 : i32
        %dma_start3A_1377 = arith.constant 0 : i32
        %dma_start3A_1378 = tpu.memref_slice %arg10[%dma_start3A_1374, %dma_start3A_1375, %dma_start3A_1376, %dma_start3A_1377] : memref<2x21x32x64xf32, #tpu.memory_space<vmem>> -> memref<1x1x32x64xf32, #tpu.memory_space<vmem>>
        %dma_start3A_1379 = tpu.memref_squeeze %dma_start3A_1378 : memref<1x1x32x64xf32, #tpu.memory_space<vmem>> -> memref<32x64xf32, #tpu.memory_space<vmem>>
        %dma_start3A_1380 = arith.constant 0 : i32
        %dma_start3A_1381 = tpu.memref_slice %arg8[%dma_start3A_1372, %dma_start3A_1373, %dma_start3A_1380] : memref<2x21x32xi32, #tpu.memory_space<vmem>> -> memref<1x1x32xi32, #tpu.memory_space<vmem>>
        %dma_start3A_1382 = tpu.memref_squeeze %dma_start3A_1381 : memref<1x1x32xi32, #tpu.memory_space<vmem>> -> memref<32xi32, #tpu.memory_space<vmem>>
        %dma_start3A_1383 = arith.constant 0 : i32
        %dma_start3A_1384 = arith.constant 0 : i32
        %dma_start3A_1385 = tpu.memref_slice %arg5[%dma_start3A_1383, %dma_start3A_1384] : memref<1000000x64xf32, #tpu.memory_space<hbm>> -> memref<1000000x64xf32, #tpu.memory_space<hbm>>
        tpu.enqueue_indirect_dma source(%dma_start3A_1385 : memref<1000000x64xf32, #tpu.memory_space<hbm>>) target(%dma_start3A_1379 : memref<32x64xf32, #tpu.memory_space<vmem>>) offsets(%dma_start3A_1382 : memref<32xi32, #tpu.memory_space<vmem>>) semaphore(%arg12 : memref<!tpu.dma_semaphore, #tpu.memory_space<semaphore_mem>>)
        %dma_start3A_1386 = arith.constant 0 : i32
        %dma_start3A_1387 = arith.constant 8 : i32
        %dma_start3A_1388 = arith.constant 0 : i32
        %dma_start3A_1389 = arith.constant 8 : i32
        %dma_start3A_1390 = arith.constant 0 : i32
        %dma_start3A_1391 = arith.constant 0 : i32
        %dma_start3A_1392 = tpu.memref_slice %arg10[%dma_start3A_1388, %dma_start3A_1389, %dma_start3A_1390, %dma_start3A_1391] : memref<2x21x32x64xf32, #tpu.memory_space<vmem>> -> memref<1x1x32x64xf32, #tpu.memory_space<vmem>>
        %dma_start3A_1393 = tpu.memref_squeeze %dma_start3A_1392 : memref<1x1x32x64xf32, #tpu.memory_space<vmem>> -> memref<32x64xf32, #tpu.memory_space<vmem>>
        %dma_start3A_1394 = arith.constant 0 : i32
        %dma_start3A_1395 = tpu.memref_slice %arg8[%dma_start3A_1386, %dma_start3A_1387, %dma_start3A_1394] : memref<2x21x32xi32, #tpu.memory_space<vmem>> -> memref<1x1x32xi32, #tpu.memory_space<vmem>>
        %dma_start3A_1396 = tpu.memref_squeeze %dma_start3A_1395 : memref<1x1x32xi32, #tpu.memory_space<vmem>> -> memref<32xi32, #tpu.memory_space<vmem>>
        %dma_start3A_1397 = arith.constant 0 : i32
        %dma_start3A_1398 = arith.constant 0 : i32
        %dma_start3A_1399 = tpu.memref_slice %arg5[%dma_start3A_1397, %dma_start3A_1398] : memref<1000000x64xf32, #tpu.memory_space<hbm>> -> memref<1000000x64xf32, #tpu.memory_space<hbm>>
        tpu.enqueue_indirect_dma source(%dma_start3A_1399 : memref<1000000x64xf32, #tpu.memory_space<hbm>>) target(%dma_start3A_1393 : memref<32x64xf32, #tpu.memory_space<vmem>>) offsets(%dma_start3A_1396 : memref<32xi32, #tpu.memory_space<vmem>>) semaphore(%arg12 : memref<!tpu.dma_semaphore, #tpu.memory_space<semaphore_mem>>)
        %dma_start3A_1400 = arith.constant 0 : i32
        %dma_start3A_1401 = arith.constant 9 : i32
        %dma_start3A_1402 = arith.constant 0 : i32
        %dma_start3A_1403 = arith.constant 9 : i32
        %dma_start3A_1404 = arith.constant 0 : i32
        %dma_start3A_1405 = arith.constant 0 : i32
        %dma_start3A_1406 = tpu.memref_slice %arg10[%dma_start3A_1402, %dma_start3A_1403, %dma_start3A_1404, %dma_start3A_1405] : memref<2x21x32x64xf32, #tpu.memory_space<vmem>> -> memref<1x1x32x64xf32, #tpu.memory_space<vmem>>
        %dma_start3A_1407 = tpu.memref_squeeze %dma_start3A_1406 : memref<1x1x32x64xf32, #tpu.memory_space<vmem>> -> memref<32x64xf32, #tpu.memory_space<vmem>>
        %dma_start3A_1408 = arith.constant 0 : i32
        %dma_start3A_1409 = tpu.memref_slice %arg8[%dma_start3A_1400, %dma_start3A_1401, %dma_start3A_1408] : memref<2x21x32xi32, #tpu.memory_space<vmem>> -> memref<1x1x32xi32, #tpu.memory_space<vmem>>
        %dma_start3A_1410 = tpu.memref_squeeze %dma_start3A_1409 : memref<1x1x32xi32, #tpu.memory_space<vmem>> -> memref<32xi32, #tpu.memory_space<vmem>>
        %dma_start3A_1411 = arith.constant 0 : i32
        %dma_start3A_1412 = arith.constant 0 : i32
        %dma_start3A_1413 = tpu.memref_slice %arg5[%dma_start3A_1411, %dma_start3A_1412] : memref<1000000x64xf32, #tpu.memory_space<hbm>> -> memref<1000000x64xf32, #tpu.memory_space<hbm>>
        tpu.enqueue_indirect_dma source(%dma_start3A_1413 : memref<1000000x64xf32, #tpu.memory_space<hbm>>) target(%dma_start3A_1407 : memref<32x64xf32, #tpu.memory_space<vmem>>) offsets(%dma_start3A_1410 : memref<32xi32, #tpu.memory_space<vmem>>) semaphore(%arg12 : memref<!tpu.dma_semaphore, #tpu.memory_space<semaphore_mem>>)
        %dma_start3A_1414 = arith.constant 0 : i32
        %dma_start3A_1415 = arith.constant 10 : i32
        %dma_start3A_1416 = arith.constant 0 : i32
        %dma_start3A_1417 = arith.constant 10 : i32
        %dma_start3A_1418 = arith.constant 0 : i32
        %dma_start3A_1419 = arith.constant 0 : i32
        %dma_start3A_1420 = tpu.memref_slice %arg10[%dma_start3A_1416, %dma_start3A_1417, %dma_start3A_1418, %dma_start3A_1419] : memref<2x21x32x64xf32, #tpu.memory_space<vmem>> -> memref<1x1x32x64xf32, #tpu.memory_space<vmem>>
        %dma_start3A_1421 = tpu.memref_squeeze %dma_start3A_1420 : memref<1x1x32x64xf32, #tpu.memory_space<vmem>> -> memref<32x64xf32, #tpu.memory_space<vmem>>
        %dma_start3A_1422 = arith.constant 0 : i32
        %dma_start3A_1423 = tpu.memref_slice %arg8[%dma_start3A_1414, %dma_start3A_1415, %dma_start3A_1422] : memref<2x21x32xi32, #tpu.memory_space<vmem>> -> memref<1x1x32xi32, #tpu.memory_space<vmem>>
        %dma_start3A_1424 = tpu.memref_squeeze %dma_start3A_1423 : memref<1x1x32xi32, #tpu.memory_space<vmem>> -> memref<32xi32, #tpu.memory_space<vmem>>
        %dma_start3A_1425 = arith.constant 0 : i32
        %dma_start3A_1426 = arith.constant 0 : i32
        %dma_start3A_1427 = tpu.memref_slice %arg5[%dma_start3A_1425, %dma_start3A_1426] : memref<1000000x64xf32, #tpu.memory_space<hbm>> -> memref<1000000x64xf32, #tpu.memory_space<hbm>>
        tpu.enqueue_indirect_dma source(%dma_start3A_1427 : memref<1000000x64xf32, #tpu.memory_space<hbm>>) target(%dma_start3A_1421 : memref<32x64xf32, #tpu.memory_space<vmem>>) offsets(%dma_start3A_1424 : memref<32xi32, #tpu.memory_space<vmem>>) semaphore(%arg12 : memref<!tpu.dma_semaphore, #tpu.memory_space<semaphore_mem>>)
        %dma_start3A_1428 = arith.constant 0 : i32
        %dma_start3A_1429 = arith.constant 11 : i32
        %dma_start3A_1430 = arith.constant 0 : i32
        %dma_start3A_1431 = arith.constant 11 : i32
        %dma_start3A_1432 = arith.constant 0 : i32
        %dma_start3A_1433 = arith.constant 0 : i32
        %dma_start3A_1434 = tpu.memref_slice %arg10[%dma_start3A_1430, %dma_start3A_1431, %dma_start3A_1432, %dma_start3A_1433] : memref<2x21x32x64xf32, #tpu.memory_space<vmem>> -> memref<1x1x32x64xf32, #tpu.memory_space<vmem>>
        %dma_start3A_1435 = tpu.memref_squeeze %dma_start3A_1434 : memref<1x1x32x64xf32, #tpu.memory_space<vmem>> -> memref<32x64xf32, #tpu.memory_space<vmem>>
        %dma_start3A_1436 = arith.constant 0 : i32
        %dma_start3A_1437 = tpu.memref_slice %arg8[%dma_start3A_1428, %dma_start3A_1429, %dma_start3A_1436] : memref<2x21x32xi32, #tpu.memory_space<vmem>> -> memref<1x1x32xi32, #tpu.memory_space<vmem>>
        %dma_start3A_1438 = tpu.memref_squeeze %dma_start3A_1437 : memref<1x1x32xi32, #tpu.memory_space<vmem>> -> memref<32xi32, #tpu.memory_space<vmem>>
        %dma_start3A_1439 = arith.constant 0 : i32
        %dma_start3A_1440 = arith.constant 0 : i32
        %dma_start3A_1441 = tpu.memref_slice %arg5[%dma_start3A_1439, %dma_start3A_1440] : memref<1000000x64xf32, #tpu.memory_space<hbm>> -> memref<1000000x64xf32, #tpu.memory_space<hbm>>
        tpu.enqueue_indirect_dma source(%dma_start3A_1441 : memref<1000000x64xf32, #tpu.memory_space<hbm>>) target(%dma_start3A_1435 : memref<32x64xf32, #tpu.memory_space<vmem>>) offsets(%dma_start3A_1438 : memref<32xi32, #tpu.memory_space<vmem>>) semaphore(%arg12 : memref<!tpu.dma_semaphore, #tpu.memory_space<semaphore_mem>>)
        %dma_start3A_1442 = arith.constant 0 : i32
        %dma_start3A_1443 = arith.constant 12 : i32
        %dma_start3A_1444 = arith.constant 0 : i32
        %dma_start3A_1445 = arith.constant 12 : i32
        %dma_start3A_1446 = arith.constant 0 : i32
        %dma_start3A_1447 = arith.constant 0 : i32
        %dma_start3A_1448 = tpu.memref_slice %arg10[%dma_start3A_1444, %dma_start3A_1445, %dma_start3A_1446, %dma_start3A_1447] : memref<2x21x32x64xf32, #tpu.memory_space<vmem>> -> memref<1x1x32x64xf32, #tpu.memory_space<vmem>>
        %dma_start3A_1449 = tpu.memref_squeeze %dma_start3A_1448 : memref<1x1x32x64xf32, #tpu.memory_space<vmem>> -> memref<32x64xf32, #tpu.memory_space<vmem>>
        %dma_start3A_1450 = arith.constant 0 : i32
        %dma_start3A_1451 = tpu.memref_slice %arg8[%dma_start3A_1442, %dma_start3A_1443, %dma_start3A_1450] : memref<2x21x32xi32, #tpu.memory_space<vmem>> -> memref<1x1x32xi32, #tpu.memory_space<vmem>>
        %dma_start3A_1452 = tpu.memref_squeeze %dma_start3A_1451 : memref<1x1x32xi32, #tpu.memory_space<vmem>> -> memref<32xi32, #tpu.memory_space<vmem>>
        %dma_start3A_1453 = arith.constant 0 : i32
        %dma_start3A_1454 = arith.constant 0 : i32
        %dma_start3A_1455 = tpu.memref_slice %arg5[%dma_start3A_1453, %dma_start3A_1454] : memref<1000000x64xf32, #tpu.memory_space<hbm>> -> memref<1000000x64xf32, #tpu.memory_space<hbm>>
        tpu.enqueue_indirect_dma source(%dma_start3A_1455 : memref<1000000x64xf32, #tpu.memory_space<hbm>>) target(%dma_start3A_1449 : memref<32x64xf32, #tpu.memory_space<vmem>>) offsets(%dma_start3A_1452 : memref<32xi32, #tpu.memory_space<vmem>>) semaphore(%arg12 : memref<!tpu.dma_semaphore, #tpu.memory_space<semaphore_mem>>)
        %dma_start3A_1456 = arith.constant 0 : i32
        %dma_start3A_1457 = arith.constant 13 : i32
        %dma_start3A_1458 = arith.constant 0 : i32
        %dma_start3A_1459 = arith.constant 13 : i32
        %dma_start3A_1460 = arith.constant 0 : i32
        %dma_start3A_1461 = arith.constant 0 : i32
        %dma_start3A_1462 = tpu.memref_slice %arg10[%dma_start3A_1458, %dma_start3A_1459, %dma_start3A_1460, %dma_start3A_1461] : memref<2x21x32x64xf32, #tpu.memory_space<vmem>> -> memref<1x1x32x64xf32, #tpu.memory_space<vmem>>
        %dma_start3A_1463 = tpu.memref_squeeze %dma_start3A_1462 : memref<1x1x32x64xf32, #tpu.memory_space<vmem>> -> memref<32x64xf32, #tpu.memory_space<vmem>>
        %dma_start3A_1464 = arith.constant 0 : i32
        %dma_start3A_1465 = tpu.memref_slice %arg8[%dma_start3A_1456, %dma_start3A_1457, %dma_start3A_1464] : memref<2x21x32xi32, #tpu.memory_space<vmem>> -> memref<1x1x32xi32, #tpu.memory_space<vmem>>
        %dma_start3A_1466 = tpu.memref_squeeze %dma_start3A_1465 : memref<1x1x32xi32, #tpu.memory_space<vmem>> -> memref<32xi32, #tpu.memory_space<vmem>>
        %dma_start3A_1467 = arith.constant 0 : i32
        %dma_start3A_1468 = arith.constant 0 : i32
        %dma_start3A_1469 = tpu.memref_slice %arg5[%dma_start3A_1467, %dma_start3A_1468] : memref<1000000x64xf32, #tpu.memory_space<hbm>> -> memref<1000000x64xf32, #tpu.memory_space<hbm>>
        tpu.enqueue_indirect_dma source(%dma_start3A_1469 : memref<1000000x64xf32, #tpu.memory_space<hbm>>) target(%dma_start3A_1463 : memref<32x64xf32, #tpu.memory_space<vmem>>) offsets(%dma_start3A_1466 : memref<32xi32, #tpu.memory_space<vmem>>) semaphore(%arg12 : memref<!tpu.dma_semaphore, #tpu.memory_space<semaphore_mem>>)
        %dma_start3A_1470 = arith.constant 0 : i32
        %dma_start3A_1471 = arith.constant 14 : i32
        %dma_start3A_1472 = arith.constant 0 : i32
        %dma_start3A_1473 = arith.constant 14 : i32
        %dma_start3A_1474 = arith.constant 0 : i32
        %dma_start3A_1475 = arith.constant 0 : i32
        %dma_start3A_1476 = tpu.memref_slice %arg10[%dma_start3A_1472, %dma_start3A_1473, %dma_start3A_1474, %dma_start3A_1475] : memref<2x21x32x64xf32, #tpu.memory_space<vmem>> -> memref<1x1x32x64xf32, #tpu.memory_space<vmem>>
        %dma_start3A_1477 = tpu.memref_squeeze %dma_start3A_1476 : memref<1x1x32x64xf32, #tpu.memory_space<vmem>> -> memref<32x64xf32, #tpu.memory_space<vmem>>
        %dma_start3A_1478 = arith.constant 0 : i32
        %dma_start3A_1479 = tpu.memref_slice %arg8[%dma_start3A_1470, %dma_start3A_1471, %dma_start3A_1478] : memref<2x21x32xi32, #tpu.memory_space<vmem>> -> memref<1x1x32xi32, #tpu.memory_space<vmem>>
        %dma_start3A_1480 = tpu.memref_squeeze %dma_start3A_1479 : memref<1x1x32xi32, #tpu.memory_space<vmem>> -> memref<32xi32, #tpu.memory_space<vmem>>
        %dma_start3A_1481 = arith.constant 0 : i32
        %dma_start3A_1482 = arith.constant 0 : i32
        %dma_start3A_1483 = tpu.memref_slice %arg5[%dma_start3A_1481, %dma_start3A_1482] : memref<1000000x64xf32, #tpu.memory_space<hbm>> -> memref<1000000x64xf32, #tpu.memory_space<hbm>>
        tpu.enqueue_indirect_dma source(%dma_start3A_1483 : memref<1000000x64xf32, #tpu.memory_space<hbm>>) target(%dma_start3A_1477 : memref<32x64xf32, #tpu.memory_space<vmem>>) offsets(%dma_start3A_1480 : memref<32xi32, #tpu.memory_space<vmem>>) semaphore(%arg12 : memref<!tpu.dma_semaphore, #tpu.memory_space<semaphore_mem>>)
        %dma_start3A_1484 = arith.constant 0 : i32
        %dma_start3A_1485 = arith.constant 15 : i32
        %dma_start3A_1486 = arith.constant 0 : i32
        %dma_start3A_1487 = arith.constant 15 : i32
        %dma_start3A_1488 = arith.constant 0 : i32
        %dma_start3A_1489 = arith.constant 0 : i32
        %dma_start3A_1490 = tpu.memref_slice %arg10[%dma_start3A_1486, %dma_start3A_1487, %dma_start3A_1488, %dma_start3A_1489] : memref<2x21x32x64xf32, #tpu.memory_space<vmem>> -> memref<1x1x32x64xf32, #tpu.memory_space<vmem>>
        %dma_start3A_1491 = tpu.memref_squeeze %dma_start3A_1490 : memref<1x1x32x64xf32, #tpu.memory_space<vmem>> -> memref<32x64xf32, #tpu.memory_space<vmem>>
        %dma_start3A_1492 = arith.constant 0 : i32
        %dma_start3A_1493 = tpu.memref_slice %arg8[%dma_start3A_1484, %dma_start3A_1485, %dma_start3A_1492] : memref<2x21x32xi32, #tpu.memory_space<vmem>> -> memref<1x1x32xi32, #tpu.memory_space<vmem>>
        %dma_start3A_1494 = tpu.memref_squeeze %dma_start3A_1493 : memref<1x1x32xi32, #tpu.memory_space<vmem>> -> memref<32xi32, #tpu.memory_space<vmem>>
        %dma_start3A_1495 = arith.constant 0 : i32
        %dma_start3A_1496 = arith.constant 0 : i32
        %dma_start3A_1497 = tpu.memref_slice %arg5[%dma_start3A_1495, %dma_start3A_1496] : memref<1000000x64xf32, #tpu.memory_space<hbm>> -> memref<1000000x64xf32, #tpu.memory_space<hbm>>
        tpu.enqueue_indirect_dma source(%dma_start3A_1497 : memref<1000000x64xf32, #tpu.memory_space<hbm>>) target(%dma_start3A_1491 : memref<32x64xf32, #tpu.memory_space<vmem>>) offsets(%dma_start3A_1494 : memref<32xi32, #tpu.memory_space<vmem>>) semaphore(%arg12 : memref<!tpu.dma_semaphore, #tpu.memory_space<semaphore_mem>>)
        %dma_start3A_1498 = arith.constant 0 : i32
        %dma_start3A_1499 = arith.constant 16 : i32
        %dma_start3A_1500 = arith.constant 0 : i32
        %dma_start3A_1501 = arith.constant 16 : i32
        %dma_start3A_1502 = arith.constant 0 : i32
        %dma_start3A_1503 = arith.constant 0 : i32
        %dma_start3A_1504 = tpu.memref_slice %arg10[%dma_start3A_1500, %dma_start3A_1501, %dma_start3A_1502, %dma_start3A_1503] : memref<2x21x32x64xf32, #tpu.memory_space<vmem>> -> memref<1x1x32x64xf32, #tpu.memory_space<vmem>>
        %dma_start3A_1505 = tpu.memref_squeeze %dma_start3A_1504 : memref<1x1x32x64xf32, #tpu.memory_space<vmem>> -> memref<32x64xf32, #tpu.memory_space<vmem>>
        %dma_start3A_1506 = arith.constant 0 : i32
        %dma_start3A_1507 = tpu.memref_slice %arg8[%dma_start3A_1498, %dma_start3A_1499, %dma_start3A_1506] : memref<2x21x32xi32, #tpu.memory_space<vmem>> -> memref<1x1x32xi32, #tpu.memory_space<vmem>>
        %dma_start3A_1508 = tpu.memref_squeeze %dma_start3A_1507 : memref<1x1x32xi32, #tpu.memory_space<vmem>> -> memref<32xi32, #tpu.memory_space<vmem>>
        %dma_start3A_1509 = arith.constant 0 : i32
        %dma_start3A_1510 = arith.constant 0 : i32
        %dma_start3A_1511 = tpu.memref_slice %arg5[%dma_start3A_1509, %dma_start3A_1510] : memref<1000000x64xf32, #tpu.memory_space<hbm>> -> memref<1000000x64xf32, #tpu.memory_space<hbm>>
        tpu.enqueue_indirect_dma source(%dma_start3A_1511 : memref<1000000x64xf32, #tpu.memory_space<hbm>>) target(%dma_start3A_1505 : memref<32x64xf32, #tpu.memory_space<vmem>>) offsets(%dma_start3A_1508 : memref<32xi32, #tpu.memory_space<vmem>>) semaphore(%arg12 : memref<!tpu.dma_semaphore, #tpu.memory_space<semaphore_mem>>)
        %dma_start3A_1512 = arith.constant 0 : i32
        %dma_start3A_1513 = arith.constant 17 : i32
        %dma_start3A_1514 = arith.constant 0 : i32
        %dma_start3A_1515 = arith.constant 17 : i32
        %dma_start3A_1516 = arith.constant 0 : i32
        %dma_start3A_1517 = arith.constant 0 : i32
        %dma_start3A_1518 = tpu.memref_slice %arg10[%dma_start3A_1514, %dma_start3A_1515, %dma_start3A_1516, %dma_start3A_1517] : memref<2x21x32x64xf32, #tpu.memory_space<vmem>> -> memref<1x1x32x64xf32, #tpu.memory_space<vmem>>
        %dma_start3A_1519 = tpu.memref_squeeze %dma_start3A_1518 : memref<1x1x32x64xf32, #tpu.memory_space<vmem>> -> memref<32x64xf32, #tpu.memory_space<vmem>>
        %dma_start3A_1520 = arith.constant 0 : i32
        %dma_start3A_1521 = tpu.memref_slice %arg8[%dma_start3A_1512, %dma_start3A_1513, %dma_start3A_1520] : memref<2x21x32xi32, #tpu.memory_space<vmem>> -> memref<1x1x32xi32, #tpu.memory_space<vmem>>
        %dma_start3A_1522 = tpu.memref_squeeze %dma_start3A_1521 : memref<1x1x32xi32, #tpu.memory_space<vmem>> -> memref<32xi32, #tpu.memory_space<vmem>>
        %dma_start3A_1523 = arith.constant 0 : i32
        %dma_start3A_1524 = arith.constant 0 : i32
        %dma_start3A_1525 = tpu.memref_slice %arg5[%dma_start3A_1523, %dma_start3A_1524] : memref<1000000x64xf32, #tpu.memory_space<hbm>> -> memref<1000000x64xf32, #tpu.memory_space<hbm>>
        tpu.enqueue_indirect_dma source(%dma_start3A_1525 : memref<1000000x64xf32, #tpu.memory_space<hbm>>) target(%dma_start3A_1519 : memref<32x64xf32, #tpu.memory_space<vmem>>) offsets(%dma_start3A_1522 : memref<32xi32, #tpu.memory_space<vmem>>) semaphore(%arg12 : memref<!tpu.dma_semaphore, #tpu.memory_space<semaphore_mem>>)
        %dma_start3A_1526 = arith.constant 0 : i32
        %dma_start3A_1527 = arith.constant 18 : i32
        %dma_start3A_1528 = arith.constant 0 : i32
        %dma_start3A_1529 = arith.constant 18 : i32
        %dma_start3A_1530 = arith.constant 0 : i32
        %dma_start3A_1531 = arith.constant 0 : i32
        %dma_start3A_1532 = tpu.memref_slice %arg10[%dma_start3A_1528, %dma_start3A_1529, %dma_start3A_1530, %dma_start3A_1531] : memref<2x21x32x64xf32, #tpu.memory_space<vmem>> -> memref<1x1x32x64xf32, #tpu.memory_space<vmem>>
        %dma_start3A_1533 = tpu.memref_squeeze %dma_start3A_1532 : memref<1x1x32x64xf32, #tpu.memory_space<vmem>> -> memref<32x64xf32, #tpu.memory_space<vmem>>
        %dma_start3A_1534 = arith.constant 0 : i32
        %dma_start3A_1535 = tpu.memref_slice %arg8[%dma_start3A_1526, %dma_start3A_1527, %dma_start3A_1534] : memref<2x21x32xi32, #tpu.memory_space<vmem>> -> memref<1x1x32xi32, #tpu.memory_space<vmem>>
        %dma_start3A_1536 = tpu.memref_squeeze %dma_start3A_1535 : memref<1x1x32xi32, #tpu.memory_space<vmem>> -> memref<32xi32, #tpu.memory_space<vmem>>
        %dma_start3A_1537 = arith.constant 0 : i32
        %dma_start3A_1538 = arith.constant 0 : i32
        %dma_start3A_1539 = tpu.memref_slice %arg5[%dma_start3A_1537, %dma_start3A_1538] : memref<1000000x64xf32, #tpu.memory_space<hbm>> -> memref<1000000x64xf32, #tpu.memory_space<hbm>>
        tpu.enqueue_indirect_dma source(%dma_start3A_1539 : memref<1000000x64xf32, #tpu.memory_space<hbm>>) target(%dma_start3A_1533 : memref<32x64xf32, #tpu.memory_space<vmem>>) offsets(%dma_start3A_1536 : memref<32xi32, #tpu.memory_space<vmem>>) semaphore(%arg12 : memref<!tpu.dma_semaphore, #tpu.memory_space<semaphore_mem>>)
        %dma_start3A_1540 = arith.constant 0 : i32
        %dma_start3A_1541 = arith.constant 19 : i32
        %dma_start3A_1542 = arith.constant 0 : i32
        %dma_start3A_1543 = arith.constant 19 : i32
        %dma_start3A_1544 = arith.constant 0 : i32
        %dma_start3A_1545 = arith.constant 0 : i32
        %dma_start3A_1546 = tpu.memref_slice %arg10[%dma_start3A_1542, %dma_start3A_1543, %dma_start3A_1544, %dma_start3A_1545] : memref<2x21x32x64xf32, #tpu.memory_space<vmem>> -> memref<1x1x32x64xf32, #tpu.memory_space<vmem>>
        %dma_start3A_1547 = tpu.memref_squeeze %dma_start3A_1546 : memref<1x1x32x64xf32, #tpu.memory_space<vmem>> -> memref<32x64xf32, #tpu.memory_space<vmem>>
        %dma_start3A_1548 = arith.constant 0 : i32
        %dma_start3A_1549 = tpu.memref_slice %arg8[%dma_start3A_1540, %dma_start3A_1541, %dma_start3A_1548] : memref<2x21x32xi32, #tpu.memory_space<vmem>> -> memref<1x1x32xi32, #tpu.memory_space<vmem>>
        %dma_start3A_1550 = tpu.memref_squeeze %dma_start3A_1549 : memref<1x1x32xi32, #tpu.memory_space<vmem>> -> memref<32xi32, #tpu.memory_space<vmem>>
        %dma_start3A_1551 = arith.constant 0 : i32
        %dma_start3A_1552 = arith.constant 0 : i32
        %dma_start3A_1553 = tpu.memref_slice %arg5[%dma_start3A_1551, %dma_start3A_1552] : memref<1000000x64xf32, #tpu.memory_space<hbm>> -> memref<1000000x64xf32, #tpu.memory_space<hbm>>
        tpu.enqueue_indirect_dma source(%dma_start3A_1553 : memref<1000000x64xf32, #tpu.memory_space<hbm>>) target(%dma_start3A_1547 : memref<32x64xf32, #tpu.memory_space<vmem>>) offsets(%dma_start3A_1550 : memref<32xi32, #tpu.memory_space<vmem>>) semaphore(%arg12 : memref<!tpu.dma_semaphore, #tpu.memory_space<semaphore_mem>>)
        %dma_start3A_1554 = arith.constant 0 : i32
        %dma_start3A_1555 = arith.constant 20 : i32
        %dma_start3A_1556 = arith.constant 0 : i32
        %dma_start3A_1557 = arith.constant 20 : i32
        %dma_start3A_1558 = arith.constant 0 : i32
        %dma_start3A_1559 = arith.constant 0 : i32
        %dma_start3A_1560 = tpu.memref_slice %arg10[%dma_start3A_1556, %dma_start3A_1557, %dma_start3A_1558, %dma_start3A_1559] : memref<2x21x32x64xf32, #tpu.memory_space<vmem>> -> memref<1x1x32x64xf32, #tpu.memory_space<vmem>>
        %dma_start3A_1561 = tpu.memref_squeeze %dma_start3A_1560 : memref<1x1x32x64xf32, #tpu.memory_space<vmem>> -> memref<32x64xf32, #tpu.memory_space<vmem>>
        %dma_start3A_1562 = arith.constant 0 : i32
        %dma_start3A_1563 = tpu.memref_slice %arg8[%dma_start3A_1554, %dma_start3A_1555, %dma_start3A_1562] : memref<2x21x32xi32, #tpu.memory_space<vmem>> -> memref<1x1x32xi32, #tpu.memory_space<vmem>>
        %dma_start3A_1564 = tpu.memref_squeeze %dma_start3A_1563 : memref<1x1x32xi32, #tpu.memory_space<vmem>> -> memref<32xi32, #tpu.memory_space<vmem>>
        %dma_start3A_1565 = arith.constant 0 : i32
        %dma_start3A_1566 = arith.constant 0 : i32
        %dma_start3A_1567 = tpu.memref_slice %arg5[%dma_start3A_1565, %dma_start3A_1566] : memref<1000000x64xf32, #tpu.memory_space<hbm>> -> memref<1000000x64xf32, #tpu.memory_space<hbm>>
        tpu.enqueue_indirect_dma source(%dma_start3A_1567 : memref<1000000x64xf32, #tpu.memory_space<hbm>>) target(%dma_start3A_1561 : memref<32x64xf32, #tpu.memory_space<vmem>>) offsets(%dma_start3A_1564 : memref<32xi32, #tpu.memory_space<vmem>>) semaphore(%arg12 : memref<!tpu.dma_semaphore, #tpu.memory_space<semaphore_mem>>)
      } else {
      }
      %dma_wait3A_944 = arith.constant 1 : i32
      %dma_wait3A_945 = arith.constant 1 : i32
      %dma_wait3A_946 = arith.constant 0 : i32
      %dma_wait3A_947 = arith.constant 0 : i32
      %dma_wait3A_948 = tpu.memref_slice %arg9[%dma_wait3A_945, %dma_wait3A_946, %dma_wait3A_947] : memref<2x32x64xf32, #tpu.memory_space<vmem>> -> memref<1x32x64xf32, #tpu.memory_space<vmem>>
      %dma_wait3A_949 = tpu.memref_squeeze %dma_wait3A_948 : memref<1x32x64xf32, #tpu.memory_space<vmem>> -> memref<32x64xf32, #tpu.memory_space<vmem>>
      %dma_wait3A_950 = arith.constant 0 : i32
      %dma_wait3A_951 = tpu.memref_slice %arg7[%dma_wait3A_944, %dma_wait3A_950] : memref<2x32xi32, #tpu.memory_space<vmem>> -> memref<1x32xi32, #tpu.memory_space<vmem>>
      %dma_wait3A_952 = tpu.memref_squeeze %dma_wait3A_951 : memref<1x32xi32, #tpu.memory_space<vmem>> -> memref<32xi32, #tpu.memory_space<vmem>>
      %dma_wait3A_953 = arith.constant 0 : i32
      %dma_wait3A_954 = arith.constant 0 : i32
      %dma_wait3A_955 = tpu.memref_slice %arg4[%dma_wait3A_953, %dma_wait3A_954] : memref<1000000x64xf32, #tpu.memory_space<hbm>> -> memref<1000000x64xf32, #tpu.memory_space<hbm>>
      tpu.wait_indirect_dma semaphore(%arg13 : memref<!tpu.dma_semaphore, #tpu.memory_space<semaphore_mem>>) src(%dma_wait3A_955 : memref<1000000x64xf32, #tpu.memory_space<hbm>>) dst(%dma_wait3A_949 : memref<32x64xf32, #tpu.memory_space<vmem>>)
      %dma_wait3A_956 = arith.constant 1 : i32
      %dma_wait3A_957 = arith.constant 0 : i32
      %dma_wait3A_958 = arith.constant 1 : i32
      %dma_wait3A_959 = arith.constant 0 : i32
      %dma_wait3A_960 = arith.constant 0 : i32
      %dma_wait3A_961 = arith.constant 0 : i32
      %dma_wait3A_962 = tpu.memref_slice %arg10[%dma_wait3A_958, %dma_wait3A_959, %dma_wait3A_960, %dma_wait3A_961] : memref<2x21x32x64xf32, #tpu.memory_space<vmem>> -> memref<1x1x32x64xf32, #tpu.memory_space<vmem>>
      %dma_wait3A_963 = tpu.memref_squeeze %dma_wait3A_962 : memref<1x1x32x64xf32, #tpu.memory_space<vmem>> -> memref<32x64xf32, #tpu.memory_space<vmem>>
      %dma_wait3A_964 = arith.constant 0 : i32
      %dma_wait3A_965 = tpu.memref_slice %arg8[%dma_wait3A_956, %dma_wait3A_957, %dma_wait3A_964] : memref<2x21x32xi32, #tpu.memory_space<vmem>> -> memref<1x1x32xi32, #tpu.memory_space<vmem>>
      %dma_wait3A_966 = tpu.memref_squeeze %dma_wait3A_965 : memref<1x1x32xi32, #tpu.memory_space<vmem>> -> memref<32xi32, #tpu.memory_space<vmem>>
      %dma_wait3A_967 = arith.constant 0 : i32
      %dma_wait3A_968 = arith.constant 0 : i32
      %dma_wait3A_969 = tpu.memref_slice %arg5[%dma_wait3A_967, %dma_wait3A_968] : memref<1000000x64xf32, #tpu.memory_space<hbm>> -> memref<1000000x64xf32, #tpu.memory_space<hbm>>
      tpu.wait_indirect_dma semaphore(%arg13 : memref<!tpu.dma_semaphore, #tpu.memory_space<semaphore_mem>>) src(%dma_wait3A_969 : memref<1000000x64xf32, #tpu.memory_space<hbm>>) dst(%dma_wait3A_963 : memref<32x64xf32, #tpu.memory_space<vmem>>)
      %dma_wait3A_970 = arith.constant 1 : i32
      %dma_wait3A_971 = arith.constant 1 : i32
      %dma_wait3A_972 = arith.constant 1 : i32
      %dma_wait3A_973 = arith.constant 1 : i32
      %dma_wait3A_974 = arith.constant 0 : i32
      %dma_wait3A_975 = arith.constant 0 : i32
      %dma_wait3A_976 = tpu.memref_slice %arg10[%dma_wait3A_972, %dma_wait3A_973, %dma_wait3A_974, %dma_wait3A_975] : memref<2x21x32x64xf32, #tpu.memory_space<vmem>> -> memref<1x1x32x64xf32, #tpu.memory_space<vmem>>
      %dma_wait3A_977 = tpu.memref_squeeze %dma_wait3A_976 : memref<1x1x32x64xf32, #tpu.memory_space<vmem>> -> memref<32x64xf32, #tpu.memory_space<vmem>>
      %dma_wait3A_978 = arith.constant 0 : i32
      %dma_wait3A_979 = tpu.memref_slice %arg8[%dma_wait3A_970, %dma_wait3A_971, %dma_wait3A_978] : memref<2x21x32xi32, #tpu.memory_space<vmem>> -> memref<1x1x32xi32, #tpu.memory_space<vmem>>
      %dma_wait3A_980 = tpu.memref_squeeze %dma_wait3A_979 : memref<1x1x32xi32, #tpu.memory_space<vmem>> -> memref<32xi32, #tpu.memory_space<vmem>>
      %dma_wait3A_981 = arith.constant 0 : i32
      %dma_wait3A_982 = arith.constant 0 : i32
      %dma_wait3A_983 = tpu.memref_slice %arg5[%dma_wait3A_981, %dma_wait3A_982] : memref<1000000x64xf32, #tpu.memory_space<hbm>> -> memref<1000000x64xf32, #tpu.memory_space<hbm>>
      tpu.wait_indirect_dma semaphore(%arg13 : memref<!tpu.dma_semaphore, #tpu.memory_space<semaphore_mem>>) src(%dma_wait3A_983 : memref<1000000x64xf32, #tpu.memory_space<hbm>>) dst(%dma_wait3A_977 : memref<32x64xf32, #tpu.memory_space<vmem>>)
      %dma_wait3A_984 = arith.constant 1 : i32
      %dma_wait3A_985 = arith.constant 2 : i32
      %dma_wait3A_986 = arith.constant 1 : i32
      %dma_wait3A_987 = arith.constant 2 : i32
      %dma_wait3A_988 = arith.constant 0 : i32
      %dma_wait3A_989 = arith.constant 0 : i32
      %dma_wait3A_990 = tpu.memref_slice %arg10[%dma_wait3A_986, %dma_wait3A_987, %dma_wait3A_988, %dma_wait3A_989] : memref<2x21x32x64xf32, #tpu.memory_space<vmem>> -> memref<1x1x32x64xf32, #tpu.memory_space<vmem>>
      %dma_wait3A_991 = tpu.memref_squeeze %dma_wait3A_990 : memref<1x1x32x64xf32, #tpu.memory_space<vmem>> -> memref<32x64xf32, #tpu.memory_space<vmem>>
      %dma_wait3A_992 = arith.constant 0 : i32
      %dma_wait3A_993 = tpu.memref_slice %arg8[%dma_wait3A_984, %dma_wait3A_985, %dma_wait3A_992] : memref<2x21x32xi32, #tpu.memory_space<vmem>> -> memref<1x1x32xi32, #tpu.memory_space<vmem>>
      %dma_wait3A_994 = tpu.memref_squeeze %dma_wait3A_993 : memref<1x1x32xi32, #tpu.memory_space<vmem>> -> memref<32xi32, #tpu.memory_space<vmem>>
      %dma_wait3A_995 = arith.constant 0 : i32
      %dma_wait3A_996 = arith.constant 0 : i32
      %dma_wait3A_997 = tpu.memref_slice %arg5[%dma_wait3A_995, %dma_wait3A_996] : memref<1000000x64xf32, #tpu.memory_space<hbm>> -> memref<1000000x64xf32, #tpu.memory_space<hbm>>
      tpu.wait_indirect_dma semaphore(%arg13 : memref<!tpu.dma_semaphore, #tpu.memory_space<semaphore_mem>>) src(%dma_wait3A_997 : memref<1000000x64xf32, #tpu.memory_space<hbm>>) dst(%dma_wait3A_991 : memref<32x64xf32, #tpu.memory_space<vmem>>)
      %dma_wait3A_998 = arith.constant 1 : i32
      %dma_wait3A_999 = arith.constant 3 : i32
      %dma_wait3A_1000 = arith.constant 1 : i32
      %dma_wait3A_1001 = arith.constant 3 : i32
      %dma_wait3A_1002 = arith.constant 0 : i32
      %dma_wait3A_1003 = arith.constant 0 : i32
      %dma_wait3A_1004 = tpu.memref_slice %arg10[%dma_wait3A_1000, %dma_wait3A_1001, %dma_wait3A_1002, %dma_wait3A_1003] : memref<2x21x32x64xf32, #tpu.memory_space<vmem>> -> memref<1x1x32x64xf32, #tpu.memory_space<vmem>>
      %dma_wait3A_1005 = tpu.memref_squeeze %dma_wait3A_1004 : memref<1x1x32x64xf32, #tpu.memory_space<vmem>> -> memref<32x64xf32, #tpu.memory_space<vmem>>
      %dma_wait3A_1006 = arith.constant 0 : i32
      %dma_wait3A_1007 = tpu.memref_slice %arg8[%dma_wait3A_998, %dma_wait3A_999, %dma_wait3A_1006] : memref<2x21x32xi32, #tpu.memory_space<vmem>> -> memref<1x1x32xi32, #tpu.memory_space<vmem>>
      %dma_wait3A_1008 = tpu.memref_squeeze %dma_wait3A_1007 : memref<1x1x32xi32, #tpu.memory_space<vmem>> -> memref<32xi32, #tpu.memory_space<vmem>>
      %dma_wait3A_1009 = arith.constant 0 : i32
      %dma_wait3A_1010 = arith.constant 0 : i32
      %dma_wait3A_1011 = tpu.memref_slice %arg5[%dma_wait3A_1009, %dma_wait3A_1010] : memref<1000000x64xf32, #tpu.memory_space<hbm>> -> memref<1000000x64xf32, #tpu.memory_space<hbm>>
      tpu.wait_indirect_dma semaphore(%arg13 : memref<!tpu.dma_semaphore, #tpu.memory_space<semaphore_mem>>) src(%dma_wait3A_1011 : memref<1000000x64xf32, #tpu.memory_space<hbm>>) dst(%dma_wait3A_1005 : memref<32x64xf32, #tpu.memory_space<vmem>>)
      %dma_wait3A_1012 = arith.constant 1 : i32
      %dma_wait3A_1013 = arith.constant 4 : i32
      %dma_wait3A_1014 = arith.constant 1 : i32
      %dma_wait3A_1015 = arith.constant 4 : i32
      %dma_wait3A_1016 = arith.constant 0 : i32
      %dma_wait3A_1017 = arith.constant 0 : i32
      %dma_wait3A_1018 = tpu.memref_slice %arg10[%dma_wait3A_1014, %dma_wait3A_1015, %dma_wait3A_1016, %dma_wait3A_1017] : memref<2x21x32x64xf32, #tpu.memory_space<vmem>> -> memref<1x1x32x64xf32, #tpu.memory_space<vmem>>
      %dma_wait3A_1019 = tpu.memref_squeeze %dma_wait3A_1018 : memref<1x1x32x64xf32, #tpu.memory_space<vmem>> -> memref<32x64xf32, #tpu.memory_space<vmem>>
      %dma_wait3A_1020 = arith.constant 0 : i32
      %dma_wait3A_1021 = tpu.memref_slice %arg8[%dma_wait3A_1012, %dma_wait3A_1013, %dma_wait3A_1020] : memref<2x21x32xi32, #tpu.memory_space<vmem>> -> memref<1x1x32xi32, #tpu.memory_space<vmem>>
      %dma_wait3A_1022 = tpu.memref_squeeze %dma_wait3A_1021 : memref<1x1x32xi32, #tpu.memory_space<vmem>> -> memref<32xi32, #tpu.memory_space<vmem>>
      %dma_wait3A_1023 = arith.constant 0 : i32
      %dma_wait3A_1024 = arith.constant 0 : i32
      %dma_wait3A_1025 = tpu.memref_slice %arg5[%dma_wait3A_1023, %dma_wait3A_1024] : memref<1000000x64xf32, #tpu.memory_space<hbm>> -> memref<1000000x64xf32, #tpu.memory_space<hbm>>
      tpu.wait_indirect_dma semaphore(%arg13 : memref<!tpu.dma_semaphore, #tpu.memory_space<semaphore_mem>>) src(%dma_wait3A_1025 : memref<1000000x64xf32, #tpu.memory_space<hbm>>) dst(%dma_wait3A_1019 : memref<32x64xf32, #tpu.memory_space<vmem>>)
      %dma_wait3A_1026 = arith.constant 1 : i32
      %dma_wait3A_1027 = arith.constant 5 : i32
      %dma_wait3A_1028 = arith.constant 1 : i32
      %dma_wait3A_1029 = arith.constant 5 : i32
      %dma_wait3A_1030 = arith.constant 0 : i32
      %dma_wait3A_1031 = arith.constant 0 : i32
      %dma_wait3A_1032 = tpu.memref_slice %arg10[%dma_wait3A_1028, %dma_wait3A_1029, %dma_wait3A_1030, %dma_wait3A_1031] : memref<2x21x32x64xf32, #tpu.memory_space<vmem>> -> memref<1x1x32x64xf32, #tpu.memory_space<vmem>>
      %dma_wait3A_1033 = tpu.memref_squeeze %dma_wait3A_1032 : memref<1x1x32x64xf32, #tpu.memory_space<vmem>> -> memref<32x64xf32, #tpu.memory_space<vmem>>
      %dma_wait3A_1034 = arith.constant 0 : i32
      %dma_wait3A_1035 = tpu.memref_slice %arg8[%dma_wait3A_1026, %dma_wait3A_1027, %dma_wait3A_1034] : memref<2x21x32xi32, #tpu.memory_space<vmem>> -> memref<1x1x32xi32, #tpu.memory_space<vmem>>
      %dma_wait3A_1036 = tpu.memref_squeeze %dma_wait3A_1035 : memref<1x1x32xi32, #tpu.memory_space<vmem>> -> memref<32xi32, #tpu.memory_space<vmem>>
      %dma_wait3A_1037 = arith.constant 0 : i32
      %dma_wait3A_1038 = arith.constant 0 : i32
      %dma_wait3A_1039 = tpu.memref_slice %arg5[%dma_wait3A_1037, %dma_wait3A_1038] : memref<1000000x64xf32, #tpu.memory_space<hbm>> -> memref<1000000x64xf32, #tpu.memory_space<hbm>>
      tpu.wait_indirect_dma semaphore(%arg13 : memref<!tpu.dma_semaphore, #tpu.memory_space<semaphore_mem>>) src(%dma_wait3A_1039 : memref<1000000x64xf32, #tpu.memory_space<hbm>>) dst(%dma_wait3A_1033 : memref<32x64xf32, #tpu.memory_space<vmem>>)
      %dma_wait3A_1040 = arith.constant 1 : i32
      %dma_wait3A_1041 = arith.constant 6 : i32
      %dma_wait3A_1042 = arith.constant 1 : i32
      %dma_wait3A_1043 = arith.constant 6 : i32
      %dma_wait3A_1044 = arith.constant 0 : i32
      %dma_wait3A_1045 = arith.constant 0 : i32
      %dma_wait3A_1046 = tpu.memref_slice %arg10[%dma_wait3A_1042, %dma_wait3A_1043, %dma_wait3A_1044, %dma_wait3A_1045] : memref<2x21x32x64xf32, #tpu.memory_space<vmem>> -> memref<1x1x32x64xf32, #tpu.memory_space<vmem>>
      %dma_wait3A_1047 = tpu.memref_squeeze %dma_wait3A_1046 : memref<1x1x32x64xf32, #tpu.memory_space<vmem>> -> memref<32x64xf32, #tpu.memory_space<vmem>>
      %dma_wait3A_1048 = arith.constant 0 : i32
      %dma_wait3A_1049 = tpu.memref_slice %arg8[%dma_wait3A_1040, %dma_wait3A_1041, %dma_wait3A_1048] : memref<2x21x32xi32, #tpu.memory_space<vmem>> -> memref<1x1x32xi32, #tpu.memory_space<vmem>>
      %dma_wait3A_1050 = tpu.memref_squeeze %dma_wait3A_1049 : memref<1x1x32xi32, #tpu.memory_space<vmem>> -> memref<32xi32, #tpu.memory_space<vmem>>
      %dma_wait3A_1051 = arith.constant 0 : i32
      %dma_wait3A_1052 = arith.constant 0 : i32
      %dma_wait3A_1053 = tpu.memref_slice %arg5[%dma_wait3A_1051, %dma_wait3A_1052] : memref<1000000x64xf32, #tpu.memory_space<hbm>> -> memref<1000000x64xf32, #tpu.memory_space<hbm>>
      tpu.wait_indirect_dma semaphore(%arg13 : memref<!tpu.dma_semaphore, #tpu.memory_space<semaphore_mem>>) src(%dma_wait3A_1053 : memref<1000000x64xf32, #tpu.memory_space<hbm>>) dst(%dma_wait3A_1047 : memref<32x64xf32, #tpu.memory_space<vmem>>)
      %dma_wait3A_1054 = arith.constant 1 : i32
      %dma_wait3A_1055 = arith.constant 7 : i32
      %dma_wait3A_1056 = arith.constant 1 : i32
      %dma_wait3A_1057 = arith.constant 7 : i32
      %dma_wait3A_1058 = arith.constant 0 : i32
      %dma_wait3A_1059 = arith.constant 0 : i32
      %dma_wait3A_1060 = tpu.memref_slice %arg10[%dma_wait3A_1056, %dma_wait3A_1057, %dma_wait3A_1058, %dma_wait3A_1059] : memref<2x21x32x64xf32, #tpu.memory_space<vmem>> -> memref<1x1x32x64xf32, #tpu.memory_space<vmem>>
      %dma_wait3A_1061 = tpu.memref_squeeze %dma_wait3A_1060 : memref<1x1x32x64xf32, #tpu.memory_space<vmem>> -> memref<32x64xf32, #tpu.memory_space<vmem>>
      %dma_wait3A_1062 = arith.constant 0 : i32
      %dma_wait3A_1063 = tpu.memref_slice %arg8[%dma_wait3A_1054, %dma_wait3A_1055, %dma_wait3A_1062] : memref<2x21x32xi32, #tpu.memory_space<vmem>> -> memref<1x1x32xi32, #tpu.memory_space<vmem>>
      %dma_wait3A_1064 = tpu.memref_squeeze %dma_wait3A_1063 : memref<1x1x32xi32, #tpu.memory_space<vmem>> -> memref<32xi32, #tpu.memory_space<vmem>>
      %dma_wait3A_1065 = arith.constant 0 : i32
      %dma_wait3A_1066 = arith.constant 0 : i32
      %dma_wait3A_1067 = tpu.memref_slice %arg5[%dma_wait3A_1065, %dma_wait3A_1066] : memref<1000000x64xf32, #tpu.memory_space<hbm>> -> memref<1000000x64xf32, #tpu.memory_space<hbm>>
      tpu.wait_indirect_dma semaphore(%arg13 : memref<!tpu.dma_semaphore, #tpu.memory_space<semaphore_mem>>) src(%dma_wait3A_1067 : memref<1000000x64xf32, #tpu.memory_space<hbm>>) dst(%dma_wait3A_1061 : memref<32x64xf32, #tpu.memory_space<vmem>>)
      %dma_wait3A_1068 = arith.constant 1 : i32
      %dma_wait3A_1069 = arith.constant 8 : i32
      %dma_wait3A_1070 = arith.constant 1 : i32
      %dma_wait3A_1071 = arith.constant 8 : i32
      %dma_wait3A_1072 = arith.constant 0 : i32
      %dma_wait3A_1073 = arith.constant 0 : i32
      %dma_wait3A_1074 = tpu.memref_slice %arg10[%dma_wait3A_1070, %dma_wait3A_1071, %dma_wait3A_1072, %dma_wait3A_1073] : memref<2x21x32x64xf32, #tpu.memory_space<vmem>> -> memref<1x1x32x64xf32, #tpu.memory_space<vmem>>
      %dma_wait3A_1075 = tpu.memref_squeeze %dma_wait3A_1074 : memref<1x1x32x64xf32, #tpu.memory_space<vmem>> -> memref<32x64xf32, #tpu.memory_space<vmem>>
      %dma_wait3A_1076 = arith.constant 0 : i32
      %dma_wait3A_1077 = tpu.memref_slice %arg8[%dma_wait3A_1068, %dma_wait3A_1069, %dma_wait3A_1076] : memref<2x21x32xi32, #tpu.memory_space<vmem>> -> memref<1x1x32xi32, #tpu.memory_space<vmem>>
      %dma_wait3A_1078 = tpu.memref_squeeze %dma_wait3A_1077 : memref<1x1x32xi32, #tpu.memory_space<vmem>> -> memref<32xi32, #tpu.memory_space<vmem>>
      %dma_wait3A_1079 = arith.constant 0 : i32
      %dma_wait3A_1080 = arith.constant 0 : i32
      %dma_wait3A_1081 = tpu.memref_slice %arg5[%dma_wait3A_1079, %dma_wait3A_1080] : memref<1000000x64xf32, #tpu.memory_space<hbm>> -> memref<1000000x64xf32, #tpu.memory_space<hbm>>
      tpu.wait_indirect_dma semaphore(%arg13 : memref<!tpu.dma_semaphore, #tpu.memory_space<semaphore_mem>>) src(%dma_wait3A_1081 : memref<1000000x64xf32, #tpu.memory_space<hbm>>) dst(%dma_wait3A_1075 : memref<32x64xf32, #tpu.memory_space<vmem>>)
      %dma_wait3A_1082 = arith.constant 1 : i32
      %dma_wait3A_1083 = arith.constant 9 : i32
      %dma_wait3A_1084 = arith.constant 1 : i32
      %dma_wait3A_1085 = arith.constant 9 : i32
      %dma_wait3A_1086 = arith.constant 0 : i32
      %dma_wait3A_1087 = arith.constant 0 : i32
      %dma_wait3A_1088 = tpu.memref_slice %arg10[%dma_wait3A_1084, %dma_wait3A_1085, %dma_wait3A_1086, %dma_wait3A_1087] : memref<2x21x32x64xf32, #tpu.memory_space<vmem>> -> memref<1x1x32x64xf32, #tpu.memory_space<vmem>>
      %dma_wait3A_1089 = tpu.memref_squeeze %dma_wait3A_1088 : memref<1x1x32x64xf32, #tpu.memory_space<vmem>> -> memref<32x64xf32, #tpu.memory_space<vmem>>
      %dma_wait3A_1090 = arith.constant 0 : i32
      %dma_wait3A_1091 = tpu.memref_slice %arg8[%dma_wait3A_1082, %dma_wait3A_1083, %dma_wait3A_1090] : memref<2x21x32xi32, #tpu.memory_space<vmem>> -> memref<1x1x32xi32, #tpu.memory_space<vmem>>
      %dma_wait3A_1092 = tpu.memref_squeeze %dma_wait3A_1091 : memref<1x1x32xi32, #tpu.memory_space<vmem>> -> memref<32xi32, #tpu.memory_space<vmem>>
      %dma_wait3A_1093 = arith.constant 0 : i32
      %dma_wait3A_1094 = arith.constant 0 : i32
      %dma_wait3A_1095 = tpu.memref_slice %arg5[%dma_wait3A_1093, %dma_wait3A_1094] : memref<1000000x64xf32, #tpu.memory_space<hbm>> -> memref<1000000x64xf32, #tpu.memory_space<hbm>>
      tpu.wait_indirect_dma semaphore(%arg13 : memref<!tpu.dma_semaphore, #tpu.memory_space<semaphore_mem>>) src(%dma_wait3A_1095 : memref<1000000x64xf32, #tpu.memory_space<hbm>>) dst(%dma_wait3A_1089 : memref<32x64xf32, #tpu.memory_space<vmem>>)
      %dma_wait3A_1096 = arith.constant 1 : i32
      %dma_wait3A_1097 = arith.constant 10 : i32
      %dma_wait3A_1098 = arith.constant 1 : i32
      %dma_wait3A_1099 = arith.constant 10 : i32
      %dma_wait3A_1100 = arith.constant 0 : i32
      %dma_wait3A_1101 = arith.constant 0 : i32
      %dma_wait3A_1102 = tpu.memref_slice %arg10[%dma_wait3A_1098, %dma_wait3A_1099, %dma_wait3A_1100, %dma_wait3A_1101] : memref<2x21x32x64xf32, #tpu.memory_space<vmem>> -> memref<1x1x32x64xf32, #tpu.memory_space<vmem>>
      %dma_wait3A_1103 = tpu.memref_squeeze %dma_wait3A_1102 : memref<1x1x32x64xf32, #tpu.memory_space<vmem>> -> memref<32x64xf32, #tpu.memory_space<vmem>>
      %dma_wait3A_1104 = arith.constant 0 : i32
      %dma_wait3A_1105 = tpu.memref_slice %arg8[%dma_wait3A_1096, %dma_wait3A_1097, %dma_wait3A_1104] : memref<2x21x32xi32, #tpu.memory_space<vmem>> -> memref<1x1x32xi32, #tpu.memory_space<vmem>>
      %dma_wait3A_1106 = tpu.memref_squeeze %dma_wait3A_1105 : memref<1x1x32xi32, #tpu.memory_space<vmem>> -> memref<32xi32, #tpu.memory_space<vmem>>
      %dma_wait3A_1107 = arith.constant 0 : i32
      %dma_wait3A_1108 = arith.constant 0 : i32
      %dma_wait3A_1109 = tpu.memref_slice %arg5[%dma_wait3A_1107, %dma_wait3A_1108] : memref<1000000x64xf32, #tpu.memory_space<hbm>> -> memref<1000000x64xf32, #tpu.memory_space<hbm>>
      tpu.wait_indirect_dma semaphore(%arg13 : memref<!tpu.dma_semaphore, #tpu.memory_space<semaphore_mem>>) src(%dma_wait3A_1109 : memref<1000000x64xf32, #tpu.memory_space<hbm>>) dst(%dma_wait3A_1103 : memref<32x64xf32, #tpu.memory_space<vmem>>)
      %dma_wait3A_1110 = arith.constant 1 : i32
      %dma_wait3A_1111 = arith.constant 11 : i32
      %dma_wait3A_1112 = arith.constant 1 : i32
      %dma_wait3A_1113 = arith.constant 11 : i32
      %dma_wait3A_1114 = arith.constant 0 : i32
      %dma_wait3A_1115 = arith.constant 0 : i32
      %dma_wait3A_1116 = tpu.memref_slice %arg10[%dma_wait3A_1112, %dma_wait3A_1113, %dma_wait3A_1114, %dma_wait3A_1115] : memref<2x21x32x64xf32, #tpu.memory_space<vmem>> -> memref<1x1x32x64xf32, #tpu.memory_space<vmem>>
      %dma_wait3A_1117 = tpu.memref_squeeze %dma_wait3A_1116 : memref<1x1x32x64xf32, #tpu.memory_space<vmem>> -> memref<32x64xf32, #tpu.memory_space<vmem>>
      %dma_wait3A_1118 = arith.constant 0 : i32
      %dma_wait3A_1119 = tpu.memref_slice %arg8[%dma_wait3A_1110, %dma_wait3A_1111, %dma_wait3A_1118] : memref<2x21x32xi32, #tpu.memory_space<vmem>> -> memref<1x1x32xi32, #tpu.memory_space<vmem>>
      %dma_wait3A_1120 = tpu.memref_squeeze %dma_wait3A_1119 : memref<1x1x32xi32, #tpu.memory_space<vmem>> -> memref<32xi32, #tpu.memory_space<vmem>>
      %dma_wait3A_1121 = arith.constant 0 : i32
      %dma_wait3A_1122 = arith.constant 0 : i32
      %dma_wait3A_1123 = tpu.memref_slice %arg5[%dma_wait3A_1121, %dma_wait3A_1122] : memref<1000000x64xf32, #tpu.memory_space<hbm>> -> memref<1000000x64xf32, #tpu.memory_space<hbm>>
      tpu.wait_indirect_dma semaphore(%arg13 : memref<!tpu.dma_semaphore, #tpu.memory_space<semaphore_mem>>) src(%dma_wait3A_1123 : memref<1000000x64xf32, #tpu.memory_space<hbm>>) dst(%dma_wait3A_1117 : memref<32x64xf32, #tpu.memory_space<vmem>>)
      %dma_wait3A_1124 = arith.constant 1 : i32
      %dma_wait3A_1125 = arith.constant 12 : i32
      %dma_wait3A_1126 = arith.constant 1 : i32
      %dma_wait3A_1127 = arith.constant 12 : i32
      %dma_wait3A_1128 = arith.constant 0 : i32
      %dma_wait3A_1129 = arith.constant 0 : i32
      %dma_wait3A_1130 = tpu.memref_slice %arg10[%dma_wait3A_1126, %dma_wait3A_1127, %dma_wait3A_1128, %dma_wait3A_1129] : memref<2x21x32x64xf32, #tpu.memory_space<vmem>> -> memref<1x1x32x64xf32, #tpu.memory_space<vmem>>
      %dma_wait3A_1131 = tpu.memref_squeeze %dma_wait3A_1130 : memref<1x1x32x64xf32, #tpu.memory_space<vmem>> -> memref<32x64xf32, #tpu.memory_space<vmem>>
      %dma_wait3A_1132 = arith.constant 0 : i32
      %dma_wait3A_1133 = tpu.memref_slice %arg8[%dma_wait3A_1124, %dma_wait3A_1125, %dma_wait3A_1132] : memref<2x21x32xi32, #tpu.memory_space<vmem>> -> memref<1x1x32xi32, #tpu.memory_space<vmem>>
      %dma_wait3A_1134 = tpu.memref_squeeze %dma_wait3A_1133 : memref<1x1x32xi32, #tpu.memory_space<vmem>> -> memref<32xi32, #tpu.memory_space<vmem>>
      %dma_wait3A_1135 = arith.constant 0 : i32
      %dma_wait3A_1136 = arith.constant 0 : i32
      %dma_wait3A_1137 = tpu.memref_slice %arg5[%dma_wait3A_1135, %dma_wait3A_1136] : memref<1000000x64xf32, #tpu.memory_space<hbm>> -> memref<1000000x64xf32, #tpu.memory_space<hbm>>
      tpu.wait_indirect_dma semaphore(%arg13 : memref<!tpu.dma_semaphore, #tpu.memory_space<semaphore_mem>>) src(%dma_wait3A_1137 : memref<1000000x64xf32, #tpu.memory_space<hbm>>) dst(%dma_wait3A_1131 : memref<32x64xf32, #tpu.memory_space<vmem>>)
      %dma_wait3A_1138 = arith.constant 1 : i32
      %dma_wait3A_1139 = arith.constant 13 : i32
      %dma_wait3A_1140 = arith.constant 1 : i32
      %dma_wait3A_1141 = arith.constant 13 : i32
      %dma_wait3A_1142 = arith.constant 0 : i32
      %dma_wait3A_1143 = arith.constant 0 : i32
      %dma_wait3A_1144 = tpu.memref_slice %arg10[%dma_wait3A_1140, %dma_wait3A_1141, %dma_wait3A_1142, %dma_wait3A_1143] : memref<2x21x32x64xf32, #tpu.memory_space<vmem>> -> memref<1x1x32x64xf32, #tpu.memory_space<vmem>>
      %dma_wait3A_1145 = tpu.memref_squeeze %dma_wait3A_1144 : memref<1x1x32x64xf32, #tpu.memory_space<vmem>> -> memref<32x64xf32, #tpu.memory_space<vmem>>
      %dma_wait3A_1146 = arith.constant 0 : i32
      %dma_wait3A_1147 = tpu.memref_slice %arg8[%dma_wait3A_1138, %dma_wait3A_1139, %dma_wait3A_1146] : memref<2x21x32xi32, #tpu.memory_space<vmem>> -> memref<1x1x32xi32, #tpu.memory_space<vmem>>
      %dma_wait3A_1148 = tpu.memref_squeeze %dma_wait3A_1147 : memref<1x1x32xi32, #tpu.memory_space<vmem>> -> memref<32xi32, #tpu.memory_space<vmem>>
      %dma_wait3A_1149 = arith.constant 0 : i32
      %dma_wait3A_1150 = arith.constant 0 : i32
      %dma_wait3A_1151 = tpu.memref_slice %arg5[%dma_wait3A_1149, %dma_wait3A_1150] : memref<1000000x64xf32, #tpu.memory_space<hbm>> -> memref<1000000x64xf32, #tpu.memory_space<hbm>>
      tpu.wait_indirect_dma semaphore(%arg13 : memref<!tpu.dma_semaphore, #tpu.memory_space<semaphore_mem>>) src(%dma_wait3A_1151 : memref<1000000x64xf32, #tpu.memory_space<hbm>>) dst(%dma_wait3A_1145 : memref<32x64xf32, #tpu.memory_space<vmem>>)
      %dma_wait3A_1152 = arith.constant 1 : i32
      %dma_wait3A_1153 = arith.constant 14 : i32
      %dma_wait3A_1154 = arith.constant 1 : i32
      %dma_wait3A_1155 = arith.constant 14 : i32
      %dma_wait3A_1156 = arith.constant 0 : i32
      %dma_wait3A_1157 = arith.constant 0 : i32
      %dma_wait3A_1158 = tpu.memref_slice %arg10[%dma_wait3A_1154, %dma_wait3A_1155, %dma_wait3A_1156, %dma_wait3A_1157] : memref<2x21x32x64xf32, #tpu.memory_space<vmem>> -> memref<1x1x32x64xf32, #tpu.memory_space<vmem>>
      %dma_wait3A_1159 = tpu.memref_squeeze %dma_wait3A_1158 : memref<1x1x32x64xf32, #tpu.memory_space<vmem>> -> memref<32x64xf32, #tpu.memory_space<vmem>>
      %dma_wait3A_1160 = arith.constant 0 : i32
      %dma_wait3A_1161 = tpu.memref_slice %arg8[%dma_wait3A_1152, %dma_wait3A_1153, %dma_wait3A_1160] : memref<2x21x32xi32, #tpu.memory_space<vmem>> -> memref<1x1x32xi32, #tpu.memory_space<vmem>>
      %dma_wait3A_1162 = tpu.memref_squeeze %dma_wait3A_1161 : memref<1x1x32xi32, #tpu.memory_space<vmem>> -> memref<32xi32, #tpu.memory_space<vmem>>
      %dma_wait3A_1163 = arith.constant 0 : i32
      %dma_wait3A_1164 = arith.constant 0 : i32
      %dma_wait3A_1165 = tpu.memref_slice %arg5[%dma_wait3A_1163, %dma_wait3A_1164] : memref<1000000x64xf32, #tpu.memory_space<hbm>> -> memref<1000000x64xf32, #tpu.memory_space<hbm>>
      tpu.wait_indirect_dma semaphore(%arg13 : memref<!tpu.dma_semaphore, #tpu.memory_space<semaphore_mem>>) src(%dma_wait3A_1165 : memref<1000000x64xf32, #tpu.memory_space<hbm>>) dst(%dma_wait3A_1159 : memref<32x64xf32, #tpu.memory_space<vmem>>)
      %dma_wait3A_1166 = arith.constant 1 : i32
      %dma_wait3A_1167 = arith.constant 15 : i32
      %dma_wait3A_1168 = arith.constant 1 : i32
      %dma_wait3A_1169 = arith.constant 15 : i32
      %dma_wait3A_1170 = arith.constant 0 : i32
      %dma_wait3A_1171 = arith.constant 0 : i32
      %dma_wait3A_1172 = tpu.memref_slice %arg10[%dma_wait3A_1168, %dma_wait3A_1169, %dma_wait3A_1170, %dma_wait3A_1171] : memref<2x21x32x64xf32, #tpu.memory_space<vmem>> -> memref<1x1x32x64xf32, #tpu.memory_space<vmem>>
      %dma_wait3A_1173 = tpu.memref_squeeze %dma_wait3A_1172 : memref<1x1x32x64xf32, #tpu.memory_space<vmem>> -> memref<32x64xf32, #tpu.memory_space<vmem>>
      %dma_wait3A_1174 = arith.constant 0 : i32
      %dma_wait3A_1175 = tpu.memref_slice %arg8[%dma_wait3A_1166, %dma_wait3A_1167, %dma_wait3A_1174] : memref<2x21x32xi32, #tpu.memory_space<vmem>> -> memref<1x1x32xi32, #tpu.memory_space<vmem>>
      %dma_wait3A_1176 = tpu.memref_squeeze %dma_wait3A_1175 : memref<1x1x32xi32, #tpu.memory_space<vmem>> -> memref<32xi32, #tpu.memory_space<vmem>>
      %dma_wait3A_1177 = arith.constant 0 : i32
      %dma_wait3A_1178 = arith.constant 0 : i32
      %dma_wait3A_1179 = tpu.memref_slice %arg5[%dma_wait3A_1177, %dma_wait3A_1178] : memref<1000000x64xf32, #tpu.memory_space<hbm>> -> memref<1000000x64xf32, #tpu.memory_space<hbm>>
      tpu.wait_indirect_dma semaphore(%arg13 : memref<!tpu.dma_semaphore, #tpu.memory_space<semaphore_mem>>) src(%dma_wait3A_1179 : memref<1000000x64xf32, #tpu.memory_space<hbm>>) dst(%dma_wait3A_1173 : memref<32x64xf32, #tpu.memory_space<vmem>>)
      %dma_wait3A_1180 = arith.constant 1 : i32
      %dma_wait3A_1181 = arith.constant 16 : i32
      %dma_wait3A_1182 = arith.constant 1 : i32
      %dma_wait3A_1183 = arith.constant 16 : i32
      %dma_wait3A_1184 = arith.constant 0 : i32
      %dma_wait3A_1185 = arith.constant 0 : i32
      %dma_wait3A_1186 = tpu.memref_slice %arg10[%dma_wait3A_1182, %dma_wait3A_1183, %dma_wait3A_1184, %dma_wait3A_1185] : memref<2x21x32x64xf32, #tpu.memory_space<vmem>> -> memref<1x1x32x64xf32, #tpu.memory_space<vmem>>
      %dma_wait3A_1187 = tpu.memref_squeeze %dma_wait3A_1186 : memref<1x1x32x64xf32, #tpu.memory_space<vmem>> -> memref<32x64xf32, #tpu.memory_space<vmem>>
      %dma_wait3A_1188 = arith.constant 0 : i32
      %dma_wait3A_1189 = tpu.memref_slice %arg8[%dma_wait3A_1180, %dma_wait3A_1181, %dma_wait3A_1188] : memref<2x21x32xi32, #tpu.memory_space<vmem>> -> memref<1x1x32xi32, #tpu.memory_space<vmem>>
      %dma_wait3A_1190 = tpu.memref_squeeze %dma_wait3A_1189 : memref<1x1x32xi32, #tpu.memory_space<vmem>> -> memref<32xi32, #tpu.memory_space<vmem>>
      %dma_wait3A_1191 = arith.constant 0 : i32
      %dma_wait3A_1192 = arith.constant 0 : i32
      %dma_wait3A_1193 = tpu.memref_slice %arg5[%dma_wait3A_1191, %dma_wait3A_1192] : memref<1000000x64xf32, #tpu.memory_space<hbm>> -> memref<1000000x64xf32, #tpu.memory_space<hbm>>
      tpu.wait_indirect_dma semaphore(%arg13 : memref<!tpu.dma_semaphore, #tpu.memory_space<semaphore_mem>>) src(%dma_wait3A_1193 : memref<1000000x64xf32, #tpu.memory_space<hbm>>) dst(%dma_wait3A_1187 : memref<32x64xf32, #tpu.memory_space<vmem>>)
      %dma_wait3A_1194 = arith.constant 1 : i32
      %dma_wait3A_1195 = arith.constant 17 : i32
      %dma_wait3A_1196 = arith.constant 1 : i32
      %dma_wait3A_1197 = arith.constant 17 : i32
      %dma_wait3A_1198 = arith.constant 0 : i32
      %dma_wait3A_1199 = arith.constant 0 : i32
      %dma_wait3A_1200 = tpu.memref_slice %arg10[%dma_wait3A_1196, %dma_wait3A_1197, %dma_wait3A_1198, %dma_wait3A_1199] : memref<2x21x32x64xf32, #tpu.memory_space<vmem>> -> memref<1x1x32x64xf32, #tpu.memory_space<vmem>>
      %dma_wait3A_1201 = tpu.memref_squeeze %dma_wait3A_1200 : memref<1x1x32x64xf32, #tpu.memory_space<vmem>> -> memref<32x64xf32, #tpu.memory_space<vmem>>
      %dma_wait3A_1202 = arith.constant 0 : i32
      %dma_wait3A_1203 = tpu.memref_slice %arg8[%dma_wait3A_1194, %dma_wait3A_1195, %dma_wait3A_1202] : memref<2x21x32xi32, #tpu.memory_space<vmem>> -> memref<1x1x32xi32, #tpu.memory_space<vmem>>
      %dma_wait3A_1204 = tpu.memref_squeeze %dma_wait3A_1203 : memref<1x1x32xi32, #tpu.memory_space<vmem>> -> memref<32xi32, #tpu.memory_space<vmem>>
      %dma_wait3A_1205 = arith.constant 0 : i32
      %dma_wait3A_1206 = arith.constant 0 : i32
      %dma_wait3A_1207 = tpu.memref_slice %arg5[%dma_wait3A_1205, %dma_wait3A_1206] : memref<1000000x64xf32, #tpu.memory_space<hbm>> -> memref<1000000x64xf32, #tpu.memory_space<hbm>>
      tpu.wait_indirect_dma semaphore(%arg13 : memref<!tpu.dma_semaphore, #tpu.memory_space<semaphore_mem>>) src(%dma_wait3A_1207 : memref<1000000x64xf32, #tpu.memory_space<hbm>>) dst(%dma_wait3A_1201 : memref<32x64xf32, #tpu.memory_space<vmem>>)
      %dma_wait3A_1208 = arith.constant 1 : i32
      %dma_wait3A_1209 = arith.constant 18 : i32
      %dma_wait3A_1210 = arith.constant 1 : i32
      %dma_wait3A_1211 = arith.constant 18 : i32
      %dma_wait3A_1212 = arith.constant 0 : i32
      %dma_wait3A_1213 = arith.constant 0 : i32
      %dma_wait3A_1214 = tpu.memref_slice %arg10[%dma_wait3A_1210, %dma_wait3A_1211, %dma_wait3A_1212, %dma_wait3A_1213] : memref<2x21x32x64xf32, #tpu.memory_space<vmem>> -> memref<1x1x32x64xf32, #tpu.memory_space<vmem>>
      %dma_wait3A_1215 = tpu.memref_squeeze %dma_wait3A_1214 : memref<1x1x32x64xf32, #tpu.memory_space<vmem>> -> memref<32x64xf32, #tpu.memory_space<vmem>>
      %dma_wait3A_1216 = arith.constant 0 : i32
      %dma_wait3A_1217 = tpu.memref_slice %arg8[%dma_wait3A_1208, %dma_wait3A_1209, %dma_wait3A_1216] : memref<2x21x32xi32, #tpu.memory_space<vmem>> -> memref<1x1x32xi32, #tpu.memory_space<vmem>>
      %dma_wait3A_1218 = tpu.memref_squeeze %dma_wait3A_1217 : memref<1x1x32xi32, #tpu.memory_space<vmem>> -> memref<32xi32, #tpu.memory_space<vmem>>
      %dma_wait3A_1219 = arith.constant 0 : i32
      %dma_wait3A_1220 = arith.constant 0 : i32
      %dma_wait3A_1221 = tpu.memref_slice %arg5[%dma_wait3A_1219, %dma_wait3A_1220] : memref<1000000x64xf32, #tpu.memory_space<hbm>> -> memref<1000000x64xf32, #tpu.memory_space<hbm>>
      tpu.wait_indirect_dma semaphore(%arg13 : memref<!tpu.dma_semaphore, #tpu.memory_space<semaphore_mem>>) src(%dma_wait3A_1221 : memref<1000000x64xf32, #tpu.memory_space<hbm>>) dst(%dma_wait3A_1215 : memref<32x64xf32, #tpu.memory_space<vmem>>)
      %dma_wait3A_1222 = arith.constant 1 : i32
      %dma_wait3A_1223 = arith.constant 19 : i32
      %dma_wait3A_1224 = arith.constant 1 : i32
      %dma_wait3A_1225 = arith.constant 19 : i32
      %dma_wait3A_1226 = arith.constant 0 : i32
      %dma_wait3A_1227 = arith.constant 0 : i32
      %dma_wait3A_1228 = tpu.memref_slice %arg10[%dma_wait3A_1224, %dma_wait3A_1225, %dma_wait3A_1226, %dma_wait3A_1227] : memref<2x21x32x64xf32, #tpu.memory_space<vmem>> -> memref<1x1x32x64xf32, #tpu.memory_space<vmem>>
      %dma_wait3A_1229 = tpu.memref_squeeze %dma_wait3A_1228 : memref<1x1x32x64xf32, #tpu.memory_space<vmem>> -> memref<32x64xf32, #tpu.memory_space<vmem>>
      %dma_wait3A_1230 = arith.constant 0 : i32
      %dma_wait3A_1231 = tpu.memref_slice %arg8[%dma_wait3A_1222, %dma_wait3A_1223, %dma_wait3A_1230] : memref<2x21x32xi32, #tpu.memory_space<vmem>> -> memref<1x1x32xi32, #tpu.memory_space<vmem>>
      %dma_wait3A_1232 = tpu.memref_squeeze %dma_wait3A_1231 : memref<1x1x32xi32, #tpu.memory_space<vmem>> -> memref<32xi32, #tpu.memory_space<vmem>>
      %dma_wait3A_1233 = arith.constant 0 : i32
      %dma_wait3A_1234 = arith.constant 0 : i32
      %dma_wait3A_1235 = tpu.memref_slice %arg5[%dma_wait3A_1233, %dma_wait3A_1234] : memref<1000000x64xf32, #tpu.memory_space<hbm>> -> memref<1000000x64xf32, #tpu.memory_space<hbm>>
      tpu.wait_indirect_dma semaphore(%arg13 : memref<!tpu.dma_semaphore, #tpu.memory_space<semaphore_mem>>) src(%dma_wait3A_1235 : memref<1000000x64xf32, #tpu.memory_space<hbm>>) dst(%dma_wait3A_1229 : memref<32x64xf32, #tpu.memory_space<vmem>>)
      %dma_wait3A_1236 = arith.constant 1 : i32
      %dma_wait3A_1237 = arith.constant 20 : i32
      %dma_wait3A_1238 = arith.constant 1 : i32
      %dma_wait3A_1239 = arith.constant 20 : i32
      %dma_wait3A_1240 = arith.constant 0 : i32
      %dma_wait3A_1241 = arith.constant 0 : i32
      %dma_wait3A_1242 = tpu.memref_slice %arg10[%dma_wait3A_1238, %dma_wait3A_1239, %dma_wait3A_1240, %dma_wait3A_1241] : memref<2x21x32x64xf32, #tpu.memory_space<vmem>> -> memref<1x1x32x64xf32, #tpu.memory_space<vmem>>
      %dma_wait3A_1243 = tpu.memref_squeeze %dma_wait3A_1242 : memref<1x1x32x64xf32, #tpu.memory_space<vmem>> -> memref<32x64xf32, #tpu.memory_space<vmem>>
      %dma_wait3A_1244 = arith.constant 0 : i32
      %dma_wait3A_1245 = tpu.memref_slice %arg8[%dma_wait3A_1236, %dma_wait3A_1237, %dma_wait3A_1244] : memref<2x21x32xi32, #tpu.memory_space<vmem>> -> memref<1x1x32xi32, #tpu.memory_space<vmem>>
      %dma_wait3A_1246 = tpu.memref_squeeze %dma_wait3A_1245 : memref<1x1x32xi32, #tpu.memory_space<vmem>> -> memref<32xi32, #tpu.memory_space<vmem>>
      %dma_wait3A_1247 = arith.constant 0 : i32
      %dma_wait3A_1248 = arith.constant 0 : i32
      %dma_wait3A_1249 = tpu.memref_slice %arg5[%dma_wait3A_1247, %dma_wait3A_1248] : memref<1000000x64xf32, #tpu.memory_space<hbm>> -> memref<1000000x64xf32, #tpu.memory_space<hbm>>
      tpu.wait_indirect_dma semaphore(%arg13 : memref<!tpu.dma_semaphore, #tpu.memory_space<semaphore_mem>>) src(%dma_wait3A_1249 : memref<1000000x64xf32, #tpu.memory_space<hbm>>) dst(%dma_wait3A_1243 : memref<32x64xf32, #tpu.memory_space<vmem>>)
      %add3A_1250 = arith.constant 1 : i32
      %add3A_1251 = arith.addi %mul3A_318, %add3A_1250 : i32
      %scan3A_1252 = arith.constant 0 : i32
      %scan3A_1253 = arith.constant 0 : i32
      %scan3A_1254 = arith.constant 32 : i32
      %scan3A_1255 = arith.addi %scan3A_1253, %scan3A_1254 : i32
      %scan3A_1256 = arith.constant 1 : i32
      scf.for %scan3A_1258 = %scan3A_1253 to %scan3A_1255 step %scan3A_1256  : i32 {
        %get3A = arith.constant 1 : i32
        %get3A_1259 = arith.index_cast %get3A : i32 to index
        %get3A_1260 = arith.index_cast %scan3A_1258 : i32 to index
        %get3A_1261 = arith.constant 0 : index
        %get3A_1262 = tpu.vector_load %arg9[%get3A_1259, %get3A_1260, %get3A_1261] {strides = array<i32>} : memref<2x32x64xf32, #tpu.memory_space<vmem>>, vector<1x1x16xf32>,
        %get3A_1263 = vector.shape_cast %get3A_1262 : vector<1x1x16xf32> to vector<16xf32>
        %get3A_1264 = arith.constant 1 : i32
        %get3A_1265 = arith.index_cast %get3A_1264 : i32 to index
        %get3A_1266 = arith.index_cast %scan3A_1258 : i32 to index
        %get3A_1267 = arith.constant 16 : index
        %get3A_1268 = tpu.vector_load %arg9[%get3A_1265, %get3A_1266, %get3A_1267] {strides = array<i32>} : memref<2x32x64xf32, #tpu.memory_space<vmem>>, vector<1x1x16xf32>,
        %get3A_1269 = vector.shape_cast %get3A_1268 : vector<1x1x16xf32> to vector<16xf32>
        %get3A_1270 = arith.constant 1 : i32
        %get3A_1271 = arith.index_cast %get3A_1270 : i32 to index
        %get3A_1272 = arith.index_cast %scan3A_1258 : i32 to index
        %get3A_1273 = arith.constant 32 : index
        %get3A_1274 = tpu.vector_load %arg9[%get3A_1271, %get3A_1272, %get3A_1273] {strides = array<i32>} : memref<2x32x64xf32, #tpu.memory_space<vmem>>, vector<1x1x16xf32>,
        %get3A_1275 = vector.shape_cast %get3A_1274 : vector<1x1x16xf32> to vector<16xf32>
        %get3A_1276 = arith.constant 1 : i32
        %get3A_1277 = arith.index_cast %get3A_1276 : i32 to index
        %get3A_1278 = arith.index_cast %scan3A_1258 : i32 to index
        %get3A_1279 = arith.constant 48 : index
        %get3A_1280 = tpu.vector_load %arg9[%get3A_1277, %get3A_1278, %get3A_1279] {strides = array<i32>} : memref<2x32x64xf32, #tpu.memory_space<vmem>>, vector<1x1x16xf32>,
        %get3A_1281 = vector.shape_cast %get3A_1280 : vector<1x1x16xf32> to vector<16xf32>
        %neg3A = arith.constant 0.000000e+00 : f32
        %neg3A_1282 = vector.broadcast %neg3A : f32 to vector<16xf32>
        %neg3A_1283 = arith.subf %neg3A_1282, %get3A_1263 : vector<16xf32>
        %neg3A_1284 = arith.constant 0.000000e+00 : f32
        %neg3A_1285 = vector.broadcast %neg3A_1284 : f32 to vector<16xf32>
        %neg3A_1286 = arith.subf %neg3A_1285, %get3A_1269 : vector<16xf32>
        %neg3A_1287 = arith.constant 0.000000e+00 : f32
        %neg3A_1288 = vector.broadcast %neg3A_1287 : f32 to vector<16xf32>
        %neg3A_1289 = arith.subf %neg3A_1288, %get3A_1275 : vector<16xf32>
        %neg3A_1290 = arith.constant 0.000000e+00 : f32
        %neg3A_1291 = vector.broadcast %neg3A_1290 : f32 to vector<16xf32>
        %neg3A_1292 = arith.subf %neg3A_1291, %get3A_1281 : vector<16xf32>
        %get3A_1293 = arith.constant 1 : i32
        %get3A_1294 = arith.constant 0 : i32
        %get3A_1295 = arith.index_cast %get3A_1293 : i32 to index
        %get3A_1296 = arith.index_cast %get3A_1294 : i32 to index
        %get3A_1297 = arith.index_cast %scan3A_1258 : i32 to index
        %get3A_1298 = arith.constant 0 : index
        %get3A_1299 = tpu.vector_load %arg10[%get3A_1295, %get3A_1296, %get3A_1297, %get3A_1298] {strides = array<i32>} : memref<2x21x32x64xf32, #tpu.memory_space<vmem>>, vector<1x1x1x16xf32>,
        %get3A_1300 = vector.shape_cast %get3A_1299 : vector<1x1x1x16xf32> to vector<16xf32>
        %mul3A_1301 = arith.mulf %get3A_1263, %get3A_1300 : vector<16xf32>
        %get3A_1302 = arith.constant 1 : i32
        %get3A_1303 = arith.constant 0 : i32
        %get3A_1304 = arith.index_cast %get3A_1302 : i32 to index
        %get3A_1305 = arith.index_cast %get3A_1303 : i32 to index
        %get3A_1306 = arith.index_cast %scan3A_1258 : i32 to index
        %get3A_1307 = arith.constant 16 : index
        %get3A_1308 = tpu.vector_load %arg10[%get3A_1304, %get3A_1305, %get3A_1306, %get3A_1307] {strides = array<i32>} : memref<2x21x32x64xf32, #tpu.memory_space<vmem>>, vector<1x1x1x16xf32>,
        %get3A_1309 = vector.shape_cast %get3A_1308 : vector<1x1x1x16xf32> to vector<16xf32>
        %mul3A_1310 = arith.mulf %get3A_1269, %get3A_1309 : vector<16xf32>
        %add3A_1311 = arith.addf %mul3A_1301, %mul3A_1310 : vector<16xf32>
        %get3A_1312 = arith.constant 1 : i32
        %get3A_1313 = arith.constant 0 : i32
        %get3A_1314 = arith.index_cast %get3A_1312 : i32 to index
        %get3A_1315 = arith.index_cast %get3A_1313 : i32 to index
        %get3A_1316 = arith.index_cast %scan3A_1258 : i32 to index
        %get3A_1317 = arith.constant 32 : index
        %get3A_1318 = tpu.vector_load %arg10[%get3A_1314, %get3A_1315, %get3A_1316, %get3A_1317] {strides = array<i32>} : memref<2x21x32x64xf32, #tpu.memory_space<vmem>>, vector<1x1x1x16xf32>,
        %get3A_1319 = vector.shape_cast %get3A_1318 : vector<1x1x1x16xf32> to vector<16xf32>
        %mul3A_1320 = arith.mulf %get3A_1275, %get3A_1319 : vector<16xf32>
        %add3A_1321 = arith.addf %add3A_1311, %mul3A_1320 : vector<16xf32>
        %get3A_1322 = arith.constant 1 : i32
        %get3A_1323 = arith.constant 0 : i32
        %get3A_1324 = arith.index_cast %get3A_1322 : i32 to index
        %get3A_1325 = arith.index_cast %get3A_1323 : i32 to index
        %get3A_1326 = arith.index_cast %scan3A_1258 : i32 to index
        %get3A_1327 = arith.constant 48 : index
        %get3A_1328 = tpu.vector_load %arg10[%get3A_1324, %get3A_1325, %get3A_1326, %get3A_1327] {strides = array<i32>} : memref<2x21x32x64xf32, #tpu.memory_space<vmem>>, vector<1x1x1x16xf32>,
        %get3A_1329 = vector.shape_cast %get3A_1328 : vector<1x1x1x16xf32> to vector<16xf32>
        %mul3A_1330 = arith.mulf %get3A_1281, %get3A_1329 : vector<16xf32>
        %add3A_1331 = arith.addf %add3A_1321, %mul3A_1330 : vector<16xf32>
        %get3A_1332 = arith.constant 1 : i32
        %get3A_1333 = arith.constant 1 : i32
        %get3A_1334 = arith.index_cast %get3A_1332 : i32 to index
        %get3A_1335 = arith.index_cast %get3A_1333 : i32 to index
        %get3A_1336 = arith.index_cast %scan3A_1258 : i32 to index
        %get3A_1337 = arith.constant 0 : index
        %get3A_1338 = tpu.vector_load %arg10[%get3A_1334, %get3A_1335, %get3A_1336, %get3A_1337] {strides = array<i32>} : memref<2x21x32x64xf32, #tpu.memory_space<vmem>>, vector<1x1x1x16xf32>,
        %get3A_1339 = vector.shape_cast %get3A_1338 : vector<1x1x1x16xf32> to vector<16xf32>
        %mul3A_1340 = arith.mulf %neg3A_1283, %get3A_1339 : vector<16xf32>
        %get3A_1341 = arith.constant 1 : i32
        %get3A_1342 = arith.constant 1 : i32
        %get3A_1343 = arith.index_cast %get3A_1341 : i32 to index
        %get3A_1344 = arith.index_cast %get3A_1342 : i32 to index
        %get3A_1345 = arith.index_cast %scan3A_1258 : i32 to index
        %get3A_1346 = arith.constant 16 : index
        %get3A_1347 = tpu.vector_load %arg10[%get3A_1343, %get3A_1344, %get3A_1345, %get3A_1346] {strides = array<i32>} : memref<2x21x32x64xf32, #tpu.memory_space<vmem>>, vector<1x1x1x16xf32>,
        %get3A_1348 = vector.shape_cast %get3A_1347 : vector<1x1x1x16xf32> to vector<16xf32>
        %mul3A_1349 = arith.mulf %neg3A_1286, %get3A_1348 : vector<16xf32>
        %add3A_1350 = arith.addf %mul3A_1340, %mul3A_1349 : vector<16xf32>
        %get3A_1351 = arith.constant 1 : i32
        %get3A_1352 = arith.constant 1 : i32
        %get3A_1353 = arith.index_cast %get3A_1351 : i32 to index
        %get3A_1354 = arith.index_cast %get3A_1352 : i32 to index
        %get3A_1355 = arith.index_cast %scan3A_1258 : i32 to index
        %get3A_1356 = arith.constant 32 : index
        %get3A_1357 = tpu.vector_load %arg10[%get3A_1353, %get3A_1354, %get3A_1355, %get3A_1356] {strides = array<i32>} : memref<2x21x32x64xf32, #tpu.memory_space<vmem>>, vector<1x1x1x16xf32>,
        %get3A_1358 = vector.shape_cast %get3A_1357 : vector<1x1x1x16xf32> to vector<16xf32>
        %mul3A_1359 = arith.mulf %neg3A_1289, %get3A_1358 : vector<16xf32>
        %add3A_1360 = arith.addf %add3A_1350, %mul3A_1359 : vector<16xf32>
        %get3A_1361 = arith.constant 1 : i32
        %get3A_1362 = arith.constant 1 : i32
        %get3A_1363 = arith.index_cast %get3A_1361 : i32 to index
        %get3A_1364 = arith.index_cast %get3A_1362 : i32 to index
        %get3A_1365 = arith.index_cast %scan3A_1258 : i32 to index
        %get3A_1366 = arith.constant 48 : index
        %get3A_1367 = tpu.vector_load %arg10[%get3A_1363, %get3A_1364, %get3A_1365, %get3A_1366] {strides = array<i32>} : memref<2x21x32x64xf32, #tpu.memory_space<vmem>>, vector<1x1x1x16xf32>,
        %get3A_1368 = vector.shape_cast %get3A_1367 : vector<1x1x1x16xf32> to vector<16xf32>
        %mul3A_1369 = arith.mulf %neg3A_1292, %get3A_1368 : vector<16xf32>
        %add3A_1370 = arith.addf %add3A_1360, %mul3A_1369 : vector<16xf32>
        %get3A_1371 = arith.constant 1 : i32
        %get3A_1372 = arith.constant 2 : i32
        %get3A_1373 = arith.index_cast %get3A_1371 : i32 to index
        %get3A_1374 = arith.index_cast %get3A_1372 : i32 to index
        %get3A_1375 = arith.index_cast %scan3A_1258 : i32 to index
        %get3A_1376 = arith.constant 0 : index
        %get3A_1377 = tpu.vector_load %arg10[%get3A_1373, %get3A_1374, %get3A_1375, %get3A_1376] {strides = array<i32>} : memref<2x21x32x64xf32, #tpu.memory_space<vmem>>, vector<1x1x1x16xf32>,
        %get3A_1378 = vector.shape_cast %get3A_1377 : vector<1x1x1x16xf32> to vector<16xf32>
        %mul3A_1379 = arith.mulf %neg3A_1283, %get3A_1378 : vector<16xf32>
        %get3A_1380 = arith.constant 1 : i32
        %get3A_1381 = arith.constant 2 : i32
        %get3A_1382 = arith.index_cast %get3A_1380 : i32 to index
        %get3A_1383 = arith.index_cast %get3A_1381 : i32 to index
        %get3A_1384 = arith.index_cast %scan3A_1258 : i32 to index
        %get3A_1385 = arith.constant 16 : index
        %get3A_1386 = tpu.vector_load %arg10[%get3A_1382, %get3A_1383, %get3A_1384, %get3A_1385] {strides = array<i32>} : memref<2x21x32x64xf32, #tpu.memory_space<vmem>>, vector<1x1x1x16xf32>,
        %get3A_1387 = vector.shape_cast %get3A_1386 : vector<1x1x1x16xf32> to vector<16xf32>
        %mul3A_1388 = arith.mulf %neg3A_1286, %get3A_1387 : vector<16xf32>
        %add3A_1389 = arith.addf %mul3A_1379, %mul3A_1388 : vector<16xf32>
        %get3A_1390 = arith.constant 1 : i32
        %get3A_1391 = arith.constant 2 : i32
        %get3A_1392 = arith.index_cast %get3A_1390 : i32 to index
        %get3A_1393 = arith.index_cast %get3A_1391 : i32 to index
        %get3A_1394 = arith.index_cast %scan3A_1258 : i32 to index
        %get3A_1395 = arith.constant 32 : index
        %get3A_1396 = tpu.vector_load %arg10[%get3A_1392, %get3A_1393, %get3A_1394, %get3A_1395] {strides = array<i32>} : memref<2x21x32x64xf32, #tpu.memory_space<vmem>>, vector<1x1x1x16xf32>,
        %get3A_1397 = vector.shape_cast %get3A_1396 : vector<1x1x1x16xf32> to vector<16xf32>
        %mul3A_1398 = arith.mulf %neg3A_1289, %get3A_1397 : vector<16xf32>
        %add3A_1399 = arith.addf %add3A_1389, %mul3A_1398 : vector<16xf32>
        %get3A_1400 = arith.constant 1 : i32
        %get3A_1401 = arith.constant 2 : i32
        %get3A_1402 = arith.index_cast %get3A_1400 : i32 to index
        %get3A_1403 = arith.index_cast %get3A_1401 : i32 to index
        %get3A_1404 = arith.index_cast %scan3A_1258 : i32 to index
        %get3A_1405 = arith.constant 48 : index
        %get3A_1406 = tpu.vector_load %arg10[%get3A_1402, %get3A_1403, %get3A_1404, %get3A_1405] {strides = array<i32>} : memref<2x21x32x64xf32, #tpu.memory_space<vmem>>, vector<1x1x1x16xf32>,
        %get3A_1407 = vector.shape_cast %get3A_1406 : vector<1x1x1x16xf32> to vector<16xf32>
        %mul3A_1408 = arith.mulf %neg3A_1292, %get3A_1407 : vector<16xf32>
        %add3A_1409 = arith.addf %add3A_1399, %mul3A_1408 : vector<16xf32>
        %get3A_1410 = arith.constant 1 : i32
        %get3A_1411 = arith.constant 3 : i32
        %get3A_1412 = arith.index_cast %get3A_1410 : i32 to index
        %get3A_1413 = arith.index_cast %get3A_1411 : i32 to index
        %get3A_1414 = arith.index_cast %scan3A_1258 : i32 to index
        %get3A_1415 = arith.constant 0 : index
        %get3A_1416 = tpu.vector_load %arg10[%get3A_1412, %get3A_1413, %get3A_1414, %get3A_1415] {strides = array<i32>} : memref<2x21x32x64xf32, #tpu.memory_space<vmem>>, vector<1x1x1x16xf32>,
        %get3A_1417 = vector.shape_cast %get3A_1416 : vector<1x1x1x16xf32> to vector<16xf32>
        %mul3A_1418 = arith.mulf %neg3A_1283, %get3A_1417 : vector<16xf32>
        %get3A_1419 = arith.constant 1 : i32
        %get3A_1420 = arith.constant 3 : i32
        %get3A_1421 = arith.index_cast %get3A_1419 : i32 to index
        %get3A_1422 = arith.index_cast %get3A_1420 : i32 to index
        %get3A_1423 = arith.index_cast %scan3A_1258 : i32 to index
        %get3A_1424 = arith.constant 16 : index
        %get3A_1425 = tpu.vector_load %arg10[%get3A_1421, %get3A_1422, %get3A_1423, %get3A_1424] {strides = array<i32>} : memref<2x21x32x64xf32, #tpu.memory_space<vmem>>, vector<1x1x1x16xf32>,
        %get3A_1426 = vector.shape_cast %get3A_1425 : vector<1x1x1x16xf32> to vector<16xf32>
        %mul3A_1427 = arith.mulf %neg3A_1286, %get3A_1426 : vector<16xf32>
        %add3A_1428 = arith.addf %mul3A_1418, %mul3A_1427 : vector<16xf32>
        %get3A_1429 = arith.constant 1 : i32
        %get3A_1430 = arith.constant 3 : i32
        %get3A_1431 = arith.index_cast %get3A_1429 : i32 to index
        %get3A_1432 = arith.index_cast %get3A_1430 : i32 to index
        %get3A_1433 = arith.index_cast %scan3A_1258 : i32 to index
        %get3A_1434 = arith.constant 32 : index
        %get3A_1435 = tpu.vector_load %arg10[%get3A_1431, %get3A_1432, %get3A_1433, %get3A_1434] {strides = array<i32>} : memref<2x21x32x64xf32, #tpu.memory_space<vmem>>, vector<1x1x1x16xf32>,
        %get3A_1436 = vector.shape_cast %get3A_1435 : vector<1x1x1x16xf32> to vector<16xf32>
        %mul3A_1437 = arith.mulf %neg3A_1289, %get3A_1436 : vector<16xf32>
        %add3A_1438 = arith.addf %add3A_1428, %mul3A_1437 : vector<16xf32>
        %get3A_1439 = arith.constant 1 : i32
        %get3A_1440 = arith.constant 3 : i32
        %get3A_1441 = arith.index_cast %get3A_1439 : i32 to index
        %get3A_1442 = arith.index_cast %get3A_1440 : i32 to index
        %get3A_1443 = arith.index_cast %scan3A_1258 : i32 to index
        %get3A_1444 = arith.constant 48 : index
        %get3A_1445 = tpu.vector_load %arg10[%get3A_1441, %get3A_1442, %get3A_1443, %get3A_1444] {strides = array<i32>} : memref<2x21x32x64xf32, #tpu.memory_space<vmem>>, vector<1x1x1x16xf32>,
        %get3A_1446 = vector.shape_cast %get3A_1445 : vector<1x1x1x16xf32> to vector<16xf32>
        %mul3A_1447 = arith.mulf %neg3A_1292, %get3A_1446 : vector<16xf32>
        %add3A_1448 = arith.addf %add3A_1438, %mul3A_1447 : vector<16xf32>
        %get3A_1449 = arith.constant 1 : i32
        %get3A_1450 = arith.constant 4 : i32
        %get3A_1451 = arith.index_cast %get3A_1449 : i32 to index
        %get3A_1452 = arith.index_cast %get3A_1450 : i32 to index
        %get3A_1453 = arith.index_cast %scan3A_1258 : i32 to index
        %get3A_1454 = arith.constant 0 : index
        %get3A_1455 = tpu.vector_load %arg10[%get3A_1451, %get3A_1452, %get3A_1453, %get3A_1454] {strides = array<i32>} : memref<2x21x32x64xf32, #tpu.memory_space<vmem>>, vector<1x1x1x16xf32>,
        %get3A_1456 = vector.shape_cast %get3A_1455 : vector<1x1x1x16xf32> to vector<16xf32>
        %mul3A_1457 = arith.mulf %neg3A_1283, %get3A_1456 : vector<16xf32>
        %get3A_1458 = arith.constant 1 : i32
        %get3A_1459 = arith.constant 4 : i32
        %get3A_1460 = arith.index_cast %get3A_1458 : i32 to index
        %get3A_1461 = arith.index_cast %get3A_1459 : i32 to index
        %get3A_1462 = arith.index_cast %scan3A_1258 : i32 to index
        %get3A_1463 = arith.constant 16 : index
        %get3A_1464 = tpu.vector_load %arg10[%get3A_1460, %get3A_1461, %get3A_1462, %get3A_1463] {strides = array<i32>} : memref<2x21x32x64xf32, #tpu.memory_space<vmem>>, vector<1x1x1x16xf32>,
        %get3A_1465 = vector.shape_cast %get3A_1464 : vector<1x1x1x16xf32> to vector<16xf32>
        %mul3A_1466 = arith.mulf %neg3A_1286, %get3A_1465 : vector<16xf32>
        %add3A_1467 = arith.addf %mul3A_1457, %mul3A_1466 : vector<16xf32>
        %get3A_1468 = arith.constant 1 : i32
        %get3A_1469 = arith.constant 4 : i32
        %get3A_1470 = arith.index_cast %get3A_1468 : i32 to index
        %get3A_1471 = arith.index_cast %get3A_1469 : i32 to index
        %get3A_1472 = arith.index_cast %scan3A_1258 : i32 to index
        %get3A_1473 = arith.constant 32 : index
        %get3A_1474 = tpu.vector_load %arg10[%get3A_1470, %get3A_1471, %get3A_1472, %get3A_1473] {strides = array<i32>} : memref<2x21x32x64xf32, #tpu.memory_space<vmem>>, vector<1x1x1x16xf32>,
        %get3A_1475 = vector.shape_cast %get3A_1474 : vector<1x1x1x16xf32> to vector<16xf32>
        %mul3A_1476 = arith.mulf %neg3A_1289, %get3A_1475 : vector<16xf32>
        %add3A_1477 = arith.addf %add3A_1467, %mul3A_1476 : vector<16xf32>
        %get3A_1478 = arith.constant 1 : i32
        %get3A_1479 = arith.constant 4 : i32
        %get3A_1480 = arith.index_cast %get3A_1478 : i32 to index
        %get3A_1481 = arith.index_cast %get3A_1479 : i32 to index
        %get3A_1482 = arith.index_cast %scan3A_1258 : i32 to index
        %get3A_1483 = arith.constant 48 : index
        %get3A_1484 = tpu.vector_load %arg10[%get3A_1480, %get3A_1481, %get3A_1482, %get3A_1483] {strides = array<i32>} : memref<2x21x32x64xf32, #tpu.memory_space<vmem>>, vector<1x1x1x16xf32>,
        %get3A_1485 = vector.shape_cast %get3A_1484 : vector<1x1x1x16xf32> to vector<16xf32>
        %mul3A_1486 = arith.mulf %neg3A_1292, %get3A_1485 : vector<16xf32>
        %add3A_1487 = arith.addf %add3A_1477, %mul3A_1486 : vector<16xf32>
        %get3A_1488 = arith.constant 1 : i32
        %get3A_1489 = arith.constant 5 : i32
        %get3A_1490 = arith.index_cast %get3A_1488 : i32 to index
        %get3A_1491 = arith.index_cast %get3A_1489 : i32 to index
        %get3A_1492 = arith.index_cast %scan3A_1258 : i32 to index
        %get3A_1493 = arith.constant 0 : index
        %get3A_1494 = tpu.vector_load %arg10[%get3A_1490, %get3A_1491, %get3A_1492, %get3A_1493] {strides = array<i32>} : memref<2x21x32x64xf32, #tpu.memory_space<vmem>>, vector<1x1x1x16xf32>,
        %get3A_1495 = vector.shape_cast %get3A_1494 : vector<1x1x1x16xf32> to vector<16xf32>
        %mul3A_1496 = arith.mulf %neg3A_1283, %get3A_1495 : vector<16xf32>
        %get3A_1497 = arith.constant 1 : i32
        %get3A_1498 = arith.constant 5 : i32
        %get3A_1499 = arith.index_cast %get3A_1497 : i32 to index
        %get3A_1500 = arith.index_cast %get3A_1498 : i32 to index
        %get3A_1501 = arith.index_cast %scan3A_1258 : i32 to index
        %get3A_1502 = arith.constant 16 : index
        %get3A_1503 = tpu.vector_load %arg10[%get3A_1499, %get3A_1500, %get3A_1501, %get3A_1502] {strides = array<i32>} : memref<2x21x32x64xf32, #tpu.memory_space<vmem>>, vector<1x1x1x16xf32>,
        %get3A_1504 = vector.shape_cast %get3A_1503 : vector<1x1x1x16xf32> to vector<16xf32>
        %mul3A_1505 = arith.mulf %neg3A_1286, %get3A_1504 : vector<16xf32>
        %add3A_1506 = arith.addf %mul3A_1496, %mul3A_1505 : vector<16xf32>
        %get3A_1507 = arith.constant 1 : i32
        %get3A_1508 = arith.constant 5 : i32
        %get3A_1509 = arith.index_cast %get3A_1507 : i32 to index
        %get3A_1510 = arith.index_cast %get3A_1508 : i32 to index
        %get3A_1511 = arith.index_cast %scan3A_1258 : i32 to index
        %get3A_1512 = arith.constant 32 : index
        %get3A_1513 = tpu.vector_load %arg10[%get3A_1509, %get3A_1510, %get3A_1511, %get3A_1512] {strides = array<i32>} : memref<2x21x32x64xf32, #tpu.memory_space<vmem>>, vector<1x1x1x16xf32>,
        %get3A_1514 = vector.shape_cast %get3A_1513 : vector<1x1x1x16xf32> to vector<16xf32>
        %mul3A_1515 = arith.mulf %neg3A_1289, %get3A_1514 : vector<16xf32>
        %add3A_1516 = arith.addf %add3A_1506, %mul3A_1515 : vector<16xf32>
        %get3A_1517 = arith.constant 1 : i32
        %get3A_1518 = arith.constant 5 : i32
        %get3A_1519 = arith.index_cast %get3A_1517 : i32 to index
        %get3A_1520 = arith.index_cast %get3A_1518 : i32 to index
        %get3A_1521 = arith.index_cast %scan3A_1258 : i32 to index
        %get3A_1522 = arith.constant 48 : index
        %get3A_1523 = tpu.vector_load %arg10[%get3A_1519, %get3A_1520, %get3A_1521, %get3A_1522] {strides = array<i32>} : memref<2x21x32x64xf32, #tpu.memory_space<vmem>>, vector<1x1x1x16xf32>,
        %get3A_1524 = vector.shape_cast %get3A_1523 : vector<1x1x1x16xf32> to vector<16xf32>
        %mul3A_1525 = arith.mulf %neg3A_1292, %get3A_1524 : vector<16xf32>
        %add3A_1526 = arith.addf %add3A_1516, %mul3A_1525 : vector<16xf32>
        %get3A_1527 = arith.constant 1 : i32
        %get3A_1528 = arith.constant 6 : i32
        %get3A_1529 = arith.index_cast %get3A_1527 : i32 to index
        %get3A_1530 = arith.index_cast %get3A_1528 : i32 to index
        %get3A_1531 = arith.index_cast %scan3A_1258 : i32 to index
        %get3A_1532 = arith.constant 0 : index
        %get3A_1533 = tpu.vector_load %arg10[%get3A_1529, %get3A_1530, %get3A_1531, %get3A_1532] {strides = array<i32>} : memref<2x21x32x64xf32, #tpu.memory_space<vmem>>, vector<1x1x1x16xf32>,
        %get3A_1534 = vector.shape_cast %get3A_1533 : vector<1x1x1x16xf32> to vector<16xf32>
        %mul3A_1535 = arith.mulf %neg3A_1283, %get3A_1534 : vector<16xf32>
        %get3A_1536 = arith.constant 1 : i32
        %get3A_1537 = arith.constant 6 : i32
        %get3A_1538 = arith.index_cast %get3A_1536 : i32 to index
        %get3A_1539 = arith.index_cast %get3A_1537 : i32 to index
        %get3A_1540 = arith.index_cast %scan3A_1258 : i32 to index
        %get3A_1541 = arith.constant 16 : index
        %get3A_1542 = tpu.vector_load %arg10[%get3A_1538, %get3A_1539, %get3A_1540, %get3A_1541] {strides = array<i32>} : memref<2x21x32x64xf32, #tpu.memory_space<vmem>>, vector<1x1x1x16xf32>,
        %get3A_1543 = vector.shape_cast %get3A_1542 : vector<1x1x1x16xf32> to vector<16xf32>
        %mul3A_1544 = arith.mulf %neg3A_1286, %get3A_1543 : vector<16xf32>
        %add3A_1545 = arith.addf %mul3A_1535, %mul3A_1544 : vector<16xf32>
        %get3A_1546 = arith.constant 1 : i32
        %get3A_1547 = arith.constant 6 : i32
        %get3A_1548 = arith.index_cast %get3A_1546 : i32 to index
        %get3A_1549 = arith.index_cast %get3A_1547 : i32 to index
        %get3A_1550 = arith.index_cast %scan3A_1258 : i32 to index
        %get3A_1551 = arith.constant 32 : index
        %get3A_1552 = tpu.vector_load %arg10[%get3A_1548, %get3A_1549, %get3A_1550, %get3A_1551] {strides = array<i32>} : memref<2x21x32x64xf32, #tpu.memory_space<vmem>>, vector<1x1x1x16xf32>,
        %get3A_1553 = vector.shape_cast %get3A_1552 : vector<1x1x1x16xf32> to vector<16xf32>
        %mul3A_1554 = arith.mulf %neg3A_1289, %get3A_1553 : vector<16xf32>
        %add3A_1555 = arith.addf %add3A_1545, %mul3A_1554 : vector<16xf32>
        %get3A_1556 = arith.constant 1 : i32
        %get3A_1557 = arith.constant 6 : i32
        %get3A_1558 = arith.index_cast %get3A_1556 : i32 to index
        %get3A_1559 = arith.index_cast %get3A_1557 : i32 to index
        %get3A_1560 = arith.index_cast %scan3A_1258 : i32 to index
        %get3A_1561 = arith.constant 48 : index
        %get3A_1562 = tpu.vector_load %arg10[%get3A_1558, %get3A_1559, %get3A_1560, %get3A_1561] {strides = array<i32>} : memref<2x21x32x64xf32, #tpu.memory_space<vmem>>, vector<1x1x1x16xf32>,
        %get3A_1563 = vector.shape_cast %get3A_1562 : vector<1x1x1x16xf32> to vector<16xf32>
        %mul3A_1564 = arith.mulf %neg3A_1292, %get3A_1563 : vector<16xf32>
        %add3A_1565 = arith.addf %add3A_1555, %mul3A_1564 : vector<16xf32>
        %get3A_1566 = arith.constant 1 : i32
        %get3A_1567 = arith.constant 7 : i32
        %get3A_1568 = arith.index_cast %get3A_1566 : i32 to index
        %get3A_1569 = arith.index_cast %get3A_1567 : i32 to index
        %get3A_1570 = arith.index_cast %scan3A_1258 : i32 to index
        %get3A_1571 = arith.constant 0 : index
        %get3A_1572 = tpu.vector_load %arg10[%get3A_1568, %get3A_1569, %get3A_1570, %get3A_1571] {strides = array<i32>} : memref<2x21x32x64xf32, #tpu.memory_space<vmem>>, vector<1x1x1x16xf32>,
        %get3A_1573 = vector.shape_cast %get3A_1572 : vector<1x1x1x16xf32> to vector<16xf32>
        %mul3A_1574 = arith.mulf %neg3A_1283, %get3A_1573 : vector<16xf32>
        %get3A_1575 = arith.constant 1 : i32
        %get3A_1576 = arith.constant 7 : i32
        %get3A_1577 = arith.index_cast %get3A_1575 : i32 to index
        %get3A_1578 = arith.index_cast %get3A_1576 : i32 to index
        %get3A_1579 = arith.index_cast %scan3A_1258 : i32 to index
        %get3A_1580 = arith.constant 16 : index
        %get3A_1581 = tpu.vector_load %arg10[%get3A_1577, %get3A_1578, %get3A_1579, %get3A_1580] {strides = array<i32>} : memref<2x21x32x64xf32, #tpu.memory_space<vmem>>, vector<1x1x1x16xf32>,
        %get3A_1582 = vector.shape_cast %get3A_1581 : vector<1x1x1x16xf32> to vector<16xf32>
        %mul3A_1583 = arith.mulf %neg3A_1286, %get3A_1582 : vector<16xf32>
        %add3A_1584 = arith.addf %mul3A_1574, %mul3A_1583 : vector<16xf32>
        %get3A_1585 = arith.constant 1 : i32
        %get3A_1586 = arith.constant 7 : i32
        %get3A_1587 = arith.index_cast %get3A_1585 : i32 to index
        %get3A_1588 = arith.index_cast %get3A_1586 : i32 to index
        %get3A_1589 = arith.index_cast %scan3A_1258 : i32 to index
        %get3A_1590 = arith.constant 32 : index
        %get3A_1591 = tpu.vector_load %arg10[%get3A_1587, %get3A_1588, %get3A_1589, %get3A_1590] {strides = array<i32>} : memref<2x21x32x64xf32, #tpu.memory_space<vmem>>, vector<1x1x1x16xf32>,
        %get3A_1592 = vector.shape_cast %get3A_1591 : vector<1x1x1x16xf32> to vector<16xf32>
        %mul3A_1593 = arith.mulf %neg3A_1289, %get3A_1592 : vector<16xf32>
        %add3A_1594 = arith.addf %add3A_1584, %mul3A_1593 : vector<16xf32>
        %get3A_1595 = arith.constant 1 : i32
        %get3A_1596 = arith.constant 7 : i32
        %get3A_1597 = arith.index_cast %get3A_1595 : i32 to index
        %get3A_1598 = arith.index_cast %get3A_1596 : i32 to index
        %get3A_1599 = arith.index_cast %scan3A_1258 : i32 to index
        %get3A_1600 = arith.constant 48 : index
        %get3A_1601 = tpu.vector_load %arg10[%get3A_1597, %get3A_1598, %get3A_1599, %get3A_1600] {strides = array<i32>} : memref<2x21x32x64xf32, #tpu.memory_space<vmem>>, vector<1x1x1x16xf32>,
        %get3A_1602 = vector.shape_cast %get3A_1601 : vector<1x1x1x16xf32> to vector<16xf32>
        %mul3A_1603 = arith.mulf %neg3A_1292, %get3A_1602 : vector<16xf32>
        %add3A_1604 = arith.addf %add3A_1594, %mul3A_1603 : vector<16xf32>
        %get3A_1605 = arith.constant 1 : i32
        %get3A_1606 = arith.constant 8 : i32
        %get3A_1607 = arith.index_cast %get3A_1605 : i32 to index
        %get3A_1608 = arith.index_cast %get3A_1606 : i32 to index
        %get3A_1609 = arith.index_cast %scan3A_1258 : i32 to index
        %get3A_1610 = arith.constant 0 : index
        %get3A_1611 = tpu.vector_load %arg10[%get3A_1607, %get3A_1608, %get3A_1609, %get3A_1610] {strides = array<i32>} : memref<2x21x32x64xf32, #tpu.memory_space<vmem>>, vector<1x1x1x16xf32>,
        %get3A_1612 = vector.shape_cast %get3A_1611 : vector<1x1x1x16xf32> to vector<16xf32>
        %mul3A_1613 = arith.mulf %neg3A_1283, %get3A_1612 : vector<16xf32>
        %get3A_1614 = arith.constant 1 : i32
        %get3A_1615 = arith.constant 8 : i32
        %get3A_1616 = arith.index_cast %get3A_1614 : i32 to index
        %get3A_1617 = arith.index_cast %get3A_1615 : i32 to index
        %get3A_1618 = arith.index_cast %scan3A_1258 : i32 to index
        %get3A_1619 = arith.constant 16 : index
        %get3A_1620 = tpu.vector_load %arg10[%get3A_1616, %get3A_1617, %get3A_1618, %get3A_1619] {strides = array<i32>} : memref<2x21x32x64xf32, #tpu.memory_space<vmem>>, vector<1x1x1x16xf32>,
        %get3A_1621 = vector.shape_cast %get3A_1620 : vector<1x1x1x16xf32> to vector<16xf32>
        %mul3A_1622 = arith.mulf %neg3A_1286, %get3A_1621 : vector<16xf32>
        %add3A_1623 = arith.addf %mul3A_1613, %mul3A_1622 : vector<16xf32>
        %get3A_1624 = arith.constant 1 : i32
        %get3A_1625 = arith.constant 8 : i32
        %get3A_1626 = arith.index_cast %get3A_1624 : i32 to index
        %get3A_1627 = arith.index_cast %get3A_1625 : i32 to index
        %get3A_1628 = arith.index_cast %scan3A_1258 : i32 to index
        %get3A_1629 = arith.constant 32 : index
        %get3A_1630 = tpu.vector_load %arg10[%get3A_1626, %get3A_1627, %get3A_1628, %get3A_1629] {strides = array<i32>} : memref<2x21x32x64xf32, #tpu.memory_space<vmem>>, vector<1x1x1x16xf32>,
        %get3A_1631 = vector.shape_cast %get3A_1630 : vector<1x1x1x16xf32> to vector<16xf32>
        %mul3A_1632 = arith.mulf %neg3A_1289, %get3A_1631 : vector<16xf32>
        %add3A_1633 = arith.addf %add3A_1623, %mul3A_1632 : vector<16xf32>
        %get3A_1634 = arith.constant 1 : i32
        %get3A_1635 = arith.constant 8 : i32
        %get3A_1636 = arith.index_cast %get3A_1634 : i32 to index
        %get3A_1637 = arith.index_cast %get3A_1635 : i32 to index
        %get3A_1638 = arith.index_cast %scan3A_1258 : i32 to index
        %get3A_1639 = arith.constant 48 : index
        %get3A_1640 = tpu.vector_load %arg10[%get3A_1636, %get3A_1637, %get3A_1638, %get3A_1639] {strides = array<i32>} : memref<2x21x32x64xf32, #tpu.memory_space<vmem>>, vector<1x1x1x16xf32>,
        %get3A_1641 = vector.shape_cast %get3A_1640 : vector<1x1x1x16xf32> to vector<16xf32>
        %mul3A_1642 = arith.mulf %neg3A_1292, %get3A_1641 : vector<16xf32>
        %add3A_1643 = arith.addf %add3A_1633, %mul3A_1642 : vector<16xf32>
        %get3A_1644 = arith.constant 1 : i32
        %get3A_1645 = arith.constant 9 : i32
        %get3A_1646 = arith.index_cast %get3A_1644 : i32 to index
        %get3A_1647 = arith.index_cast %get3A_1645 : i32 to index
        %get3A_1648 = arith.index_cast %scan3A_1258 : i32 to index
        %get3A_1649 = arith.constant 0 : index
        %get3A_1650 = tpu.vector_load %arg10[%get3A_1646, %get3A_1647, %get3A_1648, %get3A_1649] {strides = array<i32>} : memref<2x21x32x64xf32, #tpu.memory_space<vmem>>, vector<1x1x1x16xf32>,
        %get3A_1651 = vector.shape_cast %get3A_1650 : vector<1x1x1x16xf32> to vector<16xf32>
        %mul3A_1652 = arith.mulf %neg3A_1283, %get3A_1651 : vector<16xf32>
        %get3A_1653 = arith.constant 1 : i32
        %get3A_1654 = arith.constant 9 : i32
        %get3A_1655 = arith.index_cast %get3A_1653 : i32 to index
        %get3A_1656 = arith.index_cast %get3A_1654 : i32 to index
        %get3A_1657 = arith.index_cast %scan3A_1258 : i32 to index
        %get3A_1658 = arith.constant 16 : index
        %get3A_1659 = tpu.vector_load %arg10[%get3A_1655, %get3A_1656, %get3A_1657, %get3A_1658] {strides = array<i32>} : memref<2x21x32x64xf32, #tpu.memory_space<vmem>>, vector<1x1x1x16xf32>,
        %get3A_1660 = vector.shape_cast %get3A_1659 : vector<1x1x1x16xf32> to vector<16xf32>
        %mul3A_1661 = arith.mulf %neg3A_1286, %get3A_1660 : vector<16xf32>
        %add3A_1662 = arith.addf %mul3A_1652, %mul3A_1661 : vector<16xf32>
        %get3A_1663 = arith.constant 1 : i32
        %get3A_1664 = arith.constant 9 : i32
        %get3A_1665 = arith.index_cast %get3A_1663 : i32 to index
        %get3A_1666 = arith.index_cast %get3A_1664 : i32 to index
        %get3A_1667 = arith.index_cast %scan3A_1258 : i32 to index
        %get3A_1668 = arith.constant 32 : index
        %get3A_1669 = tpu.vector_load %arg10[%get3A_1665, %get3A_1666, %get3A_1667, %get3A_1668] {strides = array<i32>} : memref<2x21x32x64xf32, #tpu.memory_space<vmem>>, vector<1x1x1x16xf32>,
        %get3A_1670 = vector.shape_cast %get3A_1669 : vector<1x1x1x16xf32> to vector<16xf32>
        %mul3A_1671 = arith.mulf %neg3A_1289, %get3A_1670 : vector<16xf32>
        %add3A_1672 = arith.addf %add3A_1662, %mul3A_1671 : vector<16xf32>
        %get3A_1673 = arith.constant 1 : i32
        %get3A_1674 = arith.constant 9 : i32
        %get3A_1675 = arith.index_cast %get3A_1673 : i32 to index
        %get3A_1676 = arith.index_cast %get3A_1674 : i32 to index
        %get3A_1677 = arith.index_cast %scan3A_1258 : i32 to index
        %get3A_1678 = arith.constant 48 : index
        %get3A_1679 = tpu.vector_load %arg10[%get3A_1675, %get3A_1676, %get3A_1677, %get3A_1678] {strides = array<i32>} : memref<2x21x32x64xf32, #tpu.memory_space<vmem>>, vector<1x1x1x16xf32>,
        %get3A_1680 = vector.shape_cast %get3A_1679 : vector<1x1x1x16xf32> to vector<16xf32>
        %mul3A_1681 = arith.mulf %neg3A_1292, %get3A_1680 : vector<16xf32>
        %add3A_1682 = arith.addf %add3A_1672, %mul3A_1681 : vector<16xf32>
        %get3A_1683 = arith.constant 1 : i32
        %get3A_1684 = arith.constant 10 : i32
        %get3A_1685 = arith.index_cast %get3A_1683 : i32 to index
        %get3A_1686 = arith.index_cast %get3A_1684 : i32 to index
        %get3A_1687 = arith.index_cast %scan3A_1258 : i32 to index
        %get3A_1688 = arith.constant 0 : index
        %get3A_1689 = tpu.vector_load %arg10[%get3A_1685, %get3A_1686, %get3A_1687, %get3A_1688] {strides = array<i32>} : memref<2x21x32x64xf32, #tpu.memory_space<vmem>>, vector<1x1x1x16xf32>,
        %get3A_1690 = vector.shape_cast %get3A_1689 : vector<1x1x1x16xf32> to vector<16xf32>
        %mul3A_1691 = arith.mulf %neg3A_1283, %get3A_1690 : vector<16xf32>
        %get3A_1692 = arith.constant 1 : i32
        %get3A_1693 = arith.constant 10 : i32
        %get3A_1694 = arith.index_cast %get3A_1692 : i32 to index
        %get3A_1695 = arith.index_cast %get3A_1693 : i32 to index
        %get3A_1696 = arith.index_cast %scan3A_1258 : i32 to index
        %get3A_1697 = arith.constant 16 : index
        %get3A_1698 = tpu.vector_load %arg10[%get3A_1694, %get3A_1695, %get3A_1696, %get3A_1697] {strides = array<i32>} : memref<2x21x32x64xf32, #tpu.memory_space<vmem>>, vector<1x1x1x16xf32>,
        %get3A_1699 = vector.shape_cast %get3A_1698 : vector<1x1x1x16xf32> to vector<16xf32>
        %mul3A_1700 = arith.mulf %neg3A_1286, %get3A_1699 : vector<16xf32>
        %add3A_1701 = arith.addf %mul3A_1691, %mul3A_1700 : vector<16xf32>
        %get3A_1702 = arith.constant 1 : i32
        %get3A_1703 = arith.constant 10 : i32
        %get3A_1704 = arith.index_cast %get3A_1702 : i32 to index
        %get3A_1705 = arith.index_cast %get3A_1703 : i32 to index
        %get3A_1706 = arith.index_cast %scan3A_1258 : i32 to index
        %get3A_1707 = arith.constant 32 : index
        %get3A_1708 = tpu.vector_load %arg10[%get3A_1704, %get3A_1705, %get3A_1706, %get3A_1707] {strides = array<i32>} : memref<2x21x32x64xf32, #tpu.memory_space<vmem>>, vector<1x1x1x16xf32>,
        %get3A_1709 = vector.shape_cast %get3A_1708 : vector<1x1x1x16xf32> to vector<16xf32>
        %mul3A_1710 = arith.mulf %neg3A_1289, %get3A_1709 : vector<16xf32>
        %add3A_1711 = arith.addf %add3A_1701, %mul3A_1710 : vector<16xf32>
        %get3A_1712 = arith.constant 1 : i32
        %get3A_1713 = arith.constant 10 : i32
        %get3A_1714 = arith.index_cast %get3A_1712 : i32 to index
        %get3A_1715 = arith.index_cast %get3A_1713 : i32 to index
        %get3A_1716 = arith.index_cast %scan3A_1258 : i32 to index
        %get3A_1717 = arith.constant 48 : index
        %get3A_1718 = tpu.vector_load %arg10[%get3A_1714, %get3A_1715, %get3A_1716, %get3A_1717] {strides = array<i32>} : memref<2x21x32x64xf32, #tpu.memory_space<vmem>>, vector<1x1x1x16xf32>,
        %get3A_1719 = vector.shape_cast %get3A_1718 : vector<1x1x1x16xf32> to vector<16xf32>
        %mul3A_1720 = arith.mulf %neg3A_1292, %get3A_1719 : vector<16xf32>
        %add3A_1721 = arith.addf %add3A_1711, %mul3A_1720 : vector<16xf32>
        %get3A_1722 = arith.constant 1 : i32
        %get3A_1723 = arith.constant 11 : i32
        %get3A_1724 = arith.index_cast %get3A_1722 : i32 to index
        %get3A_1725 = arith.index_cast %get3A_1723 : i32 to index
        %get3A_1726 = arith.index_cast %scan3A_1258 : i32 to index
        %get3A_1727 = arith.constant 0 : index
        %get3A_1728 = tpu.vector_load %arg10[%get3A_1724, %get3A_1725, %get3A_1726, %get3A_1727] {strides = array<i32>} : memref<2x21x32x64xf32, #tpu.memory_space<vmem>>, vector<1x1x1x16xf32>,
        %get3A_1729 = vector.shape_cast %get3A_1728 : vector<1x1x1x16xf32> to vector<16xf32>
        %mul3A_1730 = arith.mulf %neg3A_1283, %get3A_1729 : vector<16xf32>
        %get3A_1731 = arith.constant 1 : i32
        %get3A_1732 = arith.constant 11 : i32
        %get3A_1733 = arith.index_cast %get3A_1731 : i32 to index
        %get3A_1734 = arith.index_cast %get3A_1732 : i32 to index
        %get3A_1735 = arith.index_cast %scan3A_1258 : i32 to index
        %get3A_1736 = arith.constant 16 : index
        %get3A_1737 = tpu.vector_load %arg10[%get3A_1733, %get3A_1734, %get3A_1735, %get3A_1736] {strides = array<i32>} : memref<2x21x32x64xf32, #tpu.memory_space<vmem>>, vector<1x1x1x16xf32>,
        %get3A_1738 = vector.shape_cast %get3A_1737 : vector<1x1x1x16xf32> to vector<16xf32>
        %mul3A_1739 = arith.mulf %neg3A_1286, %get3A_1738 : vector<16xf32>
        %add3A_1740 = arith.addf %mul3A_1730, %mul3A_1739 : vector<16xf32>
        %get3A_1741 = arith.constant 1 : i32
        %get3A_1742 = arith.constant 11 : i32
        %get3A_1743 = arith.index_cast %get3A_1741 : i32 to index
        %get3A_1744 = arith.index_cast %get3A_1742 : i32 to index
        %get3A_1745 = arith.index_cast %scan3A_1258 : i32 to index
        %get3A_1746 = arith.constant 32 : index
        %get3A_1747 = tpu.vector_load %arg10[%get3A_1743, %get3A_1744, %get3A_1745, %get3A_1746] {strides = array<i32>} : memref<2x21x32x64xf32, #tpu.memory_space<vmem>>, vector<1x1x1x16xf32>,
        %get3A_1748 = vector.shape_cast %get3A_1747 : vector<1x1x1x16xf32> to vector<16xf32>
        %mul3A_1749 = arith.mulf %neg3A_1289, %get3A_1748 : vector<16xf32>
        %add3A_1750 = arith.addf %add3A_1740, %mul3A_1749 : vector<16xf32>
        %get3A_1751 = arith.constant 1 : i32
        %get3A_1752 = arith.constant 11 : i32
        %get3A_1753 = arith.index_cast %get3A_1751 : i32 to index
        %get3A_1754 = arith.index_cast %get3A_1752 : i32 to index
        %get3A_1755 = arith.index_cast %scan3A_1258 : i32 to index
        %get3A_1756 = arith.constant 48 : index
        %get3A_1757 = tpu.vector_load %arg10[%get3A_1753, %get3A_1754, %get3A_1755, %get3A_1756] {strides = array<i32>} : memref<2x21x32x64xf32, #tpu.memory_space<vmem>>, vector<1x1x1x16xf32>,
        %get3A_1758 = vector.shape_cast %get3A_1757 : vector<1x1x1x16xf32> to vector<16xf32>
        %mul3A_1759 = arith.mulf %neg3A_1292, %get3A_1758 : vector<16xf32>
        %add3A_1760 = arith.addf %add3A_1750, %mul3A_1759 : vector<16xf32>
        %get3A_1761 = arith.constant 1 : i32
        %get3A_1762 = arith.constant 12 : i32
        %get3A_1763 = arith.index_cast %get3A_1761 : i32 to index
        %get3A_1764 = arith.index_cast %get3A_1762 : i32 to index
        %get3A_1765 = arith.index_cast %scan3A_1258 : i32 to index
        %get3A_1766 = arith.constant 0 : index
        %get3A_1767 = tpu.vector_load %arg10[%get3A_1763, %get3A_1764, %get3A_1765, %get3A_1766] {strides = array<i32>} : memref<2x21x32x64xf32, #tpu.memory_space<vmem>>, vector<1x1x1x16xf32>,
        %get3A_1768 = vector.shape_cast %get3A_1767 : vector<1x1x1x16xf32> to vector<16xf32>
        %mul3A_1769 = arith.mulf %neg3A_1283, %get3A_1768 : vector<16xf32>
        %get3A_1770 = arith.constant 1 : i32
        %get3A_1771 = arith.constant 12 : i32
        %get3A_1772 = arith.index_cast %get3A_1770 : i32 to index
        %get3A_1773 = arith.index_cast %get3A_1771 : i32 to index
        %get3A_1774 = arith.index_cast %scan3A_1258 : i32 to index
        %get3A_1775 = arith.constant 16 : index
        %get3A_1776 = tpu.vector_load %arg10[%get3A_1772, %get3A_1773, %get3A_1774, %get3A_1775] {strides = array<i32>} : memref<2x21x32x64xf32, #tpu.memory_space<vmem>>, vector<1x1x1x16xf32>,
        %get3A_1777 = vector.shape_cast %get3A_1776 : vector<1x1x1x16xf32> to vector<16xf32>
        %mul3A_1778 = arith.mulf %neg3A_1286, %get3A_1777 : vector<16xf32>
        %add3A_1779 = arith.addf %mul3A_1769, %mul3A_1778 : vector<16xf32>
        %get3A_1780 = arith.constant 1 : i32
        %get3A_1781 = arith.constant 12 : i32
        %get3A_1782 = arith.index_cast %get3A_1780 : i32 to index
        %get3A_1783 = arith.index_cast %get3A_1781 : i32 to index
        %get3A_1784 = arith.index_cast %scan3A_1258 : i32 to index
        %get3A_1785 = arith.constant 32 : index
        %get3A_1786 = tpu.vector_load %arg10[%get3A_1782, %get3A_1783, %get3A_1784, %get3A_1785] {strides = array<i32>} : memref<2x21x32x64xf32, #tpu.memory_space<vmem>>, vector<1x1x1x16xf32>,
        %get3A_1787 = vector.shape_cast %get3A_1786 : vector<1x1x1x16xf32> to vector<16xf32>
        %mul3A_1788 = arith.mulf %neg3A_1289, %get3A_1787 : vector<16xf32>
        %add3A_1789 = arith.addf %add3A_1779, %mul3A_1788 : vector<16xf32>
        %get3A_1790 = arith.constant 1 : i32
        %get3A_1791 = arith.constant 12 : i32
        %get3A_1792 = arith.index_cast %get3A_1790 : i32 to index
        %get3A_1793 = arith.index_cast %get3A_1791 : i32 to index
        %get3A_1794 = arith.index_cast %scan3A_1258 : i32 to index
        %get3A_1795 = arith.constant 48 : index
        %get3A_1796 = tpu.vector_load %arg10[%get3A_1792, %get3A_1793, %get3A_1794, %get3A_1795] {strides = array<i32>} : memref<2x21x32x64xf32, #tpu.memory_space<vmem>>, vector<1x1x1x16xf32>,
        %get3A_1797 = vector.shape_cast %get3A_1796 : vector<1x1x1x16xf32> to vector<16xf32>
        %mul3A_1798 = arith.mulf %neg3A_1292, %get3A_1797 : vector<16xf32>
        %add3A_1799 = arith.addf %add3A_1789, %mul3A_1798 : vector<16xf32>
        %get3A_1800 = arith.constant 1 : i32
        %get3A_1801 = arith.constant 13 : i32
        %get3A_1802 = arith.index_cast %get3A_1800 : i32 to index
        %get3A_1803 = arith.index_cast %get3A_1801 : i32 to index
        %get3A_1804 = arith.index_cast %scan3A_1258 : i32 to index
        %get3A_1805 = arith.constant 0 : index
        %get3A_1806 = tpu.vector_load %arg10[%get3A_1802, %get3A_1803, %get3A_1804, %get3A_1805] {strides = array<i32>} : memref<2x21x32x64xf32, #tpu.memory_space<vmem>>, vector<1x1x1x16xf32>,
        %get3A_1807 = vector.shape_cast %get3A_1806 : vector<1x1x1x16xf32> to vector<16xf32>
        %mul3A_1808 = arith.mulf %neg3A_1283, %get3A_1807 : vector<16xf32>
        %get3A_1809 = arith.constant 1 : i32
        %get3A_1810 = arith.constant 13 : i32
        %get3A_1811 = arith.index_cast %get3A_1809 : i32 to index
        %get3A_1812 = arith.index_cast %get3A_1810 : i32 to index
        %get3A_1813 = arith.index_cast %scan3A_1258 : i32 to index
        %get3A_1814 = arith.constant 16 : index
        %get3A_1815 = tpu.vector_load %arg10[%get3A_1811, %get3A_1812, %get3A_1813, %get3A_1814] {strides = array<i32>} : memref<2x21x32x64xf32, #tpu.memory_space<vmem>>, vector<1x1x1x16xf32>,
        %get3A_1816 = vector.shape_cast %get3A_1815 : vector<1x1x1x16xf32> to vector<16xf32>
        %mul3A_1817 = arith.mulf %neg3A_1286, %get3A_1816 : vector<16xf32>
        %add3A_1818 = arith.addf %mul3A_1808, %mul3A_1817 : vector<16xf32>
        %get3A_1819 = arith.constant 1 : i32
        %get3A_1820 = arith.constant 13 : i32
        %get3A_1821 = arith.index_cast %get3A_1819 : i32 to index
        %get3A_1822 = arith.index_cast %get3A_1820 : i32 to index
        %get3A_1823 = arith.index_cast %scan3A_1258 : i32 to index
        %get3A_1824 = arith.constant 32 : index
        %get3A_1825 = tpu.vector_load %arg10[%get3A_1821, %get3A_1822, %get3A_1823, %get3A_1824] {strides = array<i32>} : memref<2x21x32x64xf32, #tpu.memory_space<vmem>>, vector<1x1x1x16xf32>,
        %get3A_1826 = vector.shape_cast %get3A_1825 : vector<1x1x1x16xf32> to vector<16xf32>
        %mul3A_1827 = arith.mulf %neg3A_1289, %get3A_1826 : vector<16xf32>
        %add3A_1828 = arith.addf %add3A_1818, %mul3A_1827 : vector<16xf32>
        %get3A_1829 = arith.constant 1 : i32
        %get3A_1830 = arith.constant 13 : i32
        %get3A_1831 = arith.index_cast %get3A_1829 : i32 to index
        %get3A_1832 = arith.index_cast %get3A_1830 : i32 to index
        %get3A_1833 = arith.index_cast %scan3A_1258 : i32 to index
        %get3A_1834 = arith.constant 48 : index
        %get3A_1835 = tpu.vector_load %arg10[%get3A_1831, %get3A_1832, %get3A_1833, %get3A_1834] {strides = array<i32>} : memref<2x21x32x64xf32, #tpu.memory_space<vmem>>, vector<1x1x1x16xf32>,
        %get3A_1836 = vector.shape_cast %get3A_1835 : vector<1x1x1x16xf32> to vector<16xf32>
        %mul3A_1837 = arith.mulf %neg3A_1292, %get3A_1836 : vector<16xf32>
        %add3A_1838 = arith.addf %add3A_1828, %mul3A_1837 : vector<16xf32>
        %get3A_1839 = arith.constant 1 : i32
        %get3A_1840 = arith.constant 14 : i32
        %get3A_1841 = arith.index_cast %get3A_1839 : i32 to index
        %get3A_1842 = arith.index_cast %get3A_1840 : i32 to index
        %get3A_1843 = arith.index_cast %scan3A_1258 : i32 to index
        %get3A_1844 = arith.constant 0 : index
        %get3A_1845 = tpu.vector_load %arg10[%get3A_1841, %get3A_1842, %get3A_1843, %get3A_1844] {strides = array<i32>} : memref<2x21x32x64xf32, #tpu.memory_space<vmem>>, vector<1x1x1x16xf32>,
        %get3A_1846 = vector.shape_cast %get3A_1845 : vector<1x1x1x16xf32> to vector<16xf32>
        %mul3A_1847 = arith.mulf %neg3A_1283, %get3A_1846 : vector<16xf32>
        %get3A_1848 = arith.constant 1 : i32
        %get3A_1849 = arith.constant 14 : i32
        %get3A_1850 = arith.index_cast %get3A_1848 : i32 to index
        %get3A_1851 = arith.index_cast %get3A_1849 : i32 to index
        %get3A_1852 = arith.index_cast %scan3A_1258 : i32 to index
        %get3A_1853 = arith.constant 16 : index
        %get3A_1854 = tpu.vector_load %arg10[%get3A_1850, %get3A_1851, %get3A_1852, %get3A_1853] {strides = array<i32>} : memref<2x21x32x64xf32, #tpu.memory_space<vmem>>, vector<1x1x1x16xf32>,
        %get3A_1855 = vector.shape_cast %get3A_1854 : vector<1x1x1x16xf32> to vector<16xf32>
        %mul3A_1856 = arith.mulf %neg3A_1286, %get3A_1855 : vector<16xf32>
        %add3A_1857 = arith.addf %mul3A_1847, %mul3A_1856 : vector<16xf32>
        %get3A_1858 = arith.constant 1 : i32
        %get3A_1859 = arith.constant 14 : i32
        %get3A_1860 = arith.index_cast %get3A_1858 : i32 to index
        %get3A_1861 = arith.index_cast %get3A_1859 : i32 to index
        %get3A_1862 = arith.index_cast %scan3A_1258 : i32 to index
        %get3A_1863 = arith.constant 32 : index
        %get3A_1864 = tpu.vector_load %arg10[%get3A_1860, %get3A_1861, %get3A_1862, %get3A_1863] {strides = array<i32>} : memref<2x21x32x64xf32, #tpu.memory_space<vmem>>, vector<1x1x1x16xf32>,
        %get3A_1865 = vector.shape_cast %get3A_1864 : vector<1x1x1x16xf32> to vector<16xf32>
        %mul3A_1866 = arith.mulf %neg3A_1289, %get3A_1865 : vector<16xf32>
        %add3A_1867 = arith.addf %add3A_1857, %mul3A_1866 : vector<16xf32>
        %get3A_1868 = arith.constant 1 : i32
        %get3A_1869 = arith.constant 14 : i32
        %get3A_1870 = arith.index_cast %get3A_1868 : i32 to index
        %get3A_1871 = arith.index_cast %get3A_1869 : i32 to index
        %get3A_1872 = arith.index_cast %scan3A_1258 : i32 to index
        %get3A_1873 = arith.constant 48 : index
        %get3A_1874 = tpu.vector_load %arg10[%get3A_1870, %get3A_1871, %get3A_1872, %get3A_1873] {strides = array<i32>} : memref<2x21x32x64xf32, #tpu.memory_space<vmem>>, vector<1x1x1x16xf32>,
        %get3A_1875 = vector.shape_cast %get3A_1874 : vector<1x1x1x16xf32> to vector<16xf32>
        %mul3A_1876 = arith.mulf %neg3A_1292, %get3A_1875 : vector<16xf32>
        %add3A_1877 = arith.addf %add3A_1867, %mul3A_1876 : vector<16xf32>
        %get3A_1878 = arith.constant 1 : i32
        %get3A_1879 = arith.constant 15 : i32
        %get3A_1880 = arith.index_cast %get3A_1878 : i32 to index
        %get3A_1881 = arith.index_cast %get3A_1879 : i32 to index
        %get3A_1882 = arith.index_cast %scan3A_1258 : i32 to index
        %get3A_1883 = arith.constant 0 : index
        %get3A_1884 = tpu.vector_load %arg10[%get3A_1880, %get3A_1881, %get3A_1882, %get3A_1883] {strides = array<i32>} : memref<2x21x32x64xf32, #tpu.memory_space<vmem>>, vector<1x1x1x16xf32>,
        %get3A_1885 = vector.shape_cast %get3A_1884 : vector<1x1x1x16xf32> to vector<16xf32>
        %mul3A_1886 = arith.mulf %neg3A_1283, %get3A_1885 : vector<16xf32>
        %get3A_1887 = arith.constant 1 : i32
        %get3A_1888 = arith.constant 15 : i32
        %get3A_1889 = arith.index_cast %get3A_1887 : i32 to index
        %get3A_1890 = arith.index_cast %get3A_1888 : i32 to index
        %get3A_1891 = arith.index_cast %scan3A_1258 : i32 to index
        %get3A_1892 = arith.constant 16 : index
        %get3A_1893 = tpu.vector_load %arg10[%get3A_1889, %get3A_1890, %get3A_1891, %get3A_1892] {strides = array<i32>} : memref<2x21x32x64xf32, #tpu.memory_space<vmem>>, vector<1x1x1x16xf32>,
        %get3A_1894 = vector.shape_cast %get3A_1893 : vector<1x1x1x16xf32> to vector<16xf32>
        %mul3A_1895 = arith.mulf %neg3A_1286, %get3A_1894 : vector<16xf32>
        %add3A_1896 = arith.addf %mul3A_1886, %mul3A_1895 : vector<16xf32>
        %get3A_1897 = arith.constant 1 : i32
        %get3A_1898 = arith.constant 15 : i32
        %get3A_1899 = arith.index_cast %get3A_1897 : i32 to index
        %get3A_1900 = arith.index_cast %get3A_1898 : i32 to index
        %get3A_1901 = arith.index_cast %scan3A_1258 : i32 to index
        %get3A_1902 = arith.constant 32 : index
        %get3A_1903 = tpu.vector_load %arg10[%get3A_1899, %get3A_1900, %get3A_1901, %get3A_1902] {strides = array<i32>} : memref<2x21x32x64xf32, #tpu.memory_space<vmem>>, vector<1x1x1x16xf32>,
        %get3A_1904 = vector.shape_cast %get3A_1903 : vector<1x1x1x16xf32> to vector<16xf32>
        %mul3A_1905 = arith.mulf %neg3A_1289, %get3A_1904 : vector<16xf32>
        %add3A_1906 = arith.addf %add3A_1896, %mul3A_1905 : vector<16xf32>
        %get3A_1907 = arith.constant 1 : i32
        %get3A_1908 = arith.constant 15 : i32
        %get3A_1909 = arith.index_cast %get3A_1907 : i32 to index
        %get3A_1910 = arith.index_cast %get3A_1908 : i32 to index
        %get3A_1911 = arith.index_cast %scan3A_1258 : i32 to index
        %get3A_1912 = arith.constant 48 : index
        %get3A_1913 = tpu.vector_load %arg10[%get3A_1909, %get3A_1910, %get3A_1911, %get3A_1912] {strides = array<i32>} : memref<2x21x32x64xf32, #tpu.memory_space<vmem>>, vector<1x1x1x16xf32>,
        %get3A_1914 = vector.shape_cast %get3A_1913 : vector<1x1x1x16xf32> to vector<16xf32>
        %mul3A_1915 = arith.mulf %neg3A_1292, %get3A_1914 : vector<16xf32>
        %add3A_1916 = arith.addf %add3A_1906, %mul3A_1915 : vector<16xf32>
        %get3A_1917 = arith.constant 1 : i32
        %get3A_1918 = arith.constant 16 : i32
        %get3A_1919 = arith.index_cast %get3A_1917 : i32 to index
        %get3A_1920 = arith.index_cast %get3A_1918 : i32 to index
        %get3A_1921 = arith.index_cast %scan3A_1258 : i32 to index
        %get3A_1922 = arith.constant 0 : index
        %get3A_1923 = tpu.vector_load %arg10[%get3A_1919, %get3A_1920, %get3A_1921, %get3A_1922] {strides = array<i32>} : memref<2x21x32x64xf32, #tpu.memory_space<vmem>>, vector<1x1x1x16xf32>,
        %get3A_1924 = vector.shape_cast %get3A_1923 : vector<1x1x1x16xf32> to vector<16xf32>
        %mul3A_1925 = arith.mulf %neg3A_1283, %get3A_1924 : vector<16xf32>
        %get3A_1926 = arith.constant 1 : i32
        %get3A_1927 = arith.constant 16 : i32
        %get3A_1928 = arith.index_cast %get3A_1926 : i32 to index
        %get3A_1929 = arith.index_cast %get3A_1927 : i32 to index
        %get3A_1930 = arith.index_cast %scan3A_1258 : i32 to index
        %get3A_1931 = arith.constant 16 : index
        %get3A_1932 = tpu.vector_load %arg10[%get3A_1928, %get3A_1929, %get3A_1930, %get3A_1931] {strides = array<i32>} : memref<2x21x32x64xf32, #tpu.memory_space<vmem>>, vector<1x1x1x16xf32>,
        %get3A_1933 = vector.shape_cast %get3A_1932 : vector<1x1x1x16xf32> to vector<16xf32>
        %mul3A_1934 = arith.mulf %neg3A_1286, %get3A_1933 : vector<16xf32>
        %add3A_1935 = arith.addf %mul3A_1925, %mul3A_1934 : vector<16xf32>
        %get3A_1936 = arith.constant 1 : i32
        %get3A_1937 = arith.constant 16 : i32
        %get3A_1938 = arith.index_cast %get3A_1936 : i32 to index
        %get3A_1939 = arith.index_cast %get3A_1937 : i32 to index
        %get3A_1940 = arith.index_cast %scan3A_1258 : i32 to index
        %get3A_1941 = arith.constant 32 : index
        %get3A_1942 = tpu.vector_load %arg10[%get3A_1938, %get3A_1939, %get3A_1940, %get3A_1941] {strides = array<i32>} : memref<2x21x32x64xf32, #tpu.memory_space<vmem>>, vector<1x1x1x16xf32>,
        %get3A_1943 = vector.shape_cast %get3A_1942 : vector<1x1x1x16xf32> to vector<16xf32>
        %mul3A_1944 = arith.mulf %neg3A_1289, %get3A_1943 : vector<16xf32>
        %add3A_1945 = arith.addf %add3A_1935, %mul3A_1944 : vector<16xf32>
        %get3A_1946 = arith.constant 1 : i32
        %get3A_1947 = arith.constant 16 : i32
        %get3A_1948 = arith.index_cast %get3A_1946 : i32 to index
        %get3A_1949 = arith.index_cast %get3A_1947 : i32 to index
        %get3A_1950 = arith.index_cast %scan3A_1258 : i32 to index
        %get3A_1951 = arith.constant 48 : index
        %get3A_1952 = tpu.vector_load %arg10[%get3A_1948, %get3A_1949, %get3A_1950, %get3A_1951] {strides = array<i32>} : memref<2x21x32x64xf32, #tpu.memory_space<vmem>>, vector<1x1x1x16xf32>,
        %get3A_1953 = vector.shape_cast %get3A_1952 : vector<1x1x1x16xf32> to vector<16xf32>
        %mul3A_1954 = arith.mulf %neg3A_1292, %get3A_1953 : vector<16xf32>
        %add3A_1955 = arith.addf %add3A_1945, %mul3A_1954 : vector<16xf32>
        %get3A_1956 = arith.constant 1 : i32
        %get3A_1957 = arith.constant 17 : i32
        %get3A_1958 = arith.index_cast %get3A_1956 : i32 to index
        %get3A_1959 = arith.index_cast %get3A_1957 : i32 to index
        %get3A_1960 = arith.index_cast %scan3A_1258 : i32 to index
        %get3A_1961 = arith.constant 0 : index
        %get3A_1962 = tpu.vector_load %arg10[%get3A_1958, %get3A_1959, %get3A_1960, %get3A_1961] {strides = array<i32>} : memref<2x21x32x64xf32, #tpu.memory_space<vmem>>, vector<1x1x1x16xf32>,
        %get3A_1963 = vector.shape_cast %get3A_1962 : vector<1x1x1x16xf32> to vector<16xf32>
        %mul3A_1964 = arith.mulf %neg3A_1283, %get3A_1963 : vector<16xf32>
        %get3A_1965 = arith.constant 1 : i32
        %get3A_1966 = arith.constant 17 : i32
        %get3A_1967 = arith.index_cast %get3A_1965 : i32 to index
        %get3A_1968 = arith.index_cast %get3A_1966 : i32 to index
        %get3A_1969 = arith.index_cast %scan3A_1258 : i32 to index
        %get3A_1970 = arith.constant 16 : index
        %get3A_1971 = tpu.vector_load %arg10[%get3A_1967, %get3A_1968, %get3A_1969, %get3A_1970] {strides = array<i32>} : memref<2x21x32x64xf32, #tpu.memory_space<vmem>>, vector<1x1x1x16xf32>,
        %get3A_1972 = vector.shape_cast %get3A_1971 : vector<1x1x1x16xf32> to vector<16xf32>
        %mul3A_1973 = arith.mulf %neg3A_1286, %get3A_1972 : vector<16xf32>
        %add3A_1974 = arith.addf %mul3A_1964, %mul3A_1973 : vector<16xf32>
        %get3A_1975 = arith.constant 1 : i32
        %get3A_1976 = arith.constant 17 : i32
        %get3A_1977 = arith.index_cast %get3A_1975 : i32 to index
        %get3A_1978 = arith.index_cast %get3A_1976 : i32 to index
        %get3A_1979 = arith.index_cast %scan3A_1258 : i32 to index
        %get3A_1980 = arith.constant 32 : index
        %get3A_1981 = tpu.vector_load %arg10[%get3A_1977, %get3A_1978, %get3A_1979, %get3A_1980] {strides = array<i32>} : memref<2x21x32x64xf32, #tpu.memory_space<vmem>>, vector<1x1x1x16xf32>,
        %get3A_1982 = vector.shape_cast %get3A_1981 : vector<1x1x1x16xf32> to vector<16xf32>
        %mul3A_1983 = arith.mulf %neg3A_1289, %get3A_1982 : vector<16xf32>
        %add3A_1984 = arith.addf %add3A_1974, %mul3A_1983 : vector<16xf32>
        %get3A_1985 = arith.constant 1 : i32
        %get3A_1986 = arith.constant 17 : i32
        %get3A_1987 = arith.index_cast %get3A_1985 : i32 to index
        %get3A_1988 = arith.index_cast %get3A_1986 : i32 to index
        %get3A_1989 = arith.index_cast %scan3A_1258 : i32 to index
        %get3A_1990 = arith.constant 48 : index
        %get3A_1991 = tpu.vector_load %arg10[%get3A_1987, %get3A_1988, %get3A_1989, %get3A_1990] {strides = array<i32>} : memref<2x21x32x64xf32, #tpu.memory_space<vmem>>, vector<1x1x1x16xf32>,
        %get3A_1992 = vector.shape_cast %get3A_1991 : vector<1x1x1x16xf32> to vector<16xf32>
        %mul3A_1993 = arith.mulf %neg3A_1292, %get3A_1992 : vector<16xf32>
        %add3A_1994 = arith.addf %add3A_1984, %mul3A_1993 : vector<16xf32>
        %get3A_1995 = arith.constant 1 : i32
        %get3A_1996 = arith.constant 18 : i32
        %get3A_1997 = arith.index_cast %get3A_1995 : i32 to index
        %get3A_1998 = arith.index_cast %get3A_1996 : i32 to index
        %get3A_1999 = arith.index_cast %scan3A_1258 : i32 to index
        %get3A_2000 = arith.constant 0 : index
        %get3A_2001 = tpu.vector_load %arg10[%get3A_1997, %get3A_1998, %get3A_1999, %get3A_2000] {strides = array<i32>} : memref<2x21x32x64xf32, #tpu.memory_space<vmem>>, vector<1x1x1x16xf32>,
        %get3A_2002 = vector.shape_cast %get3A_2001 : vector<1x1x1x16xf32> to vector<16xf32>
        %mul3A_2003 = arith.mulf %neg3A_1283, %get3A_2002 : vector<16xf32>
        %get3A_2004 = arith.constant 1 : i32
        %get3A_2005 = arith.constant 18 : i32
        %get3A_2006 = arith.index_cast %get3A_2004 : i32 to index
        %get3A_2007 = arith.index_cast %get3A_2005 : i32 to index
        %get3A_2008 = arith.index_cast %scan3A_1258 : i32 to index
        %get3A_2009 = arith.constant 16 : index
        %get3A_2010 = tpu.vector_load %arg10[%get3A_2006, %get3A_2007, %get3A_2008, %get3A_2009] {strides = array<i32>} : memref<2x21x32x64xf32, #tpu.memory_space<vmem>>, vector<1x1x1x16xf32>,
        %get3A_2011 = vector.shape_cast %get3A_2010 : vector<1x1x1x16xf32> to vector<16xf32>
        %mul3A_2012 = arith.mulf %neg3A_1286, %get3A_2011 : vector<16xf32>
        %add3A_2013 = arith.addf %mul3A_2003, %mul3A_2012 : vector<16xf32>
        %get3A_2014 = arith.constant 1 : i32
        %get3A_2015 = arith.constant 18 : i32
        %get3A_2016 = arith.index_cast %get3A_2014 : i32 to index
        %get3A_2017 = arith.index_cast %get3A_2015 : i32 to index
        %get3A_2018 = arith.index_cast %scan3A_1258 : i32 to index
        %get3A_2019 = arith.constant 32 : index
        %get3A_2020 = tpu.vector_load %arg10[%get3A_2016, %get3A_2017, %get3A_2018, %get3A_2019] {strides = array<i32>} : memref<2x21x32x64xf32, #tpu.memory_space<vmem>>, vector<1x1x1x16xf32>,
        %get3A_2021 = vector.shape_cast %get3A_2020 : vector<1x1x1x16xf32> to vector<16xf32>
        %mul3A_2022 = arith.mulf %neg3A_1289, %get3A_2021 : vector<16xf32>
        %add3A_2023 = arith.addf %add3A_2013, %mul3A_2022 : vector<16xf32>
        %get3A_2024 = arith.constant 1 : i32
        %get3A_2025 = arith.constant 18 : i32
        %get3A_2026 = arith.index_cast %get3A_2024 : i32 to index
        %get3A_2027 = arith.index_cast %get3A_2025 : i32 to index
        %get3A_2028 = arith.index_cast %scan3A_1258 : i32 to index
        %get3A_2029 = arith.constant 48 : index
        %get3A_2030 = tpu.vector_load %arg10[%get3A_2026, %get3A_2027, %get3A_2028, %get3A_2029] {strides = array<i32>} : memref<2x21x32x64xf32, #tpu.memory_space<vmem>>, vector<1x1x1x16xf32>,
        %get3A_2031 = vector.shape_cast %get3A_2030 : vector<1x1x1x16xf32> to vector<16xf32>
        %mul3A_2032 = arith.mulf %neg3A_1292, %get3A_2031 : vector<16xf32>
        %add3A_2033 = arith.addf %add3A_2023, %mul3A_2032 : vector<16xf32>
        %get3A_2034 = arith.constant 1 : i32
        %get3A_2035 = arith.constant 19 : i32
        %get3A_2036 = arith.index_cast %get3A_2034 : i32 to index
        %get3A_2037 = arith.index_cast %get3A_2035 : i32 to index
        %get3A_2038 = arith.index_cast %scan3A_1258 : i32 to index
        %get3A_2039 = arith.constant 0 : index
        %get3A_2040 = tpu.vector_load %arg10[%get3A_2036, %get3A_2037, %get3A_2038, %get3A_2039] {strides = array<i32>} : memref<2x21x32x64xf32, #tpu.memory_space<vmem>>, vector<1x1x1x16xf32>,
        %get3A_2041 = vector.shape_cast %get3A_2040 : vector<1x1x1x16xf32> to vector<16xf32>
        %mul3A_2042 = arith.mulf %neg3A_1283, %get3A_2041 : vector<16xf32>
        %get3A_2043 = arith.constant 1 : i32
        %get3A_2044 = arith.constant 19 : i32
        %get3A_2045 = arith.index_cast %get3A_2043 : i32 to index
        %get3A_2046 = arith.index_cast %get3A_2044 : i32 to index
        %get3A_2047 = arith.index_cast %scan3A_1258 : i32 to index
        %get3A_2048 = arith.constant 16 : index
        %get3A_2049 = tpu.vector_load %arg10[%get3A_2045, %get3A_2046, %get3A_2047, %get3A_2048] {strides = array<i32>} : memref<2x21x32x64xf32, #tpu.memory_space<vmem>>, vector<1x1x1x16xf32>,
        %get3A_2050 = vector.shape_cast %get3A_2049 : vector<1x1x1x16xf32> to vector<16xf32>
        %mul3A_2051 = arith.mulf %neg3A_1286, %get3A_2050 : vector<16xf32>
        %add3A_2052 = arith.addf %mul3A_2042, %mul3A_2051 : vector<16xf32>
        %get3A_2053 = arith.constant 1 : i32
        %get3A_2054 = arith.constant 19 : i32
        %get3A_2055 = arith.index_cast %get3A_2053 : i32 to index
        %get3A_2056 = arith.index_cast %get3A_2054 : i32 to index
        %get3A_2057 = arith.index_cast %scan3A_1258 : i32 to index
        %get3A_2058 = arith.constant 32 : index
        %get3A_2059 = tpu.vector_load %arg10[%get3A_2055, %get3A_2056, %get3A_2057, %get3A_2058] {strides = array<i32>} : memref<2x21x32x64xf32, #tpu.memory_space<vmem>>, vector<1x1x1x16xf32>,
        %get3A_2060 = vector.shape_cast %get3A_2059 : vector<1x1x1x16xf32> to vector<16xf32>
        %mul3A_2061 = arith.mulf %neg3A_1289, %get3A_2060 : vector<16xf32>
        %add3A_2062 = arith.addf %add3A_2052, %mul3A_2061 : vector<16xf32>
        %get3A_2063 = arith.constant 1 : i32
        %get3A_2064 = arith.constant 19 : i32
        %get3A_2065 = arith.index_cast %get3A_2063 : i32 to index
        %get3A_2066 = arith.index_cast %get3A_2064 : i32 to index
        %get3A_2067 = arith.index_cast %scan3A_1258 : i32 to index
        %get3A_2068 = arith.constant 48 : index
        %get3A_2069 = tpu.vector_load %arg10[%get3A_2065, %get3A_2066, %get3A_2067, %get3A_2068] {strides = array<i32>} : memref<2x21x32x64xf32, #tpu.memory_space<vmem>>, vector<1x1x1x16xf32>,
        %get3A_2070 = vector.shape_cast %get3A_2069 : vector<1x1x1x16xf32> to vector<16xf32>
        %mul3A_2071 = arith.mulf %neg3A_1292, %get3A_2070 : vector<16xf32>
        %add3A_2072 = arith.addf %add3A_2062, %mul3A_2071 : vector<16xf32>
        %get3A_2073 = arith.constant 1 : i32
        %get3A_2074 = arith.constant 20 : i32
        %get3A_2075 = arith.index_cast %get3A_2073 : i32 to index
        %get3A_2076 = arith.index_cast %get3A_2074 : i32 to index
        %get3A_2077 = arith.index_cast %scan3A_1258 : i32 to index
        %get3A_2078 = arith.constant 0 : index
        %get3A_2079 = tpu.vector_load %arg10[%get3A_2075, %get3A_2076, %get3A_2077, %get3A_2078] {strides = array<i32>} : memref<2x21x32x64xf32, #tpu.memory_space<vmem>>, vector<1x1x1x16xf32>,
        %get3A_2080 = vector.shape_cast %get3A_2079 : vector<1x1x1x16xf32> to vector<16xf32>
        %mul3A_2081 = arith.mulf %neg3A_1283, %get3A_2080 : vector<16xf32>
        %get3A_2082 = arith.constant 1 : i32
        %get3A_2083 = arith.constant 20 : i32
        %get3A_2084 = arith.index_cast %get3A_2082 : i32 to index
        %get3A_2085 = arith.index_cast %get3A_2083 : i32 to index
        %get3A_2086 = arith.index_cast %scan3A_1258 : i32 to index
        %get3A_2087 = arith.constant 16 : index
        %get3A_2088 = tpu.vector_load %arg10[%get3A_2084, %get3A_2085, %get3A_2086, %get3A_2087] {strides = array<i32>} : memref<2x21x32x64xf32, #tpu.memory_space<vmem>>, vector<1x1x1x16xf32>,
        %get3A_2089 = vector.shape_cast %get3A_2088 : vector<1x1x1x16xf32> to vector<16xf32>
        %mul3A_2090 = arith.mulf %neg3A_1286, %get3A_2089 : vector<16xf32>
        %add3A_2091 = arith.addf %mul3A_2081, %mul3A_2090 : vector<16xf32>
        %get3A_2092 = arith.constant 1 : i32
        %get3A_2093 = arith.constant 20 : i32
        %get3A_2094 = arith.index_cast %get3A_2092 : i32 to index
        %get3A_2095 = arith.index_cast %get3A_2093 : i32 to index
        %get3A_2096 = arith.index_cast %scan3A_1258 : i32 to index
        %get3A_2097 = arith.constant 32 : index
        %get3A_2098 = tpu.vector_load %arg10[%get3A_2094, %get3A_2095, %get3A_2096, %get3A_2097] {strides = array<i32>} : memref<2x21x32x64xf32, #tpu.memory_space<vmem>>, vector<1x1x1x16xf32>,
        %get3A_2099 = vector.shape_cast %get3A_2098 : vector<1x1x1x16xf32> to vector<16xf32>
        %mul3A_2100 = arith.mulf %neg3A_1289, %get3A_2099 : vector<16xf32>
        %add3A_2101 = arith.addf %add3A_2091, %mul3A_2100 : vector<16xf32>
        %get3A_2102 = arith.constant 1 : i32
        %get3A_2103 = arith.constant 20 : i32
        %get3A_2104 = arith.index_cast %get3A_2102 : i32 to index
        %get3A_2105 = arith.index_cast %get3A_2103 : i32 to index
        %get3A_2106 = arith.index_cast %scan3A_1258 : i32 to index
        %get3A_2107 = arith.constant 48 : index
        %get3A_2108 = tpu.vector_load %arg10[%get3A_2104, %get3A_2105, %get3A_2106, %get3A_2107] {strides = array<i32>} : memref<2x21x32x64xf32, #tpu.memory_space<vmem>>, vector<1x1x1x16xf32>,
        %get3A_2109 = vector.shape_cast %get3A_2108 : vector<1x1x1x16xf32> to vector<16xf32>
        %mul3A_2110 = arith.mulf %neg3A_1292, %get3A_2109 : vector<16xf32>
        %add3A_2111 = arith.addf %add3A_2101, %mul3A_2110 : vector<16xf32>
        %and3A = arith.constant 1 : i32
        %and3A_2112 = vector.broadcast %and3A : i32 to vector<16xi32>
        %and3A_2113 = arith.andi %iota3A, %and3A_2112 : vector<16xi32>
        %ne3A = arith.constant 0 : i32
        %ne3A_2114 = vector.broadcast %ne3A : i32 to vector<16xi32>
        %ne3A_2115 = arith.cmpi ne, %and3A_2113, %ne3A_2114 : vector<16xi32>
        %xor3A = arith.constant 1 : i32
        %xor3A_2116 = vector.broadcast %xor3A : i32 to vector<16xi32>
        %xor3A_2117 = arith.xori %iota3A, %xor3A_2116 : vector<16xi32>
        %select_n3A = arith.select %ne3A_2115, %add3A_1370, %add3A_1331 : vector<16xi1>, vector<16xf32>
        %select_n3A_2118 = arith.select %ne3A_2115, %add3A_1331, %add3A_1370 : vector<16xi1>, vector<16xf32>
        %lt3A_2119 = arith.constant 0 : i32
        %lt3A_2120 = vector.broadcast %lt3A_2119 : i32 to vector<16xi32>
        %lt3A_2121 = arith.cmpi slt, %xor3A_2117, %lt3A_2120 : vector<16xi32>
        %add3A_2122 = arith.constant 16 : i32
        %add3A_2123 = vector.broadcast %add3A_2122 : i32 to vector<16xi32>
        %add3A_2124 = arith.addi %xor3A_2117, %add3A_2123 : vector<16xi32>
        %select_n3A_2125 = arith.select %lt3A_2121, %add3A_2124, %xor3A_2117 : vector<16xi1>, vector<16xi32>
        %reshape3A = vector.shape_cast %select_n3A_2125 : vector<16xi32> to vector<16x1xi32>
        %gather3A = vector.shape_cast %reshape3A : vector<16x1xi32> to vector<16xi32>
        %gather3A_2126 = tpu.dynamic_gather %select_n3A_2118[%gather3A] in [0] : vector<16xf32>, vector<16xi32> -> vector<16xf32>
        %add3A_2127 = arith.addf %select_n3A, %gather3A_2126 : vector<16xf32>
        %select_n3A_2128 = arith.select %ne3A_2115, %add3A_1448, %add3A_1409 : vector<16xi1>, vector<16xf32>
        %select_n3A_2129 = arith.select %ne3A_2115, %add3A_1409, %add3A_1448 : vector<16xi1>, vector<16xf32>
        %lt3A_2130 = arith.constant 0 : i32
        %lt3A_2131 = vector.broadcast %lt3A_2130 : i32 to vector<16xi32>
        %lt3A_2132 = arith.cmpi slt, %xor3A_2117, %lt3A_2131 : vector<16xi32>
        %add3A_2133 = arith.constant 16 : i32
        %add3A_2134 = vector.broadcast %add3A_2133 : i32 to vector<16xi32>
        %add3A_2135 = arith.addi %xor3A_2117, %add3A_2134 : vector<16xi32>
        %select_n3A_2136 = arith.select %lt3A_2132, %add3A_2135, %xor3A_2117 : vector<16xi1>, vector<16xi32>
        %reshape3A_2137 = vector.shape_cast %select_n3A_2136 : vector<16xi32> to vector<16x1xi32>
        %gather3A_2138 = vector.shape_cast %reshape3A_2137 : vector<16x1xi32> to vector<16xi32>
        %gather3A_2139 = tpu.dynamic_gather %select_n3A_2129[%gather3A_2138] in [0] : vector<16xf32>, vector<16xi32> -> vector<16xf32>
        %add3A_2140 = arith.addf %select_n3A_2128, %gather3A_2139 : vector<16xf32>
        %select_n3A_2141 = arith.select %ne3A_2115, %add3A_1526, %add3A_1487 : vector<16xi1>, vector<16xf32>
        %select_n3A_2142 = arith.select %ne3A_2115, %add3A_1487, %add3A_1526 : vector<16xi1>, vector<16xf32>
        %lt3A_2143 = arith.constant 0 : i32
        %lt3A_2144 = vector.broadcast %lt3A_2143 : i32 to vector<16xi32>
        %lt3A_2145 = arith.cmpi slt, %xor3A_2117, %lt3A_2144 : vector<16xi32>
        %add3A_2146 = arith.constant 16 : i32
        %add3A_2147 = vector.broadcast %add3A_2146 : i32 to vector<16xi32>
        %add3A_2148 = arith.addi %xor3A_2117, %add3A_2147 : vector<16xi32>
        %select_n3A_2149 = arith.select %lt3A_2145, %add3A_2148, %xor3A_2117 : vector<16xi1>, vector<16xi32>
        %reshape3A_2150 = vector.shape_cast %select_n3A_2149 : vector<16xi32> to vector<16x1xi32>
        %gather3A_2151 = vector.shape_cast %reshape3A_2150 : vector<16x1xi32> to vector<16xi32>
        %gather3A_2152 = tpu.dynamic_gather %select_n3A_2142[%gather3A_2151] in [0] : vector<16xf32>, vector<16xi32> -> vector<16xf32>
        %add3A_2153 = arith.addf %select_n3A_2141, %gather3A_2152 : vector<16xf32>
        %select_n3A_2154 = arith.select %ne3A_2115, %add3A_1604, %add3A_1565 : vector<16xi1>, vector<16xf32>
        %select_n3A_2155 = arith.select %ne3A_2115, %add3A_1565, %add3A_1604 : vector<16xi1>, vector<16xf32>
        %lt3A_2156 = arith.constant 0 : i32
        %lt3A_2157 = vector.broadcast %lt3A_2156 : i32 to vector<16xi32>
        %lt3A_2158 = arith.cmpi slt, %xor3A_2117, %lt3A_2157 : vector<16xi32>
        %add3A_2159 = arith.constant 16 : i32
        %add3A_2160 = vector.broadcast %add3A_2159 : i32 to vector<16xi32>
        %add3A_2161 = arith.addi %xor3A_2117, %add3A_2160 : vector<16xi32>
        %select_n3A_2162 = arith.select %lt3A_2158, %add3A_2161, %xor3A_2117 : vector<16xi1>, vector<16xi32>
        %reshape3A_2163 = vector.shape_cast %select_n3A_2162 : vector<16xi32> to vector<16x1xi32>
        %gather3A_2164 = vector.shape_cast %reshape3A_2163 : vector<16x1xi32> to vector<16xi32>
        %gather3A_2165 = tpu.dynamic_gather %select_n3A_2155[%gather3A_2164] in [0] : vector<16xf32>, vector<16xi32> -> vector<16xf32>
        %add3A_2166 = arith.addf %select_n3A_2154, %gather3A_2165 : vector<16xf32>
        %select_n3A_2167 = arith.select %ne3A_2115, %add3A_1682, %add3A_1643 : vector<16xi1>, vector<16xf32>
        %select_n3A_2168 = arith.select %ne3A_2115, %add3A_1643, %add3A_1682 : vector<16xi1>, vector<16xf32>
        %lt3A_2169 = arith.constant 0 : i32
        %lt3A_2170 = vector.broadcast %lt3A_2169 : i32 to vector<16xi32>
        %lt3A_2171 = arith.cmpi slt, %xor3A_2117, %lt3A_2170 : vector<16xi32>
        %add3A_2172 = arith.constant 16 : i32
        %add3A_2173 = vector.broadcast %add3A_2172 : i32 to vector<16xi32>
        %add3A_2174 = arith.addi %xor3A_2117, %add3A_2173 : vector<16xi32>
        %select_n3A_2175 = arith.select %lt3A_2171, %add3A_2174, %xor3A_2117 : vector<16xi1>, vector<16xi32>
        %reshape3A_2176 = vector.shape_cast %select_n3A_2175 : vector<16xi32> to vector<16x1xi32>
        %gather3A_2177 = vector.shape_cast %reshape3A_2176 : vector<16x1xi32> to vector<16xi32>
        %gather3A_2178 = tpu.dynamic_gather %select_n3A_2168[%gather3A_2177] in [0] : vector<16xf32>, vector<16xi32> -> vector<16xf32>
        %add3A_2179 = arith.addf %select_n3A_2167, %gather3A_2178 : vector<16xf32>
        %select_n3A_2180 = arith.select %ne3A_2115, %add3A_1760, %add3A_1721 : vector<16xi1>, vector<16xf32>
        %select_n3A_2181 = arith.select %ne3A_2115, %add3A_1721, %add3A_1760 : vector<16xi1>, vector<16xf32>
        %lt3A_2182 = arith.constant 0 : i32
        %lt3A_2183 = vector.broadcast %lt3A_2182 : i32 to vector<16xi32>
        %lt3A_2184 = arith.cmpi slt, %xor3A_2117, %lt3A_2183 : vector<16xi32>
        %add3A_2185 = arith.constant 16 : i32
        %add3A_2186 = vector.broadcast %add3A_2185 : i32 to vector<16xi32>
        %add3A_2187 = arith.addi %xor3A_2117, %add3A_2186 : vector<16xi32>
        %select_n3A_2188 = arith.select %lt3A_2184, %add3A_2187, %xor3A_2117 : vector<16xi1>, vector<16xi32>
        %reshape3A_2189 = vector.shape_cast %select_n3A_2188 : vector<16xi32> to vector<16x1xi32>
        %gather3A_2190 = vector.shape_cast %reshape3A_2189 : vector<16x1xi32> to vector<16xi32>
        %gather3A_2191 = tpu.dynamic_gather %select_n3A_2181[%gather3A_2190] in [0] : vector<16xf32>, vector<16xi32> -> vector<16xf32>
        %add3A_2192 = arith.addf %select_n3A_2180, %gather3A_2191 : vector<16xf32>
        %select_n3A_2193 = arith.select %ne3A_2115, %add3A_1838, %add3A_1799 : vector<16xi1>, vector<16xf32>
        %select_n3A_2194 = arith.select %ne3A_2115, %add3A_1799, %add3A_1838 : vector<16xi1>, vector<16xf32>
        %lt3A_2195 = arith.constant 0 : i32
        %lt3A_2196 = vector.broadcast %lt3A_2195 : i32 to vector<16xi32>
        %lt3A_2197 = arith.cmpi slt, %xor3A_2117, %lt3A_2196 : vector<16xi32>
        %add3A_2198 = arith.constant 16 : i32
        %add3A_2199 = vector.broadcast %add3A_2198 : i32 to vector<16xi32>
        %add3A_2200 = arith.addi %xor3A_2117, %add3A_2199 : vector<16xi32>
        %select_n3A_2201 = arith.select %lt3A_2197, %add3A_2200, %xor3A_2117 : vector<16xi1>, vector<16xi32>
        %reshape3A_2202 = vector.shape_cast %select_n3A_2201 : vector<16xi32> to vector<16x1xi32>
        %gather3A_2203 = vector.shape_cast %reshape3A_2202 : vector<16x1xi32> to vector<16xi32>
        %gather3A_2204 = tpu.dynamic_gather %select_n3A_2194[%gather3A_2203] in [0] : vector<16xf32>, vector<16xi32> -> vector<16xf32>
        %add3A_2205 = arith.addf %select_n3A_2193, %gather3A_2204 : vector<16xf32>
        %select_n3A_2206 = arith.select %ne3A_2115, %add3A_1916, %add3A_1877 : vector<16xi1>, vector<16xf32>
        %select_n3A_2207 = arith.select %ne3A_2115, %add3A_1877, %add3A_1916 : vector<16xi1>, vector<16xf32>
        %lt3A_2208 = arith.constant 0 : i32
        %lt3A_2209 = vector.broadcast %lt3A_2208 : i32 to vector<16xi32>
        %lt3A_2210 = arith.cmpi slt, %xor3A_2117, %lt3A_2209 : vector<16xi32>
        %add3A_2211 = arith.constant 16 : i32
        %add3A_2212 = vector.broadcast %add3A_2211 : i32 to vector<16xi32>
        %add3A_2213 = arith.addi %xor3A_2117, %add3A_2212 : vector<16xi32>
        %select_n3A_2214 = arith.select %lt3A_2210, %add3A_2213, %xor3A_2117 : vector<16xi1>, vector<16xi32>
        %reshape3A_2215 = vector.shape_cast %select_n3A_2214 : vector<16xi32> to vector<16x1xi32>
        %gather3A_2216 = vector.shape_cast %reshape3A_2215 : vector<16x1xi32> to vector<16xi32>
        %gather3A_2217 = tpu.dynamic_gather %select_n3A_2207[%gather3A_2216] in [0] : vector<16xf32>, vector<16xi32> -> vector<16xf32>
        %add3A_2218 = arith.addf %select_n3A_2206, %gather3A_2217 : vector<16xf32>
        %and3A_2219 = arith.constant 2 : i32
        %and3A_2220 = vector.broadcast %and3A_2219 : i32 to vector<16xi32>
        %and3A_2221 = arith.andi %iota3A, %and3A_2220 : vector<16xi32>
        %ne3A_2222 = arith.constant 0 : i32
        %ne3A_2223 = vector.broadcast %ne3A_2222 : i32 to vector<16xi32>
        %ne3A_2224 = arith.cmpi ne, %and3A_2221, %ne3A_2223 : vector<16xi32>
        %xor3A_2225 = arith.constant 2 : i32
        %xor3A_2226 = vector.broadcast %xor3A_2225 : i32 to vector<16xi32>
        %xor3A_2227 = arith.xori %iota3A, %xor3A_2226 : vector<16xi32>
        %select_n3A_2228 = arith.select %ne3A_2224, %add3A_2140, %add3A_2127 : vector<16xi1>, vector<16xf32>
        %select_n3A_2229 = arith.select %ne3A_2224, %add3A_2127, %add3A_2140 : vector<16xi1>, vector<16xf32>
        %lt3A_2230 = arith.constant 0 : i32
        %lt3A_2231 = vector.broadcast %lt3A_2230 : i32 to vector<16xi32>
        %lt3A_2232 = arith.cmpi slt, %xor3A_2227, %lt3A_2231 : vector<16xi32>
        %add3A_2233 = arith.constant 16 : i32
        %add3A_2234 = vector.broadcast %add3A_2233 : i32 to vector<16xi32>
        %add3A_2235 = arith.addi %xor3A_2227, %add3A_2234 : vector<16xi32>
        %select_n3A_2236 = arith.select %lt3A_2232, %add3A_2235, %xor3A_2227 : vector<16xi1>, vector<16xi32>
        %reshape3A_2237 = vector.shape_cast %select_n3A_2236 : vector<16xi32> to vector<16x1xi32>
        %gather3A_2238 = vector.shape_cast %reshape3A_2237 : vector<16x1xi32> to vector<16xi32>
        %gather3A_2239 = tpu.dynamic_gather %select_n3A_2229[%gather3A_2238] in [0] : vector<16xf32>, vector<16xi32> -> vector<16xf32>
        %add3A_2240 = arith.addf %select_n3A_2228, %gather3A_2239 : vector<16xf32>
        %select_n3A_2241 = arith.select %ne3A_2224, %add3A_2166, %add3A_2153 : vector<16xi1>, vector<16xf32>
        %select_n3A_2242 = arith.select %ne3A_2224, %add3A_2153, %add3A_2166 : vector<16xi1>, vector<16xf32>
        %lt3A_2243 = arith.constant 0 : i32
        %lt3A_2244 = vector.broadcast %lt3A_2243 : i32 to vector<16xi32>
        %lt3A_2245 = arith.cmpi slt, %xor3A_2227, %lt3A_2244 : vector<16xi32>
        %add3A_2246 = arith.constant 16 : i32
        %add3A_2247 = vector.broadcast %add3A_2246 : i32 to vector<16xi32>
        %add3A_2248 = arith.addi %xor3A_2227, %add3A_2247 : vector<16xi32>
        %select_n3A_2249 = arith.select %lt3A_2245, %add3A_2248, %xor3A_2227 : vector<16xi1>, vector<16xi32>
        %reshape3A_2250 = vector.shape_cast %select_n3A_2249 : vector<16xi32> to vector<16x1xi32>
        %gather3A_2251 = vector.shape_cast %reshape3A_2250 : vector<16x1xi32> to vector<16xi32>
        %gather3A_2252 = tpu.dynamic_gather %select_n3A_2242[%gather3A_2251] in [0] : vector<16xf32>, vector<16xi32> -> vector<16xf32>
        %add3A_2253 = arith.addf %select_n3A_2241, %gather3A_2252 : vector<16xf32>
        %select_n3A_2254 = arith.select %ne3A_2224, %add3A_2192, %add3A_2179 : vector<16xi1>, vector<16xf32>
        %select_n3A_2255 = arith.select %ne3A_2224, %add3A_2179, %add3A_2192 : vector<16xi1>, vector<16xf32>
        %lt3A_2256 = arith.constant 0 : i32
        %lt3A_2257 = vector.broadcast %lt3A_2256 : i32 to vector<16xi32>
        %lt3A_2258 = arith.cmpi slt, %xor3A_2227, %lt3A_2257 : vector<16xi32>
        %add3A_2259 = arith.constant 16 : i32
        %add3A_2260 = vector.broadcast %add3A_2259 : i32 to vector<16xi32>
        %add3A_2261 = arith.addi %xor3A_2227, %add3A_2260 : vector<16xi32>
        %select_n3A_2262 = arith.select %lt3A_2258, %add3A_2261, %xor3A_2227 : vector<16xi1>, vector<16xi32>
        %reshape3A_2263 = vector.shape_cast %select_n3A_2262 : vector<16xi32> to vector<16x1xi32>
        %gather3A_2264 = vector.shape_cast %reshape3A_2263 : vector<16x1xi32> to vector<16xi32>
        %gather3A_2265 = tpu.dynamic_gather %select_n3A_2255[%gather3A_2264] in [0] : vector<16xf32>, vector<16xi32> -> vector<16xf32>
        %add3A_2266 = arith.addf %select_n3A_2254, %gather3A_2265 : vector<16xf32>
        %select_n3A_2267 = arith.select %ne3A_2224, %add3A_2218, %add3A_2205 : vector<16xi1>, vector<16xf32>
        %select_n3A_2268 = arith.select %ne3A_2224, %add3A_2205, %add3A_2218 : vector<16xi1>, vector<16xf32>
        %lt3A_2269 = arith.constant 0 : i32
        %lt3A_2270 = vector.broadcast %lt3A_2269 : i32 to vector<16xi32>
        %lt3A_2271 = arith.cmpi slt, %xor3A_2227, %lt3A_2270 : vector<16xi32>
        %add3A_2272 = arith.constant 16 : i32
        %add3A_2273 = vector.broadcast %add3A_2272 : i32 to vector<16xi32>
        %add3A_2274 = arith.addi %xor3A_2227, %add3A_2273 : vector<16xi32>
        %select_n3A_2275 = arith.select %lt3A_2271, %add3A_2274, %xor3A_2227 : vector<16xi1>, vector<16xi32>
        %reshape3A_2276 = vector.shape_cast %select_n3A_2275 : vector<16xi32> to vector<16x1xi32>
        %gather3A_2277 = vector.shape_cast %reshape3A_2276 : vector<16x1xi32> to vector<16xi32>
        %gather3A_2278 = tpu.dynamic_gather %select_n3A_2268[%gather3A_2277] in [0] : vector<16xf32>, vector<16xi32> -> vector<16xf32>
        %add3A_2279 = arith.addf %select_n3A_2267, %gather3A_2278 : vector<16xf32>
        %and3A_2280 = arith.constant 4 : i32
        %and3A_2281 = vector.broadcast %and3A_2280 : i32 to vector<16xi32>
        %and3A_2282 = arith.andi %iota3A, %and3A_2281 : vector<16xi32>
        %ne3A_2283 = arith.constant 0 : i32
        %ne3A_2284 = vector.broadcast %ne3A_2283 : i32 to vector<16xi32>
        %ne3A_2285 = arith.cmpi ne, %and3A_2282, %ne3A_2284 : vector<16xi32>
        %xor3A_2286 = arith.constant 4 : i32
        %xor3A_2287 = vector.broadcast %xor3A_2286 : i32 to vector<16xi32>
        %xor3A_2288 = arith.xori %iota3A, %xor3A_2287 : vector<16xi32>
        %select_n3A_2289 = arith.select %ne3A_2285, %add3A_2253, %add3A_2240 : vector<16xi1>, vector<16xf32>
        %select_n3A_2290 = arith.select %ne3A_2285, %add3A_2240, %add3A_2253 : vector<16xi1>, vector<16xf32>
        %lt3A_2291 = arith.constant 0 : i32
        %lt3A_2292 = vector.broadcast %lt3A_2291 : i32 to vector<16xi32>
        %lt3A_2293 = arith.cmpi slt, %xor3A_2288, %lt3A_2292 : vector<16xi32>
        %add3A_2294 = arith.constant 16 : i32
        %add3A_2295 = vector.broadcast %add3A_2294 : i32 to vector<16xi32>
        %add3A_2296 = arith.addi %xor3A_2288, %add3A_2295 : vector<16xi32>
        %select_n3A_2297 = arith.select %lt3A_2293, %add3A_2296, %xor3A_2288 : vector<16xi1>, vector<16xi32>
        %reshape3A_2298 = vector.shape_cast %select_n3A_2297 : vector<16xi32> to vector<16x1xi32>
        %gather3A_2299 = vector.shape_cast %reshape3A_2298 : vector<16x1xi32> to vector<16xi32>
        %gather3A_2300 = tpu.dynamic_gather %select_n3A_2290[%gather3A_2299] in [0] : vector<16xf32>, vector<16xi32> -> vector<16xf32>
        %add3A_2301 = arith.addf %select_n3A_2289, %gather3A_2300 : vector<16xf32>
        %select_n3A_2302 = arith.select %ne3A_2285, %add3A_2279, %add3A_2266 : vector<16xi1>, vector<16xf32>
        %select_n3A_2303 = arith.select %ne3A_2285, %add3A_2266, %add3A_2279 : vector<16xi1>, vector<16xf32>
        %lt3A_2304 = arith.constant 0 : i32
        %lt3A_2305 = vector.broadcast %lt3A_2304 : i32 to vector<16xi32>
        %lt3A_2306 = arith.cmpi slt, %xor3A_2288, %lt3A_2305 : vector<16xi32>
        %add3A_2307 = arith.constant 16 : i32
        %add3A_2308 = vector.broadcast %add3A_2307 : i32 to vector<16xi32>
        %add3A_2309 = arith.addi %xor3A_2288, %add3A_2308 : vector<16xi32>
        %select_n3A_2310 = arith.select %lt3A_2306, %add3A_2309, %xor3A_2288 : vector<16xi1>, vector<16xi32>
        %reshape3A_2311 = vector.shape_cast %select_n3A_2310 : vector<16xi32> to vector<16x1xi32>
        %gather3A_2312 = vector.shape_cast %reshape3A_2311 : vector<16x1xi32> to vector<16xi32>
        %gather3A_2313 = tpu.dynamic_gather %select_n3A_2303[%gather3A_2312] in [0] : vector<16xf32>, vector<16xi32> -> vector<16xf32>
        %add3A_2314 = arith.addf %select_n3A_2302, %gather3A_2313 : vector<16xf32>
        %and3A_2315 = arith.constant 8 : i32
        %and3A_2316 = vector.broadcast %and3A_2315 : i32 to vector<16xi32>
        %and3A_2317 = arith.andi %iota3A, %and3A_2316 : vector<16xi32>
        %ne3A_2318 = arith.constant 0 : i32
        %ne3A_2319 = vector.broadcast %ne3A_2318 : i32 to vector<16xi32>
        %ne3A_2320 = arith.cmpi ne, %and3A_2317, %ne3A_2319 : vector<16xi32>
        %xor3A_2321 = arith.constant 8 : i32
        %xor3A_2322 = vector.broadcast %xor3A_2321 : i32 to vector<16xi32>
        %xor3A_2323 = arith.xori %iota3A, %xor3A_2322 : vector<16xi32>
        %select_n3A_2324 = arith.select %ne3A_2320, %add3A_2314, %add3A_2301 : vector<16xi1>, vector<16xf32>
        %select_n3A_2325 = arith.select %ne3A_2320, %add3A_2301, %add3A_2314 : vector<16xi1>, vector<16xf32>
        %lt3A_2326 = arith.constant 0 : i32
        %lt3A_2327 = vector.broadcast %lt3A_2326 : i32 to vector<16xi32>
        %lt3A_2328 = arith.cmpi slt, %xor3A_2323, %lt3A_2327 : vector<16xi32>
        %add3A_2329 = arith.constant 16 : i32
        %add3A_2330 = vector.broadcast %add3A_2329 : i32 to vector<16xi32>
        %add3A_2331 = arith.addi %xor3A_2323, %add3A_2330 : vector<16xi32>
        %select_n3A_2332 = arith.select %lt3A_2328, %add3A_2331, %xor3A_2323 : vector<16xi1>, vector<16xi32>
        %reshape3A_2333 = vector.shape_cast %select_n3A_2332 : vector<16xi32> to vector<16x1xi32>
        %gather3A_2334 = vector.shape_cast %reshape3A_2333 : vector<16x1xi32> to vector<16xi32>
        %gather3A_2335 = tpu.dynamic_gather %select_n3A_2325[%gather3A_2334] in [0] : vector<16xf32>, vector<16xi32> -> vector<16xf32>
        %add3A_2336 = arith.addf %select_n3A_2324, %gather3A_2335 : vector<16xf32>
        %and3A_2337 = arith.constant 1 : i32
        %and3A_2338 = vector.broadcast %and3A_2337 : i32 to vector<16xi32>
        %and3A_2339 = arith.andi %iota3A, %and3A_2338 : vector<16xi32>
        %ne3A_2340 = arith.constant 0 : i32
        %ne3A_2341 = vector.broadcast %ne3A_2340 : i32 to vector<16xi32>
        %ne3A_2342 = arith.cmpi ne, %and3A_2339, %ne3A_2341 : vector<16xi32>
        %xor3A_2343 = arith.constant 1 : i32
        %xor3A_2344 = vector.broadcast %xor3A_2343 : i32 to vector<16xi32>
        %xor3A_2345 = arith.xori %iota3A, %xor3A_2344 : vector<16xi32>
        %select_n3A_2346 = arith.select %ne3A_2342, %add3A_1994, %add3A_1955 : vector<16xi1>, vector<16xf32>
        %select_n3A_2347 = arith.select %ne3A_2342, %add3A_1955, %add3A_1994 : vector<16xi1>, vector<16xf32>
        %lt3A_2348 = arith.constant 0 : i32
        %lt3A_2349 = vector.broadcast %lt3A_2348 : i32 to vector<16xi32>
        %lt3A_2350 = arith.cmpi slt, %xor3A_2345, %lt3A_2349 : vector<16xi32>
        %add3A_2351 = arith.constant 16 : i32
        %add3A_2352 = vector.broadcast %add3A_2351 : i32 to vector<16xi32>
        %add3A_2353 = arith.addi %xor3A_2345, %add3A_2352 : vector<16xi32>
        %select_n3A_2354 = arith.select %lt3A_2350, %add3A_2353, %xor3A_2345 : vector<16xi1>, vector<16xi32>
        %reshape3A_2355 = vector.shape_cast %select_n3A_2354 : vector<16xi32> to vector<16x1xi32>
        %gather3A_2356 = vector.shape_cast %reshape3A_2355 : vector<16x1xi32> to vector<16xi32>
        %gather3A_2357 = tpu.dynamic_gather %select_n3A_2347[%gather3A_2356] in [0] : vector<16xf32>, vector<16xi32> -> vector<16xf32>
        %add3A_2358 = arith.addf %select_n3A_2346, %gather3A_2357 : vector<16xf32>
        %select_n3A_2359 = arith.select %ne3A_2342, %add3A_2072, %add3A_2033 : vector<16xi1>, vector<16xf32>
        %select_n3A_2360 = arith.select %ne3A_2342, %add3A_2033, %add3A_2072 : vector<16xi1>, vector<16xf32>
        %lt3A_2361 = arith.constant 0 : i32
        %lt3A_2362 = vector.broadcast %lt3A_2361 : i32 to vector<16xi32>
        %lt3A_2363 = arith.cmpi slt, %xor3A_2345, %lt3A_2362 : vector<16xi32>
        %add3A_2364 = arith.constant 16 : i32
        %add3A_2365 = vector.broadcast %add3A_2364 : i32 to vector<16xi32>
        %add3A_2366 = arith.addi %xor3A_2345, %add3A_2365 : vector<16xi32>
        %select_n3A_2367 = arith.select %lt3A_2363, %add3A_2366, %xor3A_2345 : vector<16xi1>, vector<16xi32>
        %reshape3A_2368 = vector.shape_cast %select_n3A_2367 : vector<16xi32> to vector<16x1xi32>
        %gather3A_2369 = vector.shape_cast %reshape3A_2368 : vector<16x1xi32> to vector<16xi32>
        %gather3A_2370 = tpu.dynamic_gather %select_n3A_2360[%gather3A_2369] in [0] : vector<16xf32>, vector<16xi32> -> vector<16xf32>
        %add3A_2371 = arith.addf %select_n3A_2359, %gather3A_2370 : vector<16xf32>
        %select_n3A_2372 = arith.select %ne3A_2342, %add3A_2111, %add3A_2111 : vector<16xi1>, vector<16xf32>
        %select_n3A_2373 = arith.select %ne3A_2342, %add3A_2111, %add3A_2111 : vector<16xi1>, vector<16xf32>
        %lt3A_2374 = arith.constant 0 : i32
        %lt3A_2375 = vector.broadcast %lt3A_2374 : i32 to vector<16xi32>
        %lt3A_2376 = arith.cmpi slt, %xor3A_2345, %lt3A_2375 : vector<16xi32>
        %add3A_2377 = arith.constant 16 : i32
        %add3A_2378 = vector.broadcast %add3A_2377 : i32 to vector<16xi32>
        %add3A_2379 = arith.addi %xor3A_2345, %add3A_2378 : vector<16xi32>
        %select_n3A_2380 = arith.select %lt3A_2376, %add3A_2379, %xor3A_2345 : vector<16xi1>, vector<16xi32>
        %reshape3A_2381 = vector.shape_cast %select_n3A_2380 : vector<16xi32> to vector<16x1xi32>
        %gather3A_2382 = vector.shape_cast %reshape3A_2381 : vector<16x1xi32> to vector<16xi32>
        %gather3A_2383 = tpu.dynamic_gather %select_n3A_2373[%gather3A_2382] in [0] : vector<16xf32>, vector<16xi32> -> vector<16xf32>
        %add3A_2384 = arith.addf %select_n3A_2372, %gather3A_2383 : vector<16xf32>
        %and3A_2385 = arith.constant 2 : i32
        %and3A_2386 = vector.broadcast %and3A_2385 : i32 to vector<16xi32>
        %and3A_2387 = arith.andi %iota3A, %and3A_2386 : vector<16xi32>
        %ne3A_2388 = arith.constant 0 : i32
        %ne3A_2389 = vector.broadcast %ne3A_2388 : i32 to vector<16xi32>
        %ne3A_2390 = arith.cmpi ne, %and3A_2387, %ne3A_2389 : vector<16xi32>
        %xor3A_2391 = arith.constant 2 : i32
        %xor3A_2392 = vector.broadcast %xor3A_2391 : i32 to vector<16xi32>
        %xor3A_2393 = arith.xori %iota3A, %xor3A_2392 : vector<16xi32>
        %select_n3A_2394 = arith.select %ne3A_2390, %add3A_2371, %add3A_2358 : vector<16xi1>, vector<16xf32>
        %select_n3A_2395 = arith.select %ne3A_2390, %add3A_2358, %add3A_2371 : vector<16xi1>, vector<16xf32>
        %lt3A_2396 = arith.constant 0 : i32
        %lt3A_2397 = vector.broadcast %lt3A_2396 : i32 to vector<16xi32>
        %lt3A_2398 = arith.cmpi slt, %xor3A_2393, %lt3A_2397 : vector<16xi32>
        %add3A_2399 = arith.constant 16 : i32
        %add3A_2400 = vector.broadcast %add3A_2399 : i32 to vector<16xi32>
        %add3A_2401 = arith.addi %xor3A_2393, %add3A_2400 : vector<16xi32>
        %select_n3A_2402 = arith.select %lt3A_2398, %add3A_2401, %xor3A_2393 : vector<16xi1>, vector<16xi32>
        %reshape3A_2403 = vector.shape_cast %select_n3A_2402 : vector<16xi32> to vector<16x1xi32>
        %gather3A_2404 = vector.shape_cast %reshape3A_2403 : vector<16x1xi32> to vector<16xi32>
        %gather3A_2405 = tpu.dynamic_gather %select_n3A_2395[%gather3A_2404] in [0] : vector<16xf32>, vector<16xi32> -> vector<16xf32>
        %add3A_2406 = arith.addf %select_n3A_2394, %gather3A_2405 : vector<16xf32>
        %select_n3A_2407 = arith.select %ne3A_2390, %add3A_2384, %add3A_2384 : vector<16xi1>, vector<16xf32>
        %select_n3A_2408 = arith.select %ne3A_2390, %add3A_2384, %add3A_2384 : vector<16xi1>, vector<16xf32>
        %lt3A_2409 = arith.constant 0 : i32
        %lt3A_2410 = vector.broadcast %lt3A_2409 : i32 to vector<16xi32>
        %lt3A_2411 = arith.cmpi slt, %xor3A_2393, %lt3A_2410 : vector<16xi32>
        %add3A_2412 = arith.constant 16 : i32
        %add3A_2413 = vector.broadcast %add3A_2412 : i32 to vector<16xi32>
        %add3A_2414 = arith.addi %xor3A_2393, %add3A_2413 : vector<16xi32>
        %select_n3A_2415 = arith.select %lt3A_2411, %add3A_2414, %xor3A_2393 : vector<16xi1>, vector<16xi32>
        %reshape3A_2416 = vector.shape_cast %select_n3A_2415 : vector<16xi32> to vector<16x1xi32>
        %gather3A_2417 = vector.shape_cast %reshape3A_2416 : vector<16x1xi32> to vector<16xi32>
        %gather3A_2418 = tpu.dynamic_gather %select_n3A_2408[%gather3A_2417] in [0] : vector<16xf32>, vector<16xi32> -> vector<16xf32>
        %add3A_2419 = arith.addf %select_n3A_2407, %gather3A_2418 : vector<16xf32>
        %and3A_2420 = arith.constant 4 : i32
        %and3A_2421 = vector.broadcast %and3A_2420 : i32 to vector<16xi32>
        %and3A_2422 = arith.andi %iota3A, %and3A_2421 : vector<16xi32>
        %ne3A_2423 = arith.constant 0 : i32
        %ne3A_2424 = vector.broadcast %ne3A_2423 : i32 to vector<16xi32>
        %ne3A_2425 = arith.cmpi ne, %and3A_2422, %ne3A_2424 : vector<16xi32>
        %xor3A_2426 = arith.constant 4 : i32
        %xor3A_2427 = vector.broadcast %xor3A_2426 : i32 to vector<16xi32>
        %xor3A_2428 = arith.xori %iota3A, %xor3A_2427 : vector<16xi32>
        %select_n3A_2429 = arith.select %ne3A_2425, %add3A_2419, %add3A_2406 : vector<16xi1>, vector<16xf32>
        %select_n3A_2430 = arith.select %ne3A_2425, %add3A_2406, %add3A_2419 : vector<16xi1>, vector<16xf32>
        %lt3A_2431 = arith.constant 0 : i32
        %lt3A_2432 = vector.broadcast %lt3A_2431 : i32 to vector<16xi32>
        %lt3A_2433 = arith.cmpi slt, %xor3A_2428, %lt3A_2432 : vector<16xi32>
        %add3A_2434 = arith.constant 16 : i32
        %add3A_2435 = vector.broadcast %add3A_2434 : i32 to vector<16xi32>
        %add3A_2436 = arith.addi %xor3A_2428, %add3A_2435 : vector<16xi32>
        %select_n3A_2437 = arith.select %lt3A_2433, %add3A_2436, %xor3A_2428 : vector<16xi1>, vector<16xi32>
        %reshape3A_2438 = vector.shape_cast %select_n3A_2437 : vector<16xi32> to vector<16x1xi32>
        %gather3A_2439 = vector.shape_cast %reshape3A_2438 : vector<16x1xi32> to vector<16xi32>
        %gather3A_2440 = tpu.dynamic_gather %select_n3A_2430[%gather3A_2439] in [0] : vector<16xf32>, vector<16xi32> -> vector<16xf32>
        %add3A_2441 = arith.addf %select_n3A_2429, %gather3A_2440 : vector<16xf32>
        %and3A_2442 = arith.constant 8 : i32
        %and3A_2443 = vector.broadcast %and3A_2442 : i32 to vector<16xi32>
        %and3A_2444 = arith.andi %iota3A, %and3A_2443 : vector<16xi32>
        %ne3A_2445 = arith.constant 0 : i32
        %ne3A_2446 = vector.broadcast %ne3A_2445 : i32 to vector<16xi32>
        %ne3A_2447 = arith.cmpi ne, %and3A_2444, %ne3A_2446 : vector<16xi32>
        %xor3A_2448 = arith.constant 8 : i32
        %xor3A_2449 = vector.broadcast %xor3A_2448 : i32 to vector<16xi32>
        %xor3A_2450 = arith.xori %iota3A, %xor3A_2449 : vector<16xi32>
        %select_n3A_2451 = arith.select %ne3A_2447, %add3A_2441, %add3A_2441 : vector<16xi1>, vector<16xf32>
        %select_n3A_2452 = arith.select %ne3A_2447, %add3A_2441, %add3A_2441 : vector<16xi1>, vector<16xf32>
        %lt3A_2453 = arith.constant 0 : i32
        %lt3A_2454 = vector.broadcast %lt3A_2453 : i32 to vector<16xi32>
        %lt3A_2455 = arith.cmpi slt, %xor3A_2450, %lt3A_2454 : vector<16xi32>
        %add3A_2456 = arith.constant 16 : i32
        %add3A_2457 = vector.broadcast %add3A_2456 : i32 to vector<16xi32>
        %add3A_2458 = arith.addi %xor3A_2450, %add3A_2457 : vector<16xi32>
        %select_n3A_2459 = arith.select %lt3A_2455, %add3A_2458, %xor3A_2450 : vector<16xi1>, vector<16xi32>
        %reshape3A_2460 = vector.shape_cast %select_n3A_2459 : vector<16xi32> to vector<16x1xi32>
        %gather3A_2461 = vector.shape_cast %reshape3A_2460 : vector<16x1xi32> to vector<16xi32>
        %gather3A_2462 = tpu.dynamic_gather %select_n3A_2452[%gather3A_2461] in [0] : vector<16xf32>, vector<16xi32> -> vector<16xf32>
        %add3A_2463 = arith.addf %select_n3A_2451, %gather3A_2462 : vector<16xf32>
        %swap3A = arith.index_cast %add3A_1251 : i32 to index
        %swap3A_2464 = arith.index_cast %scan3A_1258 : i32 to index
        %swap3A_2465 = arith.constant 0 : index
        %swap3A_2466 = tpu.vector_load %arg11[%swap3A, %swap3A_2464, %swap3A_2465] {strides = array<i32>} : memref<16x32x32xf32, #tpu.memory_space<vmem>>, vector<1x1x16xf32>,
        %swap3A_2467 = vector.shape_cast %swap3A_2466 : vector<1x1x16xf32> to vector<16xf32>
        %swap3A_2468 = vector.shape_cast %add3A_2336 : vector<16xf32> to vector<1x1x16xf32>
        tpu.vector_store %arg11[%swap3A, %swap3A_2464, %swap3A_2465], %swap3A_2468 {strides = array<i32>} : memref<16x32x32xf32, #tpu.memory_space<vmem>>, vector<1x1x16xf32>,
        %swap3A_2469 = arith.index_cast %add3A_1251 : i32 to index
        %swap3A_2470 = arith.index_cast %scan3A_1258 : i32 to index
        %swap3A_2471 = arith.constant 16 : index
        %swap3A_2472 = tpu.vector_load %arg11[%swap3A_2469, %swap3A_2470, %swap3A_2471] {strides = array<i32>} : memref<16x32x32xf32, #tpu.memory_space<vmem>>, vector<1x1x16xf32>,
        %swap3A_2473 = vector.shape_cast %swap3A_2472 : vector<1x1x16xf32> to vector<16xf32>
        %swap3A_2474 = vector.shape_cast %add3A_2463 : vector<16xf32> to vector<1x1x16xf32>
        tpu.vector_store %arg11[%swap3A_2469, %swap3A_2470, %swap3A_2471], %swap3A_2474 {strides = array<i32>} : memref<16x32x32xf32, #tpu.memory_space<vmem>>, vector<1x1x16xf32>,
      }
      %scan3A_1257 = arith.constant 32 : i32
    }
    %scan3A_313 = arith.constant 8 : i32
    %mul3A_314 = arith.constant 16 : i32
    %mul3A_315 = arith.muli %add3A, %mul3A_314 : i32
    "tpu.region"() ({
      %run_scoped3A_316 = tpu.sem_alloc : memref<!tpu.dma_semaphore, #tpu.memory_space<semaphore_mem>>
      %dma_start3A_317 = arith.constant 0 : i32
      %dma_start3A_318 = arith.constant 0 : i32
      %dma_start3A_319 = tpu.memref_slice %arg6[%mul3A_315, %dma_start3A_317, %dma_start3A_318] : memref<512x32x32xf32, #tpu.memory_space<hbm>> -> memref<16x32x32xf32, #tpu.memory_space<hbm>>
      %dma_start3A_320 = arith.constant 0 : i32
      %dma_start3A_321 = arith.constant 0 : i32
      %dma_start3A_322 = tpu.memref_slice %arg6[%mul3A_315, %dma_start3A_320, %dma_start3A_321] : memref<512x32x32xf32, #tpu.memory_space<hbm>> -> memref<16x32x32xf32, #tpu.memory_space<hbm>>
      tpu.enqueue_dma source(%arg11 : memref<16x32x32xf32, #tpu.memory_space<vmem>>) target(%dma_start3A_322 : memref<16x32x32xf32, #tpu.memory_space<hbm>>) target_semaphore(%run_scoped3A_316 : memref<!tpu.dma_semaphore, #tpu.memory_space<semaphore_mem>>)
      %dma_wait3A = arith.constant 0 : i32
      %dma_wait3A_323 = arith.constant 0 : i32
      %dma_wait3A_324 = tpu.memref_slice %arg6[%mul3A_315, %dma_wait3A, %dma_wait3A_323] : memref<512x32x32xf32, #tpu.memory_space<hbm>> -> memref<16x32x32xf32, #tpu.memory_space<hbm>>
      %dma_wait3A_325 = arith.constant 0 : i32
      %dma_wait3A_326 = arith.constant 0 : i32
      %dma_wait3A_327 = tpu.memref_slice %arg6[%mul3A_315, %dma_wait3A_325, %dma_wait3A_326] : memref<512x32x32xf32, #tpu.memory_space<hbm>> -> memref<16x32x32xf32, #tpu.memory_space<hbm>>
      tpu.wait_dma2 semaphore(%run_scoped3A_316 : memref<!tpu.dma_semaphore, #tpu.memory_space<semaphore_mem>>) src(%arg11 : memref<16x32x32xf32, #tpu.memory_space<vmem>>) dst(%dma_wait3A_327 : memref<16x32x32xf32, #tpu.memory_space<hbm>>)
      tpu.yield
    }) : () -> ()
    return
  }
}

module attributes {stable_mosaic.version = 14 : i64} {
  func.func @_loss_body(%arg0: memref<512x32x32xf32, #tpu.memory_space<vmem>>, %arg1: memref<1x1x1xf32, #tpu.memory_space<vmem>>) attributes {dimension_semantics = [], scalar_prefetch = 0 : i64, scratch_operands = 0 : i64, tpu.core_type = #tpu.core_type<tc>} {
    %get3A = arith.constant 0 : index
    %get3A_0 = arith.constant 0 : index
    %get3A_1 = arith.constant 0 : index
    %get3A_2 = vector.load %arg0[%get3A, %get3A_0, %get3A_1] : memref<512x32x32xf32, #tpu.memory_space<vmem>>, vector<512x32x32xf32>
    %slice3A = vector.extract_strided_slice %get3A_2 {offsets = [0, 0, 0], sizes = [512, 32, 21], strides = [1, 1, 1]} : vector<512x32x32xf32> to vector<512x32x21xf32>
    %neg3A = arith.constant 0.000000e+00 : f32
    %neg3A_3 = vector.broadcast %neg3A : f32 to vector<512x32x21xf32>
    %neg3A_4 = arith.subf %neg3A_3, %slice3A : vector<512x32x21xf32>
    %custom_jvp_call3A = arith.constant 0.000000e+00 : f32
    %max3A = vector.broadcast %custom_jvp_call3A : f32 to vector<512x32x21xf32>
    %max3A_5 = arith.maximumf %neg3A_4, %max3A : vector<512x32x21xf32>
    %sub3A = vector.broadcast %custom_jvp_call3A : f32 to vector<512x32x21xf32>
    %sub3A_6 = arith.subf %neg3A_4, %sub3A : vector<512x32x21xf32>
    %ne3A = arith.cmpf one, %sub3A_6, %sub3A_6 : vector<512x32x21xf32>
    %add3A = vector.broadcast %custom_jvp_call3A : f32 to vector<512x32x21xf32>
    %add3A_7 = arith.addf %neg3A_4, %add3A : vector<512x32x21xf32>
    %abs3A = math.absf %sub3A_6 : vector<512x32x21xf32>
    %neg3A_8 = arith.constant 0.000000e+00 : f32
    %neg3A_9 = vector.broadcast %neg3A_8 : f32 to vector<512x32x21xf32>
    %neg3A_10 = arith.subf %neg3A_9, %abs3A : vector<512x32x21xf32>
    %exp3A = math.exp %neg3A_10 : vector<512x32x21xf32>
    %log1p3A = math.log1p %exp3A : vector<512x32x21xf32>
    %add3A_11 = arith.addf %max3A_5, %log1p3A : vector<512x32x21xf32>
    %select_n3A = arith.select %ne3A, %add3A_7, %add3A_11 : vector<512x32x21xi1>, vector<512x32x21xf32>
    %neg3A_12 = arith.constant 0.000000e+00 : f32
    %neg3A_13 = vector.broadcast %neg3A_12 : f32 to vector<512x32x21xf32>
    %neg3A_14 = arith.subf %neg3A_13, %select_n3A : vector<512x32x21xf32>
    %reduce_sum3A = vector.shape_cast %neg3A_14 : vector<512x32x21xf32> to vector<1x512x32x21xf32>
    %reduce_sum3A_15 = arith.constant dense<0.000000e+00> : vector<1xf32>
    %reduce_sum3A_16 = vector.multi_reduction <add>, %reduce_sum3A, %reduce_sum3A_15 [1, 2, 3] : vector<1x512x32x21xf32> to vector<1xf32>
    %reduce_sum3A_17 = vector.shape_cast %reduce_sum3A_16 : vector<1xf32> to vector<1x1x1x1xf32>
    %reduce_sum3A_18 = vector.extract %reduce_sum3A_17[0, 0, 0, 0] : f32 from vector<1x1x1x1xf32>
    %broadcast_in_dim3A = vector.broadcast %reduce_sum3A_18 : f32 to vector<1x1x1xf32>
    %swap3A = arith.constant 0 : index
    %swap3A_19 = arith.constant 0 : index
    %swap3A_20 = arith.constant 0 : index
    %swap3A_21 = vector.load %arg1[%swap3A, %swap3A_19, %swap3A_20] : memref<1x1x1xf32, #tpu.memory_space<vmem>>, vector<1x1x1xf32>
    tpu.vector_store %arg1[%swap3A, %swap3A_19, %swap3A_20], %broadcast_in_dim3A {strides = array<i32>} : memref<1x1x1xf32, #tpu.memory_space<vmem>>, vector<1x1x1xf32>,
    return
  }
}

</mosaic_0001>

<sc_bundles>
// kernel: kernel.4.cloned.1.call-start
scs
__scs_entry_jumppad:
0x0: {  	(pc) =	sbr.rel $0x88, $3  }
0x1: {  	(tag) =	ssettag $0x0;
	lr =	simm.s32 $0x1  }
0x2: {  	[smem:$0x3F9C] =	sst lr;
	_ =	strace $0xD0000000  }
0x3: {  	_ = 	snop  }
0x4: {  	_ = 	snop  }
0x5: {  	_ = 	snop  }
0x6: {  	_ = 	snop  }
0x7: {  	_ = 	snop  }
__scs_overlays_trampoline_lowered:
0x8: {  	[smem:$0x3FAB] =	sst s0  }
0x9: {  	[smem:$0x3FAC] =	sst s1  }
0xa: {  	[smem:$0x3FAD] =	sst s2  }
0xb: {  	[smem:$0x3FAE] =	sst s3  }
0xc: {  	[smem:$0x3FAF] =	sst s4  }
0xd: {  	[smem:$0x3FB0] =	sst s5  }
0xe: {  	[smem:$0x3FB1] =	sst s6  }
0xf: {  	[smem:$0x3FB2] =	sst s7  }
0x10: {  	[smem:$0x3FB3] =	sst s8  }
0x11: {  	[smem:$0x3FB4] =	sst s9;
	s0 =	simm.s32 @!p0 $0x0  }
0x12: {  	s1 =	sld [smem:$0x3F9A];
	s0 =	simm.s32 @p0 $0x1  }
0x13: {  	[smem:$0x3FB5] =	sst s0;
	s0 =	simm.s32 @!p1 $0x0  }
0x14: {  	s2 =	sld [smem:$0x3F99];
	s0 =	simm.s32 @p1 $0x1  }
0x15: {  	[smem:$0x3FB6] =	sst s0;
	s0 =	simm.s32 @!p2 $0x0  }
0x16: {  	s3 =	sld [smem:$0x3FDB];
	s0 =	simm.s32 @p2 $0x1  }
0x17: {  	s4 =	simm.s32 $0x1BF5;
	[smem:$0x3FB8] =	sst s0  }
0x18: {  	s0 =	sld [smem:$0x3F9B];
	_ =	swait.ge [sflag:s4], $0x0  }
0x19: {  	s7 =	sld [smem:$0x3F9C]  }
0x1a: {  	s8 =	sadd.s32 $0xFFFFE003, lr  }
0x1b: {  	s9 =	sadd.s32 $0xFFFFFEF7, lr;
	s5 =	simm.s32 $0xFFFFFFFF;
	p2 =	slt.u32 s8, $0xFFFFF086  }
0x1c: {  	p1 =	slt.u32 s9, $0xF7A;
	s5 =	simm.s32 @!p2 $0x0  }
0x1d: {  	s5 =	simm.s32 @p1 $0x1;
	p0 =	seq.s32 s7, s2  }
0x1e: {  	s7 =	smul.u32 @!p0 $0xF7A, s2;
	p2 =	seq.s32 @!p0 s5, $0x0  }
0x1f: {  	s9 =	smul.u32 $0xF7A, s1;
	s8 =	simm.s32 @!p0 $0x1BF5;
	p2 =	por !p2, p0  }
0x20: {  	[sflag:s8] =	ssyncset.s32 @!p0 $0xFFFFF086;
	s6 =	sadd.s32 @!p0 s3, s7;
	s7 =	simm.s32 @!p0 $0x108  }
0x21: {  	s3 =	sadd.s32 s3, s9;
	s6 =	sadd.s32 @!p0 $0x88, s6;
	s7 =	simm.s32 @p2 $0x1082  }
0x22: {  	[simem:s7], [sflag:s8] =	dma.local @!p0 [hbm:s6], $0xF7A  }
0x23: {  	s9 =	sor.u32 $0xD0000000, s2;
	s6 =	simm.s32 $0x108;
	_ =	swait.ge @!p0 [sflag:s8], $0x0  }
0x24: {  	s3 =	sadd.s32 $0x88, s3;
	s6 =	simm.s32 @!p1 $0x1082;
	[sflag:s4] =	ssyncset.s32 $0xFFFFF086  }
0x25: {  	[simem:s6], [sflag:s4] =	dma.local [hbm:s3], $0xF7A  }
0x26: {  	[smem:$0x3F9C] =	sst s1;
	(tag) =	ssettag s2;
	_ =	strace s9  }
0x27: {  	s1 =	sld [smem:$0x3FAC]  }
0x28: {  	s2 =	sld [smem:$0x3FAD]  }
0x29: {  	s4 =	sld [smem:$0x3FAF]  }
0x2a: {  	p0 =	seq.s32 s5, $0x0;
	s5 =	sld [smem:$0x3FB0]  }
0x2b: {  	s6 =	sld [smem:$0x3FB1]  }
0x2c: {  	s7 =	sld [smem:$0x3FB2]  }
0x2d: {  	s3 =	simm.s32 $0x108;
	s8 =	sld [smem:$0x3FB3]  }
0x2e: {  	s3 =	simm.s32 @!p0 $0x1082;
	s9 =	sld [smem:$0x3FB4]  }
0x2f: {  	lr =	sadd.s32 s0, s3;
	s0 =	sld [smem:$0x3FAB]  }
0x30: {  	s3 =	sld [smem:$0x3FAE]  }
0x31: {  	[smem:$0x3FB7] =	sst s10  }
0x32: {  	s10 =	sld [smem:$0x3FB5];
	_ =	sdelay $0x3  }
0x33: {  	p0 =	seq.s32 s10, $0x1;
	s10 =	sld [smem:$0x3FB7];
	_ =	sdelay $0x3  }
0x34: {  	[smem:$0x3FB7] =	sst s10  }
0x35: {  	s10 =	sld [smem:$0x3FB6];
	_ =	sdelay $0x3  }
0x36: {  	p1 =	seq.s32 s10, $0x1;
	s10 =	sld [smem:$0x3FB7];
	_ =	sdelay $0x3  }
0x37: {  	[smem:$0x3FB7] =	sst s10  }
0x38: {  	s10 =	sld [smem:$0x3FB8]  }
0x39: {  	_ = 	snop;
	(pc) =	sbr.ind lr, $3  }
0x3a: {  	_ = 	snop  }
0x3b: {  	_ = 	snop  }
0x3c: {  	p2 =	seq.s32 s10, $0x1;
	s10 =	sld [smem:$0x3FB7]  }
0x3d: {  	_ =	shalt  }
0x3e: {  	_ =	shalt  }
0x3f: {  	_ =	shalt  }
0x40: {  	_ =	shalt  }
0x41: {  	_ =	shalt  }
0x42: {  	_ =	shalt  }
0x43: {  	_ =	shalt  }
0x44: {  	_ =	shalt  }
0x45: {  	_ =	shalt  }
0x46: {  	_ =	shalt  }
0x47: {  	_ =	shalt  }
0x48: {  	_ =	shalt  }
0x49: {  	_ =	shalt  }
0x4a: {  	_ =	shalt  }
0x4b: {  	_ =	shalt  }
0x4c: {  	_ =	shalt  }
0x4d: {  	_ =	shalt  }
0x4e: {  	_ =	shalt  }
0x4f: {  	_ =	shalt  }
0x50: {  	_ =	shalt  }
0x51: {  	_ =	shalt  }
0x52: {  	_ =	shalt  }
0x53: {  	_ =	shalt  }
0x54: {  	_ =	shalt  }
0x55: {  	_ =	shalt  }
0x56: {  	_ =	shalt  }
0x57: {  	_ =	shalt  }
0x58: {  	_ =	shalt  }
0x59: {  	_ =	shalt  }
0x5a: {  	_ =	shalt  }
0x5b: {  	_ =	shalt  }
0x5c: {  	_ =	shalt  }
0x5d: {  	_ =	shalt  }
0x5e: {  	_ =	shalt  }
0x5f: {  	_ =	shalt  }
0x60: {  	_ =	shalt  }
0x61: {  	_ =	shalt  }
0x62: {  	_ =	shalt  }
0x63: {  	_ =	shalt  }
0x64: {  	_ =	shalt  }
0x65: {  	_ =	shalt  }
0x66: {  	_ =	shalt  }
0x67: {  	_ =	shalt  }
0x68: {  	_ =	shalt  }
0x69: {  	_ =	shalt  }
0x6a: {  	_ =	shalt  }
0x6b: {  	_ =	shalt  }
0x6c: {  	_ =	shalt  }
0x6d: {  	_ =	shalt  }
0x6e: {  	_ =	shalt  }
0x6f: {  	_ =	shalt  }
0x70: {  	_ =	shalt  }
0x71: {  	_ =	shalt  }
0x72: {  	_ =	shalt  }
0x73: {  	_ =	shalt  }
0x74: {  	_ =	shalt  }
0x75: {  	_ =	shalt  }
0x76: {  	_ =	shalt  }
0x77: {  	_ =	shalt  }
0x78: {  	_ =	shalt  }
0x79: {  	_ =	shalt  }
0x7a: {  	_ =	shalt  }
0x7b: {  	_ =	shalt  }
0x7c: {  	_ =	shalt  }
0x7d: {  	_ =	shalt  }
0x7e: {  	_ =	shalt  }
0x7f: {  	_ =	shalt  }
0x80: {  	_ =	shalt  }
0x81: {  	_ =	shalt  }
0x82: {  	_ =	shalt  }
0x83: {  	_ =	shalt  }
0x84: {  	_ =	shalt  }
0x85: {  	_ =	shalt  }
0x86: {  	_ =	shalt  }
0x87: {  	_ =	shalt  }
.Lfunc_end0:
.L_simem_size_0:
called_computation_lowered:
.L_overlay_start_0:
0x88: {  	s2 =	sld [smem:$0x3FD9]  }
0x89: {  	s3 =	sld [smem:$0x3FFE];
	_ =	sdelay $0x1  }
0x8a: {  	s1 =	srdreg.scid  }
0x8b: {  	s0 =	sand.u32 $0x1, s1  }
0x8c: {  	s17 =	sshll.u32 s0, $0xA;
	s2 =	sadd.s32 s3, s2  }
0x8d: {  	s2 =	sadd.s32 s2, s17  }
0x8e: {  	[smem:$0x3FC3] =	sst s2  }
0x8f: {  	_ = 	snop  }
0x90: {  	s2 =	sld [smem:$0x3FC9];
	(tm) =	ssettm $0x1  }
0x91: {  	s18 =	sld [smem:$0x3FFB];
	_ =	sdelay $0x3  }
0x92: {  	_ =	strace s18  }
0x93: {  	s3 =	sld [smem:$0x3FFC];
	_ =	sdelay $0x3  }
0x94: {  	_ =	strace s3  }
0x95: {  	s3 =	sld [smem:$0x3FFD];
	_ =	sdelay $0x3  }
0x96: {  	_ =	strace s3  }
0x97: {  	_ =	strace $0x8FFFFFFF  }
0x98: {  	s19 =	sld [smem:$0x3FDB];
	_ =	sdelay $0x1  }
0x99: {  	s4 =	simm.s32 $_scs_section_size  }
0x9a: {  	s5 =	simm.s32 $_size__tile_overlayer_lowered;
	s6 =	simm.s32 $_tile_overlayer_lowered  }
0x9b: {  	s22 =	simm.s32 $0x1BFF;
	s21 =	sshll.u32 s6, $0x1;
	s3 =	sadd.s32 s4, s19  }
0x9c: {  	s7 =	simm.s32 $0x0;
	s20 =	sshll.u32 s5, $0x1;
	s5 =	sadd.s32 s21, s3  }
0x9d: {  	[timem:s7], [sflag:s22] =	dma.local [hbm:s5], s20  }
0x9e: {  	_ =	swait.ge [sflag:s22], s20  }
0x9f: {  	s4 =	ssub.s32 $0x0, s20;
	[sflag:s22] =	ssyncset.done $0x0  }
0xa0: {  	[sflag:s22] =	ssyncadd.s32 s4;
	_ =	sdelay $0x1  }
0xa1: {  	s23 =	simm.s32 $0x1B8B  }
0xa2: {  	_ =	swait.ge [sflag:s23], $0x1  }
0xa3: {  	[sflag:s23] =	ssyncset.done $0x0  }
0xa4: {  	s25 =	simm.s32 $0x1B8E;
	s24 =	sld [smem:$0x3FFE];
	[sflag:s23] =	ssyncadd.s32 $0xFFFFFFFF  }
0xa5: {  	s26 =	simm.s32 $execute0_lowered;
	[smem:$0x3FD2] =	sst s25  }
0xa6: {  	s5 =	sshll.u32 s26, $0x1;
	_ =	strace $0x80000046;
	[dreg:$0x1] =	wrdreg $0xFFFFFFFF  }
0xa7: {  	s28 =	simm.s32 $_size_execute0_lowered;
	s3 =	sadd.s32 s3, s5;
	[dreg:$0x0] =	wrdreg $0x0  }
0xa8: {  	s5 =	sshll.u32 s28, $0x1;
	[dreg:$0x2] =	wrdreg s3  }
0xa9: {  	[dreg:$0x3] =	wrdreg s5  }
0xaa: {  	[dreg:$0x4] =	wrdreg $0xC0  }
0xab: {  	_ =	task [dreg:s7], $0x5FFFF  }
0xac: {  	[dreg:$0x1] =	wrdreg $0xFFFFFFFF  }
0xad: {  	[dreg:$0x0] =	wrdreg $0x60  }
0xae: {  	[dreg:$0x2] =	wrdreg s2  }
0xaf: {  	[dreg:$0x3] =	wrdreg s24  }
0xb0: {  	[dreg:$0x4] =	wrdreg $0x9  }
0xb1: {  	_ =	task.clear_ibuf [dreg:s7], $0x5FFFF;
	_ =	strace $0x90000046  }
0xb2: {  	s29 =	simm.s32 $0x9;
	_ =	strace $0x80000048  }
0xb3: {  	_ =	swait.ge [sflag:s29], $0x1  }
0xb4: {  	[sflag:s29] =	ssyncadd.s32 $0xFFFFFFFF  }
0xb5: {  	_ =	strace $0x90000048  }
0xb6: {  	_ =	sfence  }
0xb7: {  	s30 =	sld [smem:$0x0];
	_ =	sdelay $0x2  }
0xb8: {  	s31 =	sshll.u32 s1, $0xD;
	s1 =	sshrl.u32 s1, $0x2  }
0xb9: {  	s3 =	sand.u32 $0x4000, s31;
	s1 =	sadd.s32 s1, s30  }
0xba: {  	s0 =	sor.u32 s3, s0;
	s1 =	sshll.u32 s1, $0x11  }
0xbb: {  	s0 =	sor.u32 s1, s0  }
0xbc: {  	s0 =	sadd.s32 $0x8F2B, s0  }
0xbd: {  	[sflag:s0] =	ssyncadd.remote.s32 $0x1  }
0xbe: {  	_ =	sfence.sel $0xFFFF  }
0xbf: {  	[dreg:$0x0] =	wrdreg $0xFFFFFFFF;
	(pc) =	sbr.abs _section_cstart, $3  }
0xc0: {  	[dreg:$0x1] =	wrdreg $0xFFFFFFFF  }
0xc1: {  	_ =	task.clear_ibuf [dreg:s7], $0x2FFFF;
	_ =	strace $0x9FFFFFFF  }
0xc2: {  	(tm) =	ssettm $0x7FFFFFFF  }
0xc3: {  	_ =	shalt  }
tec
execute0_lowered:
.L_overlay_start_1:
0x0: {  	(tag) =	ssettag $0x1  }
0x1: {  	vm0 =	vcmask $0xB08  }
0x2: {  	vm1 =	vcmask $0x300;
	v0 =	vimm.s32 $0xEFCDAB89;
	v1 =	vimm.s32 $0x67452301  }
0x3: {  	v2 =	vimm.s32 $0xDCFE98BA;
	v3 =	vimm.s32 $0x54761032;
	v4 =	vimm.s32 $0x32107654  }
0x4: {  	s1 =	rddreg [dreg:$0x0];
	vm2 =	vcmask $0x700;
	vm3 =	vcmask $0xF00;
	vm0 =	vmor vm1, vm0  }
0x5: {  	s0 =	rddreg [dreg:$0x1];
	s3 =	simm.s32 $0x0;
	vm1 =	vcmask $0x1310;
	v0 =	vunpack.c.l.s4.s8 v0;
	v1 =	vunpack.c.l.s4.s8 v1  }
0x6: {  	s2 =	srdreg.scid;
	s5 =	stileid.u32;
	s13 =	simm.s32 $0x3;
	v2 =	vunpack.c.l.s4.s8 v2;
	vm0 =	vmor vm0, vm1;
	vm1 =	vcmask $0x1B18  }
0x7: {  	s15 =	simm.s32 $0x20;
	s16 =	simm.s32 $0x2E0;
	s28 =	simm.s32 $0x13580;
	v3 =	vunpack.c.l.s4.s8 v3;
	v4 =	vunpack.c.l.s4.s8 v4;
	vm0 =	vmor vm0, vm1  }
0x8: {  	s29 =	simm.s32 $0x4E0;
	s30 =	simm.s32 $0x13D80;
	s31 =	simm.s32 $0x500;
	vm1 =	vcmask $0x2320;
	v0 =	vunpack.c.0.s8.s32 v0;
	v1 =	vunpack.c.0.s8.s32 v1  }
0x9: {  	s11 =	simm.s32 $0x15580;
	s12 =	simm.s32 $0x560;
	s17 =	simm.s32 $0x15D80;
	v2 =	vunpack.c.0.s8.s32 v2;
	v3 =	vunpack.c.0.s8.s32 v3;
	vm0 =	vmor vm0, vm1  }
0xa: {  	s18 =	simm.s32 $0x1;
	s19 =	simm.s32 $0x2;
	s20 =	simm.s32 $0x0;
	vm1 =	vcmask $0x2B28;
	v0 =	vcombine.low v1, v0;
	v1 =	vimm.s32 $0xBA98FEDC  }
0xb: {  	[smem:$0x7FF] =	sst s3;
	s6 =	sshll.u32 s5, $0x1;
	s5 =	sadd.s32 $0x16E3E00, s0;
	v4 =	vunpack.c.0.s8.s32 v4;
	vm0 =	vmor vm0, vm1;
	v1 =	vunpack.c.l.s4.s8 v1  }
0xc: {  	s4 =	sadd.s32 $0x800, s0;
	s2 =	sand.u32 $0x1, s2;
	s7 =	sadd.s32 $0xF42C00, s0;
	vm1 =	vcmask $0x3330;
	v2 =	vcombine.low v3, v2;
	v3 =	vimm.s32 $0xFEDCBA98  }
0xd: {  	_ =	strace $0x80000047;
	s9 =	sor.u32 s2, s6;
	s2 =	ssub.s32 $0x2, s2;
	vm0 =	vmor vm0, vm1;
	vm1 =	vcmask $0x3B38;
	v1 =	vunpack.c.0.s8.s32 v1  }
0xe: {  	s8 =	sshll.u32 s9, $0xB;
	s10 =	sshrl.u32 s2, $0x1;
	s6 =	smul.u32 $0x2A00, s9;
	v3 =	vunpack.c.l.s4.s8 v3;
	vm0 =	vmor vm0, vm1;
	vm1 =	vcmask $0x1710  }
0xf: {  	s0 =	sadd.s32 s8, s0;
	s8 =	sshll.u32 s9, $0x9;
	s9 =	sshll.u32 s9, $0x6;
	v0 =	vand.u32 $0xF, v0;
	v4 =	vcombine.low v4, v1;
	v1 =	vimm.s32 $0x76543210  }
0x10: {  	s2 =	ssub.s32 s2, s10;
	s10 =	simm.s32 $0x540;
	s9 =	sadd.s32 s1, s9;
	vm1 =	vmor vm2, vm1;
	vm2 =	vcmask $0x2720;
	v1 =	vunpack.c.l.s4.s8 v1  }
0x11: {  	s24 =	sshrl.u32 s6, $0x3;
	s0 =	sadd.s32 $0xB000, s0;
	[dreg:$0x3] =	wrdreg s9;
	v3 =	vunpack.c.0.s8.s32 v3;
	vm1 =	vmor vm1, vm2;
	vm2 =	vcmask $0x3730  }
0x12: {  	s26 =	smax.u32 s2, $0x1;
	s2 =	simm.s32 $0x520;
	[dreg:$0x5] =	wrdreg s0;
	vm1 =	vmor vm1, vm2;
	vm2 =	vcmask $0x2F20;
	v5 =	vunpack.c.0.s8.s32 v1  }
0x13: {  	s25 =	sadd.s32 s4, s24;
	[dreg:$0x6] =	wrdreg s26;
	s26 =	simm.s32 $0x4C0;
	v3 =	vand.u32 $0xF, v3;
	vm2 =	vmor vm3, vm2;
	vm3 =	vmmov $0xff  }
0x14: {  	s0 =	simm.s32 $0x14580;
	s9 =	simm.s32 $0x14D80;
	[dreg:$0x4] =	wrdreg s25;
	v1 =	vand.u32 $0xF, v2;
	v2 =	vand.u32 $0xF, v4;
	v3 =	vcombine.low v3, v5  }
.LBB2_1:
0x15: {  	[dreg:$0x7] =	wrdreg s20  }
0x16: {  	s14 =	rddreg [dreg:$0x3]  }
0x17: {  	[tilespmem:s3], [sflag:$0x3] =	stream.linear.gather [hbm4b:s14+s3], $0x20, $0x38;
	[tilespmem:$0x1A580] =	vst v63  }
0x18: {  	_ =	swait.ge [sflag:s13], $0x20  }
0x19: {  	[sflag:s13] =	ssyncset.done $0x0  }
0x1a: {  	s24 =	simm.s32 $0x40;
	s23 =	rddreg [dreg:$0x4];
	[sflag:s13] =	ssyncadd.s32 $0xFFFFFFE0  }
0x1b: {  	[tilespmem:s24], [sflag:$0x3] =	stream.linear.gather [hbm4b:s23+s3], $0x2A0, $0x38;
	[tilespmem:$0x1A580] =	vst v63  }
0x1c: {  	_ =	swait.ge [sflag:s13], $0x2A0  }
0x1d: {  	[sflag:s13] =	ssyncset.done $0x0  }
0x1e: {  	s25 =	simm.s32 $0x580;
	[sflag:s13] =	ssyncadd.s32 $0xFFFFFD60  }
0x1f: {  	[tilespmem:s25], [sflag:$0x1] =	stream.indirect.gather [hbm4b:s5+s15], $0x40, s3, s15, $0xb8;
	[tilespmem:$0x1A580] =	vst v63  }
0x20: {  	s21 =	simm.s32 $0x1580  }
0x21: {  	[tilespmem:s21], [sflag:$0x1] =	stream.indirect.gather [hbm4b:s7+s15], $0x40, s24, s15, $0xb8;
	[tilespmem:$0x1A580] =	vst v63  }
0x22: {  	s22 =	simm.s32 $0x60;
	s23 =	simm.s32 $0x1D80  }
0x23: {  	[tilespmem:s23], [sflag:$0x1] =	stream.indirect.gather [hbm4b:s7+s15], $0x40, s22, s15, $0xb8;
	[tilespmem:$0x1A580] =	vst v63  }
0x24: {  	s25 =	simm.s32 $0x2580;
	s24 =	simm.s32 $0x80  }
0x25: {  	[tilespmem:s25], [sflag:$0x1] =	stream.indirect.gather [hbm4b:s7+s15], $0x40, s24, s15, $0xb8;
	[tilespmem:$0x1A580] =	vst v63  }
0x26: {  	s20 =	simm.s32 $0xA0;
	s21 =	simm.s32 $0x2D80  }
0x27: {  	[tilespmem:s21], [sflag:$0x1] =	stream.indirect.gather [hbm4b:s7+s15], $0x40, s20, s15, $0xb8;
	[tilespmem:$0x1A580] =	vst v63  }
0x28: {  	s22 =	simm.s32 $0xC0;
	s23 =	simm.s32 $0x3580  }
0x29: {  	[tilespmem:s23], [sflag:$0x1] =	stream.indirect.gather [hbm4b:s7+s15], $0x40, s22, s15, $0xb8;
	[tilespmem:$0x1A580] =	vst v63  }
0x2a: {  	s24 =	simm.s32 $0xE0;
	s25 =	simm.s32 $0x3D80  }
0x2b: {  	[tilespmem:s25], [sflag:$0x1] =	stream.indirect.gather [hbm4b:s7+s15], $0x40, s24, s15, $0xb8;
	[tilespmem:$0x1A580] =	vst v63  }
0x2c: {  	s20 =	simm.s32 $0x100;
	s21 =	simm.s32 $0x4580  }
0x2d: {  	[tilespmem:s21], [sflag:$0x1] =	stream.indirect.gather [hbm4b:s7+s15], $0x40, s20, s15, $0xb8;
	[tilespmem:$0x1A580] =	vst v63  }
0x2e: {  	s22 =	simm.s32 $0x120;
	s23 =	simm.s32 $0x4D80  }
0x2f: {  	[tilespmem:s23], [sflag:$0x1] =	stream.indirect.gather [hbm4b:s7+s15], $0x40, s22, s15, $0xb8;
	[tilespmem:$0x1A580] =	vst v63  }
0x30: {  	s24 =	simm.s32 $0x140;
	s25 =	simm.s32 $0x5580  }
0x31: {  	[tilespmem:s25], [sflag:$0x1] =	stream.indirect.gather [hbm4b:s7+s15], $0x40, s24, s15, $0xb8;
	[tilespmem:$0x1A580] =	vst v63  }
0x32: {  	s20 =	simm.s32 $0x160;
	s21 =	simm.s32 $0x5D80  }
0x33: {  	[tilespmem:s21], [sflag:$0x1] =	stream.indirect.gather [hbm4b:s7+s15], $0x40, s20, s15, $0xb8;
	[tilespmem:$0x1A580] =	vst v63  }
0x34: {  	s22 =	simm.s32 $0x180;
	s23 =	simm.s32 $0x6580  }
0x35: {  	[tilespmem:s23], [sflag:$0x1] =	stream.indirect.gather [hbm4b:s7+s15], $0x40, s22, s15, $0xb8;
	[tilespmem:$0x1A580] =	vst v63  }
0x36: {  	s24 =	simm.s32 $0x1A0;
	s25 =	simm.s32 $0x6D80  }
0x37: {  	[tilespmem:s25], [sflag:$0x1] =	stream.indirect.gather [hbm4b:s7+s15], $0x40, s24, s15, $0xb8;
	[tilespmem:$0x1A580] =	vst v63  }
0x38: {  	s20 =	simm.s32 $0x1C0;
	s21 =	simm.s32 $0x7580  }
0x39: {  	[tilespmem:s21], [sflag:$0x1] =	stream.indirect.gather [hbm4b:s7+s15], $0x40, s20, s15, $0xb8;
	[tilespmem:$0x1A580] =	vst v63  }
0x3a: {  	s22 =	simm.s32 $0x1E0;
	s23 =	simm.s32 $0x7D80  }
0x3b: {  	[tilespmem:s23], [sflag:$0x1] =	stream.indirect.gather [hbm4b:s7+s15], $0x40, s22, s15, $0xb8;
	[tilespmem:$0x1A580] =	vst v63  }
0x3c: {  	s24 =	simm.s32 $0x200;
	s25 =	simm.s32 $0x8580  }
0x3d: {  	[tilespmem:s25], [sflag:$0x1] =	stream.indirect.gather [hbm4b:s7+s15], $0x40, s24, s15, $0xb8;
	[tilespmem:$0x1A580] =	vst v63  }
0x3e: {  	s20 =	simm.s32 $0x220;
	s21 =	simm.s32 $0x8D80  }
0x3f: {  	[tilespmem:s21], [sflag:$0x1] =	stream.indirect.gather [hbm4b:s7+s15], $0x40, s20, s15, $0xb8;
	[tilespmem:$0x1A580] =	vst v63  }
0x40: {  	s22 =	simm.s32 $0x240;
	s23 =	simm.s32 $0x9580  }
0x41: {  	[tilespmem:s23], [sflag:$0x1] =	stream.indirect.gather [hbm4b:s7+s15], $0x40, s22, s15, $0xb8;
	[tilespmem:$0x1A580] =	vst v63  }
0x42: {  	s24 =	simm.s32 $0x260;
	s25 =	simm.s32 $0x9D80  }
0x43: {  	[tilespmem:s25], [sflag:$0x1] =	stream.indirect.gather [hbm4b:s7+s15], $0x40, s24, s15, $0xb8;
	[tilespmem:$0x1A580] =	vst v63  }
0x44: {  	s20 =	simm.s32 $0x280;
	s21 =	simm.s32 $0xA580  }
0x45: {  	[tilespmem:s21], [sflag:$0x1] =	stream.indirect.gather [hbm4b:s7+s15], $0x40, s20, s15, $0xb8;
	[tilespmem:$0x1A580] =	vst v63  }
0x46: {  	s22 =	simm.s32 $0x2A0;
	s23 =	simm.s32 $0xAD80  }
0x47: {  	[tilespmem:s23], [sflag:$0x1] =	stream.indirect.gather [hbm4b:s7+s15], $0x40, s22, s15, $0xb8;
	[tilespmem:$0x1A580] =	vst v63  }
0x48: {  	s24 =	simm.s32 $0x2C0;
	s25 =	simm.s32 $0xB580  }
0x49: {  	[tilespmem:s25], [sflag:$0x1] =	stream.indirect.gather [hbm4b:s7+s15], $0x40, s24, s15, $0xb8;
	[tilespmem:$0x1A580] =	vst v63  }
0x4a: {  	s14 =	simm.s32 $0x16990;
	s21 =	simm.s32 $0x0;
	s24 =	simm.s32 $0x16590  }
.LBB2_2:
0x4b: {  	s20 =	sshllo.u32 s21, $0x1  }
0x4c: {  	s22 =	sshll.u32 s20, $0x5  }
0x4d: {  	s22 =	sadd.s32 s8, s22  }
0x4e: {  	s22 =	sshrl.u32 s22, $0x3  }
0x4f: {  	s20 =	smul.u32 $0x2A0, s20;
	s23 =	sadd.s32 s1, s22;
	s22 =	simm.s32 $0x0  }
0x50: {  	[tilespmem:s15], [sflag:$0x3] =	stream.linear.gather [hbm4b:s23+s22], $0x20, $0x38;
	[tilespmem:$0x1A580] =	vst v63  }
0x51: {  	s20 =	sadd.s32 s6, s20;
	_ =	swait.ge [sflag:s13], $0x20  }
0x52: {  	s20 =	sshrl.u32 s20, $0x3;
	[sflag:s13] =	ssyncset.done $0x0  }
0x53: {  	s20 =	sadd.s32 s4, s20;
	[sflag:s13] =	ssyncadd.s32 $0xFFFFFFE0  }
0x54: {  	[tilespmem:s16], [sflag:$0x3] =	stream.linear.gather [hbm4b:s20+s22], $0x2A0, $0x38;
	[tilespmem:$0x1A580] =	vst v63  }
0x55: {  	_ =	swait.ge [sflag:s13], $0x2A0  }
0x56: {  	[sflag:s13] =	ssyncset.done $0x0  }
0x57: {  	s23 =	simm.s32 $0xD80;
	[sflag:s13] =	ssyncadd.s32 $0xFFFFFD60  }
0x58: {  	[tilespmem:s23], [sflag:$0x2] =	stream.indirect.gather [hbm4b:s5+s15], $0x40, s15, s15, $0xb8;
	[tilespmem:$0x1A580] =	vst v63  }
0x59: {  	s25 =	simm.s32 $0xBD80  }
0x5a: {  	[tilespmem:s25], [sflag:$0x2] =	stream.indirect.gather [hbm4b:s7+s15], $0x40, s16, s15, $0xb8;
	[tilespmem:$0x1A580] =	vst v63  }
0x5b: {  	s23 =	simm.s32 $0x300;
	s25 =	simm.s32 $0xC580  }
0x5c: {  	[tilespmem:s25], [sflag:$0x2] =	stream.indirect.gather [hbm4b:s7+s15], $0x40, s23, s15, $0xb8;
	[tilespmem:$0x1A580] =	vst v63  }
0x5d: {  	s23 =	simm.s32 $0x320;
	s25 =	simm.s32 $0xCD80  }
0x5e: {  	[tilespmem:s25], [sflag:$0x2] =	stream.indirect.gather [hbm4b:s7+s15], $0x40, s23, s15, $0xb8;
	[tilespmem:$0x1A580] =	vst v63  }
0x5f: {  	s23 =	simm.s32 $0x340;
	s25 =	simm.s32 $0xD580  }
0x60: {  	[tilespmem:s25], [sflag:$0x2] =	stream.indirect.gather [hbm4b:s7+s15], $0x40, s23, s15, $0xb8;
	[tilespmem:$0x1A580] =	vst v63  }
0x61: {  	s23 =	simm.s32 $0x360;
	s25 =	simm.s32 $0xDD80  }
0x62: {  	[tilespmem:s25], [sflag:$0x2] =	stream.indirect.gather [hbm4b:s7+s15], $0x40, s23, s15, $0xb8;
	[tilespmem:$0x1A580] =	vst v63  }
0x63: {  	s23 =	simm.s32 $0x380;
	s25 =	simm.s32 $0xE580  }
0x64: {  	[tilespmem:s25], [sflag:$0x2] =	stream.indirect.gather [hbm4b:s7+s15], $0x40, s23, s15, $0xb8;
	[tilespmem:$0x1A580] =	vst v63  }
0x65: {  	s23 =	simm.s32 $0x3A0;
	s25 =	simm.s32 $0xED80  }
0x66: {  	[tilespmem:s25], [sflag:$0x2] =	stream.indirect.gather [hbm4b:s7+s15], $0x40, s23, s15, $0xb8;
	[tilespmem:$0x1A580] =	vst v63  }
0x67: {  	s23 =	simm.s32 $0x3C0;
	s25 =	simm.s32 $0xF580  }
0x68: {  	[tilespmem:s25], [sflag:$0x2] =	stream.indirect.gather [hbm4b:s7+s15], $0x40, s23, s15, $0xb8;
	[tilespmem:$0x1A580] =	vst v63  }
0x69: {  	s23 =	simm.s32 $0x3E0;
	s25 =	simm.s32 $0xFD80  }
0x6a: {  	[tilespmem:s25], [sflag:$0x2] =	stream.indirect.gather [hbm4b:s7+s15], $0x40, s23, s15, $0xb8;
	[tilespmem:$0x1A580] =	vst v63  }
0x6b: {  	s23 =	simm.s32 $0x400;
	s25 =	simm.s32 $0x10580  }
0x6c: {  	[tilespmem:s25], [sflag:$0x2] =	stream.indirect.gather [hbm4b:s7+s15], $0x40, s23, s15, $0xb8;
	[tilespmem:$0x1A580] =	vst v63  }
0x6d: {  	s23 =	simm.s32 $0x420;
	s25 =	simm.s32 $0x10D80  }
0x6e: {  	[tilespmem:s25], [sflag:$0x2] =	stream.indirect.gather [hbm4b:s7+s15], $0x40, s23, s15, $0xb8;
	[tilespmem:$0x1A580] =	vst v63  }
0x6f: {  	s23 =	simm.s32 $0x440;
	s25 =	simm.s32 $0x11580  }
0x70: {  	[tilespmem:s25], [sflag:$0x2] =	stream.indirect.gather [hbm4b:s7+s15], $0x40, s23, s15, $0xb8;
	[tilespmem:$0x1A580] =	vst v63  }
0x71: {  	s23 =	simm.s32 $0x460;
	s25 =	simm.s32 $0x11D80  }
0x72: {  	[tilespmem:s25], [sflag:$0x2] =	stream.indirect.gather [hbm4b:s7+s15], $0x40, s23, s15, $0xb8;
	[tilespmem:$0x1A580] =	vst v63  }
0x73: {  	s23 =	simm.s32 $0x480;
	s25 =	simm.s32 $0x12580  }
0x74: {  	[tilespmem:s25], [sflag:$0x2] =	stream.indirect.gather [hbm4b:s7+s15], $0x40, s23, s15, $0xb8;
	[tilespmem:$0x1A580] =	vst v63  }
0x75: {  	s23 =	simm.s32 $0x4A0;
	s25 =	simm.s32 $0x12D80  }
0x76: {  	[tilespmem:s25], [sflag:$0x2] =	stream.indirect.gather [hbm4b:s7+s15], $0x40, s23, s15, $0xb8;
	[tilespmem:$0x1A580] =	vst v63  }
0x77: {  	_ = 	snop  }
0x78: {  	[tilespmem:s28], [sflag:$0x2] =	stream.indirect.gather [hbm4b:s7+s15], $0x40, s26, s15, $0xb8;
	[tilespmem:$0x1A580] =	vst v63  }
0x79: {  	_ = 	snop  }
0x7a: {  	[tilespmem:s30], [sflag:$0x2] =	stream.indirect.gather [hbm4b:s7+s15], $0x40, s29, s15, $0xb8;
	[tilespmem:$0x1A580] =	vst v63  }
0x7b: {  	_ = 	snop  }
0x7c: {  	[tilespmem:s0], [sflag:$0x2] =	stream.indirect.gather [hbm4b:s7+s15], $0x40, s31, s15, $0xb8;
	[tilespmem:$0x1A580] =	vst v63  }
0x7d: {  	_ = 	snop  }
0x7e: {  	[tilespmem:s9], [sflag:$0x2] =	stream.indirect.gather [hbm4b:s7+s15], $0x40, s2, s15, $0xb8;
	[tilespmem:$0x1A580] =	vst v63  }
0x7f: {  	_ = 	snop  }
0x80: {  	[tilespmem:s11], [sflag:$0x2] =	stream.indirect.gather [hbm4b:s7+s15], $0x40, s10, s15, $0xb8;
	[tilespmem:$0x1A580] =	vst v63  }
0x81: {  	_ = 	snop  }
0x82: {  	[tilespmem:s17], [sflag:$0x2] =	stream.indirect.gather [hbm4b:s7+s15], $0x40, s12, s15, $0xb8;
	[tilespmem:$0x1A580] =	vst v63  }
0x83: {  	_ =	swait.ge [sflag:s18], $0x800  }
0x84: {  	[sflag:s18] =	ssyncset.done $0x0  }
0x85: {  	[sflag:s18] =	ssyncadd.s32 $0xFFFFF800  }
0x86: {  	_ =	swait.ge [sflag:s18], $0x800  }
0x87: {  	[sflag:s18] =	ssyncset.done $0x0  }
0x88: {  	[sflag:s18] =	ssyncadd.s32 $0xFFFFF800  }
0x89: {  	_ =	swait.ge [sflag:s18], $0x800  }
0x8a: {  	[sflag:s18] =	ssyncset.done $0x0  }
0x8b: {  	[sflag:s18] =	ssyncadd.s32 $0xFFFFF800  }
0x8c: {  	_ =	swait.ge [sflag:s18], $0x800  }
0x8d: {  	[sflag:s18] =	ssyncset.done $0x0  }
0x8e: {  	[sflag:s18] =	ssyncadd.s32 $0xFFFFF800  }
0x8f: {  	_ =	swait.ge [sflag:s18], $0x800  }
0x90: {  	[sflag:s18] =	ssyncset.done $0x0  }
0x91: {  	[sflag:s18] =	ssyncadd.s32 $0xFFFFF800  }
0x92: {  	_ =	swait.ge [sflag:s18], $0x800  }
0x93: {  	[sflag:s18] =	ssyncset.done $0x0  }
0x94: {  	[sflag:s18] =	ssyncadd.s32 $0xFFFFF800  }
0x95: {  	_ =	swait.ge [sflag:s18], $0x800  }
0x96: {  	[sflag:s18] =	ssyncset.done $0x0  }
0x97: {  	[sflag:s18] =	ssyncadd.s32 $0xFFFFF800  }
0x98: {  	_ =	swait.ge [sflag:s18], $0x800  }
0x99: {  	[sflag:s18] =	ssyncset.done $0x0  }
0x9a: {  	[sflag:s18] =	ssyncadd.s32 $0xFFFFF800  }
0x9b: {  	_ =	swait.ge [sflag:s18], $0x800  }
0x9c: {  	[sflag:s18] =	ssyncset.done $0x0  }
0x9d: {  	[sflag:s18] =	ssyncadd.s32 $0xFFFFF800  }
0x9e: {  	_ =	swait.ge [sflag:s18], $0x800  }
0x9f: {  	[sflag:s18] =	ssyncset.done $0x0  }
0xa0: {  	[sflag:s18] =	ssyncadd.s32 $0xFFFFF800  }
0xa1: {  	_ =	swait.ge [sflag:s18], $0x800  }
0xa2: {  	[sflag:s18] =	ssyncset.done $0x0  }
0xa3: {  	[sflag:s18] =	ssyncadd.s32 $0xFFFFF800  }
0xa4: {  	_ =	swait.ge [sflag:s18], $0x800  }
0xa5: {  	[sflag:s18] =	ssyncset.done $0x0  }
0xa6: {  	[sflag:s18] =	ssyncadd.s32 $0xFFFFF800  }
0xa7: {  	_ =	swait.ge [sflag:s18], $0x800  }
0xa8: {  	[sflag:s18] =	ssyncset.done $0x0  }
0xa9: {  	[sflag:s18] =	ssyncadd.s32 $0xFFFFF800  }
0xaa: {  	_ =	swait.ge [sflag:s18], $0x800  }
0xab: {  	[sflag:s18] =	ssyncset.done $0x0  }
0xac: {  	[sflag:s18] =	ssyncadd.s32 $0xFFFFF800  }
0xad: {  	_ =	swait.ge [sflag:s18], $0x800  }
0xae: {  	[sflag:s18] =	ssyncset.done $0x0  }
0xaf: {  	[sflag:s18] =	ssyncadd.s32 $0xFFFFF800  }
0xb0: {  	_ =	swait.ge [sflag:s18], $0x800  }
0xb1: {  	[sflag:s18] =	ssyncset.done $0x0  }
0xb2: {  	[sflag:s18] =	ssyncadd.s32 $0xFFFFF800  }
0xb3: {  	_ =	swait.ge [sflag:s18], $0x800  }
0xb4: {  	[sflag:s18] =	ssyncset.done $0x0  }
0xb5: {  	[sflag:s18] =	ssyncadd.s32 $0xFFFFF800  }
0xb6: {  	_ =	swait.ge [sflag:s18], $0x800  }
0xb7: {  	[sflag:s18] =	ssyncset.done $0x0  }
0xb8: {  	[sflag:s18] =	ssyncadd.s32 $0xFFFFF800  }
0xb9: {  	_ =	swait.ge [sflag:s18], $0x800  }
0xba: {  	[sflag:s18] =	ssyncset.done $0x0  }
0xbb: {  	[sflag:s18] =	ssyncadd.s32 $0xFFFFF800  }
0xbc: {  	_ =	swait.ge [sflag:s18], $0x800  }
0xbd: {  	[sflag:s18] =	ssyncset.done $0x0  }
0xbe: {  	[sflag:s18] =	ssyncadd.s32 $0xFFFFF800  }
0xbf: {  	_ =	swait.ge [sflag:s18], $0x800  }
0xc0: {  	[sflag:s18] =	ssyncset.done $0x0  }
0xc1: {  	[sflag:s18] =	ssyncadd.s32 $0xFFFFF800  }
0xc2: {  	_ =	swait.ge [sflag:s18], $0x800  }
0xc3: {  	[sflag:s18] =	ssyncset.done $0x0  }
0xc4: {  	s20 =	smov.u32 s24;
	s23 =	sshll.u32 s21, $0x1;
	[sflag:s18] =	ssyncadd.s32 $0xFFFFF800  }
.LBB2_3:
0xc5: {  	s25 =	sshra.s32 s22, $0x2  }
0xc6: {  	v4 =	vld [tilespmem:s25+$0x580]  }
0xc7: {  	v5 =	vld [tilespmem:s25+$0x590]  }
0xc8: {  	v6 =	vld [tilespmem:s25+$0x5A0]  }
0xc9: {  	v9 =	vld [tilespmem:s25+$0x5B0]  }
0xca: {  	v7 =	vld [tilespmem:s25+$0x1580]  }
0xcb: {  	v8 =	vld [tilespmem:s25+$0x1590]  }
0xcc: {  	v10 =	vld [tilespmem:s25+$0x15A0]  }
0xcd: {  	v11 =	vld [tilespmem:s25+$0x15B0]  }
0xce: {  	v12 =	vld [tilespmem:s25+$0x1D80]  }
0xcf: {  	v13 =	vld [tilespmem:s25+$0x1D90]  }
0xd0: {  	v14 =	vld [tilespmem:s25+$0x1DA0]  }
0xd1: {  	v15 =	vld [tilespmem:s25+$0x1DB0]  }
0xd2: {  	v16 =	vld [tilespmem:s25+$0x2580]  }
0xd3: {  	v17 =	vld [tilespmem:s25+$0x2590]  }
0xd4: {  	v18 =	vld [tilespmem:s25+$0x25A0]  }
0xd5: {  	v19 =	vld [tilespmem:s25+$0x25B0]  }
0xd6: {  	v20 =	vld [tilespmem:s25+$0x2D80]  }
0xd7: {  	v21 =	vld [tilespmem:s25+$0x2D90]  }
0xd8: {  	v22 =	vld [tilespmem:s25+$0x2DA0]  }
0xd9: {  	v23 =	vld [tilespmem:s25+$0x2DB0]  }
0xda: {  	v24 =	vld [tilespmem:s25+$0x3580]  }
0xdb: {  	v25 =	vld [tilespmem:s25+$0x3590]  }
0xdc: {  	v26 =	vld [tilespmem:s25+$0x35A0]  }
0xdd: {  	v27 =	vld [tilespmem:s25+$0x35B0]  }
0xde: {  	v28 =	vld [tilespmem:s25+$0x3D80]  }
0xdf: {  	v29 =	vld [tilespmem:s25+$0x3D90]  }
0xe0: {  	v30 =	vld [tilespmem:s25+$0x3DA0]  }
0xe1: {  	v31 =	vld [tilespmem:s25+$0x3DB0]  }
0xe2: {  	v32 =	vld [tilespmem:s25+$0x4580]  }
0xe3: {  	v33 =	vld [tilespmem:s25+$0x4590]  }
0xe4: {  	v34 =	vld [tilespmem:s25+$0x45A0]  }
0xe5: {  	v35 =	vld [tilespmem:s25+$0x45B0]  }
0xe6: {  	v36 =	vld [tilespmem:s25+$0x4D80]  }
0xe7: {  	v37 =	vld [tilespmem:s25+$0x4D90]  }
0xe8: {  	v38 =	vld [tilespmem:s25+$0x4DA0]  }
0xe9: {  	v39 =	vld [tilespmem:s25+$0x4DB0]  }
0xea: {  	v40 =	vld [tilespmem:s25+$0x5580]  }
0xeb: {  	v41 =	vld [tilespmem:s25+$0x5590]  }
0xec: {  	v42 =	vld [tilespmem:s25+$0x55A0]  }
0xed: {  	v43 =	vld [tilespmem:s25+$0x55B0];
	v7 =	vmul.f32 v7, v4;
	v8 =	vmul.f32 v8, v5  }
0xee: {  	v44 =	vld [tilespmem:s25+$0x5D80];
	v10 =	vmul.f32 v10, v6;
	v6 =	vsub.f32 $0.0e+00, v6  }
0xef: {  	v45 =	vld [tilespmem:s25+$0x5D90];
	v63 =	vmul.f32 v11, v9;
	v48 =	vadd.f32 v8, v7  }
0xf0: {  	v46 =	vld [tilespmem:s25+$0x5DA0];
	v8 =	vsub.f32 $0.0e+00, v4;
	v7 =	vsub.f32 $0.0e+00, v5;
	v58 =	vmul.f32 v14, v6  }
0xf1: {  	v47 =	vld [tilespmem:s25+$0x5DB0];
	v60 =	vmul.f32 v18, v6;
	v53 =	vmul.f32 v22, v6  }
0xf2: {  	v49 =	vld [tilespmem:s25+$0x6580];
	v5 =	vsub.f32 $0.0e+00, v9;
	v54 =	vmul.f32 v12, v8;
	v55 =	vmul.f32 v13, v7  }
0xf3: {  	v50 =	vld [tilespmem:s25+$0x6590];
	v56 =	vmul.f32 v16, v8;
	v57 =	vmul.f32 v17, v7  }
0xf4: {  	v51 =	vld [tilespmem:s25+$0x65B0];
	v59 =	vmul.f32 v15, v5;
	v61 =	vmul.f32 v19, v5  }
0xf5: {  	v18 =	vld [tilespmem:s25+$0x7590];
	v4 =	vadd.f32 v10, v48;
	v62 =	vmul.f32 v20, v8;
	v24 =	vmul.f32 v24, v8  }
0xf6: {  	v48 =	vld [tilespmem:s25+$0x65A0];
	v52 =	vmul.f32 v25, v7;
	v23 =	vmul.f32 v23, v5  }
0xf7: {  	v16 =	vld [tilespmem:s25+$0x6D80];
	v27 =	vmul.f32 v27, v5;
	v4 =	vadd.f32 v63, v4;
	v63 =	vmul.f32 v21, v7  }
0xf8: {  	v15 =	vld [tilespmem:s25+$0x6D90];
	v9 =	vadd.f32 v55, v54;
	v54 =	vmul.f32 v26, v6;
	v55 =	vmul.f32 v28, v8  }
0xf9: {  	v17 =	vld [tilespmem:s25+$0x6DA0];
	v10 =	vadd.f32 v57, v56;
	v56 =	vmul.f32 v29, v7;
	v57 =	vmul.f32 v32, v8  }
0xfa: {  	v19 =	vld [tilespmem:s25+$0x6DB0];
	v12 =	vadd.f32 v52, v24;
	v52 =	vmul.f32 v39, v5;
	v18 =	vmul.f32 v18, v7  }
0xfb: {  	v20 =	vld [tilespmem:s25+$0x75A0];
	v9 =	vadd.f32 v58, v9;
	v10 =	vadd.f32 v60, v10;
	v58 =	vmul.f32 v33, v7  }
0xfc: {  	v21 =	vld [tilespmem:s25+$0x7580];
	v11 =	vadd.f32 v63, v62;
	v60 =	vmul.f32 v34, v6;
	v62 =	vmul.f32 v35, v5  }
0xfd: {  	v24 =	vld [tilespmem:s25+$0x75B0];
	v63 =	vmul.f32 v36, v8;
	v36 =	vmul.f32 v37, v7  }
0xfe: {  	v26 =	vld [tilespmem:s25+$0x7D80];
	v37 =	vmul.f32 v40, v8;
	v40 =	vmul.f32 v41, v7  }
0xff: {  	v28 =	vld [tilespmem:s25+$0x7D90];
	v12 =	vadd.f32 v54, v12;
	v41 =	vmul.f32 v38, v6;
	v54 =	vmul.f32 v43, v5  }
0x100: {  	v29 =	vld [tilespmem:s25+$0x7DA0];
	v13 =	vadd.f32 v56, v55;
	v55 =	vmul.f32 v44, v8;
	v56 =	vmul.f32 v45, v7  }
0x101: {  	v32 =	vld [tilespmem:s25+$0x8590];
	v45 =	vmul.f32 v51, v5;
	v16 =	vmul.f32 v16, v8  }
0x102: {  	v39 =	vld [tilespmem:s25+$0x8D90];
	v15 =	vmul.f32 v15, v7;
	v20 =	vmul.f32 v20, v6;
	v9 =	vadd.f32 v59, v9  }
0x103: {  	v33 =	vld [tilespmem:s25+$0x85A0];
	v10 =	vadd.f32 v61, v10;
	v11 =	vadd.f32 v53, v11;
	v59 =	vmul.f32 v30, v6  }
0x104: {  	v35 =	vld [tilespmem:s25+$0x85B0];
	v14 =	vadd.f32 v58, v57;
	v61 =	vmul.f32 v31, v5;
	v12 =	vadd.f32 v27, v12  }
0x105: {  	v38 =	vld [tilespmem:s25+$0x8DB0];
	v22 =	vadd.f32 v36, v63;
	v53 =	vmul.f32 v42, v6;
	v57 =	vmul.f32 v49, v8  }
0x106: {  	v34 =	vld [tilespmem:s25+$0x9590];
	v58 =	vmul.f32 v50, v7;
	v31 =	vadd.f32 v56, v55;
	v63 =	vmul.f32 v17, v6  }
0x107: {  	v44 =	vld [tilespmem:s25+$0xB580];
	v21 =	vmul.f32 v21, v8;
	v15 =	vadd.f32 v15, v16;
	v49 =	vmul.f32 v28, v7  }
0x108: {  	v30 =	vld [tilespmem:s25+$0x8580];
	v51 =	vmul.f32 v32, v7;
	v11 =	vadd.f32 v23, v11;
	v13 =	vadd.f32 v59, v13  }
0x109: {  	v36 =	vld [tilespmem:s25+$0x95A0];
	v25 =	vadd.f32 v60, v14;
	v22 =	vadd.f32 v41, v22;
	v59 =	vmul.f32 v46, v6  }
0x10a: {  	v17 =	vld [tilespmem:s25+$0x95B0];
	v27 =	vadd.f32 v58, v57;
	v60 =	vmul.f32 v48, v6;
	v46 =	vmul.f32 v19, v5  }
0x10b: {  	v42 =	vld [tilespmem:s25+$0xAD90];
	v48 =	vmul.f32 v26, v8;
	v18 =	vadd.f32 v18, v21;
	v15 =	vadd.f32 v63, v15  }
0x10c: {  	v23 =	vld [tilespmem:s25+$0x7DB0];
	v55 =	vmul.f32 v33, v6;
	v14 =	vadd.f32 v61, v13;
	v13 =	vadd.f32 v62, v25  }
0x10d: {  	v41 =	vld [tilespmem:s25+$0x8DA0];
	v56 =	vmul.f32 v35, v5;
	v25 =	vadd.f32 v40, v37;
	v22 =	vadd.f32 v52, v22  }
0x10e: {  	v19 =	vld [tilespmem:s25+$0x9D90];
	v34 =	vmul.f32 v34, v7;
	v31 =	vadd.f32 v59, v31;
	v27 =	vadd.f32 v60, v27  }
0x10f: {  	v21 =	vld [tilespmem:s25+$0x9D80];
	v62 =	vmul.f32 v47, v5;
	v47 =	vmul.f32 v24, v5;
	v16 =	vadd.f32 v49, v48  }
0x110: {  	v37 =	vld [tilespmem:s25+$0x8D80];
	v59 =	vmul.f32 v39, v7;
	v18 =	vadd.f32 v20, v18;
	v15 =	vadd.f32 v46, v15  }
0x111: {  	v61 =	vld [tilespmem:s25+$0x9580];
	v50 =	vmul.f32 v30, v8;
	v43 =	vmul.f32 v36, v6;
	v25 =	vadd.f32 v53, v25  }
0x112: {  	v24 =	vld [tilespmem:s25+$0x9DA0];
	v17 =	vmul.f32 v17, v5;
	v31 =	vadd.f32 v62, v31;
	v27 =	vadd.f32 v45, v27  }
0x113: {  	v52 =	vld [tilespmem:s25+$0xA580];
	v53 =	vmul.f32 v29, v6;
	v45 =	vmul.f32 v38, v5;
	v32 =	vsel vm0, v22, v13  }
0x114: {  	v28 =	vld [tilespmem:s25+$0x9DB0];
	v35 =	vsel vm0, v13, v22;
	v18 =	vadd.f32 v47, v18;
	v23 =	vmul.f32 v23, v5  }
0x115: {  	v57 =	vld [tilespmem:s25+$0xA5A0];
	v20 =	vadd.f32 v51, v50;
	v41 =	vmul.f32 v41, v6;
	v19 =	vmul.f32 v19, v7  }
0x116: {  	v62 =	vld [tilespmem:s25+$0xAD80];
	v25 =	vadd.f32 v54, v25;
	v21 =	vmul.f32 v21, v8;
	v58 =	vmul.f32 v37, v8  }
0x117: {  	v60 =	vld [tilespmem:s25+$0xA5B0];
	v16 =	vadd.f32 v53, v16;
	v61 =	vmul.f32 v61, v8;
	v24 =	vmul.f32 v24, v6  }
0x118: {  	v46 =	vld [tilespmem:s25+$0xB590];
	v20 =	vadd.f32 v55, v20;
	v48 =	vmul.f32 v52, v8;
	v52 =	vmul.f32 v42, v7  }
0x119: {  	v47 =	vld [tilespmem:s25+$0xADA0];
	v37 =	vsel vm0, v27, v15;
	v16 =	vadd.f32 v23, v16;
	v19 =	vadd.f32 v19, v21  }
0x11a: {  	v51 =	vld [tilespmem:s25+$0xADB0];
	v33 =	vsel vm0, v31, v25;
	v36 =	vsel vm0, v25, v31;
	v63 =	vadd.f32 v59, v58  }
0x11b: {  	v54 =	vld [tilespmem:s25+$0xA590];
	v20 =	vadd.f32 v56, v20;
	v30 =	vadd.f32 v34, v61;
	v50 =	vmul.f32 v62, v8  }
0x11c: {  	v49 =	vld [tilespmem:s25+$0xB5A0];
	v8 =	vmul.f32 v44, v8;
	v58 =	vmul.f32 v60, v5;
	v61 =	vsel vm0, v9, v4  }
0x11d: {  	v53 =	vld [tilespmem:s25+$0xB5B0];
	v62 =	vsel vm0, v11, v10;
	v4 =	vsel vm0, v4, v9;
	v9 =	vperm.xlane v32, v0  }
0x11e: {  	v34 =	vsel vm0, v15, v27;
	v19 =	vadd.f32 v24, v19;
	v55 =	vmul.f32 v47, v6  }
0x11f: {  	v59 =	vmul.f32 v51, v5;
	v38 =	vsel vm0, v16, v18;
	v23 =	vadd.f32 v41, v63  }
0x120: {  	v30 =	vadd.f32 v43, v30;
	v29 =	vmul.f32 v54, v7;
	v7 =	vmul.f32 v46, v7  }
0x121: {  	v54 =	vmul.f32 v57, v6;
	v21 =	vadd.f32 v52, v50;
	v6 =	vmul.f32 v49, v6  }
0x122: {  	v57 =	vmul.f32 v28, v5;
	v5 =	vmul.f32 v53, v5;
	v63 =	vsel vm0, v14, v12  }
0x123: {  	v28 =	vsel vm0, v10, v11;
	v10 =	vperm.xlane v33, v0;
	v9 =	vadd.f32 v9, v35  }
0x124: {  	v11 =	vperm.xlane v34, v0;
	v23 =	vadd.f32 v45, v23;
	v17 =	vadd.f32 v17, v30  }
0x125: {  	v41 =	vsel vm0, v18, v16;
	v26 =	vadd.f32 v29, v48;
	v7 =	vadd.f32 v7, v8  }
0x126: {  	v56 =	vadd.f32 v55, v21;
	v19 =	vadd.f32 v57, v19;
	v29 =	vsel vm0, v12, v14  }
0x127: {  	v10 =	vadd.f32 v10, v36;
	v11 =	vadd.f32 v11, v37;
	v12 =	vperm.xlane v38, v0  }
0x128: {  	v8 =	vperm.xlane v62, v0;
	v26 =	vadd.f32 v54, v26;
	v6 =	vadd.f32 v6, v7  }
0x129: {  	v7 =	vadd.f32 v59, v56;
	v39 =	vsel vm0, v23, v20;
	v12 =	vadd.f32 v12, v41  }
0x12a: {  	v42 =	vsel vm0, v20, v23;
	v46 =	vsel vm1, v11, v10;
	v47 =	vsel vm0, v19, v17  }
0x12b: {  	v51 =	vsel vm0, v17, v19;
	v10 =	vsel vm1, v10, v11;
	v13 =	vperm.xlane v39, v0  }
0x12c: {  	v49 =	vperm.xlane v47, v0;
	v5 =	vadd.f32 v5, v6;
	v6 =	vperm.xlane v61, v0  }
0x12d: {  	v60 =	vadd.f32 v58, v26;
	v26 =	vperm.xlane v63, v0;
	v43 =	vadd.f32 v13, v42  }
0x12e: {  	v13 =	vperm.xlane v46, v1;
	v4 =	vadd.f32 v6, v4;
	v6 =	vadd.f32 v8, v28  }
0x12f: {  	v30 =	vadd.f32 v26, v29;
	v48 =	vsel vm0, v7, v60;
	v7 =	vsel vm0, v60, v7  }
0x130: {  	v52 =	vperm.xlane v5, v0;
	v50 =	vperm.xlane v48, v0;
	v53 =	vsel vm1, v43, v12  }
0x131: {  	v10 =	vadd.f32 v13, v10;
	v40 =	vsel vm1, v6, v4;
	v4 =	vsel vm1, v4, v6  }
0x132: {  	v44 =	vsel vm1, v9, v30;
	v8 =	vsel vm1, v30, v9;
	v9 =	vadd.f32 v49, v51  }
0x133: {  	v54 =	vperm.xlane v53, v1;
	v5 =	vadd.f32 v52, v5;
	v7 =	vadd.f32 v50, v7  }
0x134: {  	v6 =	vsel vm1, v12, v43;
	v14 =	vperm.xlane v40, v1;
	v45 =	vperm.xlane v44, v1  }
0x135: {  	v6 =	vadd.f32 v54, v6;
	v57 =	vperm.xlane v5, v1;
	v55 =	vsel vm1, v7, v9  }
0x136: {  	v4 =	vadd.f32 v14, v4;
	v8 =	vadd.f32 v45, v8;
	v56 =	vperm.xlane v55, v1  }
0x137: {  	v7 =	vsel vm1, v9, v7;
	v59 =	vsel vm2, v6, v10  }
0x138: {  	v5 =	vadd.f32 v57, v5;
	v58 =	vsel vm2, v8, v4;
	v7 =	vadd.f32 v56, v7  }
0x139: {  	v9 =	vperm.xlane v59, v2;
	v60 =	vperm.xlane v58, v2  }
0x13a: {  	v6 =	vsel vm2, v10, v6;
	v4 =	vsel vm2, v4, v8;
	v61 =	vsel vm2, v5, v7  }
0x13b: {  	v6 =	vadd.f32 v9, v6;
	v4 =	vadd.f32 v60, v4;
	v8 =	vperm.xlane v61, v2  }
0x13c: {  	v5 =	vsel vm2, v7, v5  }
0x13d: {  	v62 =	vsel vm3, v6, v4;
	v5 =	vadd.f32 v5, v8  }
0x13e: {  	p0 =	sne.s32 s22, $0x1F00;
	v7 =	vperm.xlane v62, v3  }
.Ltmp0:
0x13f: {  	v4 =	vsel vm3, v4, v6;
	v63 =	vperm.xlane v5, v3;
	(pc) =	sbr.rel @p0 .LBB2_3-.Ltmp0, $4  }
0x140: {  	v4 =	vadd.f32 v4, v7  }
0x141: {  	v5 =	vadd.f32 v5, v63  }
0x142: {  	[tilespmem:s20+$0xFFFFFFF0] =	vst v4  }
0x143: {  	s22 =	sadd.s32 $0x100, s22;
	[tilespmem:s20+$0x0] =	vst v5;
	s20 =	sadd.s32 $0x20, s20  }
0x144: {  	p0 =	seq.s32 s21, $0x7  }
.Ltmp1:
0x145: {  	_ = 	snop;
	(pc) =	sbr.rel @p0 .LBB2_6-.Ltmp1, $1  }
0x146: {  	_ =	sdelay $0x3  }
0x147: {  	s20 =	sadd.s32 $0x2, s23  }
0x148: {  	s22 =	sshll.u32 s20, $0x5  }
0x149: {  	s22 =	sadd.s32 s8, s22  }
0x14a: {  	s22 =	sshrl.u32 s22, $0x3  }
0x14b: {  	s20 =	smul.u32 $0x2A0, s20;
	s22 =	sadd.s32 s1, s22  }
0x14c: {  	[tilespmem:s3], [sflag:$0x3] =	stream.linear.gather [hbm4b:s22+s3], $0x20, $0x38;
	[tilespmem:$0x1A580] =	vst v63  }
0x14d: {  	s20 =	sadd.s32 s6, s20;
	_ =	swait.ge [sflag:s13], $0x20  }
0x14e: {  	s20 =	sshrl.u32 s20, $0x3;
	[sflag:s13] =	ssyncset.done $0x0  }
0x14f: {  	s20 =	sadd.s32 s4, s20;
	s22 =	simm.s32 $0x40;
	[sflag:s13] =	ssyncadd.s32 $0xFFFFFFE0  }
0x150: {  	[tilespmem:s22], [sflag:$0x3] =	stream.linear.gather [hbm4b:s20+s3], $0x2A0, $0x38;
	[tilespmem:$0x1A580] =	vst v63  }
0x151: {  	_ =	swait.ge [sflag:s13], $0x2A0  }
0x152: {  	[sflag:s13] =	ssyncset.done $0x0  }
0x153: {  	s23 =	simm.s32 $0x580;
	[sflag:s13] =	ssyncadd.s32 $0xFFFFFD60  }
0x154: {  	[tilespmem:s23], [sflag:$0x1] =	stream.indirect.gather [hbm4b:s5+s15], $0x40, s3, s15, $0xb8;
	[tilespmem:$0x1A580] =	vst v63  }
0x155: {  	s25 =	simm.s32 $0x1580  }
0x156: {  	[tilespmem:s25], [sflag:$0x1] =	stream.indirect.gather [hbm4b:s7+s15], $0x40, s22, s15, $0xb8;
	[tilespmem:$0x1A580] =	vst v63  }
0x157: {  	s23 =	simm.s32 $0x60;
	s25 =	simm.s32 $0x1D80  }
0x158: {  	[tilespmem:s25], [sflag:$0x1] =	stream.indirect.gather [hbm4b:s7+s15], $0x40, s23, s15, $0xb8;
	[tilespmem:$0x1A580] =	vst v63  }
0x159: {  	s23 =	simm.s32 $0x80;
	s25 =	simm.s32 $0x2580  }
0x15a: {  	[tilespmem:s25], [sflag:$0x1] =	stream.indirect.gather [hbm4b:s7+s15], $0x40, s23, s15, $0xb8;
	[tilespmem:$0x1A580] =	vst v63  }
0x15b: {  	s23 =	simm.s32 $0xA0;
	s25 =	simm.s32 $0x2D80  }
0x15c: {  	[tilespmem:s25], [sflag:$0x1] =	stream.indirect.gather [hbm4b:s7+s15], $0x40, s23, s15, $0xb8;
	[tilespmem:$0x1A580] =	vst v63  }
0x15d: {  	s23 =	simm.s32 $0xC0;
	s25 =	simm.s32 $0x3580  }
0x15e: {  	[tilespmem:s25], [sflag:$0x1] =	stream.indirect.gather [hbm4b:s7+s15], $0x40, s23, s15, $0xb8;
	[tilespmem:$0x1A580] =	vst v63  }
0x15f: {  	s23 =	simm.s32 $0xE0;
	s25 =	simm.s32 $0x3D80  }
0x160: {  	[tilespmem:s25], [sflag:$0x1] =	stream.indirect.gather [hbm4b:s7+s15], $0x40, s23, s15, $0xb8;
	[tilespmem:$0x1A580] =	vst v63  }
0x161: {  	s23 =	simm.s32 $0x100;
	s25 =	simm.s32 $0x4580  }
0x162: {  	[tilespmem:s25], [sflag:$0x1] =	stream.indirect.gather [hbm4b:s7+s15], $0x40, s23, s15, $0xb8;
	[tilespmem:$0x1A580] =	vst v63  }
0x163: {  	s23 =	simm.s32 $0x120;
	s25 =	simm.s32 $0x4D80  }
0x164: {  	[tilespmem:s25], [sflag:$0x1] =	stream.indirect.gather [hbm4b:s7+s15], $0x40, s23, s15, $0xb8;
	[tilespmem:$0x1A580] =	vst v63  }
0x165: {  	s23 =	simm.s32 $0x140;
	s25 =	simm.s32 $0x5580  }
0x166: {  	[tilespmem:s25], [sflag:$0x1] =	stream.indirect.gather [hbm4b:s7+s15], $0x40, s23, s15, $0xb8;
	[tilespmem:$0x1A580] =	vst v63  }
0x167: {  	s23 =	simm.s32 $0x160;
	s25 =	simm.s32 $0x5D80  }
0x168: {  	[tilespmem:s25], [sflag:$0x1] =	stream.indirect.gather [hbm4b:s7+s15], $0x40, s23, s15, $0xb8;
	[tilespmem:$0x1A580] =	vst v63  }
0x169: {  	s23 =	simm.s32 $0x180;
	s25 =	simm.s32 $0x6580  }
0x16a: {  	[tilespmem:s25], [sflag:$0x1] =	stream.indirect.gather [hbm4b:s7+s15], $0x40, s23, s15, $0xb8;
	[tilespmem:$0x1A580] =	vst v63  }
0x16b: {  	s23 =	simm.s32 $0x1A0;
	s25 =	simm.s32 $0x6D80  }
0x16c: {  	[tilespmem:s25], [sflag:$0x1] =	stream.indirect.gather [hbm4b:s7+s15], $0x40, s23, s15, $0xb8;
	[tilespmem:$0x1A580] =	vst v63  }
0x16d: {  	s23 =	simm.s32 $0x1C0;
	s25 =	simm.s32 $0x7580  }
0x16e: {  	[tilespmem:s25], [sflag:$0x1] =	stream.indirect.gather [hbm4b:s7+s15], $0x40, s23, s15, $0xb8;
	[tilespmem:$0x1A580] =	vst v63  }
0x16f: {  	s23 =	simm.s32 $0x1E0;
	s25 =	simm.s32 $0x7D80  }
0x170: {  	[tilespmem:s25], [sflag:$0x1] =	stream.indirect.gather [hbm4b:s7+s15], $0x40, s23, s15, $0xb8;
	[tilespmem:$0x1A580] =	vst v63  }
0x171: {  	s23 =	simm.s32 $0x200;
	s25 =	simm.s32 $0x8580  }
0x172: {  	[tilespmem:s25], [sflag:$0x1] =	stream.indirect.gather [hbm4b:s7+s15], $0x40, s23, s15, $0xb8;
	[tilespmem:$0x1A580] =	vst v63  }
0x173: {  	s23 =	simm.s32 $0x220;
	s25 =	simm.s32 $0x8D80  }
0x174: {  	[tilespmem:s25], [sflag:$0x1] =	stream.indirect.gather [hbm4b:s7+s15], $0x40, s23, s15, $0xb8;
	[tilespmem:$0x1A580] =	vst v63  }
0x175: {  	s23 =	simm.s32 $0x240;
	s25 =	simm.s32 $0x9580  }
0x176: {  	[tilespmem:s25], [sflag:$0x1] =	stream.indirect.gather [hbm4b:s7+s15], $0x40, s23, s15, $0xb8;
	[tilespmem:$0x1A580] =	vst v63  }
0x177: {  	s23 =	simm.s32 $0x260;
	s25 =	simm.s32 $0x9D80  }
0x178: {  	[tilespmem:s25], [sflag:$0x1] =	stream.indirect.gather [hbm4b:s7+s15], $0x40, s23, s15, $0xb8;
	[tilespmem:$0x1A580] =	vst v63  }
0x179: {  	s23 =	simm.s32 $0x280;
	s25 =	simm.s32 $0xA580  }
0x17a: {  	[tilespmem:s25], [sflag:$0x1] =	stream.indirect.gather [hbm4b:s7+s15], $0x40, s23, s15, $0xb8;
	[tilespmem:$0x1A580] =	vst v63  }
0x17b: {  	s23 =	simm.s32 $0x2A0;
	s25 =	simm.s32 $0xAD80  }
0x17c: {  	[tilespmem:s25], [sflag:$0x1] =	stream.indirect.gather [hbm4b:s7+s15], $0x40, s23, s15, $0xb8;
	[tilespmem:$0x1A580] =	vst v63  }
0x17d: {  	s23 =	simm.s32 $0x2C0;
	s25 =	simm.s32 $0xB580  }
0x17e: {  	[tilespmem:s25], [sflag:$0x1] =	stream.indirect.gather [hbm4b:s7+s15], $0x40, s23, s15, $0xb8;
	[tilespmem:$0x1A580] =	vst v63  }
.LBB2_6:
0x17f: {  	_ =	swait.ge [sflag:s19], $0x800  }
0x180: {  	[sflag:s19] =	ssyncset.done $0x0  }
0x181: {  	[sflag:s19] =	ssyncadd.s32 $0xFFFFF800  }
0x182: {  	_ =	swait.ge [sflag:s19], $0x800  }
0x183: {  	[sflag:s19] =	ssyncset.done $0x0  }
0x184: {  	[sflag:s19] =	ssyncadd.s32 $0xFFFFF800  }
0x185: {  	_ =	swait.ge [sflag:s19], $0x800  }
0x186: {  	[sflag:s19] =	ssyncset.done $0x0  }
0x187: {  	[sflag:s19] =	ssyncadd.s32 $0xFFFFF800  }
0x188: {  	_ =	swait.ge [sflag:s19], $0x800  }
0x189: {  	[sflag:s19] =	ssyncset.done $0x0  }
0x18a: {  	[sflag:s19] =	ssyncadd.s32 $0xFFFFF800  }
0x18b: {  	_ =	swait.ge [sflag:s19], $0x800  }
0x18c: {  	[sflag:s19] =	ssyncset.done $0x0  }
0x18d: {  	[sflag:s19] =	ssyncadd.s32 $0xFFFFF800  }
0x18e: {  	_ =	swait.ge [sflag:s19], $0x800  }
0x18f: {  	[sflag:s19] =	ssyncset.done $0x0  }
0x190: {  	[sflag:s19] =	ssyncadd.s32 $0xFFFFF800  }
0x191: {  	_ =	swait.ge [sflag:s19], $0x800  }
0x192: {  	[sflag:s19] =	ssyncset.done $0x0  }
0x193: {  	[sflag:s19] =	ssyncadd.s32 $0xFFFFF800  }
0x194: {  	_ =	swait.ge [sflag:s19], $0x800  }
0x195: {  	[sflag:s19] =	ssyncset.done $0x0  }
0x196: {  	[sflag:s19] =	ssyncadd.s32 $0xFFFFF800  }
0x197: {  	_ =	swait.ge [sflag:s19], $0x800  }
0x198: {  	[sflag:s19] =	ssyncset.done $0x0  }
0x199: {  	[sflag:s19] =	ssyncadd.s32 $0xFFFFF800  }
0x19a: {  	_ =	swait.ge [sflag:s19], $0x800  }
0x19b: {  	[sflag:s19] =	ssyncset.done $0x0  }
0x19c: {  	[sflag:s19] =	ssyncadd.s32 $0xFFFFF800  }
0x19d: {  	_ =	swait.ge [sflag:s19], $0x800  }
0x19e: {  	[sflag:s19] =	ssyncset.done $0x0  }
0x19f: {  	[sflag:s19] =	ssyncadd.s32 $0xFFFFF800  }
0x1a0: {  	_ =	swait.ge [sflag:s19], $0x800  }
0x1a1: {  	[sflag:s19] =	ssyncset.done $0x0  }
0x1a2: {  	[sflag:s19] =	ssyncadd.s32 $0xFFFFF800  }
0x1a3: {  	_ =	swait.ge [sflag:s19], $0x800  }
0x1a4: {  	[sflag:s19] =	ssyncset.done $0x0  }
0x1a5: {  	[sflag:s19] =	ssyncadd.s32 $0xFFFFF800  }
0x1a6: {  	_ =	swait.ge [sflag:s19], $0x800  }
0x1a7: {  	[sflag:s19] =	ssyncset.done $0x0  }
0x1a8: {  	[sflag:s19] =	ssyncadd.s32 $0xFFFFF800  }
0x1a9: {  	_ =	swait.ge [sflag:s19], $0x800  }
0x1aa: {  	[sflag:s19] =	ssyncset.done $0x0  }
0x1ab: {  	[sflag:s19] =	ssyncadd.s32 $0xFFFFF800  }
0x1ac: {  	_ =	swait.ge [sflag:s19], $0x800  }
0x1ad: {  	[sflag:s19] =	ssyncset.done $0x0  }
0x1ae: {  	[sflag:s19] =	ssyncadd.s32 $0xFFFFF800  }
0x1af: {  	_ =	swait.ge [sflag:s19], $0x800  }
0x1b0: {  	[sflag:s19] =	ssyncset.done $0x0  }
0x1b1: {  	[sflag:s19] =	ssyncadd.s32 $0xFFFFF800  }
0x1b2: {  	_ =	swait.ge [sflag:s19], $0x800  }
0x1b3: {  	[sflag:s19] =	ssyncset.done $0x0  }
0x1b4: {  	[sflag:s19] =	ssyncadd.s32 $0xFFFFF800  }
0x1b5: {  	_ =	swait.ge [sflag:s19], $0x800  }
0x1b6: {  	[sflag:s19] =	ssyncset.done $0x0  }
0x1b7: {  	[sflag:s19] =	ssyncadd.s32 $0xFFFFF800  }
0x1b8: {  	_ =	swait.ge [sflag:s19], $0x800  }
0x1b9: {  	[sflag:s19] =	ssyncset.done $0x0  }
0x1ba: {  	[sflag:s19] =	ssyncadd.s32 $0xFFFFF800  }
0x1bb: {  	_ =	swait.ge [sflag:s19], $0x800  }
0x1bc: {  	[sflag:s19] =	ssyncset.done $0x0  }
0x1bd: {  	[sflag:s19] =	ssyncadd.s32 $0xFFFFF800  }
0x1be: {  	_ =	swait.ge [sflag:s19], $0x800  }
0x1bf: {  	[sflag:s19] =	ssyncset.done $0x0  }
0x1c0: {  	s22 =	simm.s32 $0x0;
	s20 =	smov.u32 s14;
	[sflag:s19] =	ssyncadd.s32 $0xFFFFF800  }
.LBB2_7:
0x1c1: {  	s23 =	sshra.s32 s22, $0x2  }
0x1c2: {  	v4 =	vld [tilespmem:s23+$0xD80]  }
0x1c3: {  	v5 =	vld [tilespmem:s23+$0xD90]  }
0x1c4: {  	v6 =	vld [tilespmem:s23+$0xDA0]  }
0x1c5: {  	v9 =	vld [tilespmem:s23+$0xDB0]  }
0x1c6: {  	v7 =	vld [tilespmem:s23+$0xBD80]  }
0x1c7: {  	v8 =	vld [tilespmem:s23+$0xBD90]  }
0x1c8: {  	v10 =	vld [tilespmem:s23+$0xBDA0]  }
0x1c9: {  	v11 =	vld [tilespmem:s23+$0xBDB0]  }
0x1ca: {  	v12 =	vld [tilespmem:s23+$0xC580]  }
0x1cb: {  	v13 =	vld [tilespmem:s23+$0xC590]  }
0x1cc: {  	v14 =	vld [tilespmem:s23+$0xC5A0]  }
0x1cd: {  	v15 =	vld [tilespmem:s23+$0xC5B0]  }
0x1ce: {  	v16 =	vld [tilespmem:s23+$0xCD80]  }
0x1cf: {  	v17 =	vld [tilespmem:s23+$0xCD90]  }
0x1d0: {  	v18 =	vld [tilespmem:s23+$0xCDA0]  }
0x1d1: {  	v19 =	vld [tilespmem:s23+$0xCDB0]  }
0x1d2: {  	v20 =	vld [tilespmem:s23+$0xD580]  }
0x1d3: {  	v21 =	vld [tilespmem:s23+$0xD590]  }
0x1d4: {  	v22 =	vld [tilespmem:s23+$0xD5A0]  }
0x1d5: {  	v23 =	vld [tilespmem:s23+$0xD5B0]  }
0x1d6: {  	v24 =	vld [tilespmem:s23+$0xDD80]  }
0x1d7: {  	v25 =	vld [tilespmem:s23+$0xDD90]  }
0x1d8: {  	v26 =	vld [tilespmem:s23+$0xDDA0]  }
0x1d9: {  	v27 =	vld [tilespmem:s23+$0xDDB0]  }
0x1da: {  	v28 =	vld [tilespmem:s23+$0xE580]  }
0x1db: {  	v29 =	vld [tilespmem:s23+$0xE590]  }
0x1dc: {  	v30 =	vld [tilespmem:s23+$0xE5A0]  }
0x1dd: {  	v31 =	vld [tilespmem:s23+$0xE5B0]  }
0x1de: {  	v32 =	vld [tilespmem:s23+$0xED80]  }
0x1df: {  	v33 =	vld [tilespmem:s23+$0xED90]  }
0x1e0: {  	v34 =	vld [tilespmem:s23+$0xEDA0]  }
0x1e1: {  	v35 =	vld [tilespmem:s23+$0xEDB0]  }
0x1e2: {  	v36 =	vld [tilespmem:s23+$0xF580]  }
0x1e3: {  	v37 =	vld [tilespmem:s23+$0xF590]  }
0x1e4: {  	v38 =	vld [tilespmem:s23+$0xF5A0]  }
0x1e5: {  	v39 =	vld [tilespmem:s23+$0xF5B0]  }
0x1e6: {  	v40 =	vld [tilespmem:s23+$0xFD80]  }
0x1e7: {  	v41 =	vld [tilespmem:s23+$0xFD90]  }
0x1e8: {  	v42 =	vld [tilespmem:s23+$0xFDA0]  }
0x1e9: {  	v43 =	vld [tilespmem:s23+$0xFDB0];
	v7 =	vmul.f32 v7, v4;
	v8 =	vmul.f32 v8, v5  }
0x1ea: {  	v44 =	vld [tilespmem:s23+$0x10580];
	v10 =	vmul.f32 v10, v6;
	v6 =	vsub.f32 $0.0e+00, v6  }
0x1eb: {  	v45 =	vld [tilespmem:s23+$0x10590];
	v63 =	vmul.f32 v11, v9;
	v48 =	vadd.f32 v8, v7  }
0x1ec: {  	v46 =	vld [tilespmem:s23+$0x105A0];
	v8 =	vsub.f32 $0.0e+00, v4;
	v7 =	vsub.f32 $0.0e+00, v5;
	v58 =	vmul.f32 v14, v6  }
0x1ed: {  	v47 =	vld [tilespmem:s23+$0x105B0];
	v60 =	vmul.f32 v18, v6;
	v53 =	vmul.f32 v22, v6  }
0x1ee: {  	v49 =	vld [tilespmem:s23+$0x10D80];
	v5 =	vsub.f32 $0.0e+00, v9;
	v54 =	vmul.f32 v12, v8;
	v55 =	vmul.f32 v13, v7  }
0x1ef: {  	v50 =	vld [tilespmem:s23+$0x10D90];
	v56 =	vmul.f32 v16, v8;
	v57 =	vmul.f32 v17, v7  }
0x1f0: {  	v51 =	vld [tilespmem:s23+$0x10DB0];
	v59 =	vmul.f32 v15, v5;
	v61 =	vmul.f32 v19, v5  }
0x1f1: {  	v18 =	vld [tilespmem:s23+$0x11D90];
	v4 =	vadd.f32 v10, v48;
	v62 =	vmul.f32 v20, v8;
	v24 =	vmul.f32 v24, v8  }
0x1f2: {  	v48 =	vld [tilespmem:s23+$0x10DA0];
	v52 =	vmul.f32 v25, v7;
	v23 =	vmul.f32 v23, v5  }
0x1f3: {  	v16 =	vld [tilespmem:s23+$0x11580];
	v27 =	vmul.f32 v27, v5;
	v4 =	vadd.f32 v63, v4;
	v63 =	vmul.f32 v21, v7  }
0x1f4: {  	v15 =	vld [tilespmem:s23+$0x11590];
	v9 =	vadd.f32 v55, v54;
	v54 =	vmul.f32 v26, v6;
	v55 =	vmul.f32 v28, v8  }
0x1f5: {  	v17 =	vld [tilespmem:s23+$0x115A0];
	v10 =	vadd.f32 v57, v56;
	v56 =	vmul.f32 v29, v7;
	v57 =	vmul.f32 v32, v8  }
0x1f6: {  	v19 =	vld [tilespmem:s23+$0x115B0];
	v12 =	vadd.f32 v52, v24;
	v52 =	vmul.f32 v39, v5;
	v18 =	vmul.f32 v18, v7  }
0x1f7: {  	v20 =	vld [tilespmem:s23+$0x11DA0];
	v9 =	vadd.f32 v58, v9;
	v10 =	vadd.f32 v60, v10;
	v58 =	vmul.f32 v33, v7  }
0x1f8: {  	v21 =	vld [tilespmem:s23+$0x11D80];
	v11 =	vadd.f32 v63, v62;
	v60 =	vmul.f32 v34, v6;
	v62 =	vmul.f32 v35, v5  }
0x1f9: {  	v24 =	vld [tilespmem:s23+$0x11DB0];
	v63 =	vmul.f32 v36, v8;
	v36 =	vmul.f32 v37, v7  }
0x1fa: {  	v26 =	vld [tilespmem:s23+$0x12580];
	v37 =	vmul.f32 v40, v8;
	v40 =	vmul.f32 v41, v7  }
0x1fb: {  	v28 =	vld [tilespmem:s23+$0x12590];
	v12 =	vadd.f32 v54, v12;
	v41 =	vmul.f32 v38, v6;
	v54 =	vmul.f32 v43, v5  }
0x1fc: {  	v29 =	vld [tilespmem:s23+$0x125A0];
	v13 =	vadd.f32 v56, v55;
	v55 =	vmul.f32 v44, v8;
	v56 =	vmul.f32 v45, v7  }
0x1fd: {  	v32 =	vld [tilespmem:s23+$0x12D90];
	v45 =	vmul.f32 v51, v5;
	v16 =	vmul.f32 v16, v8  }
0x1fe: {  	v39 =	vld [tilespmem:s23+$0x13590];
	v15 =	vmul.f32 v15, v7;
	v20 =	vmul.f32 v20, v6;
	v9 =	vadd.f32 v59, v9  }
0x1ff: {  	v33 =	vld [tilespmem:s23+$0x12DA0];
	v10 =	vadd.f32 v61, v10;
	v11 =	vadd.f32 v53, v11;
	v59 =	vmul.f32 v30, v6  }
0x200: {  	v35 =	vld [tilespmem:s23+$0x12DB0];
	v14 =	vadd.f32 v58, v57;
	v61 =	vmul.f32 v31, v5;
	v12 =	vadd.f32 v27, v12  }
0x201: {  	v38 =	vld [tilespmem:s23+$0x135B0];
	v22 =	vadd.f32 v36, v63;
	v53 =	vmul.f32 v42, v6;
	v57 =	vmul.f32 v49, v8  }
0x202: {  	v34 =	vld [tilespmem:s23+$0x13D90];
	v58 =	vmul.f32 v50, v7;
	v31 =	vadd.f32 v56, v55;
	v63 =	vmul.f32 v17, v6  }
0x203: {  	v44 =	vld [tilespmem:s23+$0x15D80];
	v21 =	vmul.f32 v21, v8;
	v15 =	vadd.f32 v15, v16;
	v49 =	vmul.f32 v28, v7  }
0x204: {  	v30 =	vld [tilespmem:s23+$0x12D80];
	v51 =	vmul.f32 v32, v7;
	v11 =	vadd.f32 v23, v11;
	v13 =	vadd.f32 v59, v13  }
0x205: {  	v36 =	vld [tilespmem:s23+$0x13DA0];
	v25 =	vadd.f32 v60, v14;
	v22 =	vadd.f32 v41, v22;
	v59 =	vmul.f32 v46, v6  }
0x206: {  	v17 =	vld [tilespmem:s23+$0x13DB0];
	v27 =	vadd.f32 v58, v57;
	v60 =	vmul.f32 v48, v6;
	v46 =	vmul.f32 v19, v5  }
0x207: {  	v42 =	vld [tilespmem:s23+$0x15590];
	v48 =	vmul.f32 v26, v8;
	v18 =	vadd.f32 v18, v21;
	v15 =	vadd.f32 v63, v15  }
0x208: {  	v23 =	vld [tilespmem:s23+$0x125B0];
	v55 =	vmul.f32 v33, v6;
	v14 =	vadd.f32 v61, v13;
	v13 =	vadd.f32 v62, v25  }
0x209: {  	v41 =	vld [tilespmem:s23+$0x135A0];
	v56 =	vmul.f32 v35, v5;
	v25 =	vadd.f32 v40, v37;
	v22 =	vadd.f32 v52, v22  }
0x20a: {  	v19 =	vld [tilespmem:s23+$0x14590];
	v34 =	vmul.f32 v34, v7;
	v31 =	vadd.f32 v59, v31;
	v27 =	vadd.f32 v60, v27  }
0x20b: {  	v21 =	vld [tilespmem:s23+$0x14580];
	v62 =	vmul.f32 v47, v5;
	v47 =	vmul.f32 v24, v5;
	v16 =	vadd.f32 v49, v48  }
0x20c: {  	v37 =	vld [tilespmem:s23+$0x13580];
	v59 =	vmul.f32 v39, v7;
	v18 =	vadd.f32 v20, v18;
	v15 =	vadd.f32 v46, v15  }
0x20d: {  	v61 =	vld [tilespmem:s23+$0x13D80];
	v50 =	vmul.f32 v30, v8;
	v43 =	vmul.f32 v36, v6;
	v25 =	vadd.f32 v53, v25  }
0x20e: {  	v24 =	vld [tilespmem:s23+$0x145A0];
	v17 =	vmul.f32 v17, v5;
	v31 =	vadd.f32 v62, v31;
	v27 =	vadd.f32 v45, v27  }
0x20f: {  	v52 =	vld [tilespmem:s23+$0x14D80];
	v53 =	vmul.f32 v29, v6;
	v45 =	vmul.f32 v38, v5;
	v32 =	vsel vm0, v22, v13  }
0x210: {  	v28 =	vld [tilespmem:s23+$0x145B0];
	v35 =	vsel vm0, v13, v22;
	v18 =	vadd.f32 v47, v18;
	v23 =	vmul.f32 v23, v5  }
0x211: {  	v57 =	vld [tilespmem:s23+$0x14DA0];
	v20 =	vadd.f32 v51, v50;
	v41 =	vmul.f32 v41, v6;
	v19 =	vmul.f32 v19, v7  }
0x212: {  	v62 =	vld [tilespmem:s23+$0x15580];
	v25 =	vadd.f32 v54, v25;
	v21 =	vmul.f32 v21, v8;
	v58 =	vmul.f32 v37, v8  }
0x213: {  	v60 =	vld [tilespmem:s23+$0x14DB0];
	v16 =	vadd.f32 v53, v16;
	v61 =	vmul.f32 v61, v8;
	v24 =	vmul.f32 v24, v6  }
0x214: {  	v46 =	vld [tilespmem:s23+$0x15D90];
	v20 =	vadd.f32 v55, v20;
	v48 =	vmul.f32 v52, v8;
	v52 =	vmul.f32 v42, v7  }
0x215: {  	v47 =	vld [tilespmem:s23+$0x155A0];
	v37 =	vsel vm0, v27, v15;
	v16 =	vadd.f32 v23, v16;
	v19 =	vadd.f32 v19, v21  }
0x216: {  	v51 =	vld [tilespmem:s23+$0x155B0];
	v33 =	vsel vm0, v31, v25;
	v36 =	vsel vm0, v25, v31;
	v63 =	vadd.f32 v59, v58  }
0x217: {  	v54 =	vld [tilespmem:s23+$0x14D90];
	v20 =	vadd.f32 v56, v20;
	v30 =	vadd.f32 v34, v61;
	v50 =	vmul.f32 v62, v8  }
0x218: {  	v49 =	vld [tilespmem:s23+$0x15DA0];
	v8 =	vmul.f32 v44, v8;
	v58 =	vmul.f32 v60, v5;
	v61 =	vsel vm0, v9, v4  }
0x219: {  	v53 =	vld [tilespmem:s23+$0x15DB0];
	v62 =	vsel vm0, v11, v10;
	v4 =	vsel vm0, v4, v9;
	v9 =	vperm.xlane v32, v0  }
0x21a: {  	v34 =	vsel vm0, v15, v27;
	v19 =	vadd.f32 v24, v19;
	v55 =	vmul.f32 v47, v6  }
0x21b: {  	v59 =	vmul.f32 v51, v5;
	v38 =	vsel vm0, v16, v18;
	v23 =	vadd.f32 v41, v63  }
0x21c: {  	v30 =	vadd.f32 v43, v30;
	v29 =	vmul.f32 v54, v7;
	v7 =	vmul.f32 v46, v7  }
0x21d: {  	v54 =	vmul.f32 v57, v6;
	v21 =	vadd.f32 v52, v50;
	v6 =	vmul.f32 v49, v6  }
0x21e: {  	v57 =	vmul.f32 v28, v5;
	v5 =	vmul.f32 v53, v5;
	v63 =	vsel vm0, v14, v12  }
0x21f: {  	v28 =	vsel vm0, v10, v11;
	v10 =	vperm.xlane v33, v0;
	v9 =	vadd.f32 v9, v35  }
0x220: {  	v11 =	vperm.xlane v34, v0;
	v23 =	vadd.f32 v45, v23;
	v17 =	vadd.f32 v17, v30  }
0x221: {  	v41 =	vsel vm0, v18, v16;
	v26 =	vadd.f32 v29, v48;
	v7 =	vadd.f32 v7, v8  }
0x222: {  	v56 =	vadd.f32 v55, v21;
	v19 =	vadd.f32 v57, v19;
	v29 =	vsel vm0, v12, v14  }
0x223: {  	v10 =	vadd.f32 v10, v36;
	v11 =	vadd.f32 v11, v37;
	v12 =	vperm.xlane v38, v0  }
0x224: {  	v8 =	vperm.xlane v62, v0;
	v26 =	vadd.f32 v54, v26;
	v6 =	vadd.f32 v6, v7  }
0x225: {  	v7 =	vadd.f32 v59, v56;
	v39 =	vsel vm0, v23, v20;
	v12 =	vadd.f32 v12, v41  }
0x226: {  	v42 =	vsel vm0, v20, v23;
	v46 =	vsel vm1, v11, v10;
	v47 =	vsel vm0, v19, v17  }
0x227: {  	v51 =	vsel vm0, v17, v19;
	v10 =	vsel vm1, v10, v11;
	v13 =	vperm.xlane v39, v0  }
0x228: {  	v49 =	vperm.xlane v47, v0;
	v5 =	vadd.f32 v5, v6;
	v6 =	vperm.xlane v61, v0  }
0x229: {  	v60 =	vadd.f32 v58, v26;
	v26 =	vperm.xlane v63, v0;
	v43 =	vadd.f32 v13, v42  }
0x22a: {  	v13 =	vperm.xlane v46, v1;
	v4 =	vadd.f32 v6, v4;
	v6 =	vadd.f32 v8, v28  }
0x22b: {  	v30 =	vadd.f32 v26, v29;
	v48 =	vsel vm0, v7, v60;
	v7 =	vsel vm0, v60, v7  }
0x22c: {  	v52 =	vperm.xlane v5, v0;
	v50 =	vperm.xlane v48, v0;
	v53 =	vsel vm1, v43, v12  }
0x22d: {  	v10 =	vadd.f32 v13, v10;
	v40 =	vsel vm1, v6, v4;
	v4 =	vsel vm1, v4, v6  }
0x22e: {  	v44 =	vsel vm1, v9, v30;
	v8 =	vsel vm1, v30, v9;
	v9 =	vadd.f32 v49, v51  }
0x22f: {  	v54 =	vperm.xlane v53, v1;
	v5 =	vadd.f32 v52, v5;
	v7 =	vadd.f32 v50, v7  }
0x230: {  	v6 =	vsel vm1, v12, v43;
	v14 =	vperm.xlane v40, v1;
	v45 =	vperm.xlane v44, v1  }
0x231: {  	v6 =	vadd.f32 v54, v6;
	v57 =	vperm.xlane v5, v1;
	v55 =	vsel vm1, v7, v9  }
0x232: {  	v4 =	vadd.f32 v14, v4;
	v8 =	vadd.f32 v45, v8;
	v56 =	vperm.xlane v55, v1  }
0x233: {  	v7 =	vsel vm1, v9, v7;
	v59 =	vsel vm2, v6, v10  }
0x234: {  	v5 =	vadd.f32 v57, v5;
	v58 =	vsel vm2, v8, v4;
	v7 =	vadd.f32 v56, v7  }
0x235: {  	v9 =	vperm.xlane v59, v2;
	v60 =	vperm.xlane v58, v2  }
0x236: {  	v6 =	vsel vm2, v10, v6;
	v4 =	vsel vm2, v4, v8;
	v61 =	vsel vm2, v5, v7  }
0x237: {  	v6 =	vadd.f32 v9, v6;
	v4 =	vadd.f32 v60, v4;
	v8 =	vperm.xlane v61, v2  }
0x238: {  	v5 =	vsel vm2, v7, v5  }
0x239: {  	v62 =	vsel vm3, v6, v4;
	v5 =	vadd.f32 v5, v8  }
0x23a: {  	p0 =	sne.s32 s22, $0x1F00;
	v7 =	vperm.xlane v62, v3  }
.Ltmp2:
0x23b: {  	v4 =	vsel vm3, v4, v6;
	v63 =	vperm.xlane v5, v3;
	(pc) =	sbr.rel @p0 .LBB2_7-.Ltmp2, $4  }
0x23c: {  	v4 =	vadd.f32 v4, v7  }
0x23d: {  	v5 =	vadd.f32 v5, v63  }
0x23e: {  	[tilespmem:s20+$0xFFFFFFF0] =	vst v4  }
0x23f: {  	s22 =	sadd.s32 $0x100, s22;
	[tilespmem:s20+$0x0] =	vst v5;
	s20 =	sadd.s32 $0x20, s20  }
0x240: {  	s21 =	sadd.s32 $0x1, s21  }
0x241: {  	p0 =	sne.s32 s21, $0x8  }
.Ltmp3:
0x242: {  	_ = 	snop;
	(pc) =	sbr.rel @p0 .LBB2_2-.Ltmp3, $2  }
0x243: {  	_ =	sdelay $0x2  }
0x244: {  	s24 =	sadd.s32 $0x800, s24;
	s14 =	sadd.s32 $0x800, s14  }
0x245: {  	s14 =	rddreg [dreg:$0x5];
	s20 =	simm.s32 $0x16580  }
0x246: {  	[hbm4b:s14+s3] =	stream.linear.scatter [tilespmem:s20], [sflag:$0x3], $0x4000, $0x38;
	[tilespmem:$0x1A580] =	vst v63  }
0x247: {  	_ =	swait.ge [sflag:s13], $0x4000  }
0x248: {  	s24 =	rddreg [dreg:$0x7]  }
0x249: {  	s25 =	rddreg [dreg:$0x6];
	s20 =	sadd.s32 $0x1, s24  }
0x24a: {  	p0 =	sne.s32 s20, s25  }
.Ltmp4:
0x24b: {  	_ = 	snop;
	(pc) =	sbr.rel @p0 .LBB2_1-.Ltmp4, $3  }
0x24c: {  	_ =	sdelay $0x1  }
0x24d: {  	[sflag:s13] =	ssyncset.done $0x0  }
0x24e: {  	[sflag:s13] =	ssyncadd.s32 $0xFFFFC000  }
0x24f: {  	_ =	sfence.sel $0x180000  }
0x250: {  	[bflag:$0x0] =	sbarrier.arrive $0xFFFF  }
0x251: {  	_ =	strace $0x90000047  }
0x252: {  	s0 =	stileid.u32;
	[bflag:$0x2] =	sbarrier.arrive $0xFFFF  }
0x253: {  	p0 =	sne.s32 s0, $0x0;
	s0 =	rddreg [dreg:$0x2]  }
0x254: {  	s0 =	sadd.s32 @!p0 $0x100000, s0  }
0x255: {  	[sflag:s0] =	ssyncadd.tile.s32 @!p0 $0x1;
	_ =	shalt  }
.Lfunc_end2:
_tile_overlayer_lowered:
.L_overlay_start_2:
0x256: {  	(tag) =	ssettag $0x2  }
0x257: {  	s0 =	rddreg [dreg:$0x0];
	s2 =	stileid.u32  }
0x258: {  	s1 =	rddreg [dreg:$0x1];
	p0 =	sne.s32 s2, $0x0  }
0x259: {  	s3 =	rddreg [dreg:$0x2];
	[bflag:$0x3] =	sbarrier.arrive $0xFFFF;
	s2 =	simm.s32 @!p0 $0x1C03  }
0x25a: {  	[timem:s3], [sflag:s2] =	dma.local @!p0 [hbm:s0], s1  }
0x25b: {  	s0 =	simm.s32 @!p0 $0x3  }
0x25c: {  	_ =	swait.ge @!p0 [sflag:s0], s1  }
0x25d: {  	s1 =	ssub.s32 @!p0 $0x0, s1;
	[sflag:s0] =	ssyncset.done @!p0 $0x0  }
0x25e: {  	[sflag:s0] =	ssyncadd.s32 @!p0 s1  }
0x25f: {  	[bflag:$0x3] =	sbarrier.arrive $0xFFFF  }
0x260: {  	_ =	shalt  }

</sc_bundles>
